<compile_context>
chip_gen: v7x
topology: tpu7x:2x2x1
jax: 0.10.2.dev20260603
libtpu: 0.0.44.dev20260713+nightly
codegen_flags: <defaults>
</compile_context>

<pallas_src>
import functools

import jax
import jax.numpy as jnp
import numpy as np
from jax import lax
from jax.experimental import pallas as pl
from jax.experimental.pallas import tpu as pltpu
from jax.experimental.pallas import tpu_sc as plsc

S, B, H = 2048, 1, 1024
NH, NKV, DH = 16, 16, 64
E, TOPK, FFN = 16, 2, 1024

BLK = 128
PT = TOPK * S + E * BLK
NB = PT // BLK
NC, NS = 2, 16
NW = NC * NS
TPW = S // NW

_HIGH = jax.lax.Precision.DEFAULT


def _dot(a, b, dims, precision=_HIGH):
    return jax.lax.dot_general(a, b, (dims, ((), ())), precision=precision,
                               preferred_element_type=jnp.float32)


_TB1 = 256


def _ln_qkv_body(x_ref, w_ref, b_ref, qkvw_ref, o_ref):
    x = x_ref[...]
    mu = jnp.mean(x, axis=-1, keepdims=True)
    var = jnp.mean((x - mu) ** 2, axis=-1, keepdims=True)
    xn = (x - mu) / jnp.sqrt(var + 1e-5) * w_ref[...] + b_ref[...]
    o_ref[...] = _dot(xn, qkvw_ref[...], ((1,), (0,)))


_QB = 256


def _attn_body(q_ref, k_ref, v_ref, o_ref, *, scale):
    qb = q_ref[0]
    i = pl.program_id(1)

    def compute(kl):
        kb = k_ref[0, :kl, :]
        vb = v_ref[0, :kl, :]
        s = _dot(qb, kb, ((1,), (1,))) * scale
        row = i * _QB + jax.lax.broadcasted_iota(jnp.int32, (_QB, kl), 0)
        col = jax.lax.broadcasted_iota(jnp.int32, (_QB, kl), 1)
        s = jnp.where(col <= row, s, jnp.float32(-1e9))
        m = jnp.max(s, axis=-1, keepdims=True)
        p = jnp.exp(s - m)
        den = jnp.sum(p, axis=-1, keepdims=True)
        o_ref[0] = _dot(p, vb, ((1,), (0,))) / den

    for b in range(S // _QB):
        @pl.when(i == b)
        def _(b=b):
            compute((b + 1) * _QB)


_TB3 = 256


def _proj_gates_body(attn_ref, hid_ref, projw_ref, ln2w_ref, ln2b_ref,
                     routw_ref, h2_ref, ln2o_ref, oh1_ref, oh2_ref,
                     g1_ref, g2_ref):
    proj = _dot(attn_ref[...], projw_ref[...], ((1,), (0,)))
    h2 = hid_ref[...] + proj
    h2_ref[...] = h2
    mu = jnp.mean(h2, axis=-1, keepdims=True)
    var = jnp.mean((h2 - mu) ** 2, axis=-1, keepdims=True)
    ln2 = (h2 - mu) / jnp.sqrt(var + 1e-5) * ln2w_ref[...] + ln2b_ref[...]
    ln2o_ref[...] = ln2
    logits = _dot(ln2, routw_ref[...], ((1,), (0,)))
    m = jnp.max(logits, axis=-1, keepdims=True)
    ex = jnp.exp(logits - m)
    p = ex / jnp.sum(ex, axis=-1, keepdims=True)
    lanes = jax.lax.broadcasted_iota(jnp.int32, (_TB3, E), 1)
    i1 = jnp.argmax(p, axis=-1)[:, None]
    m1 = lanes == i1
    p_wo1 = jnp.where(m1, jnp.float32(-1.0), p)
    i2 = jnp.argmax(p_wo1, axis=-1)[:, None]
    m2 = lanes == i2
    oh1_ref[...] = m1.astype(jnp.float32)
    oh2_ref[...] = m2.astype(jnp.float32)
    g1 = jnp.sum(jnp.where(m1, p, 0.0), axis=-1, keepdims=True)
    g2 = jnp.sum(jnp.where(m2, p, 0.0), axis=-1, keepdims=True)
    g1_ref[...] = jnp.broadcast_to(g1, (_TB3, 16))
    g2_ref[...] = jnp.broadcast_to(g2, (_TB3, 16))


def _shift_down(x, d):
    return jnp.concatenate([jnp.zeros((d, E), jnp.float32), x[:S - d]], axis=0)


def _route_meta_body(oh1_ref, oh2_ref, pos0_ref, pos1_ref, start_ref):
    oh1 = oh1_ref[...]
    oh2 = oh2_ref[...]

    def incl_scan(x):
        acc = x
        d = 1
        while d < S:
            acc = acc + _shift_down(acc, d)
            d *= 2
        return acc

    inc1 = incl_scan(oh1)
    inc2 = incl_scan(oh2)
    within1 = inc1 - oh1
    within2 = inc2 - oh2
    counts0 = inc1[S - 1:S, :]
    counts = counts0 + inc2[S - 1:S, :]
    ci = counts.astype(jnp.int32)
    pc = ((ci + (BLK - 1)) // BLK) * BLK
    ltri = (jax.lax.broadcasted_iota(jnp.int32, (E, E), 0)
            < jax.lax.broadcasted_iota(jnp.int32, (E, E), 1)).astype(jnp.float32)
    start_f = _dot(pc.astype(jnp.float32), ltri, ((1,), (0,)))
    start_ref[...] = start_f.astype(jnp.int32)
    pos0 = jnp.sum(oh1 * (start_f + within1), axis=1, keepdims=True)
    pos1 = jnp.sum(oh2 * (start_f + counts0 + within2), axis=1, keepdims=True)
    pos0_ref[...] = pos0.astype(jnp.int32)
    pos1_ref[...] = pos1.astype(jnp.int32)


def _gmm_body(start_ref, x_ref, w1_ref, w2_ref, y_ref):
    h = _dot(x_ref[...], w1_ref[0], ((1,), (0,)))
    h = h * jax.nn.sigmoid(h)
    y_ref[...] = _dot(h, w2_ref[0], ((1,), (0,)))


def _expert_of(b, start_ref):
    acc = jnp.int32(0)
    for e in range(E):
        acc = acc + (start_ref[e] <= b * BLK).astype(jnp.int32)
    return acc - 1


def _sc_mesh():
    return plsc.VectorSubcoreMesh(core_axis_name="c", subcore_axis_name="s")


def _dispatch_body(ln2_hbm, pos0_hbm, pos1_hbm, xs_hbm,
                   idx0_v, idx1_v, rows_v, sem0, sem1):
    wid = lax.axis_index("s") * NC + lax.axis_index("c")
    base = wid * TPW
    pltpu.sync_copy(pos0_hbm.at[pl.ds(base, TPW)], idx0_v)
    pltpu.sync_copy(pos1_hbm.at[pl.ds(base, TPW)], idx1_v)
    pltpu.sync_copy(ln2_hbm.at[pl.ds(base, TPW)], rows_v)
    c0 = pltpu.async_copy(rows_v, xs_hbm.at[idx0_v], sem0)
    c1 = pltpu.async_copy(rows_v, xs_hbm.at[idx1_v], sem1)
    c0.wait()
    c1.wait()


_CHUNK = 32


def _combine_body(y_hbm, h2_hbm, pos0_hbm, pos1_hbm, g1_hbm, g2_hbm, out_hbm,
                  i0_v, i1_v, y0_v, y1_v, h2_v, g1_v, g2_v, sem0, sem1):
    wid = lax.axis_index("s") * NC + lax.axis_index("c")
    wbase = wid * TPW
    pltpu.sync_copy(pos0_hbm.at[pl.ds(wbase, TPW)], i0_v)
    pltpu.sync_copy(pos1_hbm.at[pl.ds(wbase, TPW)], i1_v)
    pltpu.sync_copy(g1_hbm.at[pl.ds(wbase, TPW)], g1_v)
    pltpu.sync_copy(g2_hbm.at[pl.ds(wbase, TPW)], g2_v)
    for c in range(TPW // _CHUNK):
        base = wbase + c * _CHUNK
        coff = c * _CHUNK
        c0 = pltpu.async_copy(y_hbm.at[i0_v.at[pl.ds(coff, _CHUNK)]], y0_v,
                              sem0)
        c1 = pltpu.async_copy(y_hbm.at[i1_v.at[pl.ds(coff, _CHUNK)]], y1_v,
                              sem1)
        pltpu.sync_copy(h2_hbm.at[pl.ds(base, _CHUNK)], h2_v)
        c0.wait()
        c1.wait()

        def body(i, carry):
            g1vec = g1_v[coff + i, :]
            g2vec = g2_v[coff + i, :]
            for j in range(H // 16):
                sl = pl.ds(j * 16, 16)
                h2_v[i, sl] = (h2_v[i, sl] + g1vec * y0_v[i, sl]
                               + g2vec * y1_v[i, sl])
            return carry

        lax.fori_loop(0, _CHUNK, body, 0)
        pltpu.sync_copy(h2_v, out_hbm.at[pl.ds(base, _CHUNK)])


def kernel(hidden_states, ln1_weight, ln1_bias, ln2_weight, ln2_bias,
           qkv_weight, proj_weight, router_weight, moe_w1, moe_w2):
    scale = 1.0 / np.sqrt(DH)
    x = hidden_states.reshape(S, H)

    qkv = pl.pallas_call(
        _ln_qkv_body,
        grid=(S // _TB1,),
        in_specs=[
            pl.BlockSpec((_TB1, H), lambda i: (i, 0)),
            pl.BlockSpec((1, H), lambda i: (0, 0)),
            pl.BlockSpec((1, H), lambda i: (0, 0)),
            pl.BlockSpec((H, (NH + 2 * NKV) * DH), lambda i: (0, 0)),
        ],
        out_specs=pl.BlockSpec((_TB1, (NH + 2 * NKV) * DH), lambda i: (i, 0)),
        out_shape=jax.ShapeDtypeStruct((S, (NH + 2 * NKV) * DH), jnp.float32),
    )(x, ln1_weight.reshape(1, H), ln1_bias.reshape(1, H), qkv_weight.T)

    qkvT = qkv.reshape(S, NH + 2 * NKV, DH).transpose(1, 0, 2)

    ctx = pl.pallas_call(
        functools.partial(_attn_body, scale=scale),
        grid=(NH, S // _QB),
        in_specs=[
            pl.BlockSpec((1, _QB, DH), lambda h, i: (h, i, 0)),
            pl.BlockSpec((1, S, DH), lambda h, i: (NH + h, 0, 0)),
            pl.BlockSpec((1, S, DH), lambda h, i: (NH + NKV + h, 0, 0)),
        ],
        out_specs=pl.BlockSpec((1, _QB, DH), lambda h, i: (h, i, 0)),
        out_shape=jax.ShapeDtypeStruct((NH, S, DH), jnp.float32),
    )(qkvT, qkvT, qkvT)

    attn_flat = ctx.transpose(1, 0, 2).reshape(S, NH * DH)

    h2, ln2_out, oh1, oh2, g1c, g2c = pl.pallas_call(
        _proj_gates_body,
        grid=(S // _TB3,),
        in_specs=[
            pl.BlockSpec((_TB3, NH * DH), lambda i: (i, 0)),
            pl.BlockSpec((_TB3, H), lambda i: (i, 0)),
            pl.BlockSpec((NH * DH, H), lambda i: (0, 0)),
            pl.BlockSpec((1, H), lambda i: (0, 0)),
            pl.BlockSpec((1, H), lambda i: (0, 0)),
            pl.BlockSpec((H, E), lambda i: (0, 0)),
        ],
        out_specs=[
            pl.BlockSpec((_TB3, H), lambda i: (i, 0)),
            pl.BlockSpec((_TB3, H), lambda i: (i, 0)),
            pl.BlockSpec((_TB3, E), lambda i: (i, 0)),
            pl.BlockSpec((_TB3, E), lambda i: (i, 0)),
            pl.BlockSpec((_TB3, 16), lambda i: (i, 0)),
            pl.BlockSpec((_TB3, 16), lambda i: (i, 0)),
        ],
        out_shape=[
            jax.ShapeDtypeStruct((S, H), jnp.float32),
            jax.ShapeDtypeStruct((S, H), jnp.float32),
            jax.ShapeDtypeStruct((S, E), jnp.float32),
            jax.ShapeDtypeStruct((S, E), jnp.float32),
            jax.ShapeDtypeStruct((S, 16), jnp.float32),
            jax.ShapeDtypeStruct((S, 16), jnp.float32),
        ],
    )(attn_flat, x, proj_weight.T, ln2_weight.reshape(1, H),
      ln2_bias.reshape(1, H), router_weight.T)

    pos0c, pos1c, start_row = pl.pallas_call(
        _route_meta_body,
        grid=(1,),
        in_specs=[
            pl.BlockSpec((S, E), lambda i: (0, 0)),
            pl.BlockSpec((S, E), lambda i: (0, 0)),
        ],
        out_specs=[
            pl.BlockSpec((S, 1), lambda i: (0, 0)),
            pl.BlockSpec((S, 1), lambda i: (0, 0)),
            pl.BlockSpec((1, E), lambda i: (0, 0)),
        ],
        out_shape=[
            jax.ShapeDtypeStruct((S, 1), jnp.int32),
            jax.ShapeDtypeStruct((S, 1), jnp.int32),
            jax.ShapeDtypeStruct((1, E), jnp.int32),
        ],
    )(oh1, oh2)

    pos0 = pos0c.reshape(S)
    pos1 = pos1c.reshape(S)
    start_pad = start_row.reshape(E)

    dispatch = functools.partial(
        pl.kernel,
        mesh=_sc_mesh(),
        out_type=jax.ShapeDtypeStruct((PT, H), jnp.float32),
        scratch_types=[
            pltpu.VMEM((TPW,), jnp.int32),
            pltpu.VMEM((TPW,), jnp.int32),
            pltpu.VMEM((TPW, H), jnp.float32),
            pltpu.SemaphoreType.DMA,
            pltpu.SemaphoreType.DMA,
        ],
    )(_dispatch_body)
    xs = dispatch(ln2_out, pos0, pos1)

    y = pl.pallas_call(
        _gmm_body,
        grid_spec=pltpu.PrefetchScalarGridSpec(
            num_scalar_prefetch=1,
            grid=(NB,),
            in_specs=[
                pl.BlockSpec((BLK, H), lambda b, s: (b, 0)),
                pl.BlockSpec((1, H, FFN), lambda b, s: (_expert_of(b, s), 0, 0)),
                pl.BlockSpec((1, FFN, H), lambda b, s: (_expert_of(b, s), 0, 0)),
            ],
            out_specs=pl.BlockSpec((BLK, H), lambda b, s: (b, 0)),
        ),
        out_shape=jax.ShapeDtypeStruct((PT, H), jnp.float32),
    )(start_pad, xs, moe_w1, moe_w2)

    combine = functools.partial(
        pl.kernel,
        mesh=_sc_mesh(),
        out_type=jax.ShapeDtypeStruct((S, H), jnp.float32),
        scratch_types=[
            pltpu.VMEM((TPW,), jnp.int32),
            pltpu.VMEM((TPW,), jnp.int32),
            pltpu.VMEM((_CHUNK, H), jnp.float32),
            pltpu.VMEM((_CHUNK, H), jnp.float32),
            pltpu.VMEM((_CHUNK, H), jnp.float32),
            pltpu.VMEM((TPW, 16), jnp.float32),
            pltpu.VMEM((TPW, 16), jnp.float32),
            pltpu.SemaphoreType.DMA,
            pltpu.SemaphoreType.DMA,
        ],
    )(_combine_body)
    out = combine(y, h2, pos0, pos1, g1c, g2c)

    return out.reshape(S, B, H)

# --- scband reference (transcript-rebuilt; emitter-appended) ---
"""Pipeline reference for scband-transformer-layer-54262616818144 (READ-ONLY COPY).

The authoritative reference and input builder live on the scoring server;
editing this copy changes nothing except your own understanding.
"""

import jax, jax.numpy as jnp
import numpy as np

S, B, H = 2048, 1, 1024
NH, NKV, DH = 16, 16, 64
E, TOPK, FFN = 16, 2, 1024


def _ln(x, w, b):
    mu = jnp.mean(x, axis=-1, keepdims=True)
    var = jnp.mean((x - mu) ** 2, axis=-1, keepdims=True)
    return (x - mu) / jnp.sqrt(var + 1e-5) * w + b


def setup_inputs(seed: int = 0) -> dict:
    key = jax.random.key(seed)
    ks = jax.random.split(key, 8)
    return {
        "hidden_states": jax.random.normal(ks[0], (S, B, H), dtype=jnp.float32),
        "ln1_weight": jnp.ones((H,), dtype=jnp.float32),
        "ln1_bias": jnp.zeros((H,), dtype=jnp.float32),
        "ln2_weight": jnp.ones((H,), dtype=jnp.float32),
        "ln2_bias": jnp.zeros((H,), dtype=jnp.float32),
        "qkv_weight": jax.random.normal(ks[1], ((NH + 2 * NKV) * DH, H), dtype=jnp.float32) * 0.02,
        "proj_weight": jax.random.normal(ks[2], (H, NH * DH), dtype=jnp.float32) * 0.02,
        "router_weight": jax.random.normal(ks[3], (E, H), dtype=jnp.float32) * 0.02,
        "moe_w1": jax.random.normal(ks[4], (E, H, FFN), dtype=jnp.float32) * 0.02,
        "moe_w2": jax.random.normal(ks[5], (E, FFN, H), dtype=jnp.float32) * 0.02,
    }


def reference(hidden_states, ln1_weight, ln1_bias, ln2_weight, ln2_bias,
              qkv_weight, proj_weight, router_weight, moe_w1, moe_w2):
    scale = 1.0 / np.sqrt(DH)
    # LN1 -> QKV projection
    ln1_out = _ln(hidden_states, ln1_weight, ln1_bias)
    qkv = ln1_out @ qkv_weight.T  # [S, B, (NH+2*NKV)*DH]
    q = qkv[..., : NH * DH].reshape(S, B, NH, DH)
    k = qkv[..., NH * DH: NH * DH + NKV * DH].reshape(S, B, NKV, DH)
    v = qkv[..., NH * DH + NKV * DH:].reshape(S, B, NKV, DH)
    if NH > NKV:  # GQA expand (repeat_interleave on head dim)
        r = NH // NKV
        k = jnp.repeat(k, r, axis=2)
        v = jnp.repeat(v, r, axis=2)
    # [S,B,H,D] -> [B,H,S,D]
    qb = q.transpose(1, 2, 0, 3)
    kb = k.transpose(1, 2, 0, 3)
    vb = v.transpose(1, 2, 0, 3)
    scores = jnp.einsum('bhqd,bhkd->bhqk', qb, kb) * scale
    causal = jnp.tril(jnp.ones((S, S), dtype=bool))
    scores = jnp.where(causal[None, None, :, :], scores, jnp.float32(-1e9))
    attn = jax.nn.softmax(scores, axis=-1)
    ctxv = jnp.einsum('bhqk,bhkd->bhqd', attn, vb)
    attn_out = ctxv.transpose(2, 0, 1, 3).reshape(S, B, NH * DH)
    proj_out = attn_out @ proj_weight.T
    hidden_after_attn = hidden_states + proj_out
    # LN2 -> MoE (router top-k dispatch, per-expert FFN, prob-weighted combine)
    ln2_out = _ln(hidden_after_attn, ln2_weight, ln2_bias)
    flat = ln2_out.reshape(-1, H)
    router_logits = flat @ router_weight.T
    router_probs = jax.nn.softmax(router_logits, axis=-1)
    top_probs, top_indices = jax.lax.top_k(router_probs, TOPK)
    moe_out = jnp.zeros_like(flat)
    for e in range(E):
        gate_e = jnp.sum(jnp.where(top_indices == e, top_probs, 0.0), axis=-1)  # [T]
        h_e = jax.nn.silu(flat @ moe_w1[e]) @ moe_w2[e]  # [T, H]
        moe_out = moe_out + h_e * gate_e[:, None]
    return hidden_after_attn + moe_out.reshape(S, B, H)

if __name__ == "__main__":
    import jax
    _d = setup_inputs()
    print(jax.jit(kernel)(*tuple(_d.values())))

</pallas_src>

<mosaic_0001>
#map = affine_map<(d0, d1) -> (0, 0)>
#map1 = affine_map<(d0, d1) -> (0)>
module attributes {stable_mosaic.version = 14 : i64} {
  func.func @_combine_body(%arg0: i32, %arg1: i32, %arg2: memref<6144x1024xf32, #tpu.memory_space<hbm>>, %arg3: memref<2048x1024xf32, #tpu.memory_space<hbm>>, %arg4: memref<2048xi32, #tpu.memory_space<hbm>>, %arg5: memref<2048xi32, #tpu.memory_space<hbm>>, %arg6: memref<2048x16xf32, #tpu.memory_space<hbm>>, %arg7: memref<2048x16xf32, #tpu.memory_space<hbm>>, %arg8: memref<2048x1024xf32, #tpu.memory_space<hbm>>, %arg9: memref<64xi32, #tpu.memory_space<vmem>>, %arg10: memref<64xi32, #tpu.memory_space<vmem>>, %arg11: memref<32x1024xf32, #tpu.memory_space<vmem>>, %arg12: memref<32x1024xf32, #tpu.memory_space<vmem>>, %arg13: memref<32x1024xf32, #tpu.memory_space<vmem>>, %arg14: memref<64x16xf32, #tpu.memory_space<vmem>>, %arg15: memref<64x16xf32, #tpu.memory_space<vmem>>, %arg16: memref<!tpu.dma_semaphore, #tpu.memory_space<semaphore_mem>>, %arg17: memref<!tpu.dma_semaphore, #tpu.memory_space<semaphore_mem>>) attributes {dimension_semantics = [#tpu.dimension_semantics<core_parallel>, #tpu.dimension_semantics<subcore_parallel>], iteration_bounds = array<i64: 2, 16>, scalar_prefetch = 0 : i64, scratch_operands = 9 : i64, tpu.core_type = #tpu.core_type<sc_vector_subcore>, window_params = [{transform_indices = #map}, {transform_indices = #map}, {transform_indices = #map1}, {transform_indices = #map1}, {transform_indices = #map}, {transform_indices = #map}, {transform_indices = #map}]} {
    %mul3A = arith.constant 2 : i32
    %mul3A_0 = arith.muli %arg1, %mul3A : i32
    %add3A = arith.addi %mul3A_0, %arg0 : i32
    %mul3A_1 = arith.constant 64 : i32
    %mul3A_2 = arith.muli %add3A, %mul3A_1 : i32
    "tpu.region"() ({
      %run_scoped3A = tpu.sem_alloc : memref<!tpu.dma_semaphore, #tpu.memory_space<semaphore_mem>>
      %dma_start3A_56 = tpu.memref_slice %arg4[%mul3A_2] : memref<2048xi32, #tpu.memory_space<hbm>> -> memref<64xi32, #tpu.memory_space<hbm>>
      %dma_start3A_57 = tpu.memref_slice %arg4[%mul3A_2] : memref<2048xi32, #tpu.memory_space<hbm>> -> memref<64xi32, #tpu.memory_space<hbm>>
      tpu.enqueue_dma source(%dma_start3A_57 : memref<64xi32, #tpu.memory_space<hbm>>) target(%arg9 : memref<64xi32, #tpu.memory_space<vmem>>) target_semaphore(%run_scoped3A : memref<!tpu.dma_semaphore, #tpu.memory_space<semaphore_mem>>)
      %dma_wait3A_58 = tpu.memref_slice %arg4[%mul3A_2] : memref<2048xi32, #tpu.memory_space<hbm>> -> memref<64xi32, #tpu.memory_space<hbm>>
      %dma_wait3A_59 = tpu.memref_slice %arg4[%mul3A_2] : memref<2048xi32, #tpu.memory_space<hbm>> -> memref<64xi32, #tpu.memory_space<hbm>>
      tpu.wait_dma2 semaphore(%run_scoped3A : memref<!tpu.dma_semaphore, #tpu.memory_space<semaphore_mem>>) src(%dma_wait3A_59 : memref<64xi32, #tpu.memory_space<hbm>>) dst(%arg9 : memref<64xi32, #tpu.memory_space<vmem>>)
      tpu.yield
    }) : () -> ()
    "tpu.region"() ({
      %run_scoped3A = tpu.sem_alloc : memref<!tpu.dma_semaphore, #tpu.memory_space<semaphore_mem>>
      %dma_start3A_56 = tpu.memref_slice %arg5[%mul3A_2] : memref<2048xi32, #tpu.memory_space<hbm>> -> memref<64xi32, #tpu.memory_space<hbm>>
      %dma_start3A_57 = tpu.memref_slice %arg5[%mul3A_2] : memref<2048xi32, #tpu.memory_space<hbm>> -> memref<64xi32, #tpu.memory_space<hbm>>
      tpu.enqueue_dma source(%dma_start3A_57 : memref<64xi32, #tpu.memory_space<hbm>>) target(%arg10 : memref<64xi32, #tpu.memory_space<vmem>>) target_semaphore(%run_scoped3A : memref<!tpu.dma_semaphore, #tpu.memory_space<semaphore_mem>>)
      %dma_wait3A_58 = tpu.memref_slice %arg5[%mul3A_2] : memref<2048xi32, #tpu.memory_space<hbm>> -> memref<64xi32, #tpu.memory_space<hbm>>
      %dma_wait3A_59 = tpu.memref_slice %arg5[%mul3A_2] : memref<2048xi32, #tpu.memory_space<hbm>> -> memref<64xi32, #tpu.memory_space<hbm>>
      tpu.wait_dma2 semaphore(%run_scoped3A : memref<!tpu.dma_semaphore, #tpu.memory_space<semaphore_mem>>) src(%dma_wait3A_59 : memref<64xi32, #tpu.memory_space<hbm>>) dst(%arg10 : memref<64xi32, #tpu.memory_space<vmem>>)
      tpu.yield
    }) : () -> ()
    "tpu.region"() ({
      %run_scoped3A = tpu.sem_alloc : memref<!tpu.dma_semaphore, #tpu.memory_space<semaphore_mem>>
      %dma_start3A_56 = arith.constant 0 : i32
      %dma_start3A_57 = tpu.memref_slice %arg6[%mul3A_2, %dma_start3A_56] : memref<2048x16xf32, #tpu.memory_space<hbm>> -> memref<64x16xf32, #tpu.memory_space<hbm>>
      %dma_start3A_58 = arith.constant 0 : i32
      %dma_start3A_59 = tpu.memref_slice %arg6[%mul3A_2, %dma_start3A_58] : memref<2048x16xf32, #tpu.memory_space<hbm>> -> memref<64x16xf32, #tpu.memory_space<hbm>>
      tpu.enqueue_dma source(%dma_start3A_59 : memref<64x16xf32, #tpu.memory_space<hbm>>) target(%arg14 : memref<64x16xf32, #tpu.memory_space<vmem>>) target_semaphore(%run_scoped3A : memref<!tpu.dma_semaphore, #tpu.memory_space<semaphore_mem>>)
      %dma_wait3A_60 = arith.constant 0 : i32
      %dma_wait3A_61 = tpu.memref_slice %arg6[%mul3A_2, %dma_wait3A_60] : memref<2048x16xf32, #tpu.memory_space<hbm>> -> memref<64x16xf32, #tpu.memory_space<hbm>>
      %dma_wait3A_62 = arith.constant 0 : i32
      %dma_wait3A_63 = tpu.memref_slice %arg6[%mul3A_2, %dma_wait3A_62] : memref<2048x16xf32, #tpu.memory_space<hbm>> -> memref<64x16xf32, #tpu.memory_space<hbm>>
      tpu.wait_dma2 semaphore(%run_scoped3A : memref<!tpu.dma_semaphore, #tpu.memory_space<semaphore_mem>>) src(%dma_wait3A_63 : memref<64x16xf32, #tpu.memory_space<hbm>>) dst(%arg14 : memref<64x16xf32, #tpu.memory_space<vmem>>)
      tpu.yield
    }) : () -> ()
    "tpu.region"() ({
      %run_scoped3A = tpu.sem_alloc : memref<!tpu.dma_semaphore, #tpu.memory_space<semaphore_mem>>
      %dma_start3A_56 = arith.constant 0 : i32
      %dma_start3A_57 = tpu.memref_slice %arg7[%mul3A_2, %dma_start3A_56] : memref<2048x16xf32, #tpu.memory_space<hbm>> -> memref<64x16xf32, #tpu.memory_space<hbm>>
      %dma_start3A_58 = arith.constant 0 : i32
      %dma_start3A_59 = tpu.memref_slice %arg7[%mul3A_2, %dma_start3A_58] : memref<2048x16xf32, #tpu.memory_space<hbm>> -> memref<64x16xf32, #tpu.memory_space<hbm>>
      tpu.enqueue_dma source(%dma_start3A_59 : memref<64x16xf32, #tpu.memory_space<hbm>>) target(%arg15 : memref<64x16xf32, #tpu.memory_space<vmem>>) target_semaphore(%run_scoped3A : memref<!tpu.dma_semaphore, #tpu.memory_space<semaphore_mem>>)
      %dma_wait3A_60 = arith.constant 0 : i32
      %dma_wait3A_61 = tpu.memref_slice %arg7[%mul3A_2, %dma_wait3A_60] : memref<2048x16xf32, #tpu.memory_space<hbm>> -> memref<64x16xf32, #tpu.memory_space<hbm>>
      %dma_wait3A_62 = arith.constant 0 : i32
      %dma_wait3A_63 = tpu.memref_slice %arg7[%mul3A_2, %dma_wait3A_62] : memref<2048x16xf32, #tpu.memory_space<hbm>> -> memref<64x16xf32, #tpu.memory_space<hbm>>
      tpu.wait_dma2 semaphore(%run_scoped3A : memref<!tpu.dma_semaphore, #tpu.memory_space<semaphore_mem>>) src(%dma_wait3A_63 : memref<64x16xf32, #tpu.memory_space<hbm>>) dst(%arg15 : memref<64x16xf32, #tpu.memory_space<vmem>>)
      tpu.yield
    }) : () -> ()
    %add3A_3 = arith.constant 0 : i32
    %add3A_4 = arith.addi %mul3A_2, %add3A_3 : i32
    %dma_start3A = arith.constant 0 : i32
    %dma_start3A_5 = tpu.memref_slice %arg9[%dma_start3A] : memref<64xi32, #tpu.memory_space<vmem>> -> memref<32xi32, #tpu.memory_space<vmem>>
    %dma_start3A_6 = arith.constant 0 : i32
    %dma_start3A_7 = arith.constant 0 : i32
    %dma_start3A_8 = tpu.memref_slice %arg2[%dma_start3A_6, %dma_start3A_7] : memref<6144x1024xf32, #tpu.memory_space<hbm>> -> memref<6144x1024xf32, #tpu.memory_space<hbm>>
    tpu.enqueue_indirect_dma source(%dma_start3A_8 : memref<6144x1024xf32, #tpu.memory_space<hbm>>) target(%arg11 : memref<32x1024xf32, #tpu.memory_space<vmem>>) offsets(%dma_start3A_5 : memref<32xi32, #tpu.memory_space<vmem>>) semaphore(%arg16 : memref<!tpu.dma_semaphore, #tpu.memory_space<semaphore_mem>>)
    %dma_start3A_9 = arith.constant 0 : i32
    %dma_start3A_10 = tpu.memref_slice %arg10[%dma_start3A_9] : memref<64xi32, #tpu.memory_space<vmem>> -> memref<32xi32, #tpu.memory_space<vmem>>
    %dma_start3A_11 = arith.constant 0 : i32
    %dma_start3A_12 = arith.constant 0 : i32
    %dma_start3A_13 = tpu.memref_slice %arg2[%dma_start3A_11, %dma_start3A_12] : memref<6144x1024xf32, #tpu.memory_space<hbm>> -> memref<6144x1024xf32, #tpu.memory_space<hbm>>
    tpu.enqueue_indirect_dma source(%dma_start3A_13 : memref<6144x1024xf32, #tpu.memory_space<hbm>>) target(%arg12 : memref<32x1024xf32, #tpu.memory_space<vmem>>) offsets(%dma_start3A_10 : memref<32xi32, #tpu.memory_space<vmem>>) semaphore(%arg17 : memref<!tpu.dma_semaphore, #tpu.memory_space<semaphore_mem>>)
    "tpu.region"() ({
      %run_scoped3A = tpu.sem_alloc : memref<!tpu.dma_semaphore, #tpu.memory_space<semaphore_mem>>
      %dma_start3A_56 = arith.constant 0 : i32
      %dma_start3A_57 = tpu.memref_slice %arg3[%add3A_4, %dma_start3A_56] : memref<2048x1024xf32, #tpu.memory_space<hbm>> -> memref<32x1024xf32, #tpu.memory_space<hbm>>
      %dma_start3A_58 = arith.constant 0 : i32
      %dma_start3A_59 = tpu.memref_slice %arg3[%add3A_4, %dma_start3A_58] : memref<2048x1024xf32, #tpu.memory_space<hbm>> -> memref<32x1024xf32, #tpu.memory_space<hbm>>
      tpu.enqueue_dma source(%dma_start3A_59 : memref<32x1024xf32, #tpu.memory_space<hbm>>) target(%arg13 : memref<32x1024xf32, #tpu.memory_space<vmem>>) target_semaphore(%run_scoped3A : memref<!tpu.dma_semaphore, #tpu.memory_space<semaphore_mem>>)
      %dma_wait3A_60 = arith.constant 0 : i32
      %dma_wait3A_61 = tpu.memref_slice %arg3[%add3A_4, %dma_wait3A_60] : memref<2048x1024xf32, #tpu.memory_space<hbm>> -> memref<32x1024xf32, #tpu.memory_space<hbm>>
      %dma_wait3A_62 = arith.constant 0 : i32
      %dma_wait3A_63 = tpu.memref_slice %arg3[%add3A_4, %dma_wait3A_62] : memref<2048x1024xf32, #tpu.memory_space<hbm>> -> memref<32x1024xf32, #tpu.memory_space<hbm>>
      tpu.wait_dma2 semaphore(%run_scoped3A : memref<!tpu.dma_semaphore, #tpu.memory_space<semaphore_mem>>) src(%dma_wait3A_63 : memref<32x1024xf32, #tpu.memory_space<hbm>>) dst(%arg13 : memref<32x1024xf32, #tpu.memory_space<vmem>>)
      tpu.yield
    }) : () -> ()
    %dma_wait3A = arith.constant 0 : i32
    %dma_wait3A_14 = tpu.memref_slice %arg9[%dma_wait3A] : memref<64xi32, #tpu.memory_space<vmem>> -> memref<32xi32, #tpu.memory_space<vmem>>
    %dma_wait3A_15 = arith.constant 0 : i32
    %dma_wait3A_16 = arith.constant 0 : i32
    %dma_wait3A_17 = tpu.memref_slice %arg2[%dma_wait3A_15, %dma_wait3A_16] : memref<6144x1024xf32, #tpu.memory_space<hbm>> -> memref<6144x1024xf32, #tpu.memory_space<hbm>>
    tpu.wait_indirect_dma semaphore(%arg16 : memref<!tpu.dma_semaphore, #tpu.memory_space<semaphore_mem>>) src(%dma_wait3A_17 : memref<6144x1024xf32, #tpu.memory_space<hbm>>) dst(%arg11 : memref<32x1024xf32, #tpu.memory_space<vmem>>)
    %dma_wait3A_18 = arith.constant 0 : i32
    %dma_wait3A_19 = tpu.memref_slice %arg10[%dma_wait3A_18] : memref<64xi32, #tpu.memory_space<vmem>> -> memref<32xi32, #tpu.memory_space<vmem>>
    %dma_wait3A_20 = arith.constant 0 : i32
    %dma_wait3A_21 = arith.constant 0 : i32
    %dma_wait3A_22 = tpu.memref_slice %arg2[%dma_wait3A_20, %dma_wait3A_21] : memref<6144x1024xf32, #tpu.memory_space<hbm>> -> memref<6144x1024xf32, #tpu.memory_space<hbm>>
    tpu.wait_indirect_dma semaphore(%arg17 : memref<!tpu.dma_semaphore, #tpu.memory_space<semaphore_mem>>) src(%dma_wait3A_22 : memref<6144x1024xf32, #tpu.memory_space<hbm>>) dst(%arg12 : memref<32x1024xf32, #tpu.memory_space<vmem>>)
    %scan3A = arith.constant 0 : i32
    %scan3A_23 = arith.constant 0 : i32
    %scan3A_24 = arith.constant 32 : i32
    %scan3A_25 = arith.addi %scan3A_23, %scan3A_24 : i32
    %scan3A_26 = arith.constant 1 : i32
    scf.for %scan3A_56 = %scan3A_23 to %scan3A_25 step %scan3A_26  : i32 {
      %add3A_57 = arith.constant 0 : i32
      %add3A_58 = arith.addi %add3A_57, %scan3A_56 : i32
      %get3A = arith.index_cast %add3A_58 : i32 to index
      %get3A_59 = arith.constant 0 : index
      %get3A_60 = tpu.vector_load %arg14[%get3A, %get3A_59] {strides = array<i32>} : memref<64x16xf32, #tpu.memory_space<vmem>>, vector<1x16xf32>,
      %get3A_61 = vector.shape_cast %get3A_60 : vector<1x16xf32> to vector<16xf32>
      %add3A_62 = arith.constant 0 : i32
      %add3A_63 = arith.addi %add3A_62, %scan3A_56 : i32
      %get3A_64 = arith.index_cast %add3A_63 : i32 to index
      %get3A_65 = arith.constant 0 : index
      %get3A_66 = tpu.vector_load %arg15[%get3A_64, %get3A_65] {strides = array<i32>} : memref<64x16xf32, #tpu.memory_space<vmem>>, vector<1x16xf32>,
      %get3A_67 = vector.shape_cast %get3A_66 : vector<1x16xf32> to vector<16xf32>
      %get3A_68 = arith.index_cast %scan3A_56 : i32 to index
      %get3A_69 = arith.constant 0 : index
      %get3A_70 = tpu.vector_load %arg13[%get3A_68, %get3A_69] {strides = array<i32>} : memref<32x1024xf32, #tpu.memory_space<vmem>>, vector<1x16xf32>,
      %get3A_71 = vector.shape_cast %get3A_70 : vector<1x16xf32> to vector<16xf32>
      %get3A_72 = arith.index_cast %scan3A_56 : i32 to index
      %get3A_73 = arith.constant 0 : index
      %get3A_74 = tpu.vector_load %arg11[%get3A_72, %get3A_73] {strides = array<i32>} : memref<32x1024xf32, #tpu.memory_space<vmem>>, vector<1x16xf32>,
      %get3A_75 = vector.shape_cast %get3A_74 : vector<1x16xf32> to vector<16xf32>
      %mul3A_76 = arith.mulf %get3A_61, %get3A_75 : vector<16xf32>
      %add3A_77 = arith.addf %get3A_71, %mul3A_76 : vector<16xf32>
      %get3A_78 = arith.index_cast %scan3A_56 : i32 to index
      %get3A_79 = arith.constant 0 : index
      %get3A_80 = tpu.vector_load %arg12[%get3A_78, %get3A_79] {strides = array<i32>} : memref<32x1024xf32, #tpu.memory_space<vmem>>, vector<1x16xf32>,
      %get3A_81 = vector.shape_cast %get3A_80 : vector<1x16xf32> to vector<16xf32>
      %mul3A_82 = arith.mulf %get3A_67, %get3A_81 : vector<16xf32>
      %add3A_83 = arith.addf %add3A_77, %mul3A_82 : vector<16xf32>
      %swap3A = arith.index_cast %scan3A_56 : i32 to index
      %swap3A_84 = arith.constant 0 : index
      %swap3A_85 = tpu.vector_load %arg13[%swap3A, %swap3A_84] {strides = array<i32>} : memref<32x1024xf32, #tpu.memory_space<vmem>>, vector<1x16xf32>,
      %swap3A_86 = vector.shape_cast %swap3A_85 : vector<1x16xf32> to vector<16xf32>
      %swap3A_87 = vector.shape_cast %add3A_83 : vector<16xf32> to vector<1x16xf32>
      tpu.vector_store %arg13[%swap3A, %swap3A_84], %swap3A_87 {strides = array<i32>} : memref<32x1024xf32, #tpu.memory_space<vmem>>, vector<1x16xf32>,
      %get3A_88 = arith.index_cast %scan3A_56 : i32 to index
      %get3A_89 = arith.constant 16 : index
      %get3A_90 = tpu.vector_load %arg13[%get3A_88, %get3A_89] {strides = array<i32>} : memref<32x1024xf32, #tpu.memory_space<vmem>>, vector<1x16xf32>,
      %get3A_91 = vector.shape_cast %get3A_90 : vector<1x16xf32> to vector<16xf32>
      %get3A_92 = arith.index_cast %scan3A_56 : i32 to index
      %get3A_93 = arith.constant 16 : index
      %get3A_94 = tpu.vector_load %arg11[%get3A_92, %get3A_93] {strides = array<i32>} : memref<32x1024xf32, #tpu.memory_space<vmem>>, vector<1x16xf32>,
      %get3A_95 = vector.shape_cast %get3A_94 : vector<1x16xf32> to vector<16xf32>
      %mul3A_96 = arith.mulf %get3A_61, %get3A_95 : vector<16xf32>
      %add3A_97 = arith.addf %get3A_91, %mul3A_96 : vector<16xf32>
      %get3A_98 = arith.index_cast %scan3A_56 : i32 to index
      %get3A_99 = arith.constant 16 : index
      %get3A_100 = tpu.vector_load %arg12[%get3A_98, %get3A_99] {strides = array<i32>} : memref<32x1024xf32, #tpu.memory_space<vmem>>, vector<1x16xf32>,
      %get3A_101 = vector.shape_cast %get3A_100 : vector<1x16xf32> to vector<16xf32>
      %mul3A_102 = arith.mulf %get3A_67, %get3A_101 : vector<16xf32>
      %add3A_103 = arith.addf %add3A_97, %mul3A_102 : vector<16xf32>
      %swap3A_104 = arith.index_cast %scan3A_56 : i32 to index
      %swap3A_105 = arith.constant 16 : index
      %swap3A_106 = tpu.vector_load %arg13[%swap3A_104, %swap3A_105] {strides = array<i32>} : memref<32x1024xf32, #tpu.memory_space<vmem>>, vector<1x16xf32>,
      %swap3A_107 = vector.shape_cast %swap3A_106 : vector<1x16xf32> to vector<16xf32>
      %swap3A_108 = vector.shape_cast %add3A_103 : vector<16xf32> to vector<1x16xf32>
      tpu.vector_store %arg13[%swap3A_104, %swap3A_105], %swap3A_108 {strides = array<i32>} : memref<32x1024xf32, #tpu.memory_space<vmem>>, vector<1x16xf32>,
      %get3A_109 = arith.index_cast %scan3A_56 : i32 to index
      %get3A_110 = arith.constant 32 : index
      %get3A_111 = tpu.vector_load %arg13[%get3A_109, %get3A_110] {strides = array<i32>} : memref<32x1024xf32, #tpu.memory_space<vmem>>, vector<1x16xf32>,
      %get3A_112 = vector.shape_cast %get3A_111 : vector<1x16xf32> to vector<16xf32>
      %get3A_113 = arith.index_cast %scan3A_56 : i32 to index
      %get3A_114 = arith.constant 32 : index
      %get3A_115 = tpu.vector_load %arg11[%get3A_113, %get3A_114] {strides = array<i32>} : memref<32x1024xf32, #tpu.memory_space<vmem>>, vector<1x16xf32>,
      %get3A_116 = vector.shape_cast %get3A_115 : vector<1x16xf32> to vector<16xf32>
      %mul3A_117 = arith.mulf %get3A_61, %get3A_116 : vector<16xf32>
      %add3A_118 = arith.addf %get3A_112, %mul3A_117 : vector<16xf32>
      %get3A_119 = arith.index_cast %scan3A_56 : i32 to index
      %get3A_120 = arith.constant 32 : index
      %get3A_121 = tpu.vector_load %arg12[%get3A_119, %get3A_120] {strides = array<i32>} : memref<32x1024xf32, #tpu.memory_space<vmem>>, vector<1x16xf32>,
      %get3A_122 = vector.shape_cast %get3A_121 : vector<1x16xf32> to vector<16xf32>
      %mul3A_123 = arith.mulf %get3A_67, %get3A_122 : vector<16xf32>
      %add3A_124 = arith.addf %add3A_118, %mul3A_123 : vector<16xf32>
      %swap3A_125 = arith.index_cast %scan3A_56 : i32 to index
      %swap3A_126 = arith.constant 32 : index
      %swap3A_127 = tpu.vector_load %arg13[%swap3A_125, %swap3A_126] {strides = array<i32>} : memref<32x1024xf32, #tpu.memory_space<vmem>>, vector<1x16xf32>,
      %swap3A_128 = vector.shape_cast %swap3A_127 : vector<1x16xf32> to vector<16xf32>
      %swap3A_129 = vector.shape_cast %add3A_124 : vector<16xf32> to vector<1x16xf32>
      tpu.vector_store %arg13[%swap3A_125, %swap3A_126], %swap3A_129 {strides = array<i32>} : memref<32x1024xf32, #tpu.memory_space<vmem>>, vector<1x16xf32>,
      %get3A_130 = arith.index_cast %scan3A_56 : i32 to index
      %get3A_131 = arith.constant 48 : index
      %get3A_132 = tpu.vector_load %arg13[%get3A_130, %get3A_131] {strides = array<i32>} : memref<32x1024xf32, #tpu.memory_space<vmem>>, vector<1x16xf32>,
      %get3A_133 = vector.shape_cast %get3A_132 : vector<1x16xf32> to vector<16xf32>
      %get3A_134 = arith.index_cast %scan3A_56 : i32 to index
      %get3A_135 = arith.constant 48 : index
      %get3A_136 = tpu.vector_load %arg11[%get3A_134, %get3A_135] {strides = array<i32>} : memref<32x1024xf32, #tpu.memory_space<vmem>>, vector<1x16xf32>,
      %get3A_137 = vector.shape_cast %get3A_136 : vector<1x16xf32> to vector<16xf32>
      %mul3A_138 = arith.mulf %get3A_61, %get3A_137 : vector<16xf32>
      %add3A_139 = arith.addf %get3A_133, %mul3A_138 : vector<16xf32>
      %get3A_140 = arith.index_cast %scan3A_56 : i32 to index
      %get3A_141 = arith.constant 48 : index
      %get3A_142 = tpu.vector_load %arg12[%get3A_140, %get3A_141] {strides = array<i32>} : memref<32x1024xf32, #tpu.memory_space<vmem>>, vector<1x16xf32>,
      %get3A_143 = vector.shape_cast %get3A_142 : vector<1x16xf32> to vector<16xf32>
      %mul3A_144 = arith.mulf %get3A_67, %get3A_143 : vector<16xf32>
      %add3A_145 = arith.addf %add3A_139, %mul3A_144 : vector<16xf32>
      %swap3A_146 = arith.index_cast %scan3A_56 : i32 to index
      %swap3A_147 = arith.constant 48 : index
      %swap3A_148 = tpu.vector_load %arg13[%swap3A_146, %swap3A_147] {strides = array<i32>} : memref<32x1024xf32, #tpu.memory_space<vmem>>, vector<1x16xf32>,
      %swap3A_149 = vector.shape_cast %swap3A_148 : vector<1x16xf32> to vector<16xf32>
      %swap3A_150 = vector.shape_cast %add3A_145 : vector<16xf32> to vector<1x16xf32>
      tpu.vector_store %arg13[%swap3A_146, %swap3A_147], %swap3A_150 {strides = array<i32>} : memref<32x1024xf32, #tpu.memory_space<vmem>>, vector<1x16xf32>,
      %get3A_151 = arith.index_cast %scan3A_56 : i32 to index
      %get3A_152 = arith.constant 64 : index
      %get3A_153 = tpu.vector_load %arg13[%get3A_151, %get3A_152] {strides = array<i32>} : memref<32x1024xf32, #tpu.memory_space<vmem>>, vector<1x16xf32>,
      %get3A_154 = vector.shape_cast %get3A_153 : vector<1x16xf32> to vector<16xf32>
      %get3A_155 = arith.index_cast %scan3A_56 : i32 to index
      %get3A_156 = arith.constant 64 : index
      %get3A_157 = tpu.vector_load %arg11[%get3A_155, %get3A_156] {strides = array<i32>} : memref<32x1024xf32, #tpu.memory_space<vmem>>, vector<1x16xf32>,
      %get3A_158 = vector.shape_cast %get3A_157 : vector<1x16xf32> to vector<16xf32>
      %mul3A_159 = arith.mulf %get3A_61, %get3A_158 : vector<16xf32>
      %add3A_160 = arith.addf %get3A_154, %mul3A_159 : vector<16xf32>
      %get3A_161 = arith.index_cast %scan3A_56 : i32 to index
      %get3A_162 = arith.constant 64 : index
      %get3A_163 = tpu.vector_load %arg12[%get3A_161, %get3A_162] {strides = array<i32>} : memref<32x1024xf32, #tpu.memory_space<vmem>>, vector<1x16xf32>,
      %get3A_164 = vector.shape_cast %get3A_163 : vector<1x16xf32> to vector<16xf32>
      %mul3A_165 = arith.mulf %get3A_67, %get3A_164 : vector<16xf32>
      %add3A_166 = arith.addf %add3A_160, %mul3A_165 : vector<16xf32>
      %swap3A_167 = arith.index_cast %scan3A_56 : i32 to index
      %swap3A_168 = arith.constant 64 : index
      %swap3A_169 = tpu.vector_load %arg13[%swap3A_167, %swap3A_168] {strides = array<i32>} : memref<32x1024xf32, #tpu.memory_space<vmem>>, vector<1x16xf32>,
      %swap3A_170 = vector.shape_cast %swap3A_169 : vector<1x16xf32> to vector<16xf32>
      %swap3A_171 = vector.shape_cast %add3A_166 : vector<16xf32> to vector<1x16xf32>
      tpu.vector_store %arg13[%swap3A_167, %swap3A_168], %swap3A_171 {strides = array<i32>} : memref<32x1024xf32, #tpu.memory_space<vmem>>, vector<1x16xf32>,
      %get3A_172 = arith.index_cast %scan3A_56 : i32 to index
      %get3A_173 = arith.constant 80 : index
      %get3A_174 = tpu.vector_load %arg13[%get3A_172, %get3A_173] {strides = array<i32>} : memref<32x1024xf32, #tpu.memory_space<vmem>>, vector<1x16xf32>,
      %get3A_175 = vector.shape_cast %get3A_174 : vector<1x16xf32> to vector<16xf32>
      %get3A_176 = arith.index_cast %scan3A_56 : i32 to index
      %get3A_177 = arith.constant 80 : index
      %get3A_178 = tpu.vector_load %arg11[%get3A_176, %get3A_177] {strides = array<i32>} : memref<32x1024xf32, #tpu.memory_space<vmem>>, vector<1x16xf32>,
      %get3A_179 = vector.shape_cast %get3A_178 : vector<1x16xf32> to vector<16xf32>
      %mul3A_180 = arith.mulf %get3A_61, %get3A_179 : vector<16xf32>
      %add3A_181 = arith.addf %get3A_175, %mul3A_180 : vector<16xf32>
      %get3A_182 = arith.index_cast %scan3A_56 : i32 to index
      %get3A_183 = arith.constant 80 : index
      %get3A_184 = tpu.vector_load %arg12[%get3A_182, %get3A_183] {strides = array<i32>} : memref<32x1024xf32, #tpu.memory_space<vmem>>, vector<1x16xf32>,
      %get3A_185 = vector.shape_cast %get3A_184 : vector<1x16xf32> to vector<16xf32>
      %mul3A_186 = arith.mulf %get3A_67, %get3A_185 : vector<16xf32>
      %add3A_187 = arith.addf %add3A_181, %mul3A_186 : vector<16xf32>
      %swap3A_188 = arith.index_cast %scan3A_56 : i32 to index
      %swap3A_189 = arith.constant 80 : index
      %swap3A_190 = tpu.vector_load %arg13[%swap3A_188, %swap3A_189] {strides = array<i32>} : memref<32x1024xf32, #tpu.memory_space<vmem>>, vector<1x16xf32>,
      %swap3A_191 = vector.shape_cast %swap3A_190 : vector<1x16xf32> to vector<16xf32>
      %swap3A_192 = vector.shape_cast %add3A_187 : vector<16xf32> to vector<1x16xf32>
      tpu.vector_store %arg13[%swap3A_188, %swap3A_189], %swap3A_192 {strides = array<i32>} : memref<32x1024xf32, #tpu.memory_space<vmem>>, vector<1x16xf32>,
      %get3A_193 = arith.index_cast %scan3A_56 : i32 to index
      %get3A_194 = arith.constant 96 : index
      %get3A_195 = tpu.vector_load %arg13[%get3A_193, %get3A_194] {strides = array<i32>} : memref<32x1024xf32, #tpu.memory_space<vmem>>, vector<1x16xf32>,
      %get3A_196 = vector.shape_cast %get3A_195 : vector<1x16xf32> to vector<16xf32>
      %get3A_197 = arith.index_cast %scan3A_56 : i32 to index
      %get3A_198 = arith.constant 96 : index
      %get3A_199 = tpu.vector_load %arg11[%get3A_197, %get3A_198] {strides = array<i32>} : memref<32x1024xf32, #tpu.memory_space<vmem>>, vector<1x16xf32>,
      %get3A_200 = vector.shape_cast %get3A_199 : vector<1x16xf32> to vector<16xf32>
      %mul3A_201 = arith.mulf %get3A_61, %get3A_200 : vector<16xf32>
      %add3A_202 = arith.addf %get3A_196, %mul3A_201 : vector<16xf32>
      %get3A_203 = arith.index_cast %scan3A_56 : i32 to index
      %get3A_204 = arith.constant 96 : index
      %get3A_205 = tpu.vector_load %arg12[%get3A_203, %get3A_204] {strides = array<i32>} : memref<32x1024xf32, #tpu.memory_space<vmem>>, vector<1x16xf32>,
      %get3A_206 = vector.shape_cast %get3A_205 : vector<1x16xf32> to vector<16xf32>
      %mul3A_207 = arith.mulf %get3A_67, %get3A_206 : vector<16xf32>
      %add3A_208 = arith.addf %add3A_202, %mul3A_207 : vector<16xf32>
      %swap3A_209 = arith.index_cast %scan3A_56 : i32 to index
      %swap3A_210 = arith.constant 96 : index
      %swap3A_211 = tpu.vector_load %arg13[%swap3A_209, %swap3A_210] {strides = array<i32>} : memref<32x1024xf32, #tpu.memory_space<vmem>>, vector<1x16xf32>,
      %swap3A_212 = vector.shape_cast %swap3A_211 : vector<1x16xf32> to vector<16xf32>
      %swap3A_213 = vector.shape_cast %add3A_208 : vector<16xf32> to vector<1x16xf32>
      tpu.vector_store %arg13[%swap3A_209, %swap3A_210], %swap3A_213 {strides = array<i32>} : memref<32x1024xf32, #tpu.memory_space<vmem>>, vector<1x16xf32>,
      %get3A_214 = arith.index_cast %scan3A_56 : i32 to index
      %get3A_215 = arith.constant 112 : index
      %get3A_216 = tpu.vector_load %arg13[%get3A_214, %get3A_215] {strides = array<i32>} : memref<32x1024xf32, #tpu.memory_space<vmem>>, vector<1x16xf32>,
      %get3A_217 = vector.shape_cast %get3A_216 : vector<1x16xf32> to vector<16xf32>
      %get3A_218 = arith.index_cast %scan3A_56 : i32 to index
      %get3A_219 = arith.constant 112 : index
      %get3A_220 = tpu.vector_load %arg11[%get3A_218, %get3A_219] {strides = array<i32>} : memref<32x1024xf32, #tpu.memory_space<vmem>>, vector<1x16xf32>,
      %get3A_221 = vector.shape_cast %get3A_220 : vector<1x16xf32> to vector<16xf32>
      %mul3A_222 = arith.mulf %get3A_61, %get3A_221 : vector<16xf32>
      %add3A_223 = arith.addf %get3A_217, %mul3A_222 : vector<16xf32>
      %get3A_224 = arith.index_cast %scan3A_56 : i32 to index
      %get3A_225 = arith.constant 112 : index
      %get3A_226 = tpu.vector_load %arg12[%get3A_224, %get3A_225] {strides = array<i32>} : memref<32x1024xf32, #tpu.memory_space<vmem>>, vector<1x16xf32>,
      %get3A_227 = vector.shape_cast %get3A_226 : vector<1x16xf32> to vector<16xf32>
      %mul3A_228 = arith.mulf %get3A_67, %get3A_227 : vector<16xf32>
      %add3A_229 = arith.addf %add3A_223, %mul3A_228 : vector<16xf32>
      %swap3A_230 = arith.index_cast %scan3A_56 : i32 to index
      %swap3A_231 = arith.constant 112 : index
      %swap3A_232 = tpu.vector_load %arg13[%swap3A_230, %swap3A_231] {strides = array<i32>} : memref<32x1024xf32, #tpu.memory_space<vmem>>, vector<1x16xf32>,
      %swap3A_233 = vector.shape_cast %swap3A_232 : vector<1x16xf32> to vector<16xf32>
      %swap3A_234 = vector.shape_cast %add3A_229 : vector<16xf32> to vector<1x16xf32>
      tpu.vector_store %arg13[%swap3A_230, %swap3A_231], %swap3A_234 {strides = array<i32>} : memref<32x1024xf32, #tpu.memory_space<vmem>>, vector<1x16xf32>,
      %get3A_235 = arith.index_cast %scan3A_56 : i32 to index
      %get3A_236 = arith.constant 128 : index
      %get3A_237 = tpu.vector_load %arg13[%get3A_235, %get3A_236] {strides = array<i32>} : memref<32x1024xf32, #tpu.memory_space<vmem>>, vector<1x16xf32>,
      %get3A_238 = vector.shape_cast %get3A_237 : vector<1x16xf32> to vector<16xf32>
      %get3A_239 = arith.index_cast %scan3A_56 : i32 to index
      %get3A_240 = arith.constant 128 : index
      %get3A_241 = tpu.vector_load %arg11[%get3A_239, %get3A_240] {strides = array<i32>} : memref<32x1024xf32, #tpu.memory_space<vmem>>, vector<1x16xf32>,
      %get3A_242 = vector.shape_cast %get3A_241 : vector<1x16xf32> to vector<16xf32>
      %mul3A_243 = arith.mulf %get3A_61, %get3A_242 : vector<16xf32>
      %add3A_244 = arith.addf %get3A_238, %mul3A_243 : vector<16xf32>
      %get3A_245 = arith.index_cast %scan3A_56 : i32 to index
      %get3A_246 = arith.constant 128 : index
      %get3A_247 = tpu.vector_load %arg12[%get3A_245, %get3A_246] {strides = array<i32>} : memref<32x1024xf32, #tpu.memory_space<vmem>>, vector<1x16xf32>,
      %get3A_248 = vector.shape_cast %get3A_247 : vector<1x16xf32> to vector<16xf32>
      %mul3A_249 = arith.mulf %get3A_67, %get3A_248 : vector<16xf32>
      %add3A_250 = arith.addf %add3A_244, %mul3A_249 : vector<16xf32>
      %swap3A_251 = arith.index_cast %scan3A_56 : i32 to index
      %swap3A_252 = arith.constant 128 : index
      %swap3A_253 = tpu.vector_load %arg13[%swap3A_251, %swap3A_252] {strides = array<i32>} : memref<32x1024xf32, #tpu.memory_space<vmem>>, vector<1x16xf32>,
      %swap3A_254 = vector.shape_cast %swap3A_253 : vector<1x16xf32> to vector<16xf32>
      %swap3A_255 = vector.shape_cast %add3A_250 : vector<16xf32> to vector<1x16xf32>
      tpu.vector_store %arg13[%swap3A_251, %swap3A_252], %swap3A_255 {strides = array<i32>} : memref<32x1024xf32, #tpu.memory_space<vmem>>, vector<1x16xf32>,
      %get3A_256 = arith.index_cast %scan3A_56 : i32 to index
      %get3A_257 = arith.constant 144 : index
      %get3A_258 = tpu.vector_load %arg13[%get3A_256, %get3A_257] {strides = array<i32>} : memref<32x1024xf32, #tpu.memory_space<vmem>>, vector<1x16xf32>,
      %get3A_259 = vector.shape_cast %get3A_258 : vector<1x16xf32> to vector<16xf32>
      %get3A_260 = arith.index_cast %scan3A_56 : i32 to index
      %get3A_261 = arith.constant 144 : index
      %get3A_262 = tpu.vector_load %arg11[%get3A_260, %get3A_261] {strides = array<i32>} : memref<32x1024xf32, #tpu.memory_space<vmem>>, vector<1x16xf32>,
      %get3A_263 = vector.shape_cast %get3A_262 : vector<1x16xf32> to vector<16xf32>
      %mul3A_264 = arith.mulf %get3A_61, %get3A_263 : vector<16xf32>
      %add3A_265 = arith.addf %get3A_259, %mul3A_264 : vector<16xf32>
      %get3A_266 = arith.index_cast %scan3A_56 : i32 to index
      %get3A_267 = arith.constant 144 : index
      %get3A_268 = tpu.vector_load %arg12[%get3A_266, %get3A_267] {strides = array<i32>} : memref<32x1024xf32, #tpu.memory_space<vmem>>, vector<1x16xf32>,
      %get3A_269 = vector.shape_cast %get3A_268 : vector<1x16xf32> to vector<16xf32>
      %mul3A_270 = arith.mulf %get3A_67, %get3A_269 : vector<16xf32>
      %add3A_271 = arith.addf %add3A_265, %mul3A_270 : vector<16xf32>
      %swap3A_272 = arith.index_cast %scan3A_56 : i32 to index
      %swap3A_273 = arith.constant 144 : index
      %swap3A_274 = tpu.vector_load %arg13[%swap3A_272, %swap3A_273] {strides = array<i32>} : memref<32x1024xf32, #tpu.memory_space<vmem>>, vector<1x16xf32>,
      %swap3A_275 = vector.shape_cast %swap3A_274 : vector<1x16xf32> to vector<16xf32>
      %swap3A_276 = vector.shape_cast %add3A_271 : vector<16xf32> to vector<1x16xf32>
      tpu.vector_store %arg13[%swap3A_272, %swap3A_273], %swap3A_276 {strides = array<i32>} : memref<32x1024xf32, #tpu.memory_space<vmem>>, vector<1x16xf32>,
      %get3A_277 = arith.index_cast %scan3A_56 : i32 to index
      %get3A_278 = arith.constant 160 : index
      %get3A_279 = tpu.vector_load %arg13[%get3A_277, %get3A_278] {strides = array<i32>} : memref<32x1024xf32, #tpu.memory_space<vmem>>, vector<1x16xf32>,
      %get3A_280 = vector.shape_cast %get3A_279 : vector<1x16xf32> to vector<16xf32>
      %get3A_281 = arith.index_cast %scan3A_56 : i32 to index
      %get3A_282 = arith.constant 160 : index
      %get3A_283 = tpu.vector_load %arg11[%get3A_281, %get3A_282] {strides = array<i32>} : memref<32x1024xf32, #tpu.memory_space<vmem>>, vector<1x16xf32>,
      %get3A_284 = vector.shape_cast %get3A_283 : vector<1x16xf32> to vector<16xf32>
      %mul3A_285 = arith.mulf %get3A_61, %get3A_284 : vector<16xf32>
      %add3A_286 = arith.addf %get3A_280, %mul3A_285 : vector<16xf32>
      %get3A_287 = arith.index_cast %scan3A_56 : i32 to index
      %get3A_288 = arith.constant 160 : index
      %get3A_289 = tpu.vector_load %arg12[%get3A_287, %get3A_288] {strides = array<i32>} : memref<32x1024xf32, #tpu.memory_space<vmem>>, vector<1x16xf32>,
      %get3A_290 = vector.shape_cast %get3A_289 : vector<1x16xf32> to vector<16xf32>
      %mul3A_291 = arith.mulf %get3A_67, %get3A_290 : vector<16xf32>
      %add3A_292 = arith.addf %add3A_286, %mul3A_291 : vector<16xf32>
      %swap3A_293 = arith.index_cast %scan3A_56 : i32 to index
      %swap3A_294 = arith.constant 160 : index
      %swap3A_295 = tpu.vector_load %arg13[%swap3A_293, %swap3A_294] {strides = array<i32>} : memref<32x1024xf32, #tpu.memory_space<vmem>>, vector<1x16xf32>,
      %swap3A_296 = vector.shape_cast %swap3A_295 : vector<1x16xf32> to vector<16xf32>
      %swap3A_297 = vector.shape_cast %add3A_292 : vector<16xf32> to vector<1x16xf32>
      tpu.vector_store %arg13[%swap3A_293, %swap3A_294], %swap3A_297 {strides = array<i32>} : memref<32x1024xf32, #tpu.memory_space<vmem>>, vector<1x16xf32>,
      %get3A_298 = arith.index_cast %scan3A_56 : i32 to index
      %get3A_299 = arith.constant 176 : index
      %get3A_300 = tpu.vector_load %arg13[%get3A_298, %get3A_299] {strides = array<i32>} : memref<32x1024xf32, #tpu.memory_space<vmem>>, vector<1x16xf32>,
      %get3A_301 = vector.shape_cast %get3A_300 : vector<1x16xf32> to vector<16xf32>
      %get3A_302 = arith.index_cast %scan3A_56 : i32 to index
      %get3A_303 = arith.constant 176 : index
      %get3A_304 = tpu.vector_load %arg11[%get3A_302, %get3A_303] {strides = array<i32>} : memref<32x1024xf32, #tpu.memory_space<vmem>>, vector<1x16xf32>,
      %get3A_305 = vector.shape_cast %get3A_304 : vector<1x16xf32> to vector<16xf32>
      %mul3A_306 = arith.mulf %get3A_61, %get3A_305 : vector<16xf32>
      %add3A_307 = arith.addf %get3A_301, %mul3A_306 : vector<16xf32>
      %get3A_308 = arith.index_cast %scan3A_56 : i32 to index
      %get3A_309 = arith.constant 176 : index
      %get3A_310 = tpu.vector_load %arg12[%get3A_308, %get3A_309] {strides = array<i32>} : memref<32x1024xf32, #tpu.memory_space<vmem>>, vector<1x16xf32>,
      %get3A_311 = vector.shape_cast %get3A_310 : vector<1x16xf32> to vector<16xf32>
      %mul3A_312 = arith.mulf %get3A_67, %get3A_311 : vector<16xf32>
      %add3A_313 = arith.addf %add3A_307, %mul3A_312 : vector<16xf32>
      %swap3A_314 = arith.index_cast %scan3A_56 : i32 to index
      %swap3A_315 = arith.constant 176 : index
      %swap3A_316 = tpu.vector_load %arg13[%swap3A_314, %swap3A_315] {strides = array<i32>} : memref<32x1024xf32, #tpu.memory_space<vmem>>, vector<1x16xf32>,
      %swap3A_317 = vector.shape_cast %swap3A_316 : vector<1x16xf32> to vector<16xf32>
      %swap3A_318 = vector.shape_cast %add3A_313 : vector<16xf32> to vector<1x16xf32>
      tpu.vector_store %arg13[%swap3A_314, %swap3A_315], %swap3A_318 {strides = array<i32>} : memref<32x1024xf32, #tpu.memory_space<vmem>>, vector<1x16xf32>,
      %get3A_319 = arith.index_cast %scan3A_56 : i32 to index
      %get3A_320 = arith.constant 192 : index
      %get3A_321 = tpu.vector_load %arg13[%get3A_319, %get3A_320] {strides = array<i32>} : memref<32x1024xf32, #tpu.memory_space<vmem>>, vector<1x16xf32>,
      %get3A_322 = vector.shape_cast %get3A_321 : vector<1x16xf32> to vector<16xf32>
      %get3A_323 = arith.index_cast %scan3A_56 : i32 to index
      %get3A_324 = arith.constant 192 : index
      %get3A_325 = tpu.vector_load %arg11[%get3A_323, %get3A_324] {strides = array<i32>} : memref<32x1024xf32, #tpu.memory_space<vmem>>, vector<1x16xf32>,
      %get3A_326 = vector.shape_cast %get3A_325 : vector<1x16xf32> to vector<16xf32>
      %mul3A_327 = arith.mulf %get3A_61, %get3A_326 : vector<16xf32>
      %add3A_328 = arith.addf %get3A_322, %mul3A_327 : vector<16xf32>
      %get3A_329 = arith.index_cast %scan3A_56 : i32 to index
      %get3A_330 = arith.constant 192 : index
      %get3A_331 = tpu.vector_load %arg12[%get3A_329, %get3A_330] {strides = array<i32>} : memref<32x1024xf32, #tpu.memory_space<vmem>>, vector<1x16xf32>,
      %get3A_332 = vector.shape_cast %get3A_331 : vector<1x16xf32> to vector<16xf32>
      %mul3A_333 = arith.mulf %get3A_67, %get3A_332 : vector<16xf32>
      %add3A_334 = arith.addf %add3A_328, %mul3A_333 : vector<16xf32>
      %swap3A_335 = arith.index_cast %scan3A_56 : i32 to index
      %swap3A_336 = arith.constant 192 : index
      %swap3A_337 = tpu.vector_load %arg13[%swap3A_335, %swap3A_336] {strides = array<i32>} : memref<32x1024xf32, #tpu.memory_space<vmem>>, vector<1x16xf32>,
      %swap3A_338 = vector.shape_cast %swap3A_337 : vector<1x16xf32> to vector<16xf32>
      %swap3A_339 = vector.shape_cast %add3A_334 : vector<16xf32> to vector<1x16xf32>
      tpu.vector_store %arg13[%swap3A_335, %swap3A_336], %swap3A_339 {strides = array<i32>} : memref<32x1024xf32, #tpu.memory_space<vmem>>, vector<1x16xf32>,
      %get3A_340 = arith.index_cast %scan3A_56 : i32 to index
      %get3A_341 = arith.constant 208 : index
      %get3A_342 = tpu.vector_load %arg13[%get3A_340, %get3A_341] {strides = array<i32>} : memref<32x1024xf32, #tpu.memory_space<vmem>>, vector<1x16xf32>,
      %get3A_343 = vector.shape_cast %get3A_342 : vector<1x16xf32> to vector<16xf32>
      %get3A_344 = arith.index_cast %scan3A_56 : i32 to index
      %get3A_345 = arith.constant 208 : index
      %get3A_346 = tpu.vector_load %arg11[%get3A_344, %get3A_345] {strides = array<i32>} : memref<32x1024xf32, #tpu.memory_space<vmem>>, vector<1x16xf32>,
      %get3A_347 = vector.shape_cast %get3A_346 : vector<1x16xf32> to vector<16xf32>
      %mul3A_348 = arith.mulf %get3A_61, %get3A_347 : vector<16xf32>
      %add3A_349 = arith.addf %get3A_343, %mul3A_348 : vector<16xf32>
      %get3A_350 = arith.index_cast %scan3A_56 : i32 to index
      %get3A_351 = arith.constant 208 : index
      %get3A_352 = tpu.vector_load %arg12[%get3A_350, %get3A_351] {strides = array<i32>} : memref<32x1024xf32, #tpu.memory_space<vmem>>, vector<1x16xf32>,
      %get3A_353 = vector.shape_cast %get3A_352 : vector<1x16xf32> to vector<16xf32>
      %mul3A_354 = arith.mulf %get3A_67, %get3A_353 : vector<16xf32>
      %add3A_355 = arith.addf %add3A_349, %mul3A_354 : vector<16xf32>
      %swap3A_356 = arith.index_cast %scan3A_56 : i32 to index
      %swap3A_357 = arith.constant 208 : index
      %swap3A_358 = tpu.vector_load %arg13[%swap3A_356, %swap3A_357] {strides = array<i32>} : memref<32x1024xf32, #tpu.memory_space<vmem>>, vector<1x16xf32>,
      %swap3A_359 = vector.shape_cast %swap3A_358 : vector<1x16xf32> to vector<16xf32>
      %swap3A_360 = vector.shape_cast %add3A_355 : vector<16xf32> to vector<1x16xf32>
      tpu.vector_store %arg13[%swap3A_356, %swap3A_357], %swap3A_360 {strides = array<i32>} : memref<32x1024xf32, #tpu.memory_space<vmem>>, vector<1x16xf32>,
      %get3A_361 = arith.index_cast %scan3A_56 : i32 to index
      %get3A_362 = arith.constant 224 : index
      %get3A_363 = tpu.vector_load %arg13[%get3A_361, %get3A_362] {strides = array<i32>} : memref<32x1024xf32, #tpu.memory_space<vmem>>, vector<1x16xf32>,
      %get3A_364 = vector.shape_cast %get3A_363 : vector<1x16xf32> to vector<16xf32>
      %get3A_365 = arith.index_cast %scan3A_56 : i32 to index
      %get3A_366 = arith.constant 224 : index
      %get3A_367 = tpu.vector_load %arg11[%get3A_365, %get3A_366] {strides = array<i32>} : memref<32x1024xf32, #tpu.memory_space<vmem>>, vector<1x16xf32>,
      %get3A_368 = vector.shape_cast %get3A_367 : vector<1x16xf32> to vector<16xf32>
      %mul3A_369 = arith.mulf %get3A_61, %get3A_368 : vector<16xf32>
      %add3A_370 = arith.addf %get3A_364, %mul3A_369 : vector<16xf32>
      %get3A_371 = arith.index_cast %scan3A_56 : i32 to index
      %get3A_372 = arith.constant 224 : index
      %get3A_373 = tpu.vector_load %arg12[%get3A_371, %get3A_372] {strides = array<i32>} : memref<32x1024xf32, #tpu.memory_space<vmem>>, vector<1x16xf32>,
      %get3A_374 = vector.shape_cast %get3A_373 : vector<1x16xf32> to vector<16xf32>
      %mul3A_375 = arith.mulf %get3A_67, %get3A_374 : vector<16xf32>
      %add3A_376 = arith.addf %add3A_370, %mul3A_375 : vector<16xf32>
      %swap3A_377 = arith.index_cast %scan3A_56 : i32 to index
      %swap3A_378 = arith.constant 224 : index
      %swap3A_379 = tpu.vector_load %arg13[%swap3A_377, %swap3A_378] {strides = array<i32>} : memref<32x1024xf32, #tpu.memory_space<vmem>>, vector<1x16xf32>,
      %swap3A_380 = vector.shape_cast %swap3A_379 : vector<1x16xf32> to vector<16xf32>
      %swap3A_381 = vector.shape_cast %add3A_376 : vector<16xf32> to vector<1x16xf32>
      tpu.vector_store %arg13[%swap3A_377, %swap3A_378], %swap3A_381 {strides = array<i32>} : memref<32x1024xf32, #tpu.memory_space<vmem>>, vector<1x16xf32>,
      %get3A_382 = arith.index_cast %scan3A_56 : i32 to index
      %get3A_383 = arith.constant 240 : index
      %get3A_384 = tpu.vector_load %arg13[%get3A_382, %get3A_383] {strides = array<i32>} : memref<32x1024xf32, #tpu.memory_space<vmem>>, vector<1x16xf32>,
      %get3A_385 = vector.shape_cast %get3A_384 : vector<1x16xf32> to vector<16xf32>
      %get3A_386 = arith.index_cast %scan3A_56 : i32 to index
      %get3A_387 = arith.constant 240 : index
      %get3A_388 = tpu.vector_load %arg11[%get3A_386, %get3A_387] {strides = array<i32>} : memref<32x1024xf32, #tpu.memory_space<vmem>>, vector<1x16xf32>,
      %get3A_389 = vector.shape_cast %get3A_388 : vector<1x16xf32> to vector<16xf32>
      %mul3A_390 = arith.mulf %get3A_61, %get3A_389 : vector<16xf32>
      %add3A_391 = arith.addf %get3A_385, %mul3A_390 : vector<16xf32>
      %get3A_392 = arith.index_cast %scan3A_56 : i32 to index
      %get3A_393 = arith.constant 240 : index
      %get3A_394 = tpu.vector_load %arg12[%get3A_392, %get3A_393] {strides = array<i32>} : memref<32x1024xf32, #tpu.memory_space<vmem>>, vector<1x16xf32>,
      %get3A_395 = vector.shape_cast %get3A_394 : vector<1x16xf32> to vector<16xf32>
      %mul3A_396 = arith.mulf %get3A_67, %get3A_395 : vector<16xf32>
      %add3A_397 = arith.addf %add3A_391, %mul3A_396 : vector<16xf32>
      %swap3A_398 = arith.index_cast %scan3A_56 : i32 to index
      %swap3A_399 = arith.constant 240 : index
      %swap3A_400 = tpu.vector_load %arg13[%swap3A_398, %swap3A_399] {strides = array<i32>} : memref<32x1024xf32, #tpu.memory_space<vmem>>, vector<1x16xf32>,
      %swap3A_401 = vector.shape_cast %swap3A_400 : vector<1x16xf32> to vector<16xf32>
      %swap3A_402 = vector.shape_cast %add3A_397 : vector<16xf32> to vector<1x16xf32>
      tpu.vector_store %arg13[%swap3A_398, %swap3A_399], %swap3A_402 {strides = array<i32>} : memref<32x1024xf32, #tpu.memory_space<vmem>>, vector<1x16xf32>,
      %get3A_403 = arith.index_cast %scan3A_56 : i32 to index
      %get3A_404 = arith.constant 256 : index
      %get3A_405 = tpu.vector_load %arg13[%get3A_403, %get3A_404] {strides = array<i32>} : memref<32x1024xf32, #tpu.memory_space<vmem>>, vector<1x16xf32>,
      %get3A_406 = vector.shape_cast %get3A_405 : vector<1x16xf32> to vector<16xf32>
      %get3A_407 = arith.index_cast %scan3A_56 : i32 to index
      %get3A_408 = arith.constant 256 : index
      %get3A_409 = tpu.vector_load %arg11[%get3A_407, %get3A_408] {strides = array<i32>} : memref<32x1024xf32, #tpu.memory_space<vmem>>, vector<1x16xf32>,
      %get3A_410 = vector.shape_cast %get3A_409 : vector<1x16xf32> to vector<16xf32>
      %mul3A_411 = arith.mulf %get3A_61, %get3A_410 : vector<16xf32>
      %add3A_412 = arith.addf %get3A_406, %mul3A_411 : vector<16xf32>
      %get3A_413 = arith.index_cast %scan3A_56 : i32 to index
      %get3A_414 = arith.constant 256 : index
      %get3A_415 = tpu.vector_load %arg12[%get3A_413, %get3A_414] {strides = array<i32>} : memref<32x1024xf32, #tpu.memory_space<vmem>>, vector<1x16xf32>,
      %get3A_416 = vector.shape_cast %get3A_415 : vector<1x16xf32> to vector<16xf32>
      %mul3A_417 = arith.mulf %get3A_67, %get3A_416 : vector<16xf32>
      %add3A_418 = arith.addf %add3A_412, %mul3A_417 : vector<16xf32>
      %swap3A_419 = arith.index_cast %scan3A_56 : i32 to index
      %swap3A_420 = arith.constant 256 : index
      %swap3A_421 = tpu.vector_load %arg13[%swap3A_419, %swap3A_420] {strides = array<i32>} : memref<32x1024xf32, #tpu.memory_space<vmem>>, vector<1x16xf32>,
      %swap3A_422 = vector.shape_cast %swap3A_421 : vector<1x16xf32> to vector<16xf32>
      %swap3A_423 = vector.shape_cast %add3A_418 : vector<16xf32> to vector<1x16xf32>
      tpu.vector_store %arg13[%swap3A_419, %swap3A_420], %swap3A_423 {strides = array<i32>} : memref<32x1024xf32, #tpu.memory_space<vmem>>, vector<1x16xf32>,
      %get3A_424 = arith.index_cast %scan3A_56 : i32 to index
      %get3A_425 = arith.constant 272 : index
      %get3A_426 = tpu.vector_load %arg13[%get3A_424, %get3A_425] {strides = array<i32>} : memref<32x1024xf32, #tpu.memory_space<vmem>>, vector<1x16xf32>,
      %get3A_427 = vector.shape_cast %get3A_426 : vector<1x16xf32> to vector<16xf32>
      %get3A_428 = arith.index_cast %scan3A_56 : i32 to index
      %get3A_429 = arith.constant 272 : index
      %get3A_430 = tpu.vector_load %arg11[%get3A_428, %get3A_429] {strides = array<i32>} : memref<32x1024xf32, #tpu.memory_space<vmem>>, vector<1x16xf32>,
      %get3A_431 = vector.shape_cast %get3A_430 : vector<1x16xf32> to vector<16xf32>
      %mul3A_432 = arith.mulf %get3A_61, %get3A_431 : vector<16xf32>
      %add3A_433 = arith.addf %get3A_427, %mul3A_432 : vector<16xf32>
      %get3A_434 = arith.index_cast %scan3A_56 : i32 to index
      %get3A_435 = arith.constant 272 : index
      %get3A_436 = tpu.vector_load %arg12[%get3A_434, %get3A_435] {strides = array<i32>} : memref<32x1024xf32, #tpu.memory_space<vmem>>, vector<1x16xf32>,
      %get3A_437 = vector.shape_cast %get3A_436 : vector<1x16xf32> to vector<16xf32>
      %mul3A_438 = arith.mulf %get3A_67, %get3A_437 : vector<16xf32>
      %add3A_439 = arith.addf %add3A_433, %mul3A_438 : vector<16xf32>
      %swap3A_440 = arith.index_cast %scan3A_56 : i32 to index
      %swap3A_441 = arith.constant 272 : index
      %swap3A_442 = tpu.vector_load %arg13[%swap3A_440, %swap3A_441] {strides = array<i32>} : memref<32x1024xf32, #tpu.memory_space<vmem>>, vector<1x16xf32>,
      %swap3A_443 = vector.shape_cast %swap3A_442 : vector<1x16xf32> to vector<16xf32>
      %swap3A_444 = vector.shape_cast %add3A_439 : vector<16xf32> to vector<1x16xf32>
      tpu.vector_store %arg13[%swap3A_440, %swap3A_441], %swap3A_444 {strides = array<i32>} : memref<32x1024xf32, #tpu.memory_space<vmem>>, vector<1x16xf32>,
      %get3A_445 = arith.index_cast %scan3A_56 : i32 to index
      %get3A_446 = arith.constant 288 : index
      %get3A_447 = tpu.vector_load %arg13[%get3A_445, %get3A_446] {strides = array<i32>} : memref<32x1024xf32, #tpu.memory_space<vmem>>, vector<1x16xf32>,
      %get3A_448 = vector.shape_cast %get3A_447 : vector<1x16xf32> to vector<16xf32>
      %get3A_449 = arith.index_cast %scan3A_56 : i32 to index
      %get3A_450 = arith.constant 288 : index
      %get3A_451 = tpu.vector_load %arg11[%get3A_449, %get3A_450] {strides = array<i32>} : memref<32x1024xf32, #tpu.memory_space<vmem>>, vector<1x16xf32>,
      %get3A_452 = vector.shape_cast %get3A_451 : vector<1x16xf32> to vector<16xf32>
      %mul3A_453 = arith.mulf %get3A_61, %get3A_452 : vector<16xf32>
      %add3A_454 = arith.addf %get3A_448, %mul3A_453 : vector<16xf32>
      %get3A_455 = arith.index_cast %scan3A_56 : i32 to index
      %get3A_456 = arith.constant 288 : index
      %get3A_457 = tpu.vector_load %arg12[%get3A_455, %get3A_456] {strides = array<i32>} : memref<32x1024xf32, #tpu.memory_space<vmem>>, vector<1x16xf32>,
      %get3A_458 = vector.shape_cast %get3A_457 : vector<1x16xf32> to vector<16xf32>
      %mul3A_459 = arith.mulf %get3A_67, %get3A_458 : vector<16xf32>
      %add3A_460 = arith.addf %add3A_454, %mul3A_459 : vector<16xf32>
      %swap3A_461 = arith.index_cast %scan3A_56 : i32 to index
      %swap3A_462 = arith.constant 288 : index
      %swap3A_463 = tpu.vector_load %arg13[%swap3A_461, %swap3A_462] {strides = array<i32>} : memref<32x1024xf32, #tpu.memory_space<vmem>>, vector<1x16xf32>,
      %swap3A_464 = vector.shape_cast %swap3A_463 : vector<1x16xf32> to vector<16xf32>
      %swap3A_465 = vector.shape_cast %add3A_460 : vector<16xf32> to vector<1x16xf32>
      tpu.vector_store %arg13[%swap3A_461, %swap3A_462], %swap3A_465 {strides = array<i32>} : memref<32x1024xf32, #tpu.memory_space<vmem>>, vector<1x16xf32>,
      %get3A_466 = arith.index_cast %scan3A_56 : i32 to index
      %get3A_467 = arith.constant 304 : index
      %get3A_468 = tpu.vector_load %arg13[%get3A_466, %get3A_467] {strides = array<i32>} : memref<32x1024xf32, #tpu.memory_space<vmem>>, vector<1x16xf32>,
      %get3A_469 = vector.shape_cast %get3A_468 : vector<1x16xf32> to vector<16xf32>
      %get3A_470 = arith.index_cast %scan3A_56 : i32 to index
      %get3A_471 = arith.constant 304 : index
      %get3A_472 = tpu.vector_load %arg11[%get3A_470, %get3A_471] {strides = array<i32>} : memref<32x1024xf32, #tpu.memory_space<vmem>>, vector<1x16xf32>,
      %get3A_473 = vector.shape_cast %get3A_472 : vector<1x16xf32> to vector<16xf32>
      %mul3A_474 = arith.mulf %get3A_61, %get3A_473 : vector<16xf32>
      %add3A_475 = arith.addf %get3A_469, %mul3A_474 : vector<16xf32>
      %get3A_476 = arith.index_cast %scan3A_56 : i32 to index
      %get3A_477 = arith.constant 304 : index
      %get3A_478 = tpu.vector_load %arg12[%get3A_476, %get3A_477] {strides = array<i32>} : memref<32x1024xf32, #tpu.memory_space<vmem>>, vector<1x16xf32>,
      %get3A_479 = vector.shape_cast %get3A_478 : vector<1x16xf32> to vector<16xf32>
      %mul3A_480 = arith.mulf %get3A_67, %get3A_479 : vector<16xf32>
      %add3A_481 = arith.addf %add3A_475, %mul3A_480 : vector<16xf32>
      %swap3A_482 = arith.index_cast %scan3A_56 : i32 to index
      %swap3A_483 = arith.constant 304 : index
      %swap3A_484 = tpu.vector_load %arg13[%swap3A_482, %swap3A_483] {strides = array<i32>} : memref<32x1024xf32, #tpu.memory_space<vmem>>, vector<1x16xf32>,
      %swap3A_485 = vector.shape_cast %swap3A_484 : vector<1x16xf32> to vector<16xf32>
      %swap3A_486 = vector.shape_cast %add3A_481 : vector<16xf32> to vector<1x16xf32>
      tpu.vector_store %arg13[%swap3A_482, %swap3A_483], %swap3A_486 {strides = array<i32>} : memref<32x1024xf32, #tpu.memory_space<vmem>>, vector<1x16xf32>,
      %get3A_487 = arith.index_cast %scan3A_56 : i32 to index
      %get3A_488 = arith.constant 320 : index
      %get3A_489 = tpu.vector_load %arg13[%get3A_487, %get3A_488] {strides = array<i32>} : memref<32x1024xf32, #tpu.memory_space<vmem>>, vector<1x16xf32>,
      %get3A_490 = vector.shape_cast %get3A_489 : vector<1x16xf32> to vector<16xf32>
      %get3A_491 = arith.index_cast %scan3A_56 : i32 to index
      %get3A_492 = arith.constant 320 : index
      %get3A_493 = tpu.vector_load %arg11[%get3A_491, %get3A_492] {strides = array<i32>} : memref<32x1024xf32, #tpu.memory_space<vmem>>, vector<1x16xf32>,
      %get3A_494 = vector.shape_cast %get3A_493 : vector<1x16xf32> to vector<16xf32>
      %mul3A_495 = arith.mulf %get3A_61, %get3A_494 : vector<16xf32>
      %add3A_496 = arith.addf %get3A_490, %mul3A_495 : vector<16xf32>
      %get3A_497 = arith.index_cast %scan3A_56 : i32 to index
      %get3A_498 = arith.constant 320 : index
      %get3A_499 = tpu.vector_load %arg12[%get3A_497, %get3A_498] {strides = array<i32>} : memref<32x1024xf32, #tpu.memory_space<vmem>>, vector<1x16xf32>,
      %get3A_500 = vector.shape_cast %get3A_499 : vector<1x16xf32> to vector<16xf32>
      %mul3A_501 = arith.mulf %get3A_67, %get3A_500 : vector<16xf32>
      %add3A_502 = arith.addf %add3A_496, %mul3A_501 : vector<16xf32>
      %swap3A_503 = arith.index_cast %scan3A_56 : i32 to index
      %swap3A_504 = arith.constant 320 : index
      %swap3A_505 = tpu.vector_load %arg13[%swap3A_503, %swap3A_504] {strides = array<i32>} : memref<32x1024xf32, #tpu.memory_space<vmem>>, vector<1x16xf32>,
      %swap3A_506 = vector.shape_cast %swap3A_505 : vector<1x16xf32> to vector<16xf32>
      %swap3A_507 = vector.shape_cast %add3A_502 : vector<16xf32> to vector<1x16xf32>
      tpu.vector_store %arg13[%swap3A_503, %swap3A_504], %swap3A_507 {strides = array<i32>} : memref<32x1024xf32, #tpu.memory_space<vmem>>, vector<1x16xf32>,
      %get3A_508 = arith.index_cast %scan3A_56 : i32 to index
      %get3A_509 = arith.constant 336 : index
      %get3A_510 = tpu.vector_load %arg13[%get3A_508, %get3A_509] {strides = array<i32>} : memref<32x1024xf32, #tpu.memory_space<vmem>>, vector<1x16xf32>,
      %get3A_511 = vector.shape_cast %get3A_510 : vector<1x16xf32> to vector<16xf32>
      %get3A_512 = arith.index_cast %scan3A_56 : i32 to index
      %get3A_513 = arith.constant 336 : index
      %get3A_514 = tpu.vector_load %arg11[%get3A_512, %get3A_513] {strides = array<i32>} : memref<32x1024xf32, #tpu.memory_space<vmem>>, vector<1x16xf32>,
      %get3A_515 = vector.shape_cast %get3A_514 : vector<1x16xf32> to vector<16xf32>
      %mul3A_516 = arith.mulf %get3A_61, %get3A_515 : vector<16xf32>
      %add3A_517 = arith.addf %get3A_511, %mul3A_516 : vector<16xf32>
      %get3A_518 = arith.index_cast %scan3A_56 : i32 to index
      %get3A_519 = arith.constant 336 : index
      %get3A_520 = tpu.vector_load %arg12[%get3A_518, %get3A_519] {strides = array<i32>} : memref<32x1024xf32, #tpu.memory_space<vmem>>, vector<1x16xf32>,
      %get3A_521 = vector.shape_cast %get3A_520 : vector<1x16xf32> to vector<16xf32>
      %mul3A_522 = arith.mulf %get3A_67, %get3A_521 : vector<16xf32>
      %add3A_523 = arith.addf %add3A_517, %mul3A_522 : vector<16xf32>
      %swap3A_524 = arith.index_cast %scan3A_56 : i32 to index
      %swap3A_525 = arith.constant 336 : index
      %swap3A_526 = tpu.vector_load %arg13[%swap3A_524, %swap3A_525] {strides = array<i32>} : memref<32x1024xf32, #tpu.memory_space<vmem>>, vector<1x16xf32>,
      %swap3A_527 = vector.shape_cast %swap3A_526 : vector<1x16xf32> to vector<16xf32>
      %swap3A_528 = vector.shape_cast %add3A_523 : vector<16xf32> to vector<1x16xf32>
      tpu.vector_store %arg13[%swap3A_524, %swap3A_525], %swap3A_528 {strides = array<i32>} : memref<32x1024xf32, #tpu.memory_space<vmem>>, vector<1x16xf32>,
      %get3A_529 = arith.index_cast %scan3A_56 : i32 to index
      %get3A_530 = arith.constant 352 : index
      %get3A_531 = tpu.vector_load %arg13[%get3A_529, %get3A_530] {strides = array<i32>} : memref<32x1024xf32, #tpu.memory_space<vmem>>, vector<1x16xf32>,
      %get3A_532 = vector.shape_cast %get3A_531 : vector<1x16xf32> to vector<16xf32>
      %get3A_533 = arith.index_cast %scan3A_56 : i32 to index
      %get3A_534 = arith.constant 352 : index
      %get3A_535 = tpu.vector_load %arg11[%get3A_533, %get3A_534] {strides = array<i32>} : memref<32x1024xf32, #tpu.memory_space<vmem>>, vector<1x16xf32>,
      %get3A_536 = vector.shape_cast %get3A_535 : vector<1x16xf32> to vector<16xf32>
      %mul3A_537 = arith.mulf %get3A_61, %get3A_536 : vector<16xf32>
      %add3A_538 = arith.addf %get3A_532, %mul3A_537 : vector<16xf32>
      %get3A_539 = arith.index_cast %scan3A_56 : i32 to index
      %get3A_540 = arith.constant 352 : index
      %get3A_541 = tpu.vector_load %arg12[%get3A_539, %get3A_540] {strides = array<i32>} : memref<32x1024xf32, #tpu.memory_space<vmem>>, vector<1x16xf32>,
      %get3A_542 = vector.shape_cast %get3A_541 : vector<1x16xf32> to vector<16xf32>
      %mul3A_543 = arith.mulf %get3A_67, %get3A_542 : vector<16xf32>
      %add3A_544 = arith.addf %add3A_538, %mul3A_543 : vector<16xf32>
      %swap3A_545 = arith.index_cast %scan3A_56 : i32 to index
      %swap3A_546 = arith.constant 352 : index
      %swap3A_547 = tpu.vector_load %arg13[%swap3A_545, %swap3A_546] {strides = array<i32>} : memref<32x1024xf32, #tpu.memory_space<vmem>>, vector<1x16xf32>,
      %swap3A_548 = vector.shape_cast %swap3A_547 : vector<1x16xf32> to vector<16xf32>
      %swap3A_549 = vector.shape_cast %add3A_544 : vector<16xf32> to vector<1x16xf32>
      tpu.vector_store %arg13[%swap3A_545, %swap3A_546], %swap3A_549 {strides = array<i32>} : memref<32x1024xf32, #tpu.memory_space<vmem>>, vector<1x16xf32>,
      %get3A_550 = arith.index_cast %scan3A_56 : i32 to index
      %get3A_551 = arith.constant 368 : index
      %get3A_552 = tpu.vector_load %arg13[%get3A_550, %get3A_551] {strides = array<i32>} : memref<32x1024xf32, #tpu.memory_space<vmem>>, vector<1x16xf32>,
      %get3A_553 = vector.shape_cast %get3A_552 : vector<1x16xf32> to vector<16xf32>
      %get3A_554 = arith.index_cast %scan3A_56 : i32 to index
      %get3A_555 = arith.constant 368 : index
      %get3A_556 = tpu.vector_load %arg11[%get3A_554, %get3A_555] {strides = array<i32>} : memref<32x1024xf32, #tpu.memory_space<vmem>>, vector<1x16xf32>,
      %get3A_557 = vector.shape_cast %get3A_556 : vector<1x16xf32> to vector<16xf32>
      %mul3A_558 = arith.mulf %get3A_61, %get3A_557 : vector<16xf32>
      %add3A_559 = arith.addf %get3A_553, %mul3A_558 : vector<16xf32>
      %get3A_560 = arith.index_cast %scan3A_56 : i32 to index
      %get3A_561 = arith.constant 368 : index
      %get3A_562 = tpu.vector_load %arg12[%get3A_560, %get3A_561] {strides = array<i32>} : memref<32x1024xf32, #tpu.memory_space<vmem>>, vector<1x16xf32>,
      %get3A_563 = vector.shape_cast %get3A_562 : vector<1x16xf32> to vector<16xf32>
      %mul3A_564 = arith.mulf %get3A_67, %get3A_563 : vector<16xf32>
      %add3A_565 = arith.addf %add3A_559, %mul3A_564 : vector<16xf32>
      %swap3A_566 = arith.index_cast %scan3A_56 : i32 to index
      %swap3A_567 = arith.constant 368 : index
      %swap3A_568 = tpu.vector_load %arg13[%swap3A_566, %swap3A_567] {strides = array<i32>} : memref<32x1024xf32, #tpu.memory_space<vmem>>, vector<1x16xf32>,
      %swap3A_569 = vector.shape_cast %swap3A_568 : vector<1x16xf32> to vector<16xf32>
      %swap3A_570 = vector.shape_cast %add3A_565 : vector<16xf32> to vector<1x16xf32>
      tpu.vector_store %arg13[%swap3A_566, %swap3A_567], %swap3A_570 {strides = array<i32>} : memref<32x1024xf32, #tpu.memory_space<vmem>>, vector<1x16xf32>,
      %get3A_571 = arith.index_cast %scan3A_56 : i32 to index
      %get3A_572 = arith.constant 384 : index
      %get3A_573 = tpu.vector_load %arg13[%get3A_571, %get3A_572] {strides = array<i32>} : memref<32x1024xf32, #tpu.memory_space<vmem>>, vector<1x16xf32>,
      %get3A_574 = vector.shape_cast %get3A_573 : vector<1x16xf32> to vector<16xf32>
      %get3A_575 = arith.index_cast %scan3A_56 : i32 to index
      %get3A_576 = arith.constant 384 : index
      %get3A_577 = tpu.vector_load %arg11[%get3A_575, %get3A_576] {strides = array<i32>} : memref<32x1024xf32, #tpu.memory_space<vmem>>, vector<1x16xf32>,
      %get3A_578 = vector.shape_cast %get3A_577 : vector<1x16xf32> to vector<16xf32>
      %mul3A_579 = arith.mulf %get3A_61, %get3A_578 : vector<16xf32>
      %add3A_580 = arith.addf %get3A_574, %mul3A_579 : vector<16xf32>
      %get3A_581 = arith.index_cast %scan3A_56 : i32 to index
      %get3A_582 = arith.constant 384 : index
      %get3A_583 = tpu.vector_load %arg12[%get3A_581, %get3A_582] {strides = array<i32>} : memref<32x1024xf32, #tpu.memory_space<vmem>>, vector<1x16xf32>,
      %get3A_584 = vector.shape_cast %get3A_583 : vector<1x16xf32> to vector<16xf32>
      %mul3A_585 = arith.mulf %get3A_67, %get3A_584 : vector<16xf32>
      %add3A_586 = arith.addf %add3A_580, %mul3A_585 : vector<16xf32>
      %swap3A_587 = arith.index_cast %scan3A_56 : i32 to index
      %swap3A_588 = arith.constant 384 : index
      %swap3A_589 = tpu.vector_load %arg13[%swap3A_587, %swap3A_588] {strides = array<i32>} : memref<32x1024xf32, #tpu.memory_space<vmem>>, vector<1x16xf32>,
      %swap3A_590 = vector.shape_cast %swap3A_589 : vector<1x16xf32> to vector<16xf32>
      %swap3A_591 = vector.shape_cast %add3A_586 : vector<16xf32> to vector<1x16xf32>
      tpu.vector_store %arg13[%swap3A_587, %swap3A_588], %swap3A_591 {strides = array<i32>} : memref<32x1024xf32, #tpu.memory_space<vmem>>, vector<1x16xf32>,
      %get3A_592 = arith.index_cast %scan3A_56 : i32 to index
      %get3A_593 = arith.constant 400 : index
      %get3A_594 = tpu.vector_load %arg13[%get3A_592, %get3A_593] {strides = array<i32>} : memref<32x1024xf32, #tpu.memory_space<vmem>>, vector<1x16xf32>,
      %get3A_595 = vector.shape_cast %get3A_594 : vector<1x16xf32> to vector<16xf32>
      %get3A_596 = arith.index_cast %scan3A_56 : i32 to index
      %get3A_597 = arith.constant 400 : index
      %get3A_598 = tpu.vector_load %arg11[%get3A_596, %get3A_597] {strides = array<i32>} : memref<32x1024xf32, #tpu.memory_space<vmem>>, vector<1x16xf32>,
      %get3A_599 = vector.shape_cast %get3A_598 : vector<1x16xf32> to vector<16xf32>
      %mul3A_600 = arith.mulf %get3A_61, %get3A_599 : vector<16xf32>
      %add3A_601 = arith.addf %get3A_595, %mul3A_600 : vector<16xf32>
      %get3A_602 = arith.index_cast %scan3A_56 : i32 to index
      %get3A_603 = arith.constant 400 : index
      %get3A_604 = tpu.vector_load %arg12[%get3A_602, %get3A_603] {strides = array<i32>} : memref<32x1024xf32, #tpu.memory_space<vmem>>, vector<1x16xf32>,
      %get3A_605 = vector.shape_cast %get3A_604 : vector<1x16xf32> to vector<16xf32>
      %mul3A_606 = arith.mulf %get3A_67, %get3A_605 : vector<16xf32>
      %add3A_607 = arith.addf %add3A_601, %mul3A_606 : vector<16xf32>
      %swap3A_608 = arith.index_cast %scan3A_56 : i32 to index
      %swap3A_609 = arith.constant 400 : index
      %swap3A_610 = tpu.vector_load %arg13[%swap3A_608, %swap3A_609] {strides = array<i32>} : memref<32x1024xf32, #tpu.memory_space<vmem>>, vector<1x16xf32>,
      %swap3A_611 = vector.shape_cast %swap3A_610 : vector<1x16xf32> to vector<16xf32>
      %swap3A_612 = vector.shape_cast %add3A_607 : vector<16xf32> to vector<1x16xf32>
      tpu.vector_store %arg13[%swap3A_608, %swap3A_609], %swap3A_612 {strides = array<i32>} : memref<32x1024xf32, #tpu.memory_space<vmem>>, vector<1x16xf32>,
      %get3A_613 = arith.index_cast %scan3A_56 : i32 to index
      %get3A_614 = arith.constant 416 : index
      %get3A_615 = tpu.vector_load %arg13[%get3A_613, %get3A_614] {strides = array<i32>} : memref<32x1024xf32, #tpu.memory_space<vmem>>, vector<1x16xf32>,
      %get3A_616 = vector.shape_cast %get3A_615 : vector<1x16xf32> to vector<16xf32>
      %get3A_617 = arith.index_cast %scan3A_56 : i32 to index
      %get3A_618 = arith.constant 416 : index
      %get3A_619 = tpu.vector_load %arg11[%get3A_617, %get3A_618] {strides = array<i32>} : memref<32x1024xf32, #tpu.memory_space<vmem>>, vector<1x16xf32>,
      %get3A_620 = vector.shape_cast %get3A_619 : vector<1x16xf32> to vector<16xf32>
      %mul3A_621 = arith.mulf %get3A_61, %get3A_620 : vector<16xf32>
      %add3A_622 = arith.addf %get3A_616, %mul3A_621 : vector<16xf32>
      %get3A_623 = arith.index_cast %scan3A_56 : i32 to index
      %get3A_624 = arith.constant 416 : index
      %get3A_625 = tpu.vector_load %arg12[%get3A_623, %get3A_624] {strides = array<i32>} : memref<32x1024xf32, #tpu.memory_space<vmem>>, vector<1x16xf32>,
      %get3A_626 = vector.shape_cast %get3A_625 : vector<1x16xf32> to vector<16xf32>
      %mul3A_627 = arith.mulf %get3A_67, %get3A_626 : vector<16xf32>
      %add3A_628 = arith.addf %add3A_622, %mul3A_627 : vector<16xf32>
      %swap3A_629 = arith.index_cast %scan3A_56 : i32 to index
      %swap3A_630 = arith.constant 416 : index
      %swap3A_631 = tpu.vector_load %arg13[%swap3A_629, %swap3A_630] {strides = array<i32>} : memref<32x1024xf32, #tpu.memory_space<vmem>>, vector<1x16xf32>,
      %swap3A_632 = vector.shape_cast %swap3A_631 : vector<1x16xf32> to vector<16xf32>
      %swap3A_633 = vector.shape_cast %add3A_628 : vector<16xf32> to vector<1x16xf32>
      tpu.vector_store %arg13[%swap3A_629, %swap3A_630], %swap3A_633 {strides = array<i32>} : memref<32x1024xf32, #tpu.memory_space<vmem>>, vector<1x16xf32>,
      %get3A_634 = arith.index_cast %scan3A_56 : i32 to index
      %get3A_635 = arith.constant 432 : index
      %get3A_636 = tpu.vector_load %arg13[%get3A_634, %get3A_635] {strides = array<i32>} : memref<32x1024xf32, #tpu.memory_space<vmem>>, vector<1x16xf32>,
      %get3A_637 = vector.shape_cast %get3A_636 : vector<1x16xf32> to vector<16xf32>
      %get3A_638 = arith.index_cast %scan3A_56 : i32 to index
      %get3A_639 = arith.constant 432 : index
      %get3A_640 = tpu.vector_load %arg11[%get3A_638, %get3A_639] {strides = array<i32>} : memref<32x1024xf32, #tpu.memory_space<vmem>>, vector<1x16xf32>,
      %get3A_641 = vector.shape_cast %get3A_640 : vector<1x16xf32> to vector<16xf32>
      %mul3A_642 = arith.mulf %get3A_61, %get3A_641 : vector<16xf32>
      %add3A_643 = arith.addf %get3A_637, %mul3A_642 : vector<16xf32>
      %get3A_644 = arith.index_cast %scan3A_56 : i32 to index
      %get3A_645 = arith.constant 432 : index
      %get3A_646 = tpu.vector_load %arg12[%get3A_644, %get3A_645] {strides = array<i32>} : memref<32x1024xf32, #tpu.memory_space<vmem>>, vector<1x16xf32>,
      %get3A_647 = vector.shape_cast %get3A_646 : vector<1x16xf32> to vector<16xf32>
      %mul3A_648 = arith.mulf %get3A_67, %get3A_647 : vector<16xf32>
      %add3A_649 = arith.addf %add3A_643, %mul3A_648 : vector<16xf32>
      %swap3A_650 = arith.index_cast %scan3A_56 : i32 to index
      %swap3A_651 = arith.constant 432 : index
      %swap3A_652 = tpu.vector_load %arg13[%swap3A_650, %swap3A_651] {strides = array<i32>} : memref<32x1024xf32, #tpu.memory_space<vmem>>, vector<1x16xf32>,
      %swap3A_653 = vector.shape_cast %swap3A_652 : vector<1x16xf32> to vector<16xf32>
      %swap3A_654 = vector.shape_cast %add3A_649 : vector<16xf32> to vector<1x16xf32>
      tpu.vector_store %arg13[%swap3A_650, %swap3A_651], %swap3A_654 {strides = array<i32>} : memref<32x1024xf32, #tpu.memory_space<vmem>>, vector<1x16xf32>,
      %get3A_655 = arith.index_cast %scan3A_56 : i32 to index
      %get3A_656 = arith.constant 448 : index
      %get3A_657 = tpu.vector_load %arg13[%get3A_655, %get3A_656] {strides = array<i32>} : memref<32x1024xf32, #tpu.memory_space<vmem>>, vector<1x16xf32>,
      %get3A_658 = vector.shape_cast %get3A_657 : vector<1x16xf32> to vector<16xf32>
      %get3A_659 = arith.index_cast %scan3A_56 : i32 to index
      %get3A_660 = arith.constant 448 : index
      %get3A_661 = tpu.vector_load %arg11[%get3A_659, %get3A_660] {strides = array<i32>} : memref<32x1024xf32, #tpu.memory_space<vmem>>, vector<1x16xf32>,
      %get3A_662 = vector.shape_cast %get3A_661 : vector<1x16xf32> to vector<16xf32>
      %mul3A_663 = arith.mulf %get3A_61, %get3A_662 : vector<16xf32>
      %add3A_664 = arith.addf %get3A_658, %mul3A_663 : vector<16xf32>
      %get3A_665 = arith.index_cast %scan3A_56 : i32 to index
      %get3A_666 = arith.constant 448 : index
      %get3A_667 = tpu.vector_load %arg12[%get3A_665, %get3A_666] {strides = array<i32>} : memref<32x1024xf32, #tpu.memory_space<vmem>>, vector<1x16xf32>,
      %get3A_668 = vector.shape_cast %get3A_667 : vector<1x16xf32> to vector<16xf32>
      %mul3A_669 = arith.mulf %get3A_67, %get3A_668 : vector<16xf32>
      %add3A_670 = arith.addf %add3A_664, %mul3A_669 : vector<16xf32>
      %swap3A_671 = arith.index_cast %scan3A_56 : i32 to index
      %swap3A_672 = arith.constant 448 : index
      %swap3A_673 = tpu.vector_load %arg13[%swap3A_671, %swap3A_672] {strides = array<i32>} : memref<32x1024xf32, #tpu.memory_space<vmem>>, vector<1x16xf32>,
      %swap3A_674 = vector.shape_cast %swap3A_673 : vector<1x16xf32> to vector<16xf32>
      %swap3A_675 = vector.shape_cast %add3A_670 : vector<16xf32> to vector<1x16xf32>
      tpu.vector_store %arg13[%swap3A_671, %swap3A_672], %swap3A_675 {strides = array<i32>} : memref<32x1024xf32, #tpu.memory_space<vmem>>, vector<1x16xf32>,
      %get3A_676 = arith.index_cast %scan3A_56 : i32 to index
      %get3A_677 = arith.constant 464 : index
      %get3A_678 = tpu.vector_load %arg13[%get3A_676, %get3A_677] {strides = array<i32>} : memref<32x1024xf32, #tpu.memory_space<vmem>>, vector<1x16xf32>,
      %get3A_679 = vector.shape_cast %get3A_678 : vector<1x16xf32> to vector<16xf32>
      %get3A_680 = arith.index_cast %scan3A_56 : i32 to index
      %get3A_681 = arith.constant 464 : index
      %get3A_682 = tpu.vector_load %arg11[%get3A_680, %get3A_681] {strides = array<i32>} : memref<32x1024xf32, #tpu.memory_space<vmem>>, vector<1x16xf32>,
      %get3A_683 = vector.shape_cast %get3A_682 : vector<1x16xf32> to vector<16xf32>
      %mul3A_684 = arith.mulf %get3A_61, %get3A_683 : vector<16xf32>
      %add3A_685 = arith.addf %get3A_679, %mul3A_684 : vector<16xf32>
      %get3A_686 = arith.index_cast %scan3A_56 : i32 to index
      %get3A_687 = arith.constant 464 : index
      %get3A_688 = tpu.vector_load %arg12[%get3A_686, %get3A_687] {strides = array<i32>} : memref<32x1024xf32, #tpu.memory_space<vmem>>, vector<1x16xf32>,
      %get3A_689 = vector.shape_cast %get3A_688 : vector<1x16xf32> to vector<16xf32>
      %mul3A_690 = arith.mulf %get3A_67, %get3A_689 : vector<16xf32>
      %add3A_691 = arith.addf %add3A_685, %mul3A_690 : vector<16xf32>
      %swap3A_692 = arith.index_cast %scan3A_56 : i32 to index
      %swap3A_693 = arith.constant 464 : index
      %swap3A_694 = tpu.vector_load %arg13[%swap3A_692, %swap3A_693] {strides = array<i32>} : memref<32x1024xf32, #tpu.memory_space<vmem>>, vector<1x16xf32>,
      %swap3A_695 = vector.shape_cast %swap3A_694 : vector<1x16xf32> to vector<16xf32>
      %swap3A_696 = vector.shape_cast %add3A_691 : vector<16xf32> to vector<1x16xf32>
      tpu.vector_store %arg13[%swap3A_692, %swap3A_693], %swap3A_696 {strides = array<i32>} : memref<32x1024xf32, #tpu.memory_space<vmem>>, vector<1x16xf32>,
      %get3A_697 = arith.index_cast %scan3A_56 : i32 to index
      %get3A_698 = arith.constant 480 : index
      %get3A_699 = tpu.vector_load %arg13[%get3A_697, %get3A_698] {strides = array<i32>} : memref<32x1024xf32, #tpu.memory_space<vmem>>, vector<1x16xf32>,
      %get3A_700 = vector.shape_cast %get3A_699 : vector<1x16xf32> to vector<16xf32>
      %get3A_701 = arith.index_cast %scan3A_56 : i32 to index
      %get3A_702 = arith.constant 480 : index
      %get3A_703 = tpu.vector_load %arg11[%get3A_701, %get3A_702] {strides = array<i32>} : memref<32x1024xf32, #tpu.memory_space<vmem>>, vector<1x16xf32>,
      %get3A_704 = vector.shape_cast %get3A_703 : vector<1x16xf32> to vector<16xf32>
      %mul3A_705 = arith.mulf %get3A_61, %get3A_704 : vector<16xf32>
      %add3A_706 = arith.addf %get3A_700, %mul3A_705 : vector<16xf32>
      %get3A_707 = arith.index_cast %scan3A_56 : i32 to index
      %get3A_708 = arith.constant 480 : index
      %get3A_709 = tpu.vector_load %arg12[%get3A_707, %get3A_708] {strides = array<i32>} : memref<32x1024xf32, #tpu.memory_space<vmem>>, vector<1x16xf32>,
      %get3A_710 = vector.shape_cast %get3A_709 : vector<1x16xf32> to vector<16xf32>
      %mul3A_711 = arith.mulf %get3A_67, %get3A_710 : vector<16xf32>
      %add3A_712 = arith.addf %add3A_706, %mul3A_711 : vector<16xf32>
      %swap3A_713 = arith.index_cast %scan3A_56 : i32 to index
      %swap3A_714 = arith.constant 480 : index
      %swap3A_715 = tpu.vector_load %arg13[%swap3A_713, %swap3A_714] {strides = array<i32>} : memref<32x1024xf32, #tpu.memory_space<vmem>>, vector<1x16xf32>,
      %swap3A_716 = vector.shape_cast %swap3A_715 : vector<1x16xf32> to vector<16xf32>
      %swap3A_717 = vector.shape_cast %add3A_712 : vector<16xf32> to vector<1x16xf32>
      tpu.vector_store %arg13[%swap3A_713, %swap3A_714], %swap3A_717 {strides = array<i32>} : memref<32x1024xf32, #tpu.memory_space<vmem>>, vector<1x16xf32>,
      %get3A_718 = arith.index_cast %scan3A_56 : i32 to index
      %get3A_719 = arith.constant 496 : index
      %get3A_720 = tpu.vector_load %arg13[%get3A_718, %get3A_719] {strides = array<i32>} : memref<32x1024xf32, #tpu.memory_space<vmem>>, vector<1x16xf32>,
      %get3A_721 = vector.shape_cast %get3A_720 : vector<1x16xf32> to vector<16xf32>
      %get3A_722 = arith.index_cast %scan3A_56 : i32 to index
      %get3A_723 = arith.constant 496 : index
      %get3A_724 = tpu.vector_load %arg11[%get3A_722, %get3A_723] {strides = array<i32>} : memref<32x1024xf32, #tpu.memory_space<vmem>>, vector<1x16xf32>,
      %get3A_725 = vector.shape_cast %get3A_724 : vector<1x16xf32> to vector<16xf32>
      %mul3A_726 = arith.mulf %get3A_61, %get3A_725 : vector<16xf32>
      %add3A_727 = arith.addf %get3A_721, %mul3A_726 : vector<16xf32>
      %get3A_728 = arith.index_cast %scan3A_56 : i32 to index
      %get3A_729 = arith.constant 496 : index
      %get3A_730 = tpu.vector_load %arg12[%get3A_728, %get3A_729] {strides = array<i32>} : memref<32x1024xf32, #tpu.memory_space<vmem>>, vector<1x16xf32>,
      %get3A_731 = vector.shape_cast %get3A_730 : vector<1x16xf32> to vector<16xf32>
      %mul3A_732 = arith.mulf %get3A_67, %get3A_731 : vector<16xf32>
      %add3A_733 = arith.addf %add3A_727, %mul3A_732 : vector<16xf32>
      %swap3A_734 = arith.index_cast %scan3A_56 : i32 to index
      %swap3A_735 = arith.constant 496 : index
      %swap3A_736 = tpu.vector_load %arg13[%swap3A_734, %swap3A_735] {strides = array<i32>} : memref<32x1024xf32, #tpu.memory_space<vmem>>, vector<1x16xf32>,
      %swap3A_737 = vector.shape_cast %swap3A_736 : vector<1x16xf32> to vector<16xf32>
      %swap3A_738 = vector.shape_cast %add3A_733 : vector<16xf32> to vector<1x16xf32>
      tpu.vector_store %arg13[%swap3A_734, %swap3A_735], %swap3A_738 {strides = array<i32>} : memref<32x1024xf32, #tpu.memory_space<vmem>>, vector<1x16xf32>,
      %get3A_739 = arith.index_cast %scan3A_56 : i32 to index
      %get3A_740 = arith.constant 512 : index
      %get3A_741 = tpu.vector_load %arg13[%get3A_739, %get3A_740] {strides = array<i32>} : memref<32x1024xf32, #tpu.memory_space<vmem>>, vector<1x16xf32>,
      %get3A_742 = vector.shape_cast %get3A_741 : vector<1x16xf32> to vector<16xf32>
      %get3A_743 = arith.index_cast %scan3A_56 : i32 to index
      %get3A_744 = arith.constant 512 : index
      %get3A_745 = tpu.vector_load %arg11[%get3A_743, %get3A_744] {strides = array<i32>} : memref<32x1024xf32, #tpu.memory_space<vmem>>, vector<1x16xf32>,
      %get3A_746 = vector.shape_cast %get3A_745 : vector<1x16xf32> to vector<16xf32>
      %mul3A_747 = arith.mulf %get3A_61, %get3A_746 : vector<16xf32>
      %add3A_748 = arith.addf %get3A_742, %mul3A_747 : vector<16xf32>
      %get3A_749 = arith.index_cast %scan3A_56 : i32 to index
      %get3A_750 = arith.constant 512 : index
      %get3A_751 = tpu.vector_load %arg12[%get3A_749, %get3A_750] {strides = array<i32>} : memref<32x1024xf32, #tpu.memory_space<vmem>>, vector<1x16xf32>,
      %get3A_752 = vector.shape_cast %get3A_751 : vector<1x16xf32> to vector<16xf32>
      %mul3A_753 = arith.mulf %get3A_67, %get3A_752 : vector<16xf32>
      %add3A_754 = arith.addf %add3A_748, %mul3A_753 : vector<16xf32>
      %swap3A_755 = arith.index_cast %scan3A_56 : i32 to index
      %swap3A_756 = arith.constant 512 : index
      %swap3A_757 = tpu.vector_load %arg13[%swap3A_755, %swap3A_756] {strides = array<i32>} : memref<32x1024xf32, #tpu.memory_space<vmem>>, vector<1x16xf32>,
      %swap3A_758 = vector.shape_cast %swap3A_757 : vector<1x16xf32> to vector<16xf32>
      %swap3A_759 = vector.shape_cast %add3A_754 : vector<16xf32> to vector<1x16xf32>
      tpu.vector_store %arg13[%swap3A_755, %swap3A_756], %swap3A_759 {strides = array<i32>} : memref<32x1024xf32, #tpu.memory_space<vmem>>, vector<1x16xf32>,
      %get3A_760 = arith.index_cast %scan3A_56 : i32 to index
      %get3A_761 = arith.constant 528 : index
      %get3A_762 = tpu.vector_load %arg13[%get3A_760, %get3A_761] {strides = array<i32>} : memref<32x1024xf32, #tpu.memory_space<vmem>>, vector<1x16xf32>,
      %get3A_763 = vector.shape_cast %get3A_762 : vector<1x16xf32> to vector<16xf32>
      %get3A_764 = arith.index_cast %scan3A_56 : i32 to index
      %get3A_765 = arith.constant 528 : index
      %get3A_766 = tpu.vector_load %arg11[%get3A_764, %get3A_765] {strides = array<i32>} : memref<32x1024xf32, #tpu.memory_space<vmem>>, vector<1x16xf32>,
      %get3A_767 = vector.shape_cast %get3A_766 : vector<1x16xf32> to vector<16xf32>
      %mul3A_768 = arith.mulf %get3A_61, %get3A_767 : vector<16xf32>
      %add3A_769 = arith.addf %get3A_763, %mul3A_768 : vector<16xf32>
      %get3A_770 = arith.index_cast %scan3A_56 : i32 to index
      %get3A_771 = arith.constant 528 : index
      %get3A_772 = tpu.vector_load %arg12[%get3A_770, %get3A_771] {strides = array<i32>} : memref<32x1024xf32, #tpu.memory_space<vmem>>, vector<1x16xf32>,
      %get3A_773 = vector.shape_cast %get3A_772 : vector<1x16xf32> to vector<16xf32>
      %mul3A_774 = arith.mulf %get3A_67, %get3A_773 : vector<16xf32>
      %add3A_775 = arith.addf %add3A_769, %mul3A_774 : vector<16xf32>
      %swap3A_776 = arith.index_cast %scan3A_56 : i32 to index
      %swap3A_777 = arith.constant 528 : index
      %swap3A_778 = tpu.vector_load %arg13[%swap3A_776, %swap3A_777] {strides = array<i32>} : memref<32x1024xf32, #tpu.memory_space<vmem>>, vector<1x16xf32>,
      %swap3A_779 = vector.shape_cast %swap3A_778 : vector<1x16xf32> to vector<16xf32>
      %swap3A_780 = vector.shape_cast %add3A_775 : vector<16xf32> to vector<1x16xf32>
      tpu.vector_store %arg13[%swap3A_776, %swap3A_777], %swap3A_780 {strides = array<i32>} : memref<32x1024xf32, #tpu.memory_space<vmem>>, vector<1x16xf32>,
      %get3A_781 = arith.index_cast %scan3A_56 : i32 to index
      %get3A_782 = arith.constant 544 : index
      %get3A_783 = tpu.vector_load %arg13[%get3A_781, %get3A_782] {strides = array<i32>} : memref<32x1024xf32, #tpu.memory_space<vmem>>, vector<1x16xf32>,
      %get3A_784 = vector.shape_cast %get3A_783 : vector<1x16xf32> to vector<16xf32>
      %get3A_785 = arith.index_cast %scan3A_56 : i32 to index
      %get3A_786 = arith.constant 544 : index
      %get3A_787 = tpu.vector_load %arg11[%get3A_785, %get3A_786] {strides = array<i32>} : memref<32x1024xf32, #tpu.memory_space<vmem>>, vector<1x16xf32>,
      %get3A_788 = vector.shape_cast %get3A_787 : vector<1x16xf32> to vector<16xf32>
      %mul3A_789 = arith.mulf %get3A_61, %get3A_788 : vector<16xf32>
      %add3A_790 = arith.addf %get3A_784, %mul3A_789 : vector<16xf32>
      %get3A_791 = arith.index_cast %scan3A_56 : i32 to index
      %get3A_792 = arith.constant 544 : index
      %get3A_793 = tpu.vector_load %arg12[%get3A_791, %get3A_792] {strides = array<i32>} : memref<32x1024xf32, #tpu.memory_space<vmem>>, vector<1x16xf32>,
      %get3A_794 = vector.shape_cast %get3A_793 : vector<1x16xf32> to vector<16xf32>
      %mul3A_795 = arith.mulf %get3A_67, %get3A_794 : vector<16xf32>
      %add3A_796 = arith.addf %add3A_790, %mul3A_795 : vector<16xf32>
      %swap3A_797 = arith.index_cast %scan3A_56 : i32 to index
      %swap3A_798 = arith.constant 544 : index
      %swap3A_799 = tpu.vector_load %arg13[%swap3A_797, %swap3A_798] {strides = array<i32>} : memref<32x1024xf32, #tpu.memory_space<vmem>>, vector<1x16xf32>,
      %swap3A_800 = vector.shape_cast %swap3A_799 : vector<1x16xf32> to vector<16xf32>
      %swap3A_801 = vector.shape_cast %add3A_796 : vector<16xf32> to vector<1x16xf32>
      tpu.vector_store %arg13[%swap3A_797, %swap3A_798], %swap3A_801 {strides = array<i32>} : memref<32x1024xf32, #tpu.memory_space<vmem>>, vector<1x16xf32>,
      %get3A_802 = arith.index_cast %scan3A_56 : i32 to index
      %get3A_803 = arith.constant 560 : index
      %get3A_804 = tpu.vector_load %arg13[%get3A_802, %get3A_803] {strides = array<i32>} : memref<32x1024xf32, #tpu.memory_space<vmem>>, vector<1x16xf32>,
      %get3A_805 = vector.shape_cast %get3A_804 : vector<1x16xf32> to vector<16xf32>
      %get3A_806 = arith.index_cast %scan3A_56 : i32 to index
      %get3A_807 = arith.constant 560 : index
      %get3A_808 = tpu.vector_load %arg11[%get3A_806, %get3A_807] {strides = array<i32>} : memref<32x1024xf32, #tpu.memory_space<vmem>>, vector<1x16xf32>,
      %get3A_809 = vector.shape_cast %get3A_808 : vector<1x16xf32> to vector<16xf32>
      %mul3A_810 = arith.mulf %get3A_61, %get3A_809 : vector<16xf32>
      %add3A_811 = arith.addf %get3A_805, %mul3A_810 : vector<16xf32>
      %get3A_812 = arith.index_cast %scan3A_56 : i32 to index
      %get3A_813 = arith.constant 560 : index
      %get3A_814 = tpu.vector_load %arg12[%get3A_812, %get3A_813] {strides = array<i32>} : memref<32x1024xf32, #tpu.memory_space<vmem>>, vector<1x16xf32>,
      %get3A_815 = vector.shape_cast %get3A_814 : vector<1x16xf32> to vector<16xf32>
      %mul3A_816 = arith.mulf %get3A_67, %get3A_815 : vector<16xf32>
      %add3A_817 = arith.addf %add3A_811, %mul3A_816 : vector<16xf32>
      %swap3A_818 = arith.index_cast %scan3A_56 : i32 to index
      %swap3A_819 = arith.constant 560 : index
      %swap3A_820 = tpu.vector_load %arg13[%swap3A_818, %swap3A_819] {strides = array<i32>} : memref<32x1024xf32, #tpu.memory_space<vmem>>, vector<1x16xf32>,
      %swap3A_821 = vector.shape_cast %swap3A_820 : vector<1x16xf32> to vector<16xf32>
      %swap3A_822 = vector.shape_cast %add3A_817 : vector<16xf32> to vector<1x16xf32>
      tpu.vector_store %arg13[%swap3A_818, %swap3A_819], %swap3A_822 {strides = array<i32>} : memref<32x1024xf32, #tpu.memory_space<vmem>>, vector<1x16xf32>,
      %get3A_823 = arith.index_cast %scan3A_56 : i32 to index
      %get3A_824 = arith.constant 576 : index
      %get3A_825 = tpu.vector_load %arg13[%get3A_823, %get3A_824] {strides = array<i32>} : memref<32x1024xf32, #tpu.memory_space<vmem>>, vector<1x16xf32>,
      %get3A_826 = vector.shape_cast %get3A_825 : vector<1x16xf32> to vector<16xf32>
      %get3A_827 = arith.index_cast %scan3A_56 : i32 to index
      %get3A_828 = arith.constant 576 : index
      %get3A_829 = tpu.vector_load %arg11[%get3A_827, %get3A_828] {strides = array<i32>} : memref<32x1024xf32, #tpu.memory_space<vmem>>, vector<1x16xf32>,
      %get3A_830 = vector.shape_cast %get3A_829 : vector<1x16xf32> to vector<16xf32>
      %mul3A_831 = arith.mulf %get3A_61, %get3A_830 : vector<16xf32>
      %add3A_832 = arith.addf %get3A_826, %mul3A_831 : vector<16xf32>
      %get3A_833 = arith.index_cast %scan3A_56 : i32 to index
      %get3A_834 = arith.constant 576 : index
      %get3A_835 = tpu.vector_load %arg12[%get3A_833, %get3A_834] {strides = array<i32>} : memref<32x1024xf32, #tpu.memory_space<vmem>>, vector<1x16xf32>,
      %get3A_836 = vector.shape_cast %get3A_835 : vector<1x16xf32> to vector<16xf32>
      %mul3A_837 = arith.mulf %get3A_67, %get3A_836 : vector<16xf32>
      %add3A_838 = arith.addf %add3A_832, %mul3A_837 : vector<16xf32>
      %swap3A_839 = arith.index_cast %scan3A_56 : i32 to index
      %swap3A_840 = arith.constant 576 : index
      %swap3A_841 = tpu.vector_load %arg13[%swap3A_839, %swap3A_840] {strides = array<i32>} : memref<32x1024xf32, #tpu.memory_space<vmem>>, vector<1x16xf32>,
      %swap3A_842 = vector.shape_cast %swap3A_841 : vector<1x16xf32> to vector<16xf32>
      %swap3A_843 = vector.shape_cast %add3A_838 : vector<16xf32> to vector<1x16xf32>
      tpu.vector_store %arg13[%swap3A_839, %swap3A_840], %swap3A_843 {strides = array<i32>} : memref<32x1024xf32, #tpu.memory_space<vmem>>, vector<1x16xf32>,
      %get3A_844 = arith.index_cast %scan3A_56 : i32 to index
      %get3A_845 = arith.constant 592 : index
      %get3A_846 = tpu.vector_load %arg13[%get3A_844, %get3A_845] {strides = array<i32>} : memref<32x1024xf32, #tpu.memory_space<vmem>>, vector<1x16xf32>,
      %get3A_847 = vector.shape_cast %get3A_846 : vector<1x16xf32> to vector<16xf32>
      %get3A_848 = arith.index_cast %scan3A_56 : i32 to index
      %get3A_849 = arith.constant 592 : index
      %get3A_850 = tpu.vector_load %arg11[%get3A_848, %get3A_849] {strides = array<i32>} : memref<32x1024xf32, #tpu.memory_space<vmem>>, vector<1x16xf32>,
      %get3A_851 = vector.shape_cast %get3A_850 : vector<1x16xf32> to vector<16xf32>
      %mul3A_852 = arith.mulf %get3A_61, %get3A_851 : vector<16xf32>
      %add3A_853 = arith.addf %get3A_847, %mul3A_852 : vector<16xf32>
      %get3A_854 = arith.index_cast %scan3A_56 : i32 to index
      %get3A_855 = arith.constant 592 : index
      %get3A_856 = tpu.vector_load %arg12[%get3A_854, %get3A_855] {strides = array<i32>} : memref<32x1024xf32, #tpu.memory_space<vmem>>, vector<1x16xf32>,
      %get3A_857 = vector.shape_cast %get3A_856 : vector<1x16xf32> to vector<16xf32>
      %mul3A_858 = arith.mulf %get3A_67, %get3A_857 : vector<16xf32>
      %add3A_859 = arith.addf %add3A_853, %mul3A_858 : vector<16xf32>
      %swap3A_860 = arith.index_cast %scan3A_56 : i32 to index
      %swap3A_861 = arith.constant 592 : index
      %swap3A_862 = tpu.vector_load %arg13[%swap3A_860, %swap3A_861] {strides = array<i32>} : memref<32x1024xf32, #tpu.memory_space<vmem>>, vector<1x16xf32>,
      %swap3A_863 = vector.shape_cast %swap3A_862 : vector<1x16xf32> to vector<16xf32>
      %swap3A_864 = vector.shape_cast %add3A_859 : vector<16xf32> to vector<1x16xf32>
      tpu.vector_store %arg13[%swap3A_860, %swap3A_861], %swap3A_864 {strides = array<i32>} : memref<32x1024xf32, #tpu.memory_space<vmem>>, vector<1x16xf32>,
      %get3A_865 = arith.index_cast %scan3A_56 : i32 to index
      %get3A_866 = arith.constant 608 : index
      %get3A_867 = tpu.vector_load %arg13[%get3A_865, %get3A_866] {strides = array<i32>} : memref<32x1024xf32, #tpu.memory_space<vmem>>, vector<1x16xf32>,
      %get3A_868 = vector.shape_cast %get3A_867 : vector<1x16xf32> to vector<16xf32>
      %get3A_869 = arith.index_cast %scan3A_56 : i32 to index
      %get3A_870 = arith.constant 608 : index
      %get3A_871 = tpu.vector_load %arg11[%get3A_869, %get3A_870] {strides = array<i32>} : memref<32x1024xf32, #tpu.memory_space<vmem>>, vector<1x16xf32>,
      %get3A_872 = vector.shape_cast %get3A_871 : vector<1x16xf32> to vector<16xf32>
      %mul3A_873 = arith.mulf %get3A_61, %get3A_872 : vector<16xf32>
      %add3A_874 = arith.addf %get3A_868, %mul3A_873 : vector<16xf32>
      %get3A_875 = arith.index_cast %scan3A_56 : i32 to index
      %get3A_876 = arith.constant 608 : index
      %get3A_877 = tpu.vector_load %arg12[%get3A_875, %get3A_876] {strides = array<i32>} : memref<32x1024xf32, #tpu.memory_space<vmem>>, vector<1x16xf32>,
      %get3A_878 = vector.shape_cast %get3A_877 : vector<1x16xf32> to vector<16xf32>
      %mul3A_879 = arith.mulf %get3A_67, %get3A_878 : vector<16xf32>
      %add3A_880 = arith.addf %add3A_874, %mul3A_879 : vector<16xf32>
      %swap3A_881 = arith.index_cast %scan3A_56 : i32 to index
      %swap3A_882 = arith.constant 608 : index
      %swap3A_883 = tpu.vector_load %arg13[%swap3A_881, %swap3A_882] {strides = array<i32>} : memref<32x1024xf32, #tpu.memory_space<vmem>>, vector<1x16xf32>,
      %swap3A_884 = vector.shape_cast %swap3A_883 : vector<1x16xf32> to vector<16xf32>
      %swap3A_885 = vector.shape_cast %add3A_880 : vector<16xf32> to vector<1x16xf32>
      tpu.vector_store %arg13[%swap3A_881, %swap3A_882], %swap3A_885 {strides = array<i32>} : memref<32x1024xf32, #tpu.memory_space<vmem>>, vector<1x16xf32>,
      %get3A_886 = arith.index_cast %scan3A_56 : i32 to index
      %get3A_887 = arith.constant 624 : index
      %get3A_888 = tpu.vector_load %arg13[%get3A_886, %get3A_887] {strides = array<i32>} : memref<32x1024xf32, #tpu.memory_space<vmem>>, vector<1x16xf32>,
      %get3A_889 = vector.shape_cast %get3A_888 : vector<1x16xf32> to vector<16xf32>
      %get3A_890 = arith.index_cast %scan3A_56 : i32 to index
      %get3A_891 = arith.constant 624 : index
      %get3A_892 = tpu.vector_load %arg11[%get3A_890, %get3A_891] {strides = array<i32>} : memref<32x1024xf32, #tpu.memory_space<vmem>>, vector<1x16xf32>,
      %get3A_893 = vector.shape_cast %get3A_892 : vector<1x16xf32> to vector<16xf32>
      %mul3A_894 = arith.mulf %get3A_61, %get3A_893 : vector<16xf32>
      %add3A_895 = arith.addf %get3A_889, %mul3A_894 : vector<16xf32>
      %get3A_896 = arith.index_cast %scan3A_56 : i32 to index
      %get3A_897 = arith.constant 624 : index
      %get3A_898 = tpu.vector_load %arg12[%get3A_896, %get3A_897] {strides = array<i32>} : memref<32x1024xf32, #tpu.memory_space<vmem>>, vector<1x16xf32>,
      %get3A_899 = vector.shape_cast %get3A_898 : vector<1x16xf32> to vector<16xf32>
      %mul3A_900 = arith.mulf %get3A_67, %get3A_899 : vector<16xf32>
      %add3A_901 = arith.addf %add3A_895, %mul3A_900 : vector<16xf32>
      %swap3A_902 = arith.index_cast %scan3A_56 : i32 to index
      %swap3A_903 = arith.constant 624 : index
      %swap3A_904 = tpu.vector_load %arg13[%swap3A_902, %swap3A_903] {strides = array<i32>} : memref<32x1024xf32, #tpu.memory_space<vmem>>, vector<1x16xf32>,
      %swap3A_905 = vector.shape_cast %swap3A_904 : vector<1x16xf32> to vector<16xf32>
      %swap3A_906 = vector.shape_cast %add3A_901 : vector<16xf32> to vector<1x16xf32>
      tpu.vector_store %arg13[%swap3A_902, %swap3A_903], %swap3A_906 {strides = array<i32>} : memref<32x1024xf32, #tpu.memory_space<vmem>>, vector<1x16xf32>,
      %get3A_907 = arith.index_cast %scan3A_56 : i32 to index
      %get3A_908 = arith.constant 640 : index
      %get3A_909 = tpu.vector_load %arg13[%get3A_907, %get3A_908] {strides = array<i32>} : memref<32x1024xf32, #tpu.memory_space<vmem>>, vector<1x16xf32>,
      %get3A_910 = vector.shape_cast %get3A_909 : vector<1x16xf32> to vector<16xf32>
      %get3A_911 = arith.index_cast %scan3A_56 : i32 to index
      %get3A_912 = arith.constant 640 : index
      %get3A_913 = tpu.vector_load %arg11[%get3A_911, %get3A_912] {strides = array<i32>} : memref<32x1024xf32, #tpu.memory_space<vmem>>, vector<1x16xf32>,
      %get3A_914 = vector.shape_cast %get3A_913 : vector<1x16xf32> to vector<16xf32>
      %mul3A_915 = arith.mulf %get3A_61, %get3A_914 : vector<16xf32>
      %add3A_916 = arith.addf %get3A_910, %mul3A_915 : vector<16xf32>
      %get3A_917 = arith.index_cast %scan3A_56 : i32 to index
      %get3A_918 = arith.constant 640 : index
      %get3A_919 = tpu.vector_load %arg12[%get3A_917, %get3A_918] {strides = array<i32>} : memref<32x1024xf32, #tpu.memory_space<vmem>>, vector<1x16xf32>,
      %get3A_920 = vector.shape_cast %get3A_919 : vector<1x16xf32> to vector<16xf32>
      %mul3A_921 = arith.mulf %get3A_67, %get3A_920 : vector<16xf32>
      %add3A_922 = arith.addf %add3A_916, %mul3A_921 : vector<16xf32>
      %swap3A_923 = arith.index_cast %scan3A_56 : i32 to index
      %swap3A_924 = arith.constant 640 : index
      %swap3A_925 = tpu.vector_load %arg13[%swap3A_923, %swap3A_924] {strides = array<i32>} : memref<32x1024xf32, #tpu.memory_space<vmem>>, vector<1x16xf32>,
      %swap3A_926 = vector.shape_cast %swap3A_925 : vector<1x16xf32> to vector<16xf32>
      %swap3A_927 = vector.shape_cast %add3A_922 : vector<16xf32> to vector<1x16xf32>
      tpu.vector_store %arg13[%swap3A_923, %swap3A_924], %swap3A_927 {strides = array<i32>} : memref<32x1024xf32, #tpu.memory_space<vmem>>, vector<1x16xf32>,
      %get3A_928 = arith.index_cast %scan3A_56 : i32 to index
      %get3A_929 = arith.constant 656 : index
      %get3A_930 = tpu.vector_load %arg13[%get3A_928, %get3A_929] {strides = array<i32>} : memref<32x1024xf32, #tpu.memory_space<vmem>>, vector<1x16xf32>,
      %get3A_931 = vector.shape_cast %get3A_930 : vector<1x16xf32> to vector<16xf32>
      %get3A_932 = arith.index_cast %scan3A_56 : i32 to index
      %get3A_933 = arith.constant 656 : index
      %get3A_934 = tpu.vector_load %arg11[%get3A_932, %get3A_933] {strides = array<i32>} : memref<32x1024xf32, #tpu.memory_space<vmem>>, vector<1x16xf32>,
      %get3A_935 = vector.shape_cast %get3A_934 : vector<1x16xf32> to vector<16xf32>
      %mul3A_936 = arith.mulf %get3A_61, %get3A_935 : vector<16xf32>
      %add3A_937 = arith.addf %get3A_931, %mul3A_936 : vector<16xf32>
      %get3A_938 = arith.index_cast %scan3A_56 : i32 to index
      %get3A_939 = arith.constant 656 : index
      %get3A_940 = tpu.vector_load %arg12[%get3A_938, %get3A_939] {strides = array<i32>} : memref<32x1024xf32, #tpu.memory_space<vmem>>, vector<1x16xf32>,
      %get3A_941 = vector.shape_cast %get3A_940 : vector<1x16xf32> to vector<16xf32>
      %mul3A_942 = arith.mulf %get3A_67, %get3A_941 : vector<16xf32>
      %add3A_943 = arith.addf %add3A_937, %mul3A_942 : vector<16xf32>
      %swap3A_944 = arith.index_cast %scan3A_56 : i32 to index
      %swap3A_945 = arith.constant 656 : index
      %swap3A_946 = tpu.vector_load %arg13[%swap3A_944, %swap3A_945] {strides = array<i32>} : memref<32x1024xf32, #tpu.memory_space<vmem>>, vector<1x16xf32>,
      %swap3A_947 = vector.shape_cast %swap3A_946 : vector<1x16xf32> to vector<16xf32>
      %swap3A_948 = vector.shape_cast %add3A_943 : vector<16xf32> to vector<1x16xf32>
      tpu.vector_store %arg13[%swap3A_944, %swap3A_945], %swap3A_948 {strides = array<i32>} : memref<32x1024xf32, #tpu.memory_space<vmem>>, vector<1x16xf32>,
      %get3A_949 = arith.index_cast %scan3A_56 : i32 to index
      %get3A_950 = arith.constant 672 : index
      %get3A_951 = tpu.vector_load %arg13[%get3A_949, %get3A_950] {strides = array<i32>} : memref<32x1024xf32, #tpu.memory_space<vmem>>, vector<1x16xf32>,
      %get3A_952 = vector.shape_cast %get3A_951 : vector<1x16xf32> to vector<16xf32>
      %get3A_953 = arith.index_cast %scan3A_56 : i32 to index
      %get3A_954 = arith.constant 672 : index
      %get3A_955 = tpu.vector_load %arg11[%get3A_953, %get3A_954] {strides = array<i32>} : memref<32x1024xf32, #tpu.memory_space<vmem>>, vector<1x16xf32>,
      %get3A_956 = vector.shape_cast %get3A_955 : vector<1x16xf32> to vector<16xf32>
      %mul3A_957 = arith.mulf %get3A_61, %get3A_956 : vector<16xf32>
      %add3A_958 = arith.addf %get3A_952, %mul3A_957 : vector<16xf32>
      %get3A_959 = arith.index_cast %scan3A_56 : i32 to index
      %get3A_960 = arith.constant 672 : index
      %get3A_961 = tpu.vector_load %arg12[%get3A_959, %get3A_960] {strides = array<i32>} : memref<32x1024xf32, #tpu.memory_space<vmem>>, vector<1x16xf32>,
      %get3A_962 = vector.shape_cast %get3A_961 : vector<1x16xf32> to vector<16xf32>
      %mul3A_963 = arith.mulf %get3A_67, %get3A_962 : vector<16xf32>
      %add3A_964 = arith.addf %add3A_958, %mul3A_963 : vector<16xf32>
      %swap3A_965 = arith.index_cast %scan3A_56 : i32 to index
      %swap3A_966 = arith.constant 672 : index
      %swap3A_967 = tpu.vector_load %arg13[%swap3A_965, %swap3A_966] {strides = array<i32>} : memref<32x1024xf32, #tpu.memory_space<vmem>>, vector<1x16xf32>,
      %swap3A_968 = vector.shape_cast %swap3A_967 : vector<1x16xf32> to vector<16xf32>
      %swap3A_969 = vector.shape_cast %add3A_964 : vector<16xf32> to vector<1x16xf32>
      tpu.vector_store %arg13[%swap3A_965, %swap3A_966], %swap3A_969 {strides = array<i32>} : memref<32x1024xf32, #tpu.memory_space<vmem>>, vector<1x16xf32>,
      %get3A_970 = arith.index_cast %scan3A_56 : i32 to index
      %get3A_971 = arith.constant 688 : index
      %get3A_972 = tpu.vector_load %arg13[%get3A_970, %get3A_971] {strides = array<i32>} : memref<32x1024xf32, #tpu.memory_space<vmem>>, vector<1x16xf32>,
      %get3A_973 = vector.shape_cast %get3A_972 : vector<1x16xf32> to vector<16xf32>
      %get3A_974 = arith.index_cast %scan3A_56 : i32 to index
      %get3A_975 = arith.constant 688 : index
      %get3A_976 = tpu.vector_load %arg11[%get3A_974, %get3A_975] {strides = array<i32>} : memref<32x1024xf32, #tpu.memory_space<vmem>>, vector<1x16xf32>,
      %get3A_977 = vector.shape_cast %get3A_976 : vector<1x16xf32> to vector<16xf32>
      %mul3A_978 = arith.mulf %get3A_61, %get3A_977 : vector<16xf32>
      %add3A_979 = arith.addf %get3A_973, %mul3A_978 : vector<16xf32>
      %get3A_980 = arith.index_cast %scan3A_56 : i32 to index
      %get3A_981 = arith.constant 688 : index
      %get3A_982 = tpu.vector_load %arg12[%get3A_980, %get3A_981] {strides = array<i32>} : memref<32x1024xf32, #tpu.memory_space<vmem>>, vector<1x16xf32>,
      %get3A_983 = vector.shape_cast %get3A_982 : vector<1x16xf32> to vector<16xf32>
      %mul3A_984 = arith.mulf %get3A_67, %get3A_983 : vector<16xf32>
      %add3A_985 = arith.addf %add3A_979, %mul3A_984 : vector<16xf32>
      %swap3A_986 = arith.index_cast %scan3A_56 : i32 to index
      %swap3A_987 = arith.constant 688 : index
      %swap3A_988 = tpu.vector_load %arg13[%swap3A_986, %swap3A_987] {strides = array<i32>} : memref<32x1024xf32, #tpu.memory_space<vmem>>, vector<1x16xf32>,
      %swap3A_989 = vector.shape_cast %swap3A_988 : vector<1x16xf32> to vector<16xf32>
      %swap3A_990 = vector.shape_cast %add3A_985 : vector<16xf32> to vector<1x16xf32>
      tpu.vector_store %arg13[%swap3A_986, %swap3A_987], %swap3A_990 {strides = array<i32>} : memref<32x1024xf32, #tpu.memory_space<vmem>>, vector<1x16xf32>,
      %get3A_991 = arith.index_cast %scan3A_56 : i32 to index
      %get3A_992 = arith.constant 704 : index
      %get3A_993 = tpu.vector_load %arg13[%get3A_991, %get3A_992] {strides = array<i32>} : memref<32x1024xf32, #tpu.memory_space<vmem>>, vector<1x16xf32>,
      %get3A_994 = vector.shape_cast %get3A_993 : vector<1x16xf32> to vector<16xf32>
      %get3A_995 = arith.index_cast %scan3A_56 : i32 to index
      %get3A_996 = arith.constant 704 : index
      %get3A_997 = tpu.vector_load %arg11[%get3A_995, %get3A_996] {strides = array<i32>} : memref<32x1024xf32, #tpu.memory_space<vmem>>, vector<1x16xf32>,
      %get3A_998 = vector.shape_cast %get3A_997 : vector<1x16xf32> to vector<16xf32>
      %mul3A_999 = arith.mulf %get3A_61, %get3A_998 : vector<16xf32>
      %add3A_1000 = arith.addf %get3A_994, %mul3A_999 : vector<16xf32>
      %get3A_1001 = arith.index_cast %scan3A_56 : i32 to index
      %get3A_1002 = arith.constant 704 : index
      %get3A_1003 = tpu.vector_load %arg12[%get3A_1001, %get3A_1002] {strides = array<i32>} : memref<32x1024xf32, #tpu.memory_space<vmem>>, vector<1x16xf32>,
      %get3A_1004 = vector.shape_cast %get3A_1003 : vector<1x16xf32> to vector<16xf32>
      %mul3A_1005 = arith.mulf %get3A_67, %get3A_1004 : vector<16xf32>
      %add3A_1006 = arith.addf %add3A_1000, %mul3A_1005 : vector<16xf32>
      %swap3A_1007 = arith.index_cast %scan3A_56 : i32 to index
      %swap3A_1008 = arith.constant 704 : index
      %swap3A_1009 = tpu.vector_load %arg13[%swap3A_1007, %swap3A_1008] {strides = array<i32>} : memref<32x1024xf32, #tpu.memory_space<vmem>>, vector<1x16xf32>,
      %swap3A_1010 = vector.shape_cast %swap3A_1009 : vector<1x16xf32> to vector<16xf32>
      %swap3A_1011 = vector.shape_cast %add3A_1006 : vector<16xf32> to vector<1x16xf32>
      tpu.vector_store %arg13[%swap3A_1007, %swap3A_1008], %swap3A_1011 {strides = array<i32>} : memref<32x1024xf32, #tpu.memory_space<vmem>>, vector<1x16xf32>,
      %get3A_1012 = arith.index_cast %scan3A_56 : i32 to index
      %get3A_1013 = arith.constant 720 : index
      %get3A_1014 = tpu.vector_load %arg13[%get3A_1012, %get3A_1013] {strides = array<i32>} : memref<32x1024xf32, #tpu.memory_space<vmem>>, vector<1x16xf32>,
      %get3A_1015 = vector.shape_cast %get3A_1014 : vector<1x16xf32> to vector<16xf32>
      %get3A_1016 = arith.index_cast %scan3A_56 : i32 to index
      %get3A_1017 = arith.constant 720 : index
      %get3A_1018 = tpu.vector_load %arg11[%get3A_1016, %get3A_1017] {strides = array<i32>} : memref<32x1024xf32, #tpu.memory_space<vmem>>, vector<1x16xf32>,
      %get3A_1019 = vector.shape_cast %get3A_1018 : vector<1x16xf32> to vector<16xf32>
      %mul3A_1020 = arith.mulf %get3A_61, %get3A_1019 : vector<16xf32>
      %add3A_1021 = arith.addf %get3A_1015, %mul3A_1020 : vector<16xf32>
      %get3A_1022 = arith.index_cast %scan3A_56 : i32 to index
      %get3A_1023 = arith.constant 720 : index
      %get3A_1024 = tpu.vector_load %arg12[%get3A_1022, %get3A_1023] {strides = array<i32>} : memref<32x1024xf32, #tpu.memory_space<vmem>>, vector<1x16xf32>,
      %get3A_1025 = vector.shape_cast %get3A_1024 : vector<1x16xf32> to vector<16xf32>
      %mul3A_1026 = arith.mulf %get3A_67, %get3A_1025 : vector<16xf32>
      %add3A_1027 = arith.addf %add3A_1021, %mul3A_1026 : vector<16xf32>
      %swap3A_1028 = arith.index_cast %scan3A_56 : i32 to index
      %swap3A_1029 = arith.constant 720 : index
      %swap3A_1030 = tpu.vector_load %arg13[%swap3A_1028, %swap3A_1029] {strides = array<i32>} : memref<32x1024xf32, #tpu.memory_space<vmem>>, vector<1x16xf32>,
      %swap3A_1031 = vector.shape_cast %swap3A_1030 : vector<1x16xf32> to vector<16xf32>
      %swap3A_1032 = vector.shape_cast %add3A_1027 : vector<16xf32> to vector<1x16xf32>
      tpu.vector_store %arg13[%swap3A_1028, %swap3A_1029], %swap3A_1032 {strides = array<i32>} : memref<32x1024xf32, #tpu.memory_space<vmem>>, vector<1x16xf32>,
      %get3A_1033 = arith.index_cast %scan3A_56 : i32 to index
      %get3A_1034 = arith.constant 736 : index
      %get3A_1035 = tpu.vector_load %arg13[%get3A_1033, %get3A_1034] {strides = array<i32>} : memref<32x1024xf32, #tpu.memory_space<vmem>>, vector<1x16xf32>,
      %get3A_1036 = vector.shape_cast %get3A_1035 : vector<1x16xf32> to vector<16xf32>
      %get3A_1037 = arith.index_cast %scan3A_56 : i32 to index
      %get3A_1038 = arith.constant 736 : index
      %get3A_1039 = tpu.vector_load %arg11[%get3A_1037, %get3A_1038] {strides = array<i32>} : memref<32x1024xf32, #tpu.memory_space<vmem>>, vector<1x16xf32>,
      %get3A_1040 = vector.shape_cast %get3A_1039 : vector<1x16xf32> to vector<16xf32>
      %mul3A_1041 = arith.mulf %get3A_61, %get3A_1040 : vector<16xf32>
      %add3A_1042 = arith.addf %get3A_1036, %mul3A_1041 : vector<16xf32>
      %get3A_1043 = arith.index_cast %scan3A_56 : i32 to index
      %get3A_1044 = arith.constant 736 : index
      %get3A_1045 = tpu.vector_load %arg12[%get3A_1043, %get3A_1044] {strides = array<i32>} : memref<32x1024xf32, #tpu.memory_space<vmem>>, vector<1x16xf32>,
      %get3A_1046 = vector.shape_cast %get3A_1045 : vector<1x16xf32> to vector<16xf32>
      %mul3A_1047 = arith.mulf %get3A_67, %get3A_1046 : vector<16xf32>
      %add3A_1048 = arith.addf %add3A_1042, %mul3A_1047 : vector<16xf32>
      %swap3A_1049 = arith.index_cast %scan3A_56 : i32 to index
      %swap3A_1050 = arith.constant 736 : index
      %swap3A_1051 = tpu.vector_load %arg13[%swap3A_1049, %swap3A_1050] {strides = array<i32>} : memref<32x1024xf32, #tpu.memory_space<vmem>>, vector<1x16xf32>,
      %swap3A_1052 = vector.shape_cast %swap3A_1051 : vector<1x16xf32> to vector<16xf32>
      %swap3A_1053 = vector.shape_cast %add3A_1048 : vector<16xf32> to vector<1x16xf32>
      tpu.vector_store %arg13[%swap3A_1049, %swap3A_1050], %swap3A_1053 {strides = array<i32>} : memref<32x1024xf32, #tpu.memory_space<vmem>>, vector<1x16xf32>,
      %get3A_1054 = arith.index_cast %scan3A_56 : i32 to index
      %get3A_1055 = arith.constant 752 : index
      %get3A_1056 = tpu.vector_load %arg13[%get3A_1054, %get3A_1055] {strides = array<i32>} : memref<32x1024xf32, #tpu.memory_space<vmem>>, vector<1x16xf32>,
      %get3A_1057 = vector.shape_cast %get3A_1056 : vector<1x16xf32> to vector<16xf32>
      %get3A_1058 = arith.index_cast %scan3A_56 : i32 to index
      %get3A_1059 = arith.constant 752 : index
      %get3A_1060 = tpu.vector_load %arg11[%get3A_1058, %get3A_1059] {strides = array<i32>} : memref<32x1024xf32, #tpu.memory_space<vmem>>, vector<1x16xf32>,
      %get3A_1061 = vector.shape_cast %get3A_1060 : vector<1x16xf32> to vector<16xf32>
      %mul3A_1062 = arith.mulf %get3A_61, %get3A_1061 : vector<16xf32>
      %add3A_1063 = arith.addf %get3A_1057, %mul3A_1062 : vector<16xf32>
      %get3A_1064 = arith.index_cast %scan3A_56 : i32 to index
      %get3A_1065 = arith.constant 752 : index
      %get3A_1066 = tpu.vector_load %arg12[%get3A_1064, %get3A_1065] {strides = array<i32>} : memref<32x1024xf32, #tpu.memory_space<vmem>>, vector<1x16xf32>,
      %get3A_1067 = vector.shape_cast %get3A_1066 : vector<1x16xf32> to vector<16xf32>
      %mul3A_1068 = arith.mulf %get3A_67, %get3A_1067 : vector<16xf32>
      %add3A_1069 = arith.addf %add3A_1063, %mul3A_1068 : vector<16xf32>
      %swap3A_1070 = arith.index_cast %scan3A_56 : i32 to index
      %swap3A_1071 = arith.constant 752 : index
      %swap3A_1072 = tpu.vector_load %arg13[%swap3A_1070, %swap3A_1071] {strides = array<i32>} : memref<32x1024xf32, #tpu.memory_space<vmem>>, vector<1x16xf32>,
      %swap3A_1073 = vector.shape_cast %swap3A_1072 : vector<1x16xf32> to vector<16xf32>
      %swap3A_1074 = vector.shape_cast %add3A_1069 : vector<16xf32> to vector<1x16xf32>
      tpu.vector_store %arg13[%swap3A_1070, %swap3A_1071], %swap3A_1074 {strides = array<i32>} : memref<32x1024xf32, #tpu.memory_space<vmem>>, vector<1x16xf32>,
      %get3A_1075 = arith.index_cast %scan3A_56 : i32 to index
      %get3A_1076 = arith.constant 768 : index
      %get3A_1077 = tpu.vector_load %arg13[%get3A_1075, %get3A_1076] {strides = array<i32>} : memref<32x1024xf32, #tpu.memory_space<vmem>>, vector<1x16xf32>,
      %get3A_1078 = vector.shape_cast %get3A_1077 : vector<1x16xf32> to vector<16xf32>
      %get3A_1079 = arith.index_cast %scan3A_56 : i32 to index
      %get3A_1080 = arith.constant 768 : index
      %get3A_1081 = tpu.vector_load %arg11[%get3A_1079, %get3A_1080] {strides = array<i32>} : memref<32x1024xf32, #tpu.memory_space<vmem>>, vector<1x16xf32>,
      %get3A_1082 = vector.shape_cast %get3A_1081 : vector<1x16xf32> to vector<16xf32>
      %mul3A_1083 = arith.mulf %get3A_61, %get3A_1082 : vector<16xf32>
      %add3A_1084 = arith.addf %get3A_1078, %mul3A_1083 : vector<16xf32>
      %get3A_1085 = arith.index_cast %scan3A_56 : i32 to index
      %get3A_1086 = arith.constant 768 : index
      %get3A_1087 = tpu.vector_load %arg12[%get3A_1085, %get3A_1086] {strides = array<i32>} : memref<32x1024xf32, #tpu.memory_space<vmem>>, vector<1x16xf32>,
      %get3A_1088 = vector.shape_cast %get3A_1087 : vector<1x16xf32> to vector<16xf32>
      %mul3A_1089 = arith.mulf %get3A_67, %get3A_1088 : vector<16xf32>
      %add3A_1090 = arith.addf %add3A_1084, %mul3A_1089 : vector<16xf32>
      %swap3A_1091 = arith.index_cast %scan3A_56 : i32 to index
      %swap3A_1092 = arith.constant 768 : index
      %swap3A_1093 = tpu.vector_load %arg13[%swap3A_1091, %swap3A_1092] {strides = array<i32>} : memref<32x1024xf32, #tpu.memory_space<vmem>>, vector<1x16xf32>,
      %swap3A_1094 = vector.shape_cast %swap3A_1093 : vector<1x16xf32> to vector<16xf32>
      %swap3A_1095 = vector.shape_cast %add3A_1090 : vector<16xf32> to vector<1x16xf32>
      tpu.vector_store %arg13[%swap3A_1091, %swap3A_1092], %swap3A_1095 {strides = array<i32>} : memref<32x1024xf32, #tpu.memory_space<vmem>>, vector<1x16xf32>,
      %get3A_1096 = arith.index_cast %scan3A_56 : i32 to index
      %get3A_1097 = arith.constant 784 : index
      %get3A_1098 = tpu.vector_load %arg13[%get3A_1096, %get3A_1097] {strides = array<i32>} : memref<32x1024xf32, #tpu.memory_space<vmem>>, vector<1x16xf32>,
      %get3A_1099 = vector.shape_cast %get3A_1098 : vector<1x16xf32> to vector<16xf32>
      %get3A_1100 = arith.index_cast %scan3A_56 : i32 to index
      %get3A_1101 = arith.constant 784 : index
      %get3A_1102 = tpu.vector_load %arg11[%get3A_1100, %get3A_1101] {strides = array<i32>} : memref<32x1024xf32, #tpu.memory_space<vmem>>, vector<1x16xf32>,
      %get3A_1103 = vector.shape_cast %get3A_1102 : vector<1x16xf32> to vector<16xf32>
      %mul3A_1104 = arith.mulf %get3A_61, %get3A_1103 : vector<16xf32>
      %add3A_1105 = arith.addf %get3A_1099, %mul3A_1104 : vector<16xf32>
      %get3A_1106 = arith.index_cast %scan3A_56 : i32 to index
      %get3A_1107 = arith.constant 784 : index
      %get3A_1108 = tpu.vector_load %arg12[%get3A_1106, %get3A_1107] {strides = array<i32>} : memref<32x1024xf32, #tpu.memory_space<vmem>>, vector<1x16xf32>,
      %get3A_1109 = vector.shape_cast %get3A_1108 : vector<1x16xf32> to vector<16xf32>
      %mul3A_1110 = arith.mulf %get3A_67, %get3A_1109 : vector<16xf32>
      %add3A_1111 = arith.addf %add3A_1105, %mul3A_1110 : vector<16xf32>
      %swap3A_1112 = arith.index_cast %scan3A_56 : i32 to index
      %swap3A_1113 = arith.constant 784 : index
      %swap3A_1114 = tpu.vector_load %arg13[%swap3A_1112, %swap3A_1113] {strides = array<i32>} : memref<32x1024xf32, #tpu.memory_space<vmem>>, vector<1x16xf32>,
      %swap3A_1115 = vector.shape_cast %swap3A_1114 : vector<1x16xf32> to vector<16xf32>
      %swap3A_1116 = vector.shape_cast %add3A_1111 : vector<16xf32> to vector<1x16xf32>
      tpu.vector_store %arg13[%swap3A_1112, %swap3A_1113], %swap3A_1116 {strides = array<i32>} : memref<32x1024xf32, #tpu.memory_space<vmem>>, vector<1x16xf32>,
      %get3A_1117 = arith.index_cast %scan3A_56 : i32 to index
      %get3A_1118 = arith.constant 800 : index
      %get3A_1119 = tpu.vector_load %arg13[%get3A_1117, %get3A_1118] {strides = array<i32>} : memref<32x1024xf32, #tpu.memory_space<vmem>>, vector<1x16xf32>,
      %get3A_1120 = vector.shape_cast %get3A_1119 : vector<1x16xf32> to vector<16xf32>
      %get3A_1121 = arith.index_cast %scan3A_56 : i32 to index
      %get3A_1122 = arith.constant 800 : index
      %get3A_1123 = tpu.vector_load %arg11[%get3A_1121, %get3A_1122] {strides = array<i32>} : memref<32x1024xf32, #tpu.memory_space<vmem>>, vector<1x16xf32>,
      %get3A_1124 = vector.shape_cast %get3A_1123 : vector<1x16xf32> to vector<16xf32>
      %mul3A_1125 = arith.mulf %get3A_61, %get3A_1124 : vector<16xf32>
      %add3A_1126 = arith.addf %get3A_1120, %mul3A_1125 : vector<16xf32>
      %get3A_1127 = arith.index_cast %scan3A_56 : i32 to index
      %get3A_1128 = arith.constant 800 : index
      %get3A_1129 = tpu.vector_load %arg12[%get3A_1127, %get3A_1128] {strides = array<i32>} : memref<32x1024xf32, #tpu.memory_space<vmem>>, vector<1x16xf32>,
      %get3A_1130 = vector.shape_cast %get3A_1129 : vector<1x16xf32> to vector<16xf32>
      %mul3A_1131 = arith.mulf %get3A_67, %get3A_1130 : vector<16xf32>
      %add3A_1132 = arith.addf %add3A_1126, %mul3A_1131 : vector<16xf32>
      %swap3A_1133 = arith.index_cast %scan3A_56 : i32 to index
      %swap3A_1134 = arith.constant 800 : index
      %swap3A_1135 = tpu.vector_load %arg13[%swap3A_1133, %swap3A_1134] {strides = array<i32>} : memref<32x1024xf32, #tpu.memory_space<vmem>>, vector<1x16xf32>,
      %swap3A_1136 = vector.shape_cast %swap3A_1135 : vector<1x16xf32> to vector<16xf32>
      %swap3A_1137 = vector.shape_cast %add3A_1132 : vector<16xf32> to vector<1x16xf32>
      tpu.vector_store %arg13[%swap3A_1133, %swap3A_1134], %swap3A_1137 {strides = array<i32>} : memref<32x1024xf32, #tpu.memory_space<vmem>>, vector<1x16xf32>,
      %get3A_1138 = arith.index_cast %scan3A_56 : i32 to index
      %get3A_1139 = arith.constant 816 : index
      %get3A_1140 = tpu.vector_load %arg13[%get3A_1138, %get3A_1139] {strides = array<i32>} : memref<32x1024xf32, #tpu.memory_space<vmem>>, vector<1x16xf32>,
      %get3A_1141 = vector.shape_cast %get3A_1140 : vector<1x16xf32> to vector<16xf32>
      %get3A_1142 = arith.index_cast %scan3A_56 : i32 to index
      %get3A_1143 = arith.constant 816 : index
      %get3A_1144 = tpu.vector_load %arg11[%get3A_1142, %get3A_1143] {strides = array<i32>} : memref<32x1024xf32, #tpu.memory_space<vmem>>, vector<1x16xf32>,
      %get3A_1145 = vector.shape_cast %get3A_1144 : vector<1x16xf32> to vector<16xf32>
      %mul3A_1146 = arith.mulf %get3A_61, %get3A_1145 : vector<16xf32>
      %add3A_1147 = arith.addf %get3A_1141, %mul3A_1146 : vector<16xf32>
      %get3A_1148 = arith.index_cast %scan3A_56 : i32 to index
      %get3A_1149 = arith.constant 816 : index
      %get3A_1150 = tpu.vector_load %arg12[%get3A_1148, %get3A_1149] {strides = array<i32>} : memref<32x1024xf32, #tpu.memory_space<vmem>>, vector<1x16xf32>,
      %get3A_1151 = vector.shape_cast %get3A_1150 : vector<1x16xf32> to vector<16xf32>
      %mul3A_1152 = arith.mulf %get3A_67, %get3A_1151 : vector<16xf32>
      %add3A_1153 = arith.addf %add3A_1147, %mul3A_1152 : vector<16xf32>
      %swap3A_1154 = arith.index_cast %scan3A_56 : i32 to index
      %swap3A_1155 = arith.constant 816 : index
      %swap3A_1156 = tpu.vector_load %arg13[%swap3A_1154, %swap3A_1155] {strides = array<i32>} : memref<32x1024xf32, #tpu.memory_space<vmem>>, vector<1x16xf32>,
      %swap3A_1157 = vector.shape_cast %swap3A_1156 : vector<1x16xf32> to vector<16xf32>
      %swap3A_1158 = vector.shape_cast %add3A_1153 : vector<16xf32> to vector<1x16xf32>
      tpu.vector_store %arg13[%swap3A_1154, %swap3A_1155], %swap3A_1158 {strides = array<i32>} : memref<32x1024xf32, #tpu.memory_space<vmem>>, vector<1x16xf32>,
      %get3A_1159 = arith.index_cast %scan3A_56 : i32 to index
      %get3A_1160 = arith.constant 832 : index
      %get3A_1161 = tpu.vector_load %arg13[%get3A_1159, %get3A_1160] {strides = array<i32>} : memref<32x1024xf32, #tpu.memory_space<vmem>>, vector<1x16xf32>,
      %get3A_1162 = vector.shape_cast %get3A_1161 : vector<1x16xf32> to vector<16xf32>
      %get3A_1163 = arith.index_cast %scan3A_56 : i32 to index
      %get3A_1164 = arith.constant 832 : index
      %get3A_1165 = tpu.vector_load %arg11[%get3A_1163, %get3A_1164] {strides = array<i32>} : memref<32x1024xf32, #tpu.memory_space<vmem>>, vector<1x16xf32>,
      %get3A_1166 = vector.shape_cast %get3A_1165 : vector<1x16xf32> to vector<16xf32>
      %mul3A_1167 = arith.mulf %get3A_61, %get3A_1166 : vector<16xf32>
      %add3A_1168 = arith.addf %get3A_1162, %mul3A_1167 : vector<16xf32>
      %get3A_1169 = arith.index_cast %scan3A_56 : i32 to index
      %get3A_1170 = arith.constant 832 : index
      %get3A_1171 = tpu.vector_load %arg12[%get3A_1169, %get3A_1170] {strides = array<i32>} : memref<32x1024xf32, #tpu.memory_space<vmem>>, vector<1x16xf32>,
      %get3A_1172 = vector.shape_cast %get3A_1171 : vector<1x16xf32> to vector<16xf32>
      %mul3A_1173 = arith.mulf %get3A_67, %get3A_1172 : vector<16xf32>
      %add3A_1174 = arith.addf %add3A_1168, %mul3A_1173 : vector<16xf32>
      %swap3A_1175 = arith.index_cast %scan3A_56 : i32 to index
      %swap3A_1176 = arith.constant 832 : index
      %swap3A_1177 = tpu.vector_load %arg13[%swap3A_1175, %swap3A_1176] {strides = array<i32>} : memref<32x1024xf32, #tpu.memory_space<vmem>>, vector<1x16xf32>,
      %swap3A_1178 = vector.shape_cast %swap3A_1177 : vector<1x16xf32> to vector<16xf32>
      %swap3A_1179 = vector.shape_cast %add3A_1174 : vector<16xf32> to vector<1x16xf32>
      tpu.vector_store %arg13[%swap3A_1175, %swap3A_1176], %swap3A_1179 {strides = array<i32>} : memref<32x1024xf32, #tpu.memory_space<vmem>>, vector<1x16xf32>,
      %get3A_1180 = arith.index_cast %scan3A_56 : i32 to index
      %get3A_1181 = arith.constant 848 : index
      %get3A_1182 = tpu.vector_load %arg13[%get3A_1180, %get3A_1181] {strides = array<i32>} : memref<32x1024xf32, #tpu.memory_space<vmem>>, vector<1x16xf32>,
      %get3A_1183 = vector.shape_cast %get3A_1182 : vector<1x16xf32> to vector<16xf32>
      %get3A_1184 = arith.index_cast %scan3A_56 : i32 to index
      %get3A_1185 = arith.constant 848 : index
      %get3A_1186 = tpu.vector_load %arg11[%get3A_1184, %get3A_1185] {strides = array<i32>} : memref<32x1024xf32, #tpu.memory_space<vmem>>, vector<1x16xf32>,
      %get3A_1187 = vector.shape_cast %get3A_1186 : vector<1x16xf32> to vector<16xf32>
      %mul3A_1188 = arith.mulf %get3A_61, %get3A_1187 : vector<16xf32>
      %add3A_1189 = arith.addf %get3A_1183, %mul3A_1188 : vector<16xf32>
      %get3A_1190 = arith.index_cast %scan3A_56 : i32 to index
      %get3A_1191 = arith.constant 848 : index
      %get3A_1192 = tpu.vector_load %arg12[%get3A_1190, %get3A_1191] {strides = array<i32>} : memref<32x1024xf32, #tpu.memory_space<vmem>>, vector<1x16xf32>,
      %get3A_1193 = vector.shape_cast %get3A_1192 : vector<1x16xf32> to vector<16xf32>
      %mul3A_1194 = arith.mulf %get3A_67, %get3A_1193 : vector<16xf32>
      %add3A_1195 = arith.addf %add3A_1189, %mul3A_1194 : vector<16xf32>
      %swap3A_1196 = arith.index_cast %scan3A_56 : i32 to index
      %swap3A_1197 = arith.constant 848 : index
      %swap3A_1198 = tpu.vector_load %arg13[%swap3A_1196, %swap3A_1197] {strides = array<i32>} : memref<32x1024xf32, #tpu.memory_space<vmem>>, vector<1x16xf32>,
      %swap3A_1199 = vector.shape_cast %swap3A_1198 : vector<1x16xf32> to vector<16xf32>
      %swap3A_1200 = vector.shape_cast %add3A_1195 : vector<16xf32> to vector<1x16xf32>
      tpu.vector_store %arg13[%swap3A_1196, %swap3A_1197], %swap3A_1200 {strides = array<i32>} : memref<32x1024xf32, #tpu.memory_space<vmem>>, vector<1x16xf32>,
      %get3A_1201 = arith.index_cast %scan3A_56 : i32 to index
      %get3A_1202 = arith.constant 864 : index
      %get3A_1203 = tpu.vector_load %arg13[%get3A_1201, %get3A_1202] {strides = array<i32>} : memref<32x1024xf32, #tpu.memory_space<vmem>>, vector<1x16xf32>,
      %get3A_1204 = vector.shape_cast %get3A_1203 : vector<1x16xf32> to vector<16xf32>
      %get3A_1205 = arith.index_cast %scan3A_56 : i32 to index
      %get3A_1206 = arith.constant 864 : index
      %get3A_1207 = tpu.vector_load %arg11[%get3A_1205, %get3A_1206] {strides = array<i32>} : memref<32x1024xf32, #tpu.memory_space<vmem>>, vector<1x16xf32>,
      %get3A_1208 = vector.shape_cast %get3A_1207 : vector<1x16xf32> to vector<16xf32>
      %mul3A_1209 = arith.mulf %get3A_61, %get3A_1208 : vector<16xf32>
      %add3A_1210 = arith.addf %get3A_1204, %mul3A_1209 : vector<16xf32>
      %get3A_1211 = arith.index_cast %scan3A_56 : i32 to index
      %get3A_1212 = arith.constant 864 : index
      %get3A_1213 = tpu.vector_load %arg12[%get3A_1211, %get3A_1212] {strides = array<i32>} : memref<32x1024xf32, #tpu.memory_space<vmem>>, vector<1x16xf32>,
      %get3A_1214 = vector.shape_cast %get3A_1213 : vector<1x16xf32> to vector<16xf32>
      %mul3A_1215 = arith.mulf %get3A_67, %get3A_1214 : vector<16xf32>
      %add3A_1216 = arith.addf %add3A_1210, %mul3A_1215 : vector<16xf32>
      %swap3A_1217 = arith.index_cast %scan3A_56 : i32 to index
      %swap3A_1218 = arith.constant 864 : index
      %swap3A_1219 = tpu.vector_load %arg13[%swap3A_1217, %swap3A_1218] {strides = array<i32>} : memref<32x1024xf32, #tpu.memory_space<vmem>>, vector<1x16xf32>,
      %swap3A_1220 = vector.shape_cast %swap3A_1219 : vector<1x16xf32> to vector<16xf32>
      %swap3A_1221 = vector.shape_cast %add3A_1216 : vector<16xf32> to vector<1x16xf32>
      tpu.vector_store %arg13[%swap3A_1217, %swap3A_1218], %swap3A_1221 {strides = array<i32>} : memref<32x1024xf32, #tpu.memory_space<vmem>>, vector<1x16xf32>,
      %get3A_1222 = arith.index_cast %scan3A_56 : i32 to index
      %get3A_1223 = arith.constant 880 : index
      %get3A_1224 = tpu.vector_load %arg13[%get3A_1222, %get3A_1223] {strides = array<i32>} : memref<32x1024xf32, #tpu.memory_space<vmem>>, vector<1x16xf32>,
      %get3A_1225 = vector.shape_cast %get3A_1224 : vector<1x16xf32> to vector<16xf32>
      %get3A_1226 = arith.index_cast %scan3A_56 : i32 to index
      %get3A_1227 = arith.constant 880 : index
      %get3A_1228 = tpu.vector_load %arg11[%get3A_1226, %get3A_1227] {strides = array<i32>} : memref<32x1024xf32, #tpu.memory_space<vmem>>, vector<1x16xf32>,
      %get3A_1229 = vector.shape_cast %get3A_1228 : vector<1x16xf32> to vector<16xf32>
      %mul3A_1230 = arith.mulf %get3A_61, %get3A_1229 : vector<16xf32>
      %add3A_1231 = arith.addf %get3A_1225, %mul3A_1230 : vector<16xf32>
      %get3A_1232 = arith.index_cast %scan3A_56 : i32 to index
      %get3A_1233 = arith.constant 880 : index
      %get3A_1234 = tpu.vector_load %arg12[%get3A_1232, %get3A_1233] {strides = array<i32>} : memref<32x1024xf32, #tpu.memory_space<vmem>>, vector<1x16xf32>,
      %get3A_1235 = vector.shape_cast %get3A_1234 : vector<1x16xf32> to vector<16xf32>
      %mul3A_1236 = arith.mulf %get3A_67, %get3A_1235 : vector<16xf32>
      %add3A_1237 = arith.addf %add3A_1231, %mul3A_1236 : vector<16xf32>
      %swap3A_1238 = arith.index_cast %scan3A_56 : i32 to index
      %swap3A_1239 = arith.constant 880 : index
      %swap3A_1240 = tpu.vector_load %arg13[%swap3A_1238, %swap3A_1239] {strides = array<i32>} : memref<32x1024xf32, #tpu.memory_space<vmem>>, vector<1x16xf32>,
      %swap3A_1241 = vector.shape_cast %swap3A_1240 : vector<1x16xf32> to vector<16xf32>
      %swap3A_1242 = vector.shape_cast %add3A_1237 : vector<16xf32> to vector<1x16xf32>
      tpu.vector_store %arg13[%swap3A_1238, %swap3A_1239], %swap3A_1242 {strides = array<i32>} : memref<32x1024xf32, #tpu.memory_space<vmem>>, vector<1x16xf32>,
      %get3A_1243 = arith.index_cast %scan3A_56 : i32 to index
      %get3A_1244 = arith.constant 896 : index
      %get3A_1245 = tpu.vector_load %arg13[%get3A_1243, %get3A_1244] {strides = array<i32>} : memref<32x1024xf32, #tpu.memory_space<vmem>>, vector<1x16xf32>,
      %get3A_1246 = vector.shape_cast %get3A_1245 : vector<1x16xf32> to vector<16xf32>
      %get3A_1247 = arith.index_cast %scan3A_56 : i32 to index
      %get3A_1248 = arith.constant 896 : index
      %get3A_1249 = tpu.vector_load %arg11[%get3A_1247, %get3A_1248] {strides = array<i32>} : memref<32x1024xf32, #tpu.memory_space<vmem>>, vector<1x16xf32>,
      %get3A_1250 = vector.shape_cast %get3A_1249 : vector<1x16xf32> to vector<16xf32>
      %mul3A_1251 = arith.mulf %get3A_61, %get3A_1250 : vector<16xf32>
      %add3A_1252 = arith.addf %get3A_1246, %mul3A_1251 : vector<16xf32>
      %get3A_1253 = arith.index_cast %scan3A_56 : i32 to index
      %get3A_1254 = arith.constant 896 : index
      %get3A_1255 = tpu.vector_load %arg12[%get3A_1253, %get3A_1254] {strides = array<i32>} : memref<32x1024xf32, #tpu.memory_space<vmem>>, vector<1x16xf32>,
      %get3A_1256 = vector.shape_cast %get3A_1255 : vector<1x16xf32> to vector<16xf32>
      %mul3A_1257 = arith.mulf %get3A_67, %get3A_1256 : vector<16xf32>
      %add3A_1258 = arith.addf %add3A_1252, %mul3A_1257 : vector<16xf32>
      %swap3A_1259 = arith.index_cast %scan3A_56 : i32 to index
      %swap3A_1260 = arith.constant 896 : index
      %swap3A_1261 = tpu.vector_load %arg13[%swap3A_1259, %swap3A_1260] {strides = array<i32>} : memref<32x1024xf32, #tpu.memory_space<vmem>>, vector<1x16xf32>,
      %swap3A_1262 = vector.shape_cast %swap3A_1261 : vector<1x16xf32> to vector<16xf32>
      %swap3A_1263 = vector.shape_cast %add3A_1258 : vector<16xf32> to vector<1x16xf32>
      tpu.vector_store %arg13[%swap3A_1259, %swap3A_1260], %swap3A_1263 {strides = array<i32>} : memref<32x1024xf32, #tpu.memory_space<vmem>>, vector<1x16xf32>,
      %get3A_1264 = arith.index_cast %scan3A_56 : i32 to index
      %get3A_1265 = arith.constant 912 : index
      %get3A_1266 = tpu.vector_load %arg13[%get3A_1264, %get3A_1265] {strides = array<i32>} : memref<32x1024xf32, #tpu.memory_space<vmem>>, vector<1x16xf32>,
      %get3A_1267 = vector.shape_cast %get3A_1266 : vector<1x16xf32> to vector<16xf32>
      %get3A_1268 = arith.index_cast %scan3A_56 : i32 to index
      %get3A_1269 = arith.constant 912 : index
      %get3A_1270 = tpu.vector_load %arg11[%get3A_1268, %get3A_1269] {strides = array<i32>} : memref<32x1024xf32, #tpu.memory_space<vmem>>, vector<1x16xf32>,
      %get3A_1271 = vector.shape_cast %get3A_1270 : vector<1x16xf32> to vector<16xf32>
      %mul3A_1272 = arith.mulf %get3A_61, %get3A_1271 : vector<16xf32>
      %add3A_1273 = arith.addf %get3A_1267, %mul3A_1272 : vector<16xf32>
      %get3A_1274 = arith.index_cast %scan3A_56 : i32 to index
      %get3A_1275 = arith.constant 912 : index
      %get3A_1276 = tpu.vector_load %arg12[%get3A_1274, %get3A_1275] {strides = array<i32>} : memref<32x1024xf32, #tpu.memory_space<vmem>>, vector<1x16xf32>,
      %get3A_1277 = vector.shape_cast %get3A_1276 : vector<1x16xf32> to vector<16xf32>
      %mul3A_1278 = arith.mulf %get3A_67, %get3A_1277 : vector<16xf32>
      %add3A_1279 = arith.addf %add3A_1273, %mul3A_1278 : vector<16xf32>
      %swap3A_1280 = arith.index_cast %scan3A_56 : i32 to index
      %swap3A_1281 = arith.constant 912 : index
      %swap3A_1282 = tpu.vector_load %arg13[%swap3A_1280, %swap3A_1281] {strides = array<i32>} : memref<32x1024xf32, #tpu.memory_space<vmem>>, vector<1x16xf32>,
      %swap3A_1283 = vector.shape_cast %swap3A_1282 : vector<1x16xf32> to vector<16xf32>
      %swap3A_1284 = vector.shape_cast %add3A_1279 : vector<16xf32> to vector<1x16xf32>
      tpu.vector_store %arg13[%swap3A_1280, %swap3A_1281], %swap3A_1284 {strides = array<i32>} : memref<32x1024xf32, #tpu.memory_space<vmem>>, vector<1x16xf32>,
      %get3A_1285 = arith.index_cast %scan3A_56 : i32 to index
      %get3A_1286 = arith.constant 928 : index
      %get3A_1287 = tpu.vector_load %arg13[%get3A_1285, %get3A_1286] {strides = array<i32>} : memref<32x1024xf32, #tpu.memory_space<vmem>>, vector<1x16xf32>,
      %get3A_1288 = vector.shape_cast %get3A_1287 : vector<1x16xf32> to vector<16xf32>
      %get3A_1289 = arith.index_cast %scan3A_56 : i32 to index
      %get3A_1290 = arith.constant 928 : index
      %get3A_1291 = tpu.vector_load %arg11[%get3A_1289, %get3A_1290] {strides = array<i32>} : memref<32x1024xf32, #tpu.memory_space<vmem>>, vector<1x16xf32>,
      %get3A_1292 = vector.shape_cast %get3A_1291 : vector<1x16xf32> to vector<16xf32>
      %mul3A_1293 = arith.mulf %get3A_61, %get3A_1292 : vector<16xf32>
      %add3A_1294 = arith.addf %get3A_1288, %mul3A_1293 : vector<16xf32>
      %get3A_1295 = arith.index_cast %scan3A_56 : i32 to index
      %get3A_1296 = arith.constant 928 : index
      %get3A_1297 = tpu.vector_load %arg12[%get3A_1295, %get3A_1296] {strides = array<i32>} : memref<32x1024xf32, #tpu.memory_space<vmem>>, vector<1x16xf32>,
      %get3A_1298 = vector.shape_cast %get3A_1297 : vector<1x16xf32> to vector<16xf32>
      %mul3A_1299 = arith.mulf %get3A_67, %get3A_1298 : vector<16xf32>
      %add3A_1300 = arith.addf %add3A_1294, %mul3A_1299 : vector<16xf32>
      %swap3A_1301 = arith.index_cast %scan3A_56 : i32 to index
      %swap3A_1302 = arith.constant 928 : index
      %swap3A_1303 = tpu.vector_load %arg13[%swap3A_1301, %swap3A_1302] {strides = array<i32>} : memref<32x1024xf32, #tpu.memory_space<vmem>>, vector<1x16xf32>,
      %swap3A_1304 = vector.shape_cast %swap3A_1303 : vector<1x16xf32> to vector<16xf32>
      %swap3A_1305 = vector.shape_cast %add3A_1300 : vector<16xf32> to vector<1x16xf32>
      tpu.vector_store %arg13[%swap3A_1301, %swap3A_1302], %swap3A_1305 {strides = array<i32>} : memref<32x1024xf32, #tpu.memory_space<vmem>>, vector<1x16xf32>,
      %get3A_1306 = arith.index_cast %scan3A_56 : i32 to index
      %get3A_1307 = arith.constant 944 : index
      %get3A_1308 = tpu.vector_load %arg13[%get3A_1306, %get3A_1307] {strides = array<i32>} : memref<32x1024xf32, #tpu.memory_space<vmem>>, vector<1x16xf32>,
      %get3A_1309 = vector.shape_cast %get3A_1308 : vector<1x16xf32> to vector<16xf32>
      %get3A_1310 = arith.index_cast %scan3A_56 : i32 to index
      %get3A_1311 = arith.constant 944 : index
      %get3A_1312 = tpu.vector_load %arg11[%get3A_1310, %get3A_1311] {strides = array<i32>} : memref<32x1024xf32, #tpu.memory_space<vmem>>, vector<1x16xf32>,
      %get3A_1313 = vector.shape_cast %get3A_1312 : vector<1x16xf32> to vector<16xf32>
      %mul3A_1314 = arith.mulf %get3A_61, %get3A_1313 : vector<16xf32>
      %add3A_1315 = arith.addf %get3A_1309, %mul3A_1314 : vector<16xf32>
      %get3A_1316 = arith.index_cast %scan3A_56 : i32 to index
      %get3A_1317 = arith.constant 944 : index
      %get3A_1318 = tpu.vector_load %arg12[%get3A_1316, %get3A_1317] {strides = array<i32>} : memref<32x1024xf32, #tpu.memory_space<vmem>>, vector<1x16xf32>,
      %get3A_1319 = vector.shape_cast %get3A_1318 : vector<1x16xf32> to vector<16xf32>
      %mul3A_1320 = arith.mulf %get3A_67, %get3A_1319 : vector<16xf32>
      %add3A_1321 = arith.addf %add3A_1315, %mul3A_1320 : vector<16xf32>
      %swap3A_1322 = arith.index_cast %scan3A_56 : i32 to index
      %swap3A_1323 = arith.constant 944 : index
      %swap3A_1324 = tpu.vector_load %arg13[%swap3A_1322, %swap3A_1323] {strides = array<i32>} : memref<32x1024xf32, #tpu.memory_space<vmem>>, vector<1x16xf32>,
      %swap3A_1325 = vector.shape_cast %swap3A_1324 : vector<1x16xf32> to vector<16xf32>
      %swap3A_1326 = vector.shape_cast %add3A_1321 : vector<16xf32> to vector<1x16xf32>
      tpu.vector_store %arg13[%swap3A_1322, %swap3A_1323], %swap3A_1326 {strides = array<i32>} : memref<32x1024xf32, #tpu.memory_space<vmem>>, vector<1x16xf32>,
      %get3A_1327 = arith.index_cast %scan3A_56 : i32 to index
      %get3A_1328 = arith.constant 960 : index
      %get3A_1329 = tpu.vector_load %arg13[%get3A_1327, %get3A_1328] {strides = array<i32>} : memref<32x1024xf32, #tpu.memory_space<vmem>>, vector<1x16xf32>,
      %get3A_1330 = vector.shape_cast %get3A_1329 : vector<1x16xf32> to vector<16xf32>
      %get3A_1331 = arith.index_cast %scan3A_56 : i32 to index
      %get3A_1332 = arith.constant 960 : index
      %get3A_1333 = tpu.vector_load %arg11[%get3A_1331, %get3A_1332] {strides = array<i32>} : memref<32x1024xf32, #tpu.memory_space<vmem>>, vector<1x16xf32>,
      %get3A_1334 = vector.shape_cast %get3A_1333 : vector<1x16xf32> to vector<16xf32>
      %mul3A_1335 = arith.mulf %get3A_61, %get3A_1334 : vector<16xf32>
      %add3A_1336 = arith.addf %get3A_1330, %mul3A_1335 : vector<16xf32>
      %get3A_1337 = arith.index_cast %scan3A_56 : i32 to index
      %get3A_1338 = arith.constant 960 : index
      %get3A_1339 = tpu.vector_load %arg12[%get3A_1337, %get3A_1338] {strides = array<i32>} : memref<32x1024xf32, #tpu.memory_space<vmem>>, vector<1x16xf32>,
      %get3A_1340 = vector.shape_cast %get3A_1339 : vector<1x16xf32> to vector<16xf32>
      %mul3A_1341 = arith.mulf %get3A_67, %get3A_1340 : vector<16xf32>
      %add3A_1342 = arith.addf %add3A_1336, %mul3A_1341 : vector<16xf32>
      %swap3A_1343 = arith.index_cast %scan3A_56 : i32 to index
      %swap3A_1344 = arith.constant 960 : index
      %swap3A_1345 = tpu.vector_load %arg13[%swap3A_1343, %swap3A_1344] {strides = array<i32>} : memref<32x1024xf32, #tpu.memory_space<vmem>>, vector<1x16xf32>,
      %swap3A_1346 = vector.shape_cast %swap3A_1345 : vector<1x16xf32> to vector<16xf32>
      %swap3A_1347 = vector.shape_cast %add3A_1342 : vector<16xf32> to vector<1x16xf32>
      tpu.vector_store %arg13[%swap3A_1343, %swap3A_1344], %swap3A_1347 {strides = array<i32>} : memref<32x1024xf32, #tpu.memory_space<vmem>>, vector<1x16xf32>,
      %get3A_1348 = arith.index_cast %scan3A_56 : i32 to index
      %get3A_1349 = arith.constant 976 : index
      %get3A_1350 = tpu.vector_load %arg13[%get3A_1348, %get3A_1349] {strides = array<i32>} : memref<32x1024xf32, #tpu.memory_space<vmem>>, vector<1x16xf32>,
      %get3A_1351 = vector.shape_cast %get3A_1350 : vector<1x16xf32> to vector<16xf32>
      %get3A_1352 = arith.index_cast %scan3A_56 : i32 to index
      %get3A_1353 = arith.constant 976 : index
      %get3A_1354 = tpu.vector_load %arg11[%get3A_1352, %get3A_1353] {strides = array<i32>} : memref<32x1024xf32, #tpu.memory_space<vmem>>, vector<1x16xf32>,
      %get3A_1355 = vector.shape_cast %get3A_1354 : vector<1x16xf32> to vector<16xf32>
      %mul3A_1356 = arith.mulf %get3A_61, %get3A_1355 : vector<16xf32>
      %add3A_1357 = arith.addf %get3A_1351, %mul3A_1356 : vector<16xf32>
      %get3A_1358 = arith.index_cast %scan3A_56 : i32 to index
      %get3A_1359 = arith.constant 976 : index
      %get3A_1360 = tpu.vector_load %arg12[%get3A_1358, %get3A_1359] {strides = array<i32>} : memref<32x1024xf32, #tpu.memory_space<vmem>>, vector<1x16xf32>,
      %get3A_1361 = vector.shape_cast %get3A_1360 : vector<1x16xf32> to vector<16xf32>
      %mul3A_1362 = arith.mulf %get3A_67, %get3A_1361 : vector<16xf32>
      %add3A_1363 = arith.addf %add3A_1357, %mul3A_1362 : vector<16xf32>
      %swap3A_1364 = arith.index_cast %scan3A_56 : i32 to index
      %swap3A_1365 = arith.constant 976 : index
      %swap3A_1366 = tpu.vector_load %arg13[%swap3A_1364, %swap3A_1365] {strides = array<i32>} : memref<32x1024xf32, #tpu.memory_space<vmem>>, vector<1x16xf32>,
      %swap3A_1367 = vector.shape_cast %swap3A_1366 : vector<1x16xf32> to vector<16xf32>
      %swap3A_1368 = vector.shape_cast %add3A_1363 : vector<16xf32> to vector<1x16xf32>
      tpu.vector_store %arg13[%swap3A_1364, %swap3A_1365], %swap3A_1368 {strides = array<i32>} : memref<32x1024xf32, #tpu.memory_space<vmem>>, vector<1x16xf32>,
      %get3A_1369 = arith.index_cast %scan3A_56 : i32 to index
      %get3A_1370 = arith.constant 992 : index
      %get3A_1371 = tpu.vector_load %arg13[%get3A_1369, %get3A_1370] {strides = array<i32>} : memref<32x1024xf32, #tpu.memory_space<vmem>>, vector<1x16xf32>,
      %get3A_1372 = vector.shape_cast %get3A_1371 : vector<1x16xf32> to vector<16xf32>
      %get3A_1373 = arith.index_cast %scan3A_56 : i32 to index
      %get3A_1374 = arith.constant 992 : index
      %get3A_1375 = tpu.vector_load %arg11[%get3A_1373, %get3A_1374] {strides = array<i32>} : memref<32x1024xf32, #tpu.memory_space<vmem>>, vector<1x16xf32>,
      %get3A_1376 = vector.shape_cast %get3A_1375 : vector<1x16xf32> to vector<16xf32>
      %mul3A_1377 = arith.mulf %get3A_61, %get3A_1376 : vector<16xf32>
      %add3A_1378 = arith.addf %get3A_1372, %mul3A_1377 : vector<16xf32>
      %get3A_1379 = arith.index_cast %scan3A_56 : i32 to index
      %get3A_1380 = arith.constant 992 : index
      %get3A_1381 = tpu.vector_load %arg12[%get3A_1379, %get3A_1380] {strides = array<i32>} : memref<32x1024xf32, #tpu.memory_space<vmem>>, vector<1x16xf32>,
      %get3A_1382 = vector.shape_cast %get3A_1381 : vector<1x16xf32> to vector<16xf32>
      %mul3A_1383 = arith.mulf %get3A_67, %get3A_1382 : vector<16xf32>
      %add3A_1384 = arith.addf %add3A_1378, %mul3A_1383 : vector<16xf32>
      %swap3A_1385 = arith.index_cast %scan3A_56 : i32 to index
      %swap3A_1386 = arith.constant 992 : index
      %swap3A_1387 = tpu.vector_load %arg13[%swap3A_1385, %swap3A_1386] {strides = array<i32>} : memref<32x1024xf32, #tpu.memory_space<vmem>>, vector<1x16xf32>,
      %swap3A_1388 = vector.shape_cast %swap3A_1387 : vector<1x16xf32> to vector<16xf32>
      %swap3A_1389 = vector.shape_cast %add3A_1384 : vector<16xf32> to vector<1x16xf32>
      tpu.vector_store %arg13[%swap3A_1385, %swap3A_1386], %swap3A_1389 {strides = array<i32>} : memref<32x1024xf32, #tpu.memory_space<vmem>>, vector<1x16xf32>,
      %get3A_1390 = arith.index_cast %scan3A_56 : i32 to index
      %get3A_1391 = arith.constant 1008 : index
      %get3A_1392 = tpu.vector_load %arg13[%get3A_1390, %get3A_1391] {strides = array<i32>} : memref<32x1024xf32, #tpu.memory_space<vmem>>, vector<1x16xf32>,
      %get3A_1393 = vector.shape_cast %get3A_1392 : vector<1x16xf32> to vector<16xf32>
      %get3A_1394 = arith.index_cast %scan3A_56 : i32 to index
      %get3A_1395 = arith.constant 1008 : index
      %get3A_1396 = tpu.vector_load %arg11[%get3A_1394, %get3A_1395] {strides = array<i32>} : memref<32x1024xf32, #tpu.memory_space<vmem>>, vector<1x16xf32>,
      %get3A_1397 = vector.shape_cast %get3A_1396 : vector<1x16xf32> to vector<16xf32>
      %mul3A_1398 = arith.mulf %get3A_61, %get3A_1397 : vector<16xf32>
      %add3A_1399 = arith.addf %get3A_1393, %mul3A_1398 : vector<16xf32>
      %get3A_1400 = arith.index_cast %scan3A_56 : i32 to index
      %get3A_1401 = arith.constant 1008 : index
      %get3A_1402 = tpu.vector_load %arg12[%get3A_1400, %get3A_1401] {strides = array<i32>} : memref<32x1024xf32, #tpu.memory_space<vmem>>, vector<1x16xf32>,
      %get3A_1403 = vector.shape_cast %get3A_1402 : vector<1x16xf32> to vector<16xf32>
      %mul3A_1404 = arith.mulf %get3A_67, %get3A_1403 : vector<16xf32>
      %add3A_1405 = arith.addf %add3A_1399, %mul3A_1404 : vector<16xf32>
      %swap3A_1406 = arith.index_cast %scan3A_56 : i32 to index
      %swap3A_1407 = arith.constant 1008 : index
      %swap3A_1408 = tpu.vector_load %arg13[%swap3A_1406, %swap3A_1407] {strides = array<i32>} : memref<32x1024xf32, #tpu.memory_space<vmem>>, vector<1x16xf32>,
      %swap3A_1409 = vector.shape_cast %swap3A_1408 : vector<1x16xf32> to vector<16xf32>
      %swap3A_1410 = vector.shape_cast %add3A_1405 : vector<16xf32> to vector<1x16xf32>
      tpu.vector_store %arg13[%swap3A_1406, %swap3A_1407], %swap3A_1410 {strides = array<i32>} : memref<32x1024xf32, #tpu.memory_space<vmem>>, vector<1x16xf32>,
    }
    %scan3A_27 = arith.constant 32 : i32
    "tpu.region"() ({
      %run_scoped3A = tpu.sem_alloc : memref<!tpu.dma_semaphore, #tpu.memory_space<semaphore_mem>>
      %dma_start3A_56 = arith.constant 0 : i32
      %dma_start3A_57 = tpu.memref_slice %arg8[%add3A_4, %dma_start3A_56] : memref<2048x1024xf32, #tpu.memory_space<hbm>> -> memref<32x1024xf32, #tpu.memory_space<hbm>>
      %dma_start3A_58 = arith.constant 0 : i32
      %dma_start3A_59 = tpu.memref_slice %arg8[%add3A_4, %dma_start3A_58] : memref<2048x1024xf32, #tpu.memory_space<hbm>> -> memref<32x1024xf32, #tpu.memory_space<hbm>>
      tpu.enqueue_dma source(%arg13 : memref<32x1024xf32, #tpu.memory_space<vmem>>) target(%dma_start3A_59 : memref<32x1024xf32, #tpu.memory_space<hbm>>) target_semaphore(%run_scoped3A : memref<!tpu.dma_semaphore, #tpu.memory_space<semaphore_mem>>)
      %dma_wait3A_60 = arith.constant 0 : i32
      %dma_wait3A_61 = tpu.memref_slice %arg8[%add3A_4, %dma_wait3A_60] : memref<2048x1024xf32, #tpu.memory_space<hbm>> -> memref<32x1024xf32, #tpu.memory_space<hbm>>
      %dma_wait3A_62 = arith.constant 0 : i32
      %dma_wait3A_63 = tpu.memref_slice %arg8[%add3A_4, %dma_wait3A_62] : memref<2048x1024xf32, #tpu.memory_space<hbm>> -> memref<32x1024xf32, #tpu.memory_space<hbm>>
      tpu.wait_dma2 semaphore(%run_scoped3A : memref<!tpu.dma_semaphore, #tpu.memory_space<semaphore_mem>>) src(%arg13 : memref<32x1024xf32, #tpu.memory_space<vmem>>) dst(%dma_wait3A_63 : memref<32x1024xf32, #tpu.memory_space<hbm>>)
      tpu.yield
    }) : () -> ()
    %add3A_28 = arith.constant 32 : i32
    %add3A_29 = arith.addi %mul3A_2, %add3A_28 : i32
    %dma_start3A_30 = arith.constant 32 : i32
    %dma_start3A_31 = tpu.memref_slice %arg9[%dma_start3A_30] : memref<64xi32, #tpu.memory_space<vmem>> -> memref<32xi32, #tpu.memory_space<vmem>>
    %dma_start3A_32 = arith.constant 0 : i32
    %dma_start3A_33 = arith.constant 0 : i32
    %dma_start3A_34 = tpu.memref_slice %arg2[%dma_start3A_32, %dma_start3A_33] : memref<6144x1024xf32, #tpu.memory_space<hbm>> -> memref<6144x1024xf32, #tpu.memory_space<hbm>>
    tpu.enqueue_indirect_dma source(%dma_start3A_34 : memref<6144x1024xf32, #tpu.memory_space<hbm>>) target(%arg11 : memref<32x1024xf32, #tpu.memory_space<vmem>>) offsets(%dma_start3A_31 : memref<32xi32, #tpu.memory_space<vmem>>) semaphore(%arg16 : memref<!tpu.dma_semaphore, #tpu.memory_space<semaphore_mem>>)
    %dma_start3A_35 = arith.constant 32 : i32
    %dma_start3A_36 = tpu.memref_slice %arg10[%dma_start3A_35] : memref<64xi32, #tpu.memory_space<vmem>> -> memref<32xi32, #tpu.memory_space<vmem>>
    %dma_start3A_37 = arith.constant 0 : i32
    %dma_start3A_38 = arith.constant 0 : i32
    %dma_start3A_39 = tpu.memref_slice %arg2[%dma_start3A_37, %dma_start3A_38] : memref<6144x1024xf32, #tpu.memory_space<hbm>> -> memref<6144x1024xf32, #tpu.memory_space<hbm>>
    tpu.enqueue_indirect_dma source(%dma_start3A_39 : memref<6144x1024xf32, #tpu.memory_space<hbm>>) target(%arg12 : memref<32x1024xf32, #tpu.memory_space<vmem>>) offsets(%dma_start3A_36 : memref<32xi32, #tpu.memory_space<vmem>>) semaphore(%arg17 : memref<!tpu.dma_semaphore, #tpu.memory_space<semaphore_mem>>)
    "tpu.region"() ({
      %run_scoped3A = tpu.sem_alloc : memref<!tpu.dma_semaphore, #tpu.memory_space<semaphore_mem>>
      %dma_start3A_56 = arith.constant 0 : i32
      %dma_start3A_57 = tpu.memref_slice %arg3[%add3A_29, %dma_start3A_56] : memref<2048x1024xf32, #tpu.memory_space<hbm>> -> memref<32x1024xf32, #tpu.memory_space<hbm>>
      %dma_start3A_58 = arith.constant 0 : i32
      %dma_start3A_59 = tpu.memref_slice %arg3[%add3A_29, %dma_start3A_58] : memref<2048x1024xf32, #tpu.memory_space<hbm>> -> memref<32x1024xf32, #tpu.memory_space<hbm>>
      tpu.enqueue_dma source(%dma_start3A_59 : memref<32x1024xf32, #tpu.memory_space<hbm>>) target(%arg13 : memref<32x1024xf32, #tpu.memory_space<vmem>>) target_semaphore(%run_scoped3A : memref<!tpu.dma_semaphore, #tpu.memory_space<semaphore_mem>>)
      %dma_wait3A_60 = arith.constant 0 : i32
      %dma_wait3A_61 = tpu.memref_slice %arg3[%add3A_29, %dma_wait3A_60] : memref<2048x1024xf32, #tpu.memory_space<hbm>> -> memref<32x1024xf32, #tpu.memory_space<hbm>>
      %dma_wait3A_62 = arith.constant 0 : i32
      %dma_wait3A_63 = tpu.memref_slice %arg3[%add3A_29, %dma_wait3A_62] : memref<2048x1024xf32, #tpu.memory_space<hbm>> -> memref<32x1024xf32, #tpu.memory_space<hbm>>
      tpu.wait_dma2 semaphore(%run_scoped3A : memref<!tpu.dma_semaphore, #tpu.memory_space<semaphore_mem>>) src(%dma_wait3A_63 : memref<32x1024xf32, #tpu.memory_space<hbm>>) dst(%arg13 : memref<32x1024xf32, #tpu.memory_space<vmem>>)
      tpu.yield
    }) : () -> ()
    %dma_wait3A_40 = arith.constant 32 : i32
    %dma_wait3A_41 = tpu.memref_slice %arg9[%dma_wait3A_40] : memref<64xi32, #tpu.memory_space<vmem>> -> memref<32xi32, #tpu.memory_space<vmem>>
    %dma_wait3A_42 = arith.constant 0 : i32
    %dma_wait3A_43 = arith.constant 0 : i32
    %dma_wait3A_44 = tpu.memref_slice %arg2[%dma_wait3A_42, %dma_wait3A_43] : memref<6144x1024xf32, #tpu.memory_space<hbm>> -> memref<6144x1024xf32, #tpu.memory_space<hbm>>
    tpu.wait_indirect_dma semaphore(%arg16 : memref<!tpu.dma_semaphore, #tpu.memory_space<semaphore_mem>>) src(%dma_wait3A_44 : memref<6144x1024xf32, #tpu.memory_space<hbm>>) dst(%arg11 : memref<32x1024xf32, #tpu.memory_space<vmem>>)
    %dma_wait3A_45 = arith.constant 32 : i32
    %dma_wait3A_46 = tpu.memref_slice %arg10[%dma_wait3A_45] : memref<64xi32, #tpu.memory_space<vmem>> -> memref<32xi32, #tpu.memory_space<vmem>>
    %dma_wait3A_47 = arith.constant 0 : i32
    %dma_wait3A_48 = arith.constant 0 : i32
    %dma_wait3A_49 = tpu.memref_slice %arg2[%dma_wait3A_47, %dma_wait3A_48] : memref<6144x1024xf32, #tpu.memory_space<hbm>> -> memref<6144x1024xf32, #tpu.memory_space<hbm>>
    tpu.wait_indirect_dma semaphore(%arg17 : memref<!tpu.dma_semaphore, #tpu.memory_space<semaphore_mem>>) src(%dma_wait3A_49 : memref<6144x1024xf32, #tpu.memory_space<hbm>>) dst(%arg12 : memref<32x1024xf32, #tpu.memory_space<vmem>>)
    %scan3A_50 = arith.constant 0 : i32
    %scan3A_51 = arith.constant 0 : i32
    %scan3A_52 = arith.constant 32 : i32
    %scan3A_53 = arith.addi %scan3A_51, %scan3A_52 : i32
    %scan3A_54 = arith.constant 1 : i32
    scf.for %scan3A_56 = %scan3A_51 to %scan3A_53 step %scan3A_54  : i32 {
      %add3A_57 = arith.constant 32 : i32
      %add3A_58 = arith.addi %add3A_57, %scan3A_56 : i32
      %get3A = arith.index_cast %add3A_58 : i32 to index
      %get3A_59 = arith.constant 0 : index
      %get3A_60 = tpu.vector_load %arg14[%get3A, %get3A_59] {strides = array<i32>} : memref<64x16xf32, #tpu.memory_space<vmem>>, vector<1x16xf32>,
      %get3A_61 = vector.shape_cast %get3A_60 : vector<1x16xf32> to vector<16xf32>
      %add3A_62 = arith.constant 32 : i32
      %add3A_63 = arith.addi %add3A_62, %scan3A_56 : i32
      %get3A_64 = arith.index_cast %add3A_63 : i32 to index
      %get3A_65 = arith.constant 0 : index
      %get3A_66 = tpu.vector_load %arg15[%get3A_64, %get3A_65] {strides = array<i32>} : memref<64x16xf32, #tpu.memory_space<vmem>>, vector<1x16xf32>,
      %get3A_67 = vector.shape_cast %get3A_66 : vector<1x16xf32> to vector<16xf32>
      %get3A_68 = arith.index_cast %scan3A_56 : i32 to index
      %get3A_69 = arith.constant 0 : index
      %get3A_70 = tpu.vector_load %arg13[%get3A_68, %get3A_69] {strides = array<i32>} : memref<32x1024xf32, #tpu.memory_space<vmem>>, vector<1x16xf32>,
      %get3A_71 = vector.shape_cast %get3A_70 : vector<1x16xf32> to vector<16xf32>
      %get3A_72 = arith.index_cast %scan3A_56 : i32 to index
      %get3A_73 = arith.constant 0 : index
      %get3A_74 = tpu.vector_load %arg11[%get3A_72, %get3A_73] {strides = array<i32>} : memref<32x1024xf32, #tpu.memory_space<vmem>>, vector<1x16xf32>,
      %get3A_75 = vector.shape_cast %get3A_74 : vector<1x16xf32> to vector<16xf32>
      %mul3A_76 = arith.mulf %get3A_61, %get3A_75 : vector<16xf32>
      %add3A_77 = arith.addf %get3A_71, %mul3A_76 : vector<16xf32>
      %get3A_78 = arith.index_cast %scan3A_56 : i32 to index
      %get3A_79 = arith.constant 0 : index
      %get3A_80 = tpu.vector_load %arg12[%get3A_78, %get3A_79] {strides = array<i32>} : memref<32x1024xf32, #tpu.memory_space<vmem>>, vector<1x16xf32>,
      %get3A_81 = vector.shape_cast %get3A_80 : vector<1x16xf32> to vector<16xf32>
      %mul3A_82 = arith.mulf %get3A_67, %get3A_81 : vector<16xf32>
      %add3A_83 = arith.addf %add3A_77, %mul3A_82 : vector<16xf32>
      %swap3A = arith.index_cast %scan3A_56 : i32 to index
      %swap3A_84 = arith.constant 0 : index
      %swap3A_85 = tpu.vector_load %arg13[%swap3A, %swap3A_84] {strides = array<i32>} : memref<32x1024xf32, #tpu.memory_space<vmem>>, vector<1x16xf32>,
      %swap3A_86 = vector.shape_cast %swap3A_85 : vector<1x16xf32> to vector<16xf32>
      %swap3A_87 = vector.shape_cast %add3A_83 : vector<16xf32> to vector<1x16xf32>
      tpu.vector_store %arg13[%swap3A, %swap3A_84], %swap3A_87 {strides = array<i32>} : memref<32x1024xf32, #tpu.memory_space<vmem>>, vector<1x16xf32>,
      %get3A_88 = arith.index_cast %scan3A_56 : i32 to index
      %get3A_89 = arith.constant 16 : index
      %get3A_90 = tpu.vector_load %arg13[%get3A_88, %get3A_89] {strides = array<i32>} : memref<32x1024xf32, #tpu.memory_space<vmem>>, vector<1x16xf32>,
      %get3A_91 = vector.shape_cast %get3A_90 : vector<1x16xf32> to vector<16xf32>
      %get3A_92 = arith.index_cast %scan3A_56 : i32 to index
      %get3A_93 = arith.constant 16 : index
      %get3A_94 = tpu.vector_load %arg11[%get3A_92, %get3A_93] {strides = array<i32>} : memref<32x1024xf32, #tpu.memory_space<vmem>>, vector<1x16xf32>,
      %get3A_95 = vector.shape_cast %get3A_94 : vector<1x16xf32> to vector<16xf32>
      %mul3A_96 = arith.mulf %get3A_61, %get3A_95 : vector<16xf32>
      %add3A_97 = arith.addf %get3A_91, %mul3A_96 : vector<16xf32>
      %get3A_98 = arith.index_cast %scan3A_56 : i32 to index
      %get3A_99 = arith.constant 16 : index
      %get3A_100 = tpu.vector_load %arg12[%get3A_98, %get3A_99] {strides = array<i32>} : memref<32x1024xf32, #tpu.memory_space<vmem>>, vector<1x16xf32>,
      %get3A_101 = vector.shape_cast %get3A_100 : vector<1x16xf32> to vector<16xf32>
      %mul3A_102 = arith.mulf %get3A_67, %get3A_101 : vector<16xf32>
      %add3A_103 = arith.addf %add3A_97, %mul3A_102 : vector<16xf32>
      %swap3A_104 = arith.index_cast %scan3A_56 : i32 to index
      %swap3A_105 = arith.constant 16 : index
      %swap3A_106 = tpu.vector_load %arg13[%swap3A_104, %swap3A_105] {strides = array<i32>} : memref<32x1024xf32, #tpu.memory_space<vmem>>, vector<1x16xf32>,
      %swap3A_107 = vector.shape_cast %swap3A_106 : vector<1x16xf32> to vector<16xf32>
      %swap3A_108 = vector.shape_cast %add3A_103 : vector<16xf32> to vector<1x16xf32>
      tpu.vector_store %arg13[%swap3A_104, %swap3A_105], %swap3A_108 {strides = array<i32>} : memref<32x1024xf32, #tpu.memory_space<vmem>>, vector<1x16xf32>,
      %get3A_109 = arith.index_cast %scan3A_56 : i32 to index
      %get3A_110 = arith.constant 32 : index
      %get3A_111 = tpu.vector_load %arg13[%get3A_109, %get3A_110] {strides = array<i32>} : memref<32x1024xf32, #tpu.memory_space<vmem>>, vector<1x16xf32>,
      %get3A_112 = vector.shape_cast %get3A_111 : vector<1x16xf32> to vector<16xf32>
      %get3A_113 = arith.index_cast %scan3A_56 : i32 to index
      %get3A_114 = arith.constant 32 : index
      %get3A_115 = tpu.vector_load %arg11[%get3A_113, %get3A_114] {strides = array<i32>} : memref<32x1024xf32, #tpu.memory_space<vmem>>, vector<1x16xf32>,
      %get3A_116 = vector.shape_cast %get3A_115 : vector<1x16xf32> to vector<16xf32>
      %mul3A_117 = arith.mulf %get3A_61, %get3A_116 : vector<16xf32>
      %add3A_118 = arith.addf %get3A_112, %mul3A_117 : vector<16xf32>
      %get3A_119 = arith.index_cast %scan3A_56 : i32 to index
      %get3A_120 = arith.constant 32 : index
      %get3A_121 = tpu.vector_load %arg12[%get3A_119, %get3A_120] {strides = array<i32>} : memref<32x1024xf32, #tpu.memory_space<vmem>>, vector<1x16xf32>,
      %get3A_122 = vector.shape_cast %get3A_121 : vector<1x16xf32> to vector<16xf32>
      %mul3A_123 = arith.mulf %get3A_67, %get3A_122 : vector<16xf32>
      %add3A_124 = arith.addf %add3A_118, %mul3A_123 : vector<16xf32>
      %swap3A_125 = arith.index_cast %scan3A_56 : i32 to index
      %swap3A_126 = arith.constant 32 : index
      %swap3A_127 = tpu.vector_load %arg13[%swap3A_125, %swap3A_126] {strides = array<i32>} : memref<32x1024xf32, #tpu.memory_space<vmem>>, vector<1x16xf32>,
      %swap3A_128 = vector.shape_cast %swap3A_127 : vector<1x16xf32> to vector<16xf32>
      %swap3A_129 = vector.shape_cast %add3A_124 : vector<16xf32> to vector<1x16xf32>
      tpu.vector_store %arg13[%swap3A_125, %swap3A_126], %swap3A_129 {strides = array<i32>} : memref<32x1024xf32, #tpu.memory_space<vmem>>, vector<1x16xf32>,
      %get3A_130 = arith.index_cast %scan3A_56 : i32 to index
      %get3A_131 = arith.constant 48 : index
      %get3A_132 = tpu.vector_load %arg13[%get3A_130, %get3A_131] {strides = array<i32>} : memref<32x1024xf32, #tpu.memory_space<vmem>>, vector<1x16xf32>,
      %get3A_133 = vector.shape_cast %get3A_132 : vector<1x16xf32> to vector<16xf32>
      %get3A_134 = arith.index_cast %scan3A_56 : i32 to index
      %get3A_135 = arith.constant 48 : index
      %get3A_136 = tpu.vector_load %arg11[%get3A_134, %get3A_135] {strides = array<i32>} : memref<32x1024xf32, #tpu.memory_space<vmem>>, vector<1x16xf32>,
      %get3A_137 = vector.shape_cast %get3A_136 : vector<1x16xf32> to vector<16xf32>
      %mul3A_138 = arith.mulf %get3A_61, %get3A_137 : vector<16xf32>
      %add3A_139 = arith.addf %get3A_133, %mul3A_138 : vector<16xf32>
      %get3A_140 = arith.index_cast %scan3A_56 : i32 to index
      %get3A_141 = arith.constant 48 : index
      %get3A_142 = tpu.vector_load %arg12[%get3A_140, %get3A_141] {strides = array<i32>} : memref<32x1024xf32, #tpu.memory_space<vmem>>, vector<1x16xf32>,
      %get3A_143 = vector.shape_cast %get3A_142 : vector<1x16xf32> to vector<16xf32>
      %mul3A_144 = arith.mulf %get3A_67, %get3A_143 : vector<16xf32>
      %add3A_145 = arith.addf %add3A_139, %mul3A_144 : vector<16xf32>
      %swap3A_146 = arith.index_cast %scan3A_56 : i32 to index
      %swap3A_147 = arith.constant 48 : index
      %swap3A_148 = tpu.vector_load %arg13[%swap3A_146, %swap3A_147] {strides = array<i32>} : memref<32x1024xf32, #tpu.memory_space<vmem>>, vector<1x16xf32>,
      %swap3A_149 = vector.shape_cast %swap3A_148 : vector<1x16xf32> to vector<16xf32>
      %swap3A_150 = vector.shape_cast %add3A_145 : vector<16xf32> to vector<1x16xf32>
      tpu.vector_store %arg13[%swap3A_146, %swap3A_147], %swap3A_150 {strides = array<i32>} : memref<32x1024xf32, #tpu.memory_space<vmem>>, vector<1x16xf32>,
      %get3A_151 = arith.index_cast %scan3A_56 : i32 to index
      %get3A_152 = arith.constant 64 : index
      %get3A_153 = tpu.vector_load %arg13[%get3A_151, %get3A_152] {strides = array<i32>} : memref<32x1024xf32, #tpu.memory_space<vmem>>, vector<1x16xf32>,
      %get3A_154 = vector.shape_cast %get3A_153 : vector<1x16xf32> to vector<16xf32>
      %get3A_155 = arith.index_cast %scan3A_56 : i32 to index
      %get3A_156 = arith.constant 64 : index
      %get3A_157 = tpu.vector_load %arg11[%get3A_155, %get3A_156] {strides = array<i32>} : memref<32x1024xf32, #tpu.memory_space<vmem>>, vector<1x16xf32>,
      %get3A_158 = vector.shape_cast %get3A_157 : vector<1x16xf32> to vector<16xf32>
      %mul3A_159 = arith.mulf %get3A_61, %get3A_158 : vector<16xf32>
      %add3A_160 = arith.addf %get3A_154, %mul3A_159 : vector<16xf32>
      %get3A_161 = arith.index_cast %scan3A_56 : i32 to index
      %get3A_162 = arith.constant 64 : index
      %get3A_163 = tpu.vector_load %arg12[%get3A_161, %get3A_162] {strides = array<i32>} : memref<32x1024xf32, #tpu.memory_space<vmem>>, vector<1x16xf32>,
      %get3A_164 = vector.shape_cast %get3A_163 : vector<1x16xf32> to vector<16xf32>
      %mul3A_165 = arith.mulf %get3A_67, %get3A_164 : vector<16xf32>
      %add3A_166 = arith.addf %add3A_160, %mul3A_165 : vector<16xf32>
      %swap3A_167 = arith.index_cast %scan3A_56 : i32 to index
      %swap3A_168 = arith.constant 64 : index
      %swap3A_169 = tpu.vector_load %arg13[%swap3A_167, %swap3A_168] {strides = array<i32>} : memref<32x1024xf32, #tpu.memory_space<vmem>>, vector<1x16xf32>,
      %swap3A_170 = vector.shape_cast %swap3A_169 : vector<1x16xf32> to vector<16xf32>
      %swap3A_171 = vector.shape_cast %add3A_166 : vector<16xf32> to vector<1x16xf32>
      tpu.vector_store %arg13[%swap3A_167, %swap3A_168], %swap3A_171 {strides = array<i32>} : memref<32x1024xf32, #tpu.memory_space<vmem>>, vector<1x16xf32>,
      %get3A_172 = arith.index_cast %scan3A_56 : i32 to index
      %get3A_173 = arith.constant 80 : index
      %get3A_174 = tpu.vector_load %arg13[%get3A_172, %get3A_173] {strides = array<i32>} : memref<32x1024xf32, #tpu.memory_space<vmem>>, vector<1x16xf32>,
      %get3A_175 = vector.shape_cast %get3A_174 : vector<1x16xf32> to vector<16xf32>
      %get3A_176 = arith.index_cast %scan3A_56 : i32 to index
      %get3A_177 = arith.constant 80 : index
      %get3A_178 = tpu.vector_load %arg11[%get3A_176, %get3A_177] {strides = array<i32>} : memref<32x1024xf32, #tpu.memory_space<vmem>>, vector<1x16xf32>,
      %get3A_179 = vector.shape_cast %get3A_178 : vector<1x16xf32> to vector<16xf32>
      %mul3A_180 = arith.mulf %get3A_61, %get3A_179 : vector<16xf32>
      %add3A_181 = arith.addf %get3A_175, %mul3A_180 : vector<16xf32>
      %get3A_182 = arith.index_cast %scan3A_56 : i32 to index
      %get3A_183 = arith.constant 80 : index
      %get3A_184 = tpu.vector_load %arg12[%get3A_182, %get3A_183] {strides = array<i32>} : memref<32x1024xf32, #tpu.memory_space<vmem>>, vector<1x16xf32>,
      %get3A_185 = vector.shape_cast %get3A_184 : vector<1x16xf32> to vector<16xf32>
      %mul3A_186 = arith.mulf %get3A_67, %get3A_185 : vector<16xf32>
      %add3A_187 = arith.addf %add3A_181, %mul3A_186 : vector<16xf32>
      %swap3A_188 = arith.index_cast %scan3A_56 : i32 to index
      %swap3A_189 = arith.constant 80 : index
      %swap3A_190 = tpu.vector_load %arg13[%swap3A_188, %swap3A_189] {strides = array<i32>} : memref<32x1024xf32, #tpu.memory_space<vmem>>, vector<1x16xf32>,
      %swap3A_191 = vector.shape_cast %swap3A_190 : vector<1x16xf32> to vector<16xf32>
      %swap3A_192 = vector.shape_cast %add3A_187 : vector<16xf32> to vector<1x16xf32>
      tpu.vector_store %arg13[%swap3A_188, %swap3A_189], %swap3A_192 {strides = array<i32>} : memref<32x1024xf32, #tpu.memory_space<vmem>>, vector<1x16xf32>,
      %get3A_193 = arith.index_cast %scan3A_56 : i32 to index
      %get3A_194 = arith.constant 96 : index
      %get3A_195 = tpu.vector_load %arg13[%get3A_193, %get3A_194] {strides = array<i32>} : memref<32x1024xf32, #tpu.memory_space<vmem>>, vector<1x16xf32>,
      %get3A_196 = vector.shape_cast %get3A_195 : vector<1x16xf32> to vector<16xf32>
      %get3A_197 = arith.index_cast %scan3A_56 : i32 to index
      %get3A_198 = arith.constant 96 : index
      %get3A_199 = tpu.vector_load %arg11[%get3A_197, %get3A_198] {strides = array<i32>} : memref<32x1024xf32, #tpu.memory_space<vmem>>, vector<1x16xf32>,
      %get3A_200 = vector.shape_cast %get3A_199 : vector<1x16xf32> to vector<16xf32>
      %mul3A_201 = arith.mulf %get3A_61, %get3A_200 : vector<16xf32>
      %add3A_202 = arith.addf %get3A_196, %mul3A_201 : vector<16xf32>
      %get3A_203 = arith.index_cast %scan3A_56 : i32 to index
      %get3A_204 = arith.constant 96 : index
      %get3A_205 = tpu.vector_load %arg12[%get3A_203, %get3A_204] {strides = array<i32>} : memref<32x1024xf32, #tpu.memory_space<vmem>>, vector<1x16xf32>,
      %get3A_206 = vector.shape_cast %get3A_205 : vector<1x16xf32> to vector<16xf32>
      %mul3A_207 = arith.mulf %get3A_67, %get3A_206 : vector<16xf32>
      %add3A_208 = arith.addf %add3A_202, %mul3A_207 : vector<16xf32>
      %swap3A_209 = arith.index_cast %scan3A_56 : i32 to index
      %swap3A_210 = arith.constant 96 : index
      %swap3A_211 = tpu.vector_load %arg13[%swap3A_209, %swap3A_210] {strides = array<i32>} : memref<32x1024xf32, #tpu.memory_space<vmem>>, vector<1x16xf32>,
      %swap3A_212 = vector.shape_cast %swap3A_211 : vector<1x16xf32> to vector<16xf32>
      %swap3A_213 = vector.shape_cast %add3A_208 : vector<16xf32> to vector<1x16xf32>
      tpu.vector_store %arg13[%swap3A_209, %swap3A_210], %swap3A_213 {strides = array<i32>} : memref<32x1024xf32, #tpu.memory_space<vmem>>, vector<1x16xf32>,
      %get3A_214 = arith.index_cast %scan3A_56 : i32 to index
      %get3A_215 = arith.constant 112 : index
      %get3A_216 = tpu.vector_load %arg13[%get3A_214, %get3A_215] {strides = array<i32>} : memref<32x1024xf32, #tpu.memory_space<vmem>>, vector<1x16xf32>,
      %get3A_217 = vector.shape_cast %get3A_216 : vector<1x16xf32> to vector<16xf32>
      %get3A_218 = arith.index_cast %scan3A_56 : i32 to index
      %get3A_219 = arith.constant 112 : index
      %get3A_220 = tpu.vector_load %arg11[%get3A_218, %get3A_219] {strides = array<i32>} : memref<32x1024xf32, #tpu.memory_space<vmem>>, vector<1x16xf32>,
      %get3A_221 = vector.shape_cast %get3A_220 : vector<1x16xf32> to vector<16xf32>
      %mul3A_222 = arith.mulf %get3A_61, %get3A_221 : vector<16xf32>
      %add3A_223 = arith.addf %get3A_217, %mul3A_222 : vector<16xf32>
      %get3A_224 = arith.index_cast %scan3A_56 : i32 to index
      %get3A_225 = arith.constant 112 : index
      %get3A_226 = tpu.vector_load %arg12[%get3A_224, %get3A_225] {strides = array<i32>} : memref<32x1024xf32, #tpu.memory_space<vmem>>, vector<1x16xf32>,
      %get3A_227 = vector.shape_cast %get3A_226 : vector<1x16xf32> to vector<16xf32>
      %mul3A_228 = arith.mulf %get3A_67, %get3A_227 : vector<16xf32>
      %add3A_229 = arith.addf %add3A_223, %mul3A_228 : vector<16xf32>
      %swap3A_230 = arith.index_cast %scan3A_56 : i32 to index
      %swap3A_231 = arith.constant 112 : index
      %swap3A_232 = tpu.vector_load %arg13[%swap3A_230, %swap3A_231] {strides = array<i32>} : memref<32x1024xf32, #tpu.memory_space<vmem>>, vector<1x16xf32>,
      %swap3A_233 = vector.shape_cast %swap3A_232 : vector<1x16xf32> to vector<16xf32>
      %swap3A_234 = vector.shape_cast %add3A_229 : vector<16xf32> to vector<1x16xf32>
      tpu.vector_store %arg13[%swap3A_230, %swap3A_231], %swap3A_234 {strides = array<i32>} : memref<32x1024xf32, #tpu.memory_space<vmem>>, vector<1x16xf32>,
      %get3A_235 = arith.index_cast %scan3A_56 : i32 to index
      %get3A_236 = arith.constant 128 : index
      %get3A_237 = tpu.vector_load %arg13[%get3A_235, %get3A_236] {strides = array<i32>} : memref<32x1024xf32, #tpu.memory_space<vmem>>, vector<1x16xf32>,
      %get3A_238 = vector.shape_cast %get3A_237 : vector<1x16xf32> to vector<16xf32>
      %get3A_239 = arith.index_cast %scan3A_56 : i32 to index
      %get3A_240 = arith.constant 128 : index
      %get3A_241 = tpu.vector_load %arg11[%get3A_239, %get3A_240] {strides = array<i32>} : memref<32x1024xf32, #tpu.memory_space<vmem>>, vector<1x16xf32>,
      %get3A_242 = vector.shape_cast %get3A_241 : vector<1x16xf32> to vector<16xf32>
      %mul3A_243 = arith.mulf %get3A_61, %get3A_242 : vector<16xf32>
      %add3A_244 = arith.addf %get3A_238, %mul3A_243 : vector<16xf32>
      %get3A_245 = arith.index_cast %scan3A_56 : i32 to index
      %get3A_246 = arith.constant 128 : index
      %get3A_247 = tpu.vector_load %arg12[%get3A_245, %get3A_246] {strides = array<i32>} : memref<32x1024xf32, #tpu.memory_space<vmem>>, vector<1x16xf32>,
      %get3A_248 = vector.shape_cast %get3A_247 : vector<1x16xf32> to vector<16xf32>
      %mul3A_249 = arith.mulf %get3A_67, %get3A_248 : vector<16xf32>
      %add3A_250 = arith.addf %add3A_244, %mul3A_249 : vector<16xf32>
      %swap3A_251 = arith.index_cast %scan3A_56 : i32 to index
      %swap3A_252 = arith.constant 128 : index
      %swap3A_253 = tpu.vector_load %arg13[%swap3A_251, %swap3A_252] {strides = array<i32>} : memref<32x1024xf32, #tpu.memory_space<vmem>>, vector<1x16xf32>,
      %swap3A_254 = vector.shape_cast %swap3A_253 : vector<1x16xf32> to vector<16xf32>
      %swap3A_255 = vector.shape_cast %add3A_250 : vector<16xf32> to vector<1x16xf32>
      tpu.vector_store %arg13[%swap3A_251, %swap3A_252], %swap3A_255 {strides = array<i32>} : memref<32x1024xf32, #tpu.memory_space<vmem>>, vector<1x16xf32>,
      %get3A_256 = arith.index_cast %scan3A_56 : i32 to index
      %get3A_257 = arith.constant 144 : index
      %get3A_258 = tpu.vector_load %arg13[%get3A_256, %get3A_257] {strides = array<i32>} : memref<32x1024xf32, #tpu.memory_space<vmem>>, vector<1x16xf32>,
      %get3A_259 = vector.shape_cast %get3A_258 : vector<1x16xf32> to vector<16xf32>
      %get3A_260 = arith.index_cast %scan3A_56 : i32 to index
      %get3A_261 = arith.constant 144 : index
      %get3A_262 = tpu.vector_load %arg11[%get3A_260, %get3A_261] {strides = array<i32>} : memref<32x1024xf32, #tpu.memory_space<vmem>>, vector<1x16xf32>,
      %get3A_263 = vector.shape_cast %get3A_262 : vector<1x16xf32> to vector<16xf32>
      %mul3A_264 = arith.mulf %get3A_61, %get3A_263 : vector<16xf32>
      %add3A_265 = arith.addf %get3A_259, %mul3A_264 : vector<16xf32>
      %get3A_266 = arith.index_cast %scan3A_56 : i32 to index
      %get3A_267 = arith.constant 144 : index
      %get3A_268 = tpu.vector_load %arg12[%get3A_266, %get3A_267] {strides = array<i32>} : memref<32x1024xf32, #tpu.memory_space<vmem>>, vector<1x16xf32>,
      %get3A_269 = vector.shape_cast %get3A_268 : vector<1x16xf32> to vector<16xf32>
      %mul3A_270 = arith.mulf %get3A_67, %get3A_269 : vector<16xf32>
      %add3A_271 = arith.addf %add3A_265, %mul3A_270 : vector<16xf32>
      %swap3A_272 = arith.index_cast %scan3A_56 : i32 to index
      %swap3A_273 = arith.constant 144 : index
      %swap3A_274 = tpu.vector_load %arg13[%swap3A_272, %swap3A_273] {strides = array<i32>} : memref<32x1024xf32, #tpu.memory_space<vmem>>, vector<1x16xf32>,
      %swap3A_275 = vector.shape_cast %swap3A_274 : vector<1x16xf32> to vector<16xf32>
      %swap3A_276 = vector.shape_cast %add3A_271 : vector<16xf32> to vector<1x16xf32>
      tpu.vector_store %arg13[%swap3A_272, %swap3A_273], %swap3A_276 {strides = array<i32>} : memref<32x1024xf32, #tpu.memory_space<vmem>>, vector<1x16xf32>,
      %get3A_277 = arith.index_cast %scan3A_56 : i32 to index
      %get3A_278 = arith.constant 160 : index
      %get3A_279 = tpu.vector_load %arg13[%get3A_277, %get3A_278] {strides = array<i32>} : memref<32x1024xf32, #tpu.memory_space<vmem>>, vector<1x16xf32>,
      %get3A_280 = vector.shape_cast %get3A_279 : vector<1x16xf32> to vector<16xf32>
      %get3A_281 = arith.index_cast %scan3A_56 : i32 to index
      %get3A_282 = arith.constant 160 : index
      %get3A_283 = tpu.vector_load %arg11[%get3A_281, %get3A_282] {strides = array<i32>} : memref<32x1024xf32, #tpu.memory_space<vmem>>, vector<1x16xf32>,
      %get3A_284 = vector.shape_cast %get3A_283 : vector<1x16xf32> to vector<16xf32>
      %mul3A_285 = arith.mulf %get3A_61, %get3A_284 : vector<16xf32>
      %add3A_286 = arith.addf %get3A_280, %mul3A_285 : vector<16xf32>
      %get3A_287 = arith.index_cast %scan3A_56 : i32 to index
      %get3A_288 = arith.constant 160 : index
      %get3A_289 = tpu.vector_load %arg12[%get3A_287, %get3A_288] {strides = array<i32>} : memref<32x1024xf32, #tpu.memory_space<vmem>>, vector<1x16xf32>,
      %get3A_290 = vector.shape_cast %get3A_289 : vector<1x16xf32> to vector<16xf32>
      %mul3A_291 = arith.mulf %get3A_67, %get3A_290 : vector<16xf32>
      %add3A_292 = arith.addf %add3A_286, %mul3A_291 : vector<16xf32>
      %swap3A_293 = arith.index_cast %scan3A_56 : i32 to index
      %swap3A_294 = arith.constant 160 : index
      %swap3A_295 = tpu.vector_load %arg13[%swap3A_293, %swap3A_294] {strides = array<i32>} : memref<32x1024xf32, #tpu.memory_space<vmem>>, vector<1x16xf32>,
      %swap3A_296 = vector.shape_cast %swap3A_295 : vector<1x16xf32> to vector<16xf32>
      %swap3A_297 = vector.shape_cast %add3A_292 : vector<16xf32> to vector<1x16xf32>
      tpu.vector_store %arg13[%swap3A_293, %swap3A_294], %swap3A_297 {strides = array<i32>} : memref<32x1024xf32, #tpu.memory_space<vmem>>, vector<1x16xf32>,
      %get3A_298 = arith.index_cast %scan3A_56 : i32 to index
      %get3A_299 = arith.constant 176 : index
      %get3A_300 = tpu.vector_load %arg13[%get3A_298, %get3A_299] {strides = array<i32>} : memref<32x1024xf32, #tpu.memory_space<vmem>>, vector<1x16xf32>,
      %get3A_301 = vector.shape_cast %get3A_300 : vector<1x16xf32> to vector<16xf32>
      %get3A_302 = arith.index_cast %scan3A_56 : i32 to index
      %get3A_303 = arith.constant 176 : index
      %get3A_304 = tpu.vector_load %arg11[%get3A_302, %get3A_303] {strides = array<i32>} : memref<32x1024xf32, #tpu.memory_space<vmem>>, vector<1x16xf32>,
      %get3A_305 = vector.shape_cast %get3A_304 : vector<1x16xf32> to vector<16xf32>
      %mul3A_306 = arith.mulf %get3A_61, %get3A_305 : vector<16xf32>
      %add3A_307 = arith.addf %get3A_301, %mul3A_306 : vector<16xf32>
      %get3A_308 = arith.index_cast %scan3A_56 : i32 to index
      %get3A_309 = arith.constant 176 : index
      %get3A_310 = tpu.vector_load %arg12[%get3A_308, %get3A_309] {strides = array<i32>} : memref<32x1024xf32, #tpu.memory_space<vmem>>, vector<1x16xf32>,
      %get3A_311 = vector.shape_cast %get3A_310 : vector<1x16xf32> to vector<16xf32>
      %mul3A_312 = arith.mulf %get3A_67, %get3A_311 : vector<16xf32>
      %add3A_313 = arith.addf %add3A_307, %mul3A_312 : vector<16xf32>
      %swap3A_314 = arith.index_cast %scan3A_56 : i32 to index
      %swap3A_315 = arith.constant 176 : index
      %swap3A_316 = tpu.vector_load %arg13[%swap3A_314, %swap3A_315] {strides = array<i32>} : memref<32x1024xf32, #tpu.memory_space<vmem>>, vector<1x16xf32>,
      %swap3A_317 = vector.shape_cast %swap3A_316 : vector<1x16xf32> to vector<16xf32>
      %swap3A_318 = vector.shape_cast %add3A_313 : vector<16xf32> to vector<1x16xf32>
      tpu.vector_store %arg13[%swap3A_314, %swap3A_315], %swap3A_318 {strides = array<i32>} : memref<32x1024xf32, #tpu.memory_space<vmem>>, vector<1x16xf32>,
      %get3A_319 = arith.index_cast %scan3A_56 : i32 to index
      %get3A_320 = arith.constant 192 : index
      %get3A_321 = tpu.vector_load %arg13[%get3A_319, %get3A_320] {strides = array<i32>} : memref<32x1024xf32, #tpu.memory_space<vmem>>, vector<1x16xf32>,
      %get3A_322 = vector.shape_cast %get3A_321 : vector<1x16xf32> to vector<16xf32>
      %get3A_323 = arith.index_cast %scan3A_56 : i32 to index
      %get3A_324 = arith.constant 192 : index
      %get3A_325 = tpu.vector_load %arg11[%get3A_323, %get3A_324] {strides = array<i32>} : memref<32x1024xf32, #tpu.memory_space<vmem>>, vector<1x16xf32>,
      %get3A_326 = vector.shape_cast %get3A_325 : vector<1x16xf32> to vector<16xf32>
      %mul3A_327 = arith.mulf %get3A_61, %get3A_326 : vector<16xf32>
      %add3A_328 = arith.addf %get3A_322, %mul3A_327 : vector<16xf32>
      %get3A_329 = arith.index_cast %scan3A_56 : i32 to index
      %get3A_330 = arith.constant 192 : index
      %get3A_331 = tpu.vector_load %arg12[%get3A_329, %get3A_330] {strides = array<i32>} : memref<32x1024xf32, #tpu.memory_space<vmem>>, vector<1x16xf32>,
      %get3A_332 = vector.shape_cast %get3A_331 : vector<1x16xf32> to vector<16xf32>
      %mul3A_333 = arith.mulf %get3A_67, %get3A_332 : vector<16xf32>
      %add3A_334 = arith.addf %add3A_328, %mul3A_333 : vector<16xf32>
      %swap3A_335 = arith.index_cast %scan3A_56 : i32 to index
      %swap3A_336 = arith.constant 192 : index
      %swap3A_337 = tpu.vector_load %arg13[%swap3A_335, %swap3A_336] {strides = array<i32>} : memref<32x1024xf32, #tpu.memory_space<vmem>>, vector<1x16xf32>,
      %swap3A_338 = vector.shape_cast %swap3A_337 : vector<1x16xf32> to vector<16xf32>
      %swap3A_339 = vector.shape_cast %add3A_334 : vector<16xf32> to vector<1x16xf32>
      tpu.vector_store %arg13[%swap3A_335, %swap3A_336], %swap3A_339 {strides = array<i32>} : memref<32x1024xf32, #tpu.memory_space<vmem>>, vector<1x16xf32>,
      %get3A_340 = arith.index_cast %scan3A_56 : i32 to index
      %get3A_341 = arith.constant 208 : index
      %get3A_342 = tpu.vector_load %arg13[%get3A_340, %get3A_341] {strides = array<i32>} : memref<32x1024xf32, #tpu.memory_space<vmem>>, vector<1x16xf32>,
      %get3A_343 = vector.shape_cast %get3A_342 : vector<1x16xf32> to vector<16xf32>
      %get3A_344 = arith.index_cast %scan3A_56 : i32 to index
      %get3A_345 = arith.constant 208 : index
      %get3A_346 = tpu.vector_load %arg11[%get3A_344, %get3A_345] {strides = array<i32>} : memref<32x1024xf32, #tpu.memory_space<vmem>>, vector<1x16xf32>,
      %get3A_347 = vector.shape_cast %get3A_346 : vector<1x16xf32> to vector<16xf32>
      %mul3A_348 = arith.mulf %get3A_61, %get3A_347 : vector<16xf32>
      %add3A_349 = arith.addf %get3A_343, %mul3A_348 : vector<16xf32>
      %get3A_350 = arith.index_cast %scan3A_56 : i32 to index
      %get3A_351 = arith.constant 208 : index
      %get3A_352 = tpu.vector_load %arg12[%get3A_350, %get3A_351] {strides = array<i32>} : memref<32x1024xf32, #tpu.memory_space<vmem>>, vector<1x16xf32>,
      %get3A_353 = vector.shape_cast %get3A_352 : vector<1x16xf32> to vector<16xf32>
      %mul3A_354 = arith.mulf %get3A_67, %get3A_353 : vector<16xf32>
      %add3A_355 = arith.addf %add3A_349, %mul3A_354 : vector<16xf32>
      %swap3A_356 = arith.index_cast %scan3A_56 : i32 to index
      %swap3A_357 = arith.constant 208 : index
      %swap3A_358 = tpu.vector_load %arg13[%swap3A_356, %swap3A_357] {strides = array<i32>} : memref<32x1024xf32, #tpu.memory_space<vmem>>, vector<1x16xf32>,
      %swap3A_359 = vector.shape_cast %swap3A_358 : vector<1x16xf32> to vector<16xf32>
      %swap3A_360 = vector.shape_cast %add3A_355 : vector<16xf32> to vector<1x16xf32>
      tpu.vector_store %arg13[%swap3A_356, %swap3A_357], %swap3A_360 {strides = array<i32>} : memref<32x1024xf32, #tpu.memory_space<vmem>>, vector<1x16xf32>,
      %get3A_361 = arith.index_cast %scan3A_56 : i32 to index
      %get3A_362 = arith.constant 224 : index
      %get3A_363 = tpu.vector_load %arg13[%get3A_361, %get3A_362] {strides = array<i32>} : memref<32x1024xf32, #tpu.memory_space<vmem>>, vector<1x16xf32>,
      %get3A_364 = vector.shape_cast %get3A_363 : vector<1x16xf32> to vector<16xf32>
      %get3A_365 = arith.index_cast %scan3A_56 : i32 to index
      %get3A_366 = arith.constant 224 : index
      %get3A_367 = tpu.vector_load %arg11[%get3A_365, %get3A_366] {strides = array<i32>} : memref<32x1024xf32, #tpu.memory_space<vmem>>, vector<1x16xf32>,
      %get3A_368 = vector.shape_cast %get3A_367 : vector<1x16xf32> to vector<16xf32>
      %mul3A_369 = arith.mulf %get3A_61, %get3A_368 : vector<16xf32>
      %add3A_370 = arith.addf %get3A_364, %mul3A_369 : vector<16xf32>
      %get3A_371 = arith.index_cast %scan3A_56 : i32 to index
      %get3A_372 = arith.constant 224 : index
      %get3A_373 = tpu.vector_load %arg12[%get3A_371, %get3A_372] {strides = array<i32>} : memref<32x1024xf32, #tpu.memory_space<vmem>>, vector<1x16xf32>,
      %get3A_374 = vector.shape_cast %get3A_373 : vector<1x16xf32> to vector<16xf32>
      %mul3A_375 = arith.mulf %get3A_67, %get3A_374 : vector<16xf32>
      %add3A_376 = arith.addf %add3A_370, %mul3A_375 : vector<16xf32>
      %swap3A_377 = arith.index_cast %scan3A_56 : i32 to index
      %swap3A_378 = arith.constant 224 : index
      %swap3A_379 = tpu.vector_load %arg13[%swap3A_377, %swap3A_378] {strides = array<i32>} : memref<32x1024xf32, #tpu.memory_space<vmem>>, vector<1x16xf32>,
      %swap3A_380 = vector.shape_cast %swap3A_379 : vector<1x16xf32> to vector<16xf32>
      %swap3A_381 = vector.shape_cast %add3A_376 : vector<16xf32> to vector<1x16xf32>
      tpu.vector_store %arg13[%swap3A_377, %swap3A_378], %swap3A_381 {strides = array<i32>} : memref<32x1024xf32, #tpu.memory_space<vmem>>, vector<1x16xf32>,
      %get3A_382 = arith.index_cast %scan3A_56 : i32 to index
      %get3A_383 = arith.constant 240 : index
      %get3A_384 = tpu.vector_load %arg13[%get3A_382, %get3A_383] {strides = array<i32>} : memref<32x1024xf32, #tpu.memory_space<vmem>>, vector<1x16xf32>,
      %get3A_385 = vector.shape_cast %get3A_384 : vector<1x16xf32> to vector<16xf32>
      %get3A_386 = arith.index_cast %scan3A_56 : i32 to index
      %get3A_387 = arith.constant 240 : index
      %get3A_388 = tpu.vector_load %arg11[%get3A_386, %get3A_387] {strides = array<i32>} : memref<32x1024xf32, #tpu.memory_space<vmem>>, vector<1x16xf32>,
      %get3A_389 = vector.shape_cast %get3A_388 : vector<1x16xf32> to vector<16xf32>
      %mul3A_390 = arith.mulf %get3A_61, %get3A_389 : vector<16xf32>
      %add3A_391 = arith.addf %get3A_385, %mul3A_390 : vector<16xf32>
      %get3A_392 = arith.index_cast %scan3A_56 : i32 to index
      %get3A_393 = arith.constant 240 : index
      %get3A_394 = tpu.vector_load %arg12[%get3A_392, %get3A_393] {strides = array<i32>} : memref<32x1024xf32, #tpu.memory_space<vmem>>, vector<1x16xf32>,
      %get3A_395 = vector.shape_cast %get3A_394 : vector<1x16xf32> to vector<16xf32>
      %mul3A_396 = arith.mulf %get3A_67, %get3A_395 : vector<16xf32>
      %add3A_397 = arith.addf %add3A_391, %mul3A_396 : vector<16xf32>
      %swap3A_398 = arith.index_cast %scan3A_56 : i32 to index
      %swap3A_399 = arith.constant 240 : index
      %swap3A_400 = tpu.vector_load %arg13[%swap3A_398, %swap3A_399] {strides = array<i32>} : memref<32x1024xf32, #tpu.memory_space<vmem>>, vector<1x16xf32>,
      %swap3A_401 = vector.shape_cast %swap3A_400 : vector<1x16xf32> to vector<16xf32>
      %swap3A_402 = vector.shape_cast %add3A_397 : vector<16xf32> to vector<1x16xf32>
      tpu.vector_store %arg13[%swap3A_398, %swap3A_399], %swap3A_402 {strides = array<i32>} : memref<32x1024xf32, #tpu.memory_space<vmem>>, vector<1x16xf32>,
      %get3A_403 = arith.index_cast %scan3A_56 : i32 to index
      %get3A_404 = arith.constant 256 : index
      %get3A_405 = tpu.vector_load %arg13[%get3A_403, %get3A_404] {strides = array<i32>} : memref<32x1024xf32, #tpu.memory_space<vmem>>, vector<1x16xf32>,
      %get3A_406 = vector.shape_cast %get3A_405 : vector<1x16xf32> to vector<16xf32>
      %get3A_407 = arith.index_cast %scan3A_56 : i32 to index
      %get3A_408 = arith.constant 256 : index
      %get3A_409 = tpu.vector_load %arg11[%get3A_407, %get3A_408] {strides = array<i32>} : memref<32x1024xf32, #tpu.memory_space<vmem>>, vector<1x16xf32>,
      %get3A_410 = vector.shape_cast %get3A_409 : vector<1x16xf32> to vector<16xf32>
      %mul3A_411 = arith.mulf %get3A_61, %get3A_410 : vector<16xf32>
      %add3A_412 = arith.addf %get3A_406, %mul3A_411 : vector<16xf32>
      %get3A_413 = arith.index_cast %scan3A_56 : i32 to index
      %get3A_414 = arith.constant 256 : index
      %get3A_415 = tpu.vector_load %arg12[%get3A_413, %get3A_414] {strides = array<i32>} : memref<32x1024xf32, #tpu.memory_space<vmem>>, vector<1x16xf32>,
      %get3A_416 = vector.shape_cast %get3A_415 : vector<1x16xf32> to vector<16xf32>
      %mul3A_417 = arith.mulf %get3A_67, %get3A_416 : vector<16xf32>
      %add3A_418 = arith.addf %add3A_412, %mul3A_417 : vector<16xf32>
      %swap3A_419 = arith.index_cast %scan3A_56 : i32 to index
      %swap3A_420 = arith.constant 256 : index
      %swap3A_421 = tpu.vector_load %arg13[%swap3A_419, %swap3A_420] {strides = array<i32>} : memref<32x1024xf32, #tpu.memory_space<vmem>>, vector<1x16xf32>,
      %swap3A_422 = vector.shape_cast %swap3A_421 : vector<1x16xf32> to vector<16xf32>
      %swap3A_423 = vector.shape_cast %add3A_418 : vector<16xf32> to vector<1x16xf32>
      tpu.vector_store %arg13[%swap3A_419, %swap3A_420], %swap3A_423 {strides = array<i32>} : memref<32x1024xf32, #tpu.memory_space<vmem>>, vector<1x16xf32>,
      %get3A_424 = arith.index_cast %scan3A_56 : i32 to index
      %get3A_425 = arith.constant 272 : index
      %get3A_426 = tpu.vector_load %arg13[%get3A_424, %get3A_425] {strides = array<i32>} : memref<32x1024xf32, #tpu.memory_space<vmem>>, vector<1x16xf32>,
      %get3A_427 = vector.shape_cast %get3A_426 : vector<1x16xf32> to vector<16xf32>
      %get3A_428 = arith.index_cast %scan3A_56 : i32 to index
      %get3A_429 = arith.constant 272 : index
      %get3A_430 = tpu.vector_load %arg11[%get3A_428, %get3A_429] {strides = array<i32>} : memref<32x1024xf32, #tpu.memory_space<vmem>>, vector<1x16xf32>,
      %get3A_431 = vector.shape_cast %get3A_430 : vector<1x16xf32> to vector<16xf32>
      %mul3A_432 = arith.mulf %get3A_61, %get3A_431 : vector<16xf32>
      %add3A_433 = arith.addf %get3A_427, %mul3A_432 : vector<16xf32>
      %get3A_434 = arith.index_cast %scan3A_56 : i32 to index
      %get3A_435 = arith.constant 272 : index
      %get3A_436 = tpu.vector_load %arg12[%get3A_434, %get3A_435] {strides = array<i32>} : memref<32x1024xf32, #tpu.memory_space<vmem>>, vector<1x16xf32>,
      %get3A_437 = vector.shape_cast %get3A_436 : vector<1x16xf32> to vector<16xf32>
      %mul3A_438 = arith.mulf %get3A_67, %get3A_437 : vector<16xf32>
      %add3A_439 = arith.addf %add3A_433, %mul3A_438 : vector<16xf32>
      %swap3A_440 = arith.index_cast %scan3A_56 : i32 to index
      %swap3A_441 = arith.constant 272 : index
      %swap3A_442 = tpu.vector_load %arg13[%swap3A_440, %swap3A_441] {strides = array<i32>} : memref<32x1024xf32, #tpu.memory_space<vmem>>, vector<1x16xf32>,
      %swap3A_443 = vector.shape_cast %swap3A_442 : vector<1x16xf32> to vector<16xf32>
      %swap3A_444 = vector.shape_cast %add3A_439 : vector<16xf32> to vector<1x16xf32>
      tpu.vector_store %arg13[%swap3A_440, %swap3A_441], %swap3A_444 {strides = array<i32>} : memref<32x1024xf32, #tpu.memory_space<vmem>>, vector<1x16xf32>,
      %get3A_445 = arith.index_cast %scan3A_56 : i32 to index
      %get3A_446 = arith.constant 288 : index
      %get3A_447 = tpu.vector_load %arg13[%get3A_445, %get3A_446] {strides = array<i32>} : memref<32x1024xf32, #tpu.memory_space<vmem>>, vector<1x16xf32>,
      %get3A_448 = vector.shape_cast %get3A_447 : vector<1x16xf32> to vector<16xf32>
      %get3A_449 = arith.index_cast %scan3A_56 : i32 to index
      %get3A_450 = arith.constant 288 : index
      %get3A_451 = tpu.vector_load %arg11[%get3A_449, %get3A_450] {strides = array<i32>} : memref<32x1024xf32, #tpu.memory_space<vmem>>, vector<1x16xf32>,
      %get3A_452 = vector.shape_cast %get3A_451 : vector<1x16xf32> to vector<16xf32>
      %mul3A_453 = arith.mulf %get3A_61, %get3A_452 : vector<16xf32>
      %add3A_454 = arith.addf %get3A_448, %mul3A_453 : vector<16xf32>
      %get3A_455 = arith.index_cast %scan3A_56 : i32 to index
      %get3A_456 = arith.constant 288 : index
      %get3A_457 = tpu.vector_load %arg12[%get3A_455, %get3A_456] {strides = array<i32>} : memref<32x1024xf32, #tpu.memory_space<vmem>>, vector<1x16xf32>,
      %get3A_458 = vector.shape_cast %get3A_457 : vector<1x16xf32> to vector<16xf32>
      %mul3A_459 = arith.mulf %get3A_67, %get3A_458 : vector<16xf32>
      %add3A_460 = arith.addf %add3A_454, %mul3A_459 : vector<16xf32>
      %swap3A_461 = arith.index_cast %scan3A_56 : i32 to index
      %swap3A_462 = arith.constant 288 : index
      %swap3A_463 = tpu.vector_load %arg13[%swap3A_461, %swap3A_462] {strides = array<i32>} : memref<32x1024xf32, #tpu.memory_space<vmem>>, vector<1x16xf32>,
      %swap3A_464 = vector.shape_cast %swap3A_463 : vector<1x16xf32> to vector<16xf32>
      %swap3A_465 = vector.shape_cast %add3A_460 : vector<16xf32> to vector<1x16xf32>
      tpu.vector_store %arg13[%swap3A_461, %swap3A_462], %swap3A_465 {strides = array<i32>} : memref<32x1024xf32, #tpu.memory_space<vmem>>, vector<1x16xf32>,
      %get3A_466 = arith.index_cast %scan3A_56 : i32 to index
      %get3A_467 = arith.constant 304 : index
      %get3A_468 = tpu.vector_load %arg13[%get3A_466, %get3A_467] {strides = array<i32>} : memref<32x1024xf32, #tpu.memory_space<vmem>>, vector<1x16xf32>,
      %get3A_469 = vector.shape_cast %get3A_468 : vector<1x16xf32> to vector<16xf32>
      %get3A_470 = arith.index_cast %scan3A_56 : i32 to index
      %get3A_471 = arith.constant 304 : index
      %get3A_472 = tpu.vector_load %arg11[%get3A_470, %get3A_471] {strides = array<i32>} : memref<32x1024xf32, #tpu.memory_space<vmem>>, vector<1x16xf32>,
      %get3A_473 = vector.shape_cast %get3A_472 : vector<1x16xf32> to vector<16xf32>
      %mul3A_474 = arith.mulf %get3A_61, %get3A_473 : vector<16xf32>
      %add3A_475 = arith.addf %get3A_469, %mul3A_474 : vector<16xf32>
      %get3A_476 = arith.index_cast %scan3A_56 : i32 to index
      %get3A_477 = arith.constant 304 : index
      %get3A_478 = tpu.vector_load %arg12[%get3A_476, %get3A_477] {strides = array<i32>} : memref<32x1024xf32, #tpu.memory_space<vmem>>, vector<1x16xf32>,
      %get3A_479 = vector.shape_cast %get3A_478 : vector<1x16xf32> to vector<16xf32>
      %mul3A_480 = arith.mulf %get3A_67, %get3A_479 : vector<16xf32>
      %add3A_481 = arith.addf %add3A_475, %mul3A_480 : vector<16xf32>
      %swap3A_482 = arith.index_cast %scan3A_56 : i32 to index
      %swap3A_483 = arith.constant 304 : index
      %swap3A_484 = tpu.vector_load %arg13[%swap3A_482, %swap3A_483] {strides = array<i32>} : memref<32x1024xf32, #tpu.memory_space<vmem>>, vector<1x16xf32>,
      %swap3A_485 = vector.shape_cast %swap3A_484 : vector<1x16xf32> to vector<16xf32>
      %swap3A_486 = vector.shape_cast %add3A_481 : vector<16xf32> to vector<1x16xf32>
      tpu.vector_store %arg13[%swap3A_482, %swap3A_483], %swap3A_486 {strides = array<i32>} : memref<32x1024xf32, #tpu.memory_space<vmem>>, vector<1x16xf32>,
      %get3A_487 = arith.index_cast %scan3A_56 : i32 to index
      %get3A_488 = arith.constant 320 : index
      %get3A_489 = tpu.vector_load %arg13[%get3A_487, %get3A_488] {strides = array<i32>} : memref<32x1024xf32, #tpu.memory_space<vmem>>, vector<1x16xf32>,
      %get3A_490 = vector.shape_cast %get3A_489 : vector<1x16xf32> to vector<16xf32>
      %get3A_491 = arith.index_cast %scan3A_56 : i32 to index
      %get3A_492 = arith.constant 320 : index
      %get3A_493 = tpu.vector_load %arg11[%get3A_491, %get3A_492] {strides = array<i32>} : memref<32x1024xf32, #tpu.memory_space<vmem>>, vector<1x16xf32>,
      %get3A_494 = vector.shape_cast %get3A_493 : vector<1x16xf32> to vector<16xf32>
      %mul3A_495 = arith.mulf %get3A_61, %get3A_494 : vector<16xf32>
      %add3A_496 = arith.addf %get3A_490, %mul3A_495 : vector<16xf32>
      %get3A_497 = arith.index_cast %scan3A_56 : i32 to index
      %get3A_498 = arith.constant 320 : index
      %get3A_499 = tpu.vector_load %arg12[%get3A_497, %get3A_498] {strides = array<i32>} : memref<32x1024xf32, #tpu.memory_space<vmem>>, vector<1x16xf32>,
      %get3A_500 = vector.shape_cast %get3A_499 : vector<1x16xf32> to vector<16xf32>
      %mul3A_501 = arith.mulf %get3A_67, %get3A_500 : vector<16xf32>
      %add3A_502 = arith.addf %add3A_496, %mul3A_501 : vector<16xf32>
      %swap3A_503 = arith.index_cast %scan3A_56 : i32 to index
      %swap3A_504 = arith.constant 320 : index
      %swap3A_505 = tpu.vector_load %arg13[%swap3A_503, %swap3A_504] {strides = array<i32>} : memref<32x1024xf32, #tpu.memory_space<vmem>>, vector<1x16xf32>,
      %swap3A_506 = vector.shape_cast %swap3A_505 : vector<1x16xf32> to vector<16xf32>
      %swap3A_507 = vector.shape_cast %add3A_502 : vector<16xf32> to vector<1x16xf32>
      tpu.vector_store %arg13[%swap3A_503, %swap3A_504], %swap3A_507 {strides = array<i32>} : memref<32x1024xf32, #tpu.memory_space<vmem>>, vector<1x16xf32>,
      %get3A_508 = arith.index_cast %scan3A_56 : i32 to index
      %get3A_509 = arith.constant 336 : index
      %get3A_510 = tpu.vector_load %arg13[%get3A_508, %get3A_509] {strides = array<i32>} : memref<32x1024xf32, #tpu.memory_space<vmem>>, vector<1x16xf32>,
      %get3A_511 = vector.shape_cast %get3A_510 : vector<1x16xf32> to vector<16xf32>
      %get3A_512 = arith.index_cast %scan3A_56 : i32 to index
      %get3A_513 = arith.constant 336 : index
      %get3A_514 = tpu.vector_load %arg11[%get3A_512, %get3A_513] {strides = array<i32>} : memref<32x1024xf32, #tpu.memory_space<vmem>>, vector<1x16xf32>,
      %get3A_515 = vector.shape_cast %get3A_514 : vector<1x16xf32> to vector<16xf32>
      %mul3A_516 = arith.mulf %get3A_61, %get3A_515 : vector<16xf32>
      %add3A_517 = arith.addf %get3A_511, %mul3A_516 : vector<16xf32>
      %get3A_518 = arith.index_cast %scan3A_56 : i32 to index
      %get3A_519 = arith.constant 336 : index
      %get3A_520 = tpu.vector_load %arg12[%get3A_518, %get3A_519] {strides = array<i32>} : memref<32x1024xf32, #tpu.memory_space<vmem>>, vector<1x16xf32>,
      %get3A_521 = vector.shape_cast %get3A_520 : vector<1x16xf32> to vector<16xf32>
      %mul3A_522 = arith.mulf %get3A_67, %get3A_521 : vector<16xf32>
      %add3A_523 = arith.addf %add3A_517, %mul3A_522 : vector<16xf32>
      %swap3A_524 = arith.index_cast %scan3A_56 : i32 to index
      %swap3A_525 = arith.constant 336 : index
      %swap3A_526 = tpu.vector_load %arg13[%swap3A_524, %swap3A_525] {strides = array<i32>} : memref<32x1024xf32, #tpu.memory_space<vmem>>, vector<1x16xf32>,
      %swap3A_527 = vector.shape_cast %swap3A_526 : vector<1x16xf32> to vector<16xf32>
      %swap3A_528 = vector.shape_cast %add3A_523 : vector<16xf32> to vector<1x16xf32>
      tpu.vector_store %arg13[%swap3A_524, %swap3A_525], %swap3A_528 {strides = array<i32>} : memref<32x1024xf32, #tpu.memory_space<vmem>>, vector<1x16xf32>,
      %get3A_529 = arith.index_cast %scan3A_56 : i32 to index
      %get3A_530 = arith.constant 352 : index
      %get3A_531 = tpu.vector_load %arg13[%get3A_529, %get3A_530] {strides = array<i32>} : memref<32x1024xf32, #tpu.memory_space<vmem>>, vector<1x16xf32>,
      %get3A_532 = vector.shape_cast %get3A_531 : vector<1x16xf32> to vector<16xf32>
      %get3A_533 = arith.index_cast %scan3A_56 : i32 to index
      %get3A_534 = arith.constant 352 : index
      %get3A_535 = tpu.vector_load %arg11[%get3A_533, %get3A_534] {strides = array<i32>} : memref<32x1024xf32, #tpu.memory_space<vmem>>, vector<1x16xf32>,
      %get3A_536 = vector.shape_cast %get3A_535 : vector<1x16xf32> to vector<16xf32>
      %mul3A_537 = arith.mulf %get3A_61, %get3A_536 : vector<16xf32>
      %add3A_538 = arith.addf %get3A_532, %mul3A_537 : vector<16xf32>
      %get3A_539 = arith.index_cast %scan3A_56 : i32 to index
      %get3A_540 = arith.constant 352 : index
      %get3A_541 = tpu.vector_load %arg12[%get3A_539, %get3A_540] {strides = array<i32>} : memref<32x1024xf32, #tpu.memory_space<vmem>>, vector<1x16xf32>,
      %get3A_542 = vector.shape_cast %get3A_541 : vector<1x16xf32> to vector<16xf32>
      %mul3A_543 = arith.mulf %get3A_67, %get3A_542 : vector<16xf32>
      %add3A_544 = arith.addf %add3A_538, %mul3A_543 : vector<16xf32>
      %swap3A_545 = arith.index_cast %scan3A_56 : i32 to index
      %swap3A_546 = arith.constant 352 : index
      %swap3A_547 = tpu.vector_load %arg13[%swap3A_545, %swap3A_546] {strides = array<i32>} : memref<32x1024xf32, #tpu.memory_space<vmem>>, vector<1x16xf32>,
      %swap3A_548 = vector.shape_cast %swap3A_547 : vector<1x16xf32> to vector<16xf32>
      %swap3A_549 = vector.shape_cast %add3A_544 : vector<16xf32> to vector<1x16xf32>
      tpu.vector_store %arg13[%swap3A_545, %swap3A_546], %swap3A_549 {strides = array<i32>} : memref<32x1024xf32, #tpu.memory_space<vmem>>, vector<1x16xf32>,
      %get3A_550 = arith.index_cast %scan3A_56 : i32 to index
      %get3A_551 = arith.constant 368 : index
      %get3A_552 = tpu.vector_load %arg13[%get3A_550, %get3A_551] {strides = array<i32>} : memref<32x1024xf32, #tpu.memory_space<vmem>>, vector<1x16xf32>,
      %get3A_553 = vector.shape_cast %get3A_552 : vector<1x16xf32> to vector<16xf32>
      %get3A_554 = arith.index_cast %scan3A_56 : i32 to index
      %get3A_555 = arith.constant 368 : index
      %get3A_556 = tpu.vector_load %arg11[%get3A_554, %get3A_555] {strides = array<i32>} : memref<32x1024xf32, #tpu.memory_space<vmem>>, vector<1x16xf32>,
      %get3A_557 = vector.shape_cast %get3A_556 : vector<1x16xf32> to vector<16xf32>
      %mul3A_558 = arith.mulf %get3A_61, %get3A_557 : vector<16xf32>
      %add3A_559 = arith.addf %get3A_553, %mul3A_558 : vector<16xf32>
      %get3A_560 = arith.index_cast %scan3A_56 : i32 to index
      %get3A_561 = arith.constant 368 : index
      %get3A_562 = tpu.vector_load %arg12[%get3A_560, %get3A_561] {strides = array<i32>} : memref<32x1024xf32, #tpu.memory_space<vmem>>, vector<1x16xf32>,
      %get3A_563 = vector.shape_cast %get3A_562 : vector<1x16xf32> to vector<16xf32>
      %mul3A_564 = arith.mulf %get3A_67, %get3A_563 : vector<16xf32>
      %add3A_565 = arith.addf %add3A_559, %mul3A_564 : vector<16xf32>
      %swap3A_566 = arith.index_cast %scan3A_56 : i32 to index
      %swap3A_567 = arith.constant 368 : index
      %swap3A_568 = tpu.vector_load %arg13[%swap3A_566, %swap3A_567] {strides = array<i32>} : memref<32x1024xf32, #tpu.memory_space<vmem>>, vector<1x16xf32>,
      %swap3A_569 = vector.shape_cast %swap3A_568 : vector<1x16xf32> to vector<16xf32>
      %swap3A_570 = vector.shape_cast %add3A_565 : vector<16xf32> to vector<1x16xf32>
      tpu.vector_store %arg13[%swap3A_566, %swap3A_567], %swap3A_570 {strides = array<i32>} : memref<32x1024xf32, #tpu.memory_space<vmem>>, vector<1x16xf32>,
      %get3A_571 = arith.index_cast %scan3A_56 : i32 to index
      %get3A_572 = arith.constant 384 : index
      %get3A_573 = tpu.vector_load %arg13[%get3A_571, %get3A_572] {strides = array<i32>} : memref<32x1024xf32, #tpu.memory_space<vmem>>, vector<1x16xf32>,
      %get3A_574 = vector.shape_cast %get3A_573 : vector<1x16xf32> to vector<16xf32>
      %get3A_575 = arith.index_cast %scan3A_56 : i32 to index
      %get3A_576 = arith.constant 384 : index
      %get3A_577 = tpu.vector_load %arg11[%get3A_575, %get3A_576] {strides = array<i32>} : memref<32x1024xf32, #tpu.memory_space<vmem>>, vector<1x16xf32>,
      %get3A_578 = vector.shape_cast %get3A_577 : vector<1x16xf32> to vector<16xf32>
      %mul3A_579 = arith.mulf %get3A_61, %get3A_578 : vector<16xf32>
      %add3A_580 = arith.addf %get3A_574, %mul3A_579 : vector<16xf32>
      %get3A_581 = arith.index_cast %scan3A_56 : i32 to index
      %get3A_582 = arith.constant 384 : index
      %get3A_583 = tpu.vector_load %arg12[%get3A_581, %get3A_582] {strides = array<i32>} : memref<32x1024xf32, #tpu.memory_space<vmem>>, vector<1x16xf32>,
      %get3A_584 = vector.shape_cast %get3A_583 : vector<1x16xf32> to vector<16xf32>
      %mul3A_585 = arith.mulf %get3A_67, %get3A_584 : vector<16xf32>
      %add3A_586 = arith.addf %add3A_580, %mul3A_585 : vector<16xf32>
      %swap3A_587 = arith.index_cast %scan3A_56 : i32 to index
      %swap3A_588 = arith.constant 384 : index
      %swap3A_589 = tpu.vector_load %arg13[%swap3A_587, %swap3A_588] {strides = array<i32>} : memref<32x1024xf32, #tpu.memory_space<vmem>>, vector<1x16xf32>,
      %swap3A_590 = vector.shape_cast %swap3A_589 : vector<1x16xf32> to vector<16xf32>
      %swap3A_591 = vector.shape_cast %add3A_586 : vector<16xf32> to vector<1x16xf32>
      tpu.vector_store %arg13[%swap3A_587, %swap3A_588], %swap3A_591 {strides = array<i32>} : memref<32x1024xf32, #tpu.memory_space<vmem>>, vector<1x16xf32>,
      %get3A_592 = arith.index_cast %scan3A_56 : i32 to index
      %get3A_593 = arith.constant 400 : index
      %get3A_594 = tpu.vector_load %arg13[%get3A_592, %get3A_593] {strides = array<i32>} : memref<32x1024xf32, #tpu.memory_space<vmem>>, vector<1x16xf32>,
      %get3A_595 = vector.shape_cast %get3A_594 : vector<1x16xf32> to vector<16xf32>
      %get3A_596 = arith.index_cast %scan3A_56 : i32 to index
      %get3A_597 = arith.constant 400 : index
      %get3A_598 = tpu.vector_load %arg11[%get3A_596, %get3A_597] {strides = array<i32>} : memref<32x1024xf32, #tpu.memory_space<vmem>>, vector<1x16xf32>,
      %get3A_599 = vector.shape_cast %get3A_598 : vector<1x16xf32> to vector<16xf32>
      %mul3A_600 = arith.mulf %get3A_61, %get3A_599 : vector<16xf32>
      %add3A_601 = arith.addf %get3A_595, %mul3A_600 : vector<16xf32>
      %get3A_602 = arith.index_cast %scan3A_56 : i32 to index
      %get3A_603 = arith.constant 400 : index
      %get3A_604 = tpu.vector_load %arg12[%get3A_602, %get3A_603] {strides = array<i32>} : memref<32x1024xf32, #tpu.memory_space<vmem>>, vector<1x16xf32>,
      %get3A_605 = vector.shape_cast %get3A_604 : vector<1x16xf32> to vector<16xf32>
      %mul3A_606 = arith.mulf %get3A_67, %get3A_605 : vector<16xf32>
      %add3A_607 = arith.addf %add3A_601, %mul3A_606 : vector<16xf32>
      %swap3A_608 = arith.index_cast %scan3A_56 : i32 to index
      %swap3A_609 = arith.constant 400 : index
      %swap3A_610 = tpu.vector_load %arg13[%swap3A_608, %swap3A_609] {strides = array<i32>} : memref<32x1024xf32, #tpu.memory_space<vmem>>, vector<1x16xf32>,
      %swap3A_611 = vector.shape_cast %swap3A_610 : vector<1x16xf32> to vector<16xf32>
      %swap3A_612 = vector.shape_cast %add3A_607 : vector<16xf32> to vector<1x16xf32>
      tpu.vector_store %arg13[%swap3A_608, %swap3A_609], %swap3A_612 {strides = array<i32>} : memref<32x1024xf32, #tpu.memory_space<vmem>>, vector<1x16xf32>,
      %get3A_613 = arith.index_cast %scan3A_56 : i32 to index
      %get3A_614 = arith.constant 416 : index
      %get3A_615 = tpu.vector_load %arg13[%get3A_613, %get3A_614] {strides = array<i32>} : memref<32x1024xf32, #tpu.memory_space<vmem>>, vector<1x16xf32>,
      %get3A_616 = vector.shape_cast %get3A_615 : vector<1x16xf32> to vector<16xf32>
      %get3A_617 = arith.index_cast %scan3A_56 : i32 to index
      %get3A_618 = arith.constant 416 : index
      %get3A_619 = tpu.vector_load %arg11[%get3A_617, %get3A_618] {strides = array<i32>} : memref<32x1024xf32, #tpu.memory_space<vmem>>, vector<1x16xf32>,
      %get3A_620 = vector.shape_cast %get3A_619 : vector<1x16xf32> to vector<16xf32>
      %mul3A_621 = arith.mulf %get3A_61, %get3A_620 : vector<16xf32>
      %add3A_622 = arith.addf %get3A_616, %mul3A_621 : vector<16xf32>
      %get3A_623 = arith.index_cast %scan3A_56 : i32 to index
      %get3A_624 = arith.constant 416 : index
      %get3A_625 = tpu.vector_load %arg12[%get3A_623, %get3A_624] {strides = array<i32>} : memref<32x1024xf32, #tpu.memory_space<vmem>>, vector<1x16xf32>,
      %get3A_626 = vector.shape_cast %get3A_625 : vector<1x16xf32> to vector<16xf32>
      %mul3A_627 = arith.mulf %get3A_67, %get3A_626 : vector<16xf32>
      %add3A_628 = arith.addf %add3A_622, %mul3A_627 : vector<16xf32>
      %swap3A_629 = arith.index_cast %scan3A_56 : i32 to index
      %swap3A_630 = arith.constant 416 : index
      %swap3A_631 = tpu.vector_load %arg13[%swap3A_629, %swap3A_630] {strides = array<i32>} : memref<32x1024xf32, #tpu.memory_space<vmem>>, vector<1x16xf32>,
      %swap3A_632 = vector.shape_cast %swap3A_631 : vector<1x16xf32> to vector<16xf32>
      %swap3A_633 = vector.shape_cast %add3A_628 : vector<16xf32> to vector<1x16xf32>
      tpu.vector_store %arg13[%swap3A_629, %swap3A_630], %swap3A_633 {strides = array<i32>} : memref<32x1024xf32, #tpu.memory_space<vmem>>, vector<1x16xf32>,
      %get3A_634 = arith.index_cast %scan3A_56 : i32 to index
      %get3A_635 = arith.constant 432 : index
      %get3A_636 = tpu.vector_load %arg13[%get3A_634, %get3A_635] {strides = array<i32>} : memref<32x1024xf32, #tpu.memory_space<vmem>>, vector<1x16xf32>,
      %get3A_637 = vector.shape_cast %get3A_636 : vector<1x16xf32> to vector<16xf32>
      %get3A_638 = arith.index_cast %scan3A_56 : i32 to index
      %get3A_639 = arith.constant 432 : index
      %get3A_640 = tpu.vector_load %arg11[%get3A_638, %get3A_639] {strides = array<i32>} : memref<32x1024xf32, #tpu.memory_space<vmem>>, vector<1x16xf32>,
      %get3A_641 = vector.shape_cast %get3A_640 : vector<1x16xf32> to vector<16xf32>
      %mul3A_642 = arith.mulf %get3A_61, %get3A_641 : vector<16xf32>
      %add3A_643 = arith.addf %get3A_637, %mul3A_642 : vector<16xf32>
      %get3A_644 = arith.index_cast %scan3A_56 : i32 to index
      %get3A_645 = arith.constant 432 : index
      %get3A_646 = tpu.vector_load %arg12[%get3A_644, %get3A_645] {strides = array<i32>} : memref<32x1024xf32, #tpu.memory_space<vmem>>, vector<1x16xf32>,
      %get3A_647 = vector.shape_cast %get3A_646 : vector<1x16xf32> to vector<16xf32>
      %mul3A_648 = arith.mulf %get3A_67, %get3A_647 : vector<16xf32>
      %add3A_649 = arith.addf %add3A_643, %mul3A_648 : vector<16xf32>
      %swap3A_650 = arith.index_cast %scan3A_56 : i32 to index
      %swap3A_651 = arith.constant 432 : index
      %swap3A_652 = tpu.vector_load %arg13[%swap3A_650, %swap3A_651] {strides = array<i32>} : memref<32x1024xf32, #tpu.memory_space<vmem>>, vector<1x16xf32>,
      %swap3A_653 = vector.shape_cast %swap3A_652 : vector<1x16xf32> to vector<16xf32>
      %swap3A_654 = vector.shape_cast %add3A_649 : vector<16xf32> to vector<1x16xf32>
      tpu.vector_store %arg13[%swap3A_650, %swap3A_651], %swap3A_654 {strides = array<i32>} : memref<32x1024xf32, #tpu.memory_space<vmem>>, vector<1x16xf32>,
      %get3A_655 = arith.index_cast %scan3A_56 : i32 to index
      %get3A_656 = arith.constant 448 : index
      %get3A_657 = tpu.vector_load %arg13[%get3A_655, %get3A_656] {strides = array<i32>} : memref<32x1024xf32, #tpu.memory_space<vmem>>, vector<1x16xf32>,
      %get3A_658 = vector.shape_cast %get3A_657 : vector<1x16xf32> to vector<16xf32>
      %get3A_659 = arith.index_cast %scan3A_56 : i32 to index
      %get3A_660 = arith.constant 448 : index
      %get3A_661 = tpu.vector_load %arg11[%get3A_659, %get3A_660] {strides = array<i32>} : memref<32x1024xf32, #tpu.memory_space<vmem>>, vector<1x16xf32>,
      %get3A_662 = vector.shape_cast %get3A_661 : vector<1x16xf32> to vector<16xf32>
      %mul3A_663 = arith.mulf %get3A_61, %get3A_662 : vector<16xf32>
      %add3A_664 = arith.addf %get3A_658, %mul3A_663 : vector<16xf32>
      %get3A_665 = arith.index_cast %scan3A_56 : i32 to index
      %get3A_666 = arith.constant 448 : index
      %get3A_667 = tpu.vector_load %arg12[%get3A_665, %get3A_666] {strides = array<i32>} : memref<32x1024xf32, #tpu.memory_space<vmem>>, vector<1x16xf32>,
      %get3A_668 = vector.shape_cast %get3A_667 : vector<1x16xf32> to vector<16xf32>
      %mul3A_669 = arith.mulf %get3A_67, %get3A_668 : vector<16xf32>
      %add3A_670 = arith.addf %add3A_664, %mul3A_669 : vector<16xf32>
      %swap3A_671 = arith.index_cast %scan3A_56 : i32 to index
      %swap3A_672 = arith.constant 448 : index
      %swap3A_673 = tpu.vector_load %arg13[%swap3A_671, %swap3A_672] {strides = array<i32>} : memref<32x1024xf32, #tpu.memory_space<vmem>>, vector<1x16xf32>,
      %swap3A_674 = vector.shape_cast %swap3A_673 : vector<1x16xf32> to vector<16xf32>
      %swap3A_675 = vector.shape_cast %add3A_670 : vector<16xf32> to vector<1x16xf32>
      tpu.vector_store %arg13[%swap3A_671, %swap3A_672], %swap3A_675 {strides = array<i32>} : memref<32x1024xf32, #tpu.memory_space<vmem>>, vector<1x16xf32>,
      %get3A_676 = arith.index_cast %scan3A_56 : i32 to index
      %get3A_677 = arith.constant 464 : index
      %get3A_678 = tpu.vector_load %arg13[%get3A_676, %get3A_677] {strides = array<i32>} : memref<32x1024xf32, #tpu.memory_space<vmem>>, vector<1x16xf32>,
      %get3A_679 = vector.shape_cast %get3A_678 : vector<1x16xf32> to vector<16xf32>
      %get3A_680 = arith.index_cast %scan3A_56 : i32 to index
      %get3A_681 = arith.constant 464 : index
      %get3A_682 = tpu.vector_load %arg11[%get3A_680, %get3A_681] {strides = array<i32>} : memref<32x1024xf32, #tpu.memory_space<vmem>>, vector<1x16xf32>,
      %get3A_683 = vector.shape_cast %get3A_682 : vector<1x16xf32> to vector<16xf32>
      %mul3A_684 = arith.mulf %get3A_61, %get3A_683 : vector<16xf32>
      %add3A_685 = arith.addf %get3A_679, %mul3A_684 : vector<16xf32>
      %get3A_686 = arith.index_cast %scan3A_56 : i32 to index
      %get3A_687 = arith.constant 464 : index
      %get3A_688 = tpu.vector_load %arg12[%get3A_686, %get3A_687] {strides = array<i32>} : memref<32x1024xf32, #tpu.memory_space<vmem>>, vector<1x16xf32>,
      %get3A_689 = vector.shape_cast %get3A_688 : vector<1x16xf32> to vector<16xf32>
      %mul3A_690 = arith.mulf %get3A_67, %get3A_689 : vector<16xf32>
      %add3A_691 = arith.addf %add3A_685, %mul3A_690 : vector<16xf32>
      %swap3A_692 = arith.index_cast %scan3A_56 : i32 to index
      %swap3A_693 = arith.constant 464 : index
      %swap3A_694 = tpu.vector_load %arg13[%swap3A_692, %swap3A_693] {strides = array<i32>} : memref<32x1024xf32, #tpu.memory_space<vmem>>, vector<1x16xf32>,
      %swap3A_695 = vector.shape_cast %swap3A_694 : vector<1x16xf32> to vector<16xf32>
      %swap3A_696 = vector.shape_cast %add3A_691 : vector<16xf32> to vector<1x16xf32>
      tpu.vector_store %arg13[%swap3A_692, %swap3A_693], %swap3A_696 {strides = array<i32>} : memref<32x1024xf32, #tpu.memory_space<vmem>>, vector<1x16xf32>,
      %get3A_697 = arith.index_cast %scan3A_56 : i32 to index
      %get3A_698 = arith.constant 480 : index
      %get3A_699 = tpu.vector_load %arg13[%get3A_697, %get3A_698] {strides = array<i32>} : memref<32x1024xf32, #tpu.memory_space<vmem>>, vector<1x16xf32>,
      %get3A_700 = vector.shape_cast %get3A_699 : vector<1x16xf32> to vector<16xf32>
      %get3A_701 = arith.index_cast %scan3A_56 : i32 to index
      %get3A_702 = arith.constant 480 : index
      %get3A_703 = tpu.vector_load %arg11[%get3A_701, %get3A_702] {strides = array<i32>} : memref<32x1024xf32, #tpu.memory_space<vmem>>, vector<1x16xf32>,
      %get3A_704 = vector.shape_cast %get3A_703 : vector<1x16xf32> to vector<16xf32>
      %mul3A_705 = arith.mulf %get3A_61, %get3A_704 : vector<16xf32>
      %add3A_706 = arith.addf %get3A_700, %mul3A_705 : vector<16xf32>
      %get3A_707 = arith.index_cast %scan3A_56 : i32 to index
      %get3A_708 = arith.constant 480 : index
      %get3A_709 = tpu.vector_load %arg12[%get3A_707, %get3A_708] {strides = array<i32>} : memref<32x1024xf32, #tpu.memory_space<vmem>>, vector<1x16xf32>,
      %get3A_710 = vector.shape_cast %get3A_709 : vector<1x16xf32> to vector<16xf32>
      %mul3A_711 = arith.mulf %get3A_67, %get3A_710 : vector<16xf32>
      %add3A_712 = arith.addf %add3A_706, %mul3A_711 : vector<16xf32>
      %swap3A_713 = arith.index_cast %scan3A_56 : i32 to index
      %swap3A_714 = arith.constant 480 : index
      %swap3A_715 = tpu.vector_load %arg13[%swap3A_713, %swap3A_714] {strides = array<i32>} : memref<32x1024xf32, #tpu.memory_space<vmem>>, vector<1x16xf32>,
      %swap3A_716 = vector.shape_cast %swap3A_715 : vector<1x16xf32> to vector<16xf32>
      %swap3A_717 = vector.shape_cast %add3A_712 : vector<16xf32> to vector<1x16xf32>
      tpu.vector_store %arg13[%swap3A_713, %swap3A_714], %swap3A_717 {strides = array<i32>} : memref<32x1024xf32, #tpu.memory_space<vmem>>, vector<1x16xf32>,
      %get3A_718 = arith.index_cast %scan3A_56 : i32 to index
      %get3A_719 = arith.constant 496 : index
      %get3A_720 = tpu.vector_load %arg13[%get3A_718, %get3A_719] {strides = array<i32>} : memref<32x1024xf32, #tpu.memory_space<vmem>>, vector<1x16xf32>,
      %get3A_721 = vector.shape_cast %get3A_720 : vector<1x16xf32> to vector<16xf32>
      %get3A_722 = arith.index_cast %scan3A_56 : i32 to index
      %get3A_723 = arith.constant 496 : index
      %get3A_724 = tpu.vector_load %arg11[%get3A_722, %get3A_723] {strides = array<i32>} : memref<32x1024xf32, #tpu.memory_space<vmem>>, vector<1x16xf32>,
      %get3A_725 = vector.shape_cast %get3A_724 : vector<1x16xf32> to vector<16xf32>
      %mul3A_726 = arith.mulf %get3A_61, %get3A_725 : vector<16xf32>
      %add3A_727 = arith.addf %get3A_721, %mul3A_726 : vector<16xf32>
      %get3A_728 = arith.index_cast %scan3A_56 : i32 to index
      %get3A_729 = arith.constant 496 : index
      %get3A_730 = tpu.vector_load %arg12[%get3A_728, %get3A_729] {strides = array<i32>} : memref<32x1024xf32, #tpu.memory_space<vmem>>, vector<1x16xf32>,
      %get3A_731 = vector.shape_cast %get3A_730 : vector<1x16xf32> to vector<16xf32>
      %mul3A_732 = arith.mulf %get3A_67, %get3A_731 : vector<16xf32>
      %add3A_733 = arith.addf %add3A_727, %mul3A_732 : vector<16xf32>
      %swap3A_734 = arith.index_cast %scan3A_56 : i32 to index
      %swap3A_735 = arith.constant 496 : index
      %swap3A_736 = tpu.vector_load %arg13[%swap3A_734, %swap3A_735] {strides = array<i32>} : memref<32x1024xf32, #tpu.memory_space<vmem>>, vector<1x16xf32>,
      %swap3A_737 = vector.shape_cast %swap3A_736 : vector<1x16xf32> to vector<16xf32>
      %swap3A_738 = vector.shape_cast %add3A_733 : vector<16xf32> to vector<1x16xf32>
      tpu.vector_store %arg13[%swap3A_734, %swap3A_735], %swap3A_738 {strides = array<i32>} : memref<32x1024xf32, #tpu.memory_space<vmem>>, vector<1x16xf32>,
      %get3A_739 = arith.index_cast %scan3A_56 : i32 to index
      %get3A_740 = arith.constant 512 : index
      %get3A_741 = tpu.vector_load %arg13[%get3A_739, %get3A_740] {strides = array<i32>} : memref<32x1024xf32, #tpu.memory_space<vmem>>, vector<1x16xf32>,
      %get3A_742 = vector.shape_cast %get3A_741 : vector<1x16xf32> to vector<16xf32>
      %get3A_743 = arith.index_cast %scan3A_56 : i32 to index
      %get3A_744 = arith.constant 512 : index
      %get3A_745 = tpu.vector_load %arg11[%get3A_743, %get3A_744] {strides = array<i32>} : memref<32x1024xf32, #tpu.memory_space<vmem>>, vector<1x16xf32>,
      %get3A_746 = vector.shape_cast %get3A_745 : vector<1x16xf32> to vector<16xf32>
      %mul3A_747 = arith.mulf %get3A_61, %get3A_746 : vector<16xf32>
      %add3A_748 = arith.addf %get3A_742, %mul3A_747 : vector<16xf32>
      %get3A_749 = arith.index_cast %scan3A_56 : i32 to index
      %get3A_750 = arith.constant 512 : index
      %get3A_751 = tpu.vector_load %arg12[%get3A_749, %get3A_750] {strides = array<i32>} : memref<32x1024xf32, #tpu.memory_space<vmem>>, vector<1x16xf32>,
      %get3A_752 = vector.shape_cast %get3A_751 : vector<1x16xf32> to vector<16xf32>
      %mul3A_753 = arith.mulf %get3A_67, %get3A_752 : vector<16xf32>
      %add3A_754 = arith.addf %add3A_748, %mul3A_753 : vector<16xf32>
      %swap3A_755 = arith.index_cast %scan3A_56 : i32 to index
      %swap3A_756 = arith.constant 512 : index
      %swap3A_757 = tpu.vector_load %arg13[%swap3A_755, %swap3A_756] {strides = array<i32>} : memref<32x1024xf32, #tpu.memory_space<vmem>>, vector<1x16xf32>,
      %swap3A_758 = vector.shape_cast %swap3A_757 : vector<1x16xf32> to vector<16xf32>
      %swap3A_759 = vector.shape_cast %add3A_754 : vector<16xf32> to vector<1x16xf32>
      tpu.vector_store %arg13[%swap3A_755, %swap3A_756], %swap3A_759 {strides = array<i32>} : memref<32x1024xf32, #tpu.memory_space<vmem>>, vector<1x16xf32>,
      %get3A_760 = arith.index_cast %scan3A_56 : i32 to index
      %get3A_761 = arith.constant 528 : index
      %get3A_762 = tpu.vector_load %arg13[%get3A_760, %get3A_761] {strides = array<i32>} : memref<32x1024xf32, #tpu.memory_space<vmem>>, vector<1x16xf32>,
      %get3A_763 = vector.shape_cast %get3A_762 : vector<1x16xf32> to vector<16xf32>
      %get3A_764 = arith.index_cast %scan3A_56 : i32 to index
      %get3A_765 = arith.constant 528 : index
      %get3A_766 = tpu.vector_load %arg11[%get3A_764, %get3A_765] {strides = array<i32>} : memref<32x1024xf32, #tpu.memory_space<vmem>>, vector<1x16xf32>,
      %get3A_767 = vector.shape_cast %get3A_766 : vector<1x16xf32> to vector<16xf32>
      %mul3A_768 = arith.mulf %get3A_61, %get3A_767 : vector<16xf32>
      %add3A_769 = arith.addf %get3A_763, %mul3A_768 : vector<16xf32>
      %get3A_770 = arith.index_cast %scan3A_56 : i32 to index
      %get3A_771 = arith.constant 528 : index
      %get3A_772 = tpu.vector_load %arg12[%get3A_770, %get3A_771] {strides = array<i32>} : memref<32x1024xf32, #tpu.memory_space<vmem>>, vector<1x16xf32>,
      %get3A_773 = vector.shape_cast %get3A_772 : vector<1x16xf32> to vector<16xf32>
      %mul3A_774 = arith.mulf %get3A_67, %get3A_773 : vector<16xf32>
      %add3A_775 = arith.addf %add3A_769, %mul3A_774 : vector<16xf32>
      %swap3A_776 = arith.index_cast %scan3A_56 : i32 to index
      %swap3A_777 = arith.constant 528 : index
      %swap3A_778 = tpu.vector_load %arg13[%swap3A_776, %swap3A_777] {strides = array<i32>} : memref<32x1024xf32, #tpu.memory_space<vmem>>, vector<1x16xf32>,
      %swap3A_779 = vector.shape_cast %swap3A_778 : vector<1x16xf32> to vector<16xf32>
      %swap3A_780 = vector.shape_cast %add3A_775 : vector<16xf32> to vector<1x16xf32>
      tpu.vector_store %arg13[%swap3A_776, %swap3A_777], %swap3A_780 {strides = array<i32>} : memref<32x1024xf32, #tpu.memory_space<vmem>>, vector<1x16xf32>,
      %get3A_781 = arith.index_cast %scan3A_56 : i32 to index
      %get3A_782 = arith.constant 544 : index
      %get3A_783 = tpu.vector_load %arg13[%get3A_781, %get3A_782] {strides = array<i32>} : memref<32x1024xf32, #tpu.memory_space<vmem>>, vector<1x16xf32>,
      %get3A_784 = vector.shape_cast %get3A_783 : vector<1x16xf32> to vector<16xf32>
      %get3A_785 = arith.index_cast %scan3A_56 : i32 to index
      %get3A_786 = arith.constant 544 : index
      %get3A_787 = tpu.vector_load %arg11[%get3A_785, %get3A_786] {strides = array<i32>} : memref<32x1024xf32, #tpu.memory_space<vmem>>, vector<1x16xf32>,
      %get3A_788 = vector.shape_cast %get3A_787 : vector<1x16xf32> to vector<16xf32>
      %mul3A_789 = arith.mulf %get3A_61, %get3A_788 : vector<16xf32>
      %add3A_790 = arith.addf %get3A_784, %mul3A_789 : vector<16xf32>
      %get3A_791 = arith.index_cast %scan3A_56 : i32 to index
      %get3A_792 = arith.constant 544 : index
      %get3A_793 = tpu.vector_load %arg12[%get3A_791, %get3A_792] {strides = array<i32>} : memref<32x1024xf32, #tpu.memory_space<vmem>>, vector<1x16xf32>,
      %get3A_794 = vector.shape_cast %get3A_793 : vector<1x16xf32> to vector<16xf32>
      %mul3A_795 = arith.mulf %get3A_67, %get3A_794 : vector<16xf32>
      %add3A_796 = arith.addf %add3A_790, %mul3A_795 : vector<16xf32>
      %swap3A_797 = arith.index_cast %scan3A_56 : i32 to index
      %swap3A_798 = arith.constant 544 : index
      %swap3A_799 = tpu.vector_load %arg13[%swap3A_797, %swap3A_798] {strides = array<i32>} : memref<32x1024xf32, #tpu.memory_space<vmem>>, vector<1x16xf32>,
      %swap3A_800 = vector.shape_cast %swap3A_799 : vector<1x16xf32> to vector<16xf32>
      %swap3A_801 = vector.shape_cast %add3A_796 : vector<16xf32> to vector<1x16xf32>
      tpu.vector_store %arg13[%swap3A_797, %swap3A_798], %swap3A_801 {strides = array<i32>} : memref<32x1024xf32, #tpu.memory_space<vmem>>, vector<1x16xf32>,
      %get3A_802 = arith.index_cast %scan3A_56 : i32 to index
      %get3A_803 = arith.constant 560 : index
      %get3A_804 = tpu.vector_load %arg13[%get3A_802, %get3A_803] {strides = array<i32>} : memref<32x1024xf32, #tpu.memory_space<vmem>>, vector<1x16xf32>,
      %get3A_805 = vector.shape_cast %get3A_804 : vector<1x16xf32> to vector<16xf32>
      %get3A_806 = arith.index_cast %scan3A_56 : i32 to index
      %get3A_807 = arith.constant 560 : index
      %get3A_808 = tpu.vector_load %arg11[%get3A_806, %get3A_807] {strides = array<i32>} : memref<32x1024xf32, #tpu.memory_space<vmem>>, vector<1x16xf32>,
      %get3A_809 = vector.shape_cast %get3A_808 : vector<1x16xf32> to vector<16xf32>
      %mul3A_810 = arith.mulf %get3A_61, %get3A_809 : vector<16xf32>
      %add3A_811 = arith.addf %get3A_805, %mul3A_810 : vector<16xf32>
      %get3A_812 = arith.index_cast %scan3A_56 : i32 to index
      %get3A_813 = arith.constant 560 : index
      %get3A_814 = tpu.vector_load %arg12[%get3A_812, %get3A_813] {strides = array<i32>} : memref<32x1024xf32, #tpu.memory_space<vmem>>, vector<1x16xf32>,
      %get3A_815 = vector.shape_cast %get3A_814 : vector<1x16xf32> to vector<16xf32>
      %mul3A_816 = arith.mulf %get3A_67, %get3A_815 : vector<16xf32>
      %add3A_817 = arith.addf %add3A_811, %mul3A_816 : vector<16xf32>
      %swap3A_818 = arith.index_cast %scan3A_56 : i32 to index
      %swap3A_819 = arith.constant 560 : index
      %swap3A_820 = tpu.vector_load %arg13[%swap3A_818, %swap3A_819] {strides = array<i32>} : memref<32x1024xf32, #tpu.memory_space<vmem>>, vector<1x16xf32>,
      %swap3A_821 = vector.shape_cast %swap3A_820 : vector<1x16xf32> to vector<16xf32>
      %swap3A_822 = vector.shape_cast %add3A_817 : vector<16xf32> to vector<1x16xf32>
      tpu.vector_store %arg13[%swap3A_818, %swap3A_819], %swap3A_822 {strides = array<i32>} : memref<32x1024xf32, #tpu.memory_space<vmem>>, vector<1x16xf32>,
      %get3A_823 = arith.index_cast %scan3A_56 : i32 to index
      %get3A_824 = arith.constant 576 : index
      %get3A_825 = tpu.vector_load %arg13[%get3A_823, %get3A_824] {strides = array<i32>} : memref<32x1024xf32, #tpu.memory_space<vmem>>, vector<1x16xf32>,
      %get3A_826 = vector.shape_cast %get3A_825 : vector<1x16xf32> to vector<16xf32>
      %get3A_827 = arith.index_cast %scan3A_56 : i32 to index
      %get3A_828 = arith.constant 576 : index
      %get3A_829 = tpu.vector_load %arg11[%get3A_827, %get3A_828] {strides = array<i32>} : memref<32x1024xf32, #tpu.memory_space<vmem>>, vector<1x16xf32>,
      %get3A_830 = vector.shape_cast %get3A_829 : vector<1x16xf32> to vector<16xf32>
      %mul3A_831 = arith.mulf %get3A_61, %get3A_830 : vector<16xf32>
      %add3A_832 = arith.addf %get3A_826, %mul3A_831 : vector<16xf32>
      %get3A_833 = arith.index_cast %scan3A_56 : i32 to index
      %get3A_834 = arith.constant 576 : index
      %get3A_835 = tpu.vector_load %arg12[%get3A_833, %get3A_834] {strides = array<i32>} : memref<32x1024xf32, #tpu.memory_space<vmem>>, vector<1x16xf32>,
      %get3A_836 = vector.shape_cast %get3A_835 : vector<1x16xf32> to vector<16xf32>
      %mul3A_837 = arith.mulf %get3A_67, %get3A_836 : vector<16xf32>
      %add3A_838 = arith.addf %add3A_832, %mul3A_837 : vector<16xf32>
      %swap3A_839 = arith.index_cast %scan3A_56 : i32 to index
      %swap3A_840 = arith.constant 576 : index
      %swap3A_841 = tpu.vector_load %arg13[%swap3A_839, %swap3A_840] {strides = array<i32>} : memref<32x1024xf32, #tpu.memory_space<vmem>>, vector<1x16xf32>,
      %swap3A_842 = vector.shape_cast %swap3A_841 : vector<1x16xf32> to vector<16xf32>
      %swap3A_843 = vector.shape_cast %add3A_838 : vector<16xf32> to vector<1x16xf32>
      tpu.vector_store %arg13[%swap3A_839, %swap3A_840], %swap3A_843 {strides = array<i32>} : memref<32x1024xf32, #tpu.memory_space<vmem>>, vector<1x16xf32>,
      %get3A_844 = arith.index_cast %scan3A_56 : i32 to index
      %get3A_845 = arith.constant 592 : index
      %get3A_846 = tpu.vector_load %arg13[%get3A_844, %get3A_845] {strides = array<i32>} : memref<32x1024xf32, #tpu.memory_space<vmem>>, vector<1x16xf32>,
      %get3A_847 = vector.shape_cast %get3A_846 : vector<1x16xf32> to vector<16xf32>
      %get3A_848 = arith.index_cast %scan3A_56 : i32 to index
      %get3A_849 = arith.constant 592 : index
      %get3A_850 = tpu.vector_load %arg11[%get3A_848, %get3A_849] {strides = array<i32>} : memref<32x1024xf32, #tpu.memory_space<vmem>>, vector<1x16xf32>,
      %get3A_851 = vector.shape_cast %get3A_850 : vector<1x16xf32> to vector<16xf32>
      %mul3A_852 = arith.mulf %get3A_61, %get3A_851 : vector<16xf32>
      %add3A_853 = arith.addf %get3A_847, %mul3A_852 : vector<16xf32>
      %get3A_854 = arith.index_cast %scan3A_56 : i32 to index
      %get3A_855 = arith.constant 592 : index
      %get3A_856 = tpu.vector_load %arg12[%get3A_854, %get3A_855] {strides = array<i32>} : memref<32x1024xf32, #tpu.memory_space<vmem>>, vector<1x16xf32>,
      %get3A_857 = vector.shape_cast %get3A_856 : vector<1x16xf32> to vector<16xf32>
      %mul3A_858 = arith.mulf %get3A_67, %get3A_857 : vector<16xf32>
      %add3A_859 = arith.addf %add3A_853, %mul3A_858 : vector<16xf32>
      %swap3A_860 = arith.index_cast %scan3A_56 : i32 to index
      %swap3A_861 = arith.constant 592 : index
      %swap3A_862 = tpu.vector_load %arg13[%swap3A_860, %swap3A_861] {strides = array<i32>} : memref<32x1024xf32, #tpu.memory_space<vmem>>, vector<1x16xf32>,
      %swap3A_863 = vector.shape_cast %swap3A_862 : vector<1x16xf32> to vector<16xf32>
      %swap3A_864 = vector.shape_cast %add3A_859 : vector<16xf32> to vector<1x16xf32>
      tpu.vector_store %arg13[%swap3A_860, %swap3A_861], %swap3A_864 {strides = array<i32>} : memref<32x1024xf32, #tpu.memory_space<vmem>>, vector<1x16xf32>,
      %get3A_865 = arith.index_cast %scan3A_56 : i32 to index
      %get3A_866 = arith.constant 608 : index
      %get3A_867 = tpu.vector_load %arg13[%get3A_865, %get3A_866] {strides = array<i32>} : memref<32x1024xf32, #tpu.memory_space<vmem>>, vector<1x16xf32>,
      %get3A_868 = vector.shape_cast %get3A_867 : vector<1x16xf32> to vector<16xf32>
      %get3A_869 = arith.index_cast %scan3A_56 : i32 to index
      %get3A_870 = arith.constant 608 : index
      %get3A_871 = tpu.vector_load %arg11[%get3A_869, %get3A_870] {strides = array<i32>} : memref<32x1024xf32, #tpu.memory_space<vmem>>, vector<1x16xf32>,
      %get3A_872 = vector.shape_cast %get3A_871 : vector<1x16xf32> to vector<16xf32>
      %mul3A_873 = arith.mulf %get3A_61, %get3A_872 : vector<16xf32>
      %add3A_874 = arith.addf %get3A_868, %mul3A_873 : vector<16xf32>
      %get3A_875 = arith.index_cast %scan3A_56 : i32 to index
      %get3A_876 = arith.constant 608 : index
      %get3A_877 = tpu.vector_load %arg12[%get3A_875, %get3A_876] {strides = array<i32>} : memref<32x1024xf32, #tpu.memory_space<vmem>>, vector<1x16xf32>,
      %get3A_878 = vector.shape_cast %get3A_877 : vector<1x16xf32> to vector<16xf32>
      %mul3A_879 = arith.mulf %get3A_67, %get3A_878 : vector<16xf32>
      %add3A_880 = arith.addf %add3A_874, %mul3A_879 : vector<16xf32>
      %swap3A_881 = arith.index_cast %scan3A_56 : i32 to index
      %swap3A_882 = arith.constant 608 : index
      %swap3A_883 = tpu.vector_load %arg13[%swap3A_881, %swap3A_882] {strides = array<i32>} : memref<32x1024xf32, #tpu.memory_space<vmem>>, vector<1x16xf32>,
      %swap3A_884 = vector.shape_cast %swap3A_883 : vector<1x16xf32> to vector<16xf32>
      %swap3A_885 = vector.shape_cast %add3A_880 : vector<16xf32> to vector<1x16xf32>
      tpu.vector_store %arg13[%swap3A_881, %swap3A_882], %swap3A_885 {strides = array<i32>} : memref<32x1024xf32, #tpu.memory_space<vmem>>, vector<1x16xf32>,
      %get3A_886 = arith.index_cast %scan3A_56 : i32 to index
      %get3A_887 = arith.constant 624 : index
      %get3A_888 = tpu.vector_load %arg13[%get3A_886, %get3A_887] {strides = array<i32>} : memref<32x1024xf32, #tpu.memory_space<vmem>>, vector<1x16xf32>,
      %get3A_889 = vector.shape_cast %get3A_888 : vector<1x16xf32> to vector<16xf32>
      %get3A_890 = arith.index_cast %scan3A_56 : i32 to index
      %get3A_891 = arith.constant 624 : index
      %get3A_892 = tpu.vector_load %arg11[%get3A_890, %get3A_891] {strides = array<i32>} : memref<32x1024xf32, #tpu.memory_space<vmem>>, vector<1x16xf32>,
      %get3A_893 = vector.shape_cast %get3A_892 : vector<1x16xf32> to vector<16xf32>
      %mul3A_894 = arith.mulf %get3A_61, %get3A_893 : vector<16xf32>
      %add3A_895 = arith.addf %get3A_889, %mul3A_894 : vector<16xf32>
      %get3A_896 = arith.index_cast %scan3A_56 : i32 to index
      %get3A_897 = arith.constant 624 : index
      %get3A_898 = tpu.vector_load %arg12[%get3A_896, %get3A_897] {strides = array<i32>} : memref<32x1024xf32, #tpu.memory_space<vmem>>, vector<1x16xf32>,
      %get3A_899 = vector.shape_cast %get3A_898 : vector<1x16xf32> to vector<16xf32>
      %mul3A_900 = arith.mulf %get3A_67, %get3A_899 : vector<16xf32>
      %add3A_901 = arith.addf %add3A_895, %mul3A_900 : vector<16xf32>
      %swap3A_902 = arith.index_cast %scan3A_56 : i32 to index
      %swap3A_903 = arith.constant 624 : index
      %swap3A_904 = tpu.vector_load %arg13[%swap3A_902, %swap3A_903] {strides = array<i32>} : memref<32x1024xf32, #tpu.memory_space<vmem>>, vector<1x16xf32>,
      %swap3A_905 = vector.shape_cast %swap3A_904 : vector<1x16xf32> to vector<16xf32>
      %swap3A_906 = vector.shape_cast %add3A_901 : vector<16xf32> to vector<1x16xf32>
      tpu.vector_store %arg13[%swap3A_902, %swap3A_903], %swap3A_906 {strides = array<i32>} : memref<32x1024xf32, #tpu.memory_space<vmem>>, vector<1x16xf32>,
      %get3A_907 = arith.index_cast %scan3A_56 : i32 to index
      %get3A_908 = arith.constant 640 : index
      %get3A_909 = tpu.vector_load %arg13[%get3A_907, %get3A_908] {strides = array<i32>} : memref<32x1024xf32, #tpu.memory_space<vmem>>, vector<1x16xf32>,
      %get3A_910 = vector.shape_cast %get3A_909 : vector<1x16xf32> to vector<16xf32>
      %get3A_911 = arith.index_cast %scan3A_56 : i32 to index
      %get3A_912 = arith.constant 640 : index
      %get3A_913 = tpu.vector_load %arg11[%get3A_911, %get3A_912] {strides = array<i32>} : memref<32x1024xf32, #tpu.memory_space<vmem>>, vector<1x16xf32>,
      %get3A_914 = vector.shape_cast %get3A_913 : vector<1x16xf32> to vector<16xf32>
      %mul3A_915 = arith.mulf %get3A_61, %get3A_914 : vector<16xf32>
      %add3A_916 = arith.addf %get3A_910, %mul3A_915 : vector<16xf32>
      %get3A_917 = arith.index_cast %scan3A_56 : i32 to index
      %get3A_918 = arith.constant 640 : index
      %get3A_919 = tpu.vector_load %arg12[%get3A_917, %get3A_918] {strides = array<i32>} : memref<32x1024xf32, #tpu.memory_space<vmem>>, vector<1x16xf32>,
      %get3A_920 = vector.shape_cast %get3A_919 : vector<1x16xf32> to vector<16xf32>
      %mul3A_921 = arith.mulf %get3A_67, %get3A_920 : vector<16xf32>
      %add3A_922 = arith.addf %add3A_916, %mul3A_921 : vector<16xf32>
      %swap3A_923 = arith.index_cast %scan3A_56 : i32 to index
      %swap3A_924 = arith.constant 640 : index
      %swap3A_925 = tpu.vector_load %arg13[%swap3A_923, %swap3A_924] {strides = array<i32>} : memref<32x1024xf32, #tpu.memory_space<vmem>>, vector<1x16xf32>,
      %swap3A_926 = vector.shape_cast %swap3A_925 : vector<1x16xf32> to vector<16xf32>
      %swap3A_927 = vector.shape_cast %add3A_922 : vector<16xf32> to vector<1x16xf32>
      tpu.vector_store %arg13[%swap3A_923, %swap3A_924], %swap3A_927 {strides = array<i32>} : memref<32x1024xf32, #tpu.memory_space<vmem>>, vector<1x16xf32>,
      %get3A_928 = arith.index_cast %scan3A_56 : i32 to index
      %get3A_929 = arith.constant 656 : index
      %get3A_930 = tpu.vector_load %arg13[%get3A_928, %get3A_929] {strides = array<i32>} : memref<32x1024xf32, #tpu.memory_space<vmem>>, vector<1x16xf32>,
      %get3A_931 = vector.shape_cast %get3A_930 : vector<1x16xf32> to vector<16xf32>
      %get3A_932 = arith.index_cast %scan3A_56 : i32 to index
      %get3A_933 = arith.constant 656 : index
      %get3A_934 = tpu.vector_load %arg11[%get3A_932, %get3A_933] {strides = array<i32>} : memref<32x1024xf32, #tpu.memory_space<vmem>>, vector<1x16xf32>,
      %get3A_935 = vector.shape_cast %get3A_934 : vector<1x16xf32> to vector<16xf32>
      %mul3A_936 = arith.mulf %get3A_61, %get3A_935 : vector<16xf32>
      %add3A_937 = arith.addf %get3A_931, %mul3A_936 : vector<16xf32>
      %get3A_938 = arith.index_cast %scan3A_56 : i32 to index
      %get3A_939 = arith.constant 656 : index
      %get3A_940 = tpu.vector_load %arg12[%get3A_938, %get3A_939] {strides = array<i32>} : memref<32x1024xf32, #tpu.memory_space<vmem>>, vector<1x16xf32>,
      %get3A_941 = vector.shape_cast %get3A_940 : vector<1x16xf32> to vector<16xf32>
      %mul3A_942 = arith.mulf %get3A_67, %get3A_941 : vector<16xf32>
      %add3A_943 = arith.addf %add3A_937, %mul3A_942 : vector<16xf32>
      %swap3A_944 = arith.index_cast %scan3A_56 : i32 to index
      %swap3A_945 = arith.constant 656 : index
      %swap3A_946 = tpu.vector_load %arg13[%swap3A_944, %swap3A_945] {strides = array<i32>} : memref<32x1024xf32, #tpu.memory_space<vmem>>, vector<1x16xf32>,
      %swap3A_947 = vector.shape_cast %swap3A_946 : vector<1x16xf32> to vector<16xf32>
      %swap3A_948 = vector.shape_cast %add3A_943 : vector<16xf32> to vector<1x16xf32>
      tpu.vector_store %arg13[%swap3A_944, %swap3A_945], %swap3A_948 {strides = array<i32>} : memref<32x1024xf32, #tpu.memory_space<vmem>>, vector<1x16xf32>,
      %get3A_949 = arith.index_cast %scan3A_56 : i32 to index
      %get3A_950 = arith.constant 672 : index
      %get3A_951 = tpu.vector_load %arg13[%get3A_949, %get3A_950] {strides = array<i32>} : memref<32x1024xf32, #tpu.memory_space<vmem>>, vector<1x16xf32>,
      %get3A_952 = vector.shape_cast %get3A_951 : vector<1x16xf32> to vector<16xf32>
      %get3A_953 = arith.index_cast %scan3A_56 : i32 to index
      %get3A_954 = arith.constant 672 : index
      %get3A_955 = tpu.vector_load %arg11[%get3A_953, %get3A_954] {strides = array<i32>} : memref<32x1024xf32, #tpu.memory_space<vmem>>, vector<1x16xf32>,
      %get3A_956 = vector.shape_cast %get3A_955 : vector<1x16xf32> to vector<16xf32>
      %mul3A_957 = arith.mulf %get3A_61, %get3A_956 : vector<16xf32>
      %add3A_958 = arith.addf %get3A_952, %mul3A_957 : vector<16xf32>
      %get3A_959 = arith.index_cast %scan3A_56 : i32 to index
      %get3A_960 = arith.constant 672 : index
      %get3A_961 = tpu.vector_load %arg12[%get3A_959, %get3A_960] {strides = array<i32>} : memref<32x1024xf32, #tpu.memory_space<vmem>>, vector<1x16xf32>,
      %get3A_962 = vector.shape_cast %get3A_961 : vector<1x16xf32> to vector<16xf32>
      %mul3A_963 = arith.mulf %get3A_67, %get3A_962 : vector<16xf32>
      %add3A_964 = arith.addf %add3A_958, %mul3A_963 : vector<16xf32>
      %swap3A_965 = arith.index_cast %scan3A_56 : i32 to index
      %swap3A_966 = arith.constant 672 : index
      %swap3A_967 = tpu.vector_load %arg13[%swap3A_965, %swap3A_966] {strides = array<i32>} : memref<32x1024xf32, #tpu.memory_space<vmem>>, vector<1x16xf32>,
      %swap3A_968 = vector.shape_cast %swap3A_967 : vector<1x16xf32> to vector<16xf32>
      %swap3A_969 = vector.shape_cast %add3A_964 : vector<16xf32> to vector<1x16xf32>
      tpu.vector_store %arg13[%swap3A_965, %swap3A_966], %swap3A_969 {strides = array<i32>} : memref<32x1024xf32, #tpu.memory_space<vmem>>, vector<1x16xf32>,
      %get3A_970 = arith.index_cast %scan3A_56 : i32 to index
      %get3A_971 = arith.constant 688 : index
      %get3A_972 = tpu.vector_load %arg13[%get3A_970, %get3A_971] {strides = array<i32>} : memref<32x1024xf32, #tpu.memory_space<vmem>>, vector<1x16xf32>,
      %get3A_973 = vector.shape_cast %get3A_972 : vector<1x16xf32> to vector<16xf32>
      %get3A_974 = arith.index_cast %scan3A_56 : i32 to index
      %get3A_975 = arith.constant 688 : index
      %get3A_976 = tpu.vector_load %arg11[%get3A_974, %get3A_975] {strides = array<i32>} : memref<32x1024xf32, #tpu.memory_space<vmem>>, vector<1x16xf32>,
      %get3A_977 = vector.shape_cast %get3A_976 : vector<1x16xf32> to vector<16xf32>
      %mul3A_978 = arith.mulf %get3A_61, %get3A_977 : vector<16xf32>
      %add3A_979 = arith.addf %get3A_973, %mul3A_978 : vector<16xf32>
      %get3A_980 = arith.index_cast %scan3A_56 : i32 to index
      %get3A_981 = arith.constant 688 : index
      %get3A_982 = tpu.vector_load %arg12[%get3A_980, %get3A_981] {strides = array<i32>} : memref<32x1024xf32, #tpu.memory_space<vmem>>, vector<1x16xf32>,
      %get3A_983 = vector.shape_cast %get3A_982 : vector<1x16xf32> to vector<16xf32>
      %mul3A_984 = arith.mulf %get3A_67, %get3A_983 : vector<16xf32>
      %add3A_985 = arith.addf %add3A_979, %mul3A_984 : vector<16xf32>
      %swap3A_986 = arith.index_cast %scan3A_56 : i32 to index
      %swap3A_987 = arith.constant 688 : index
      %swap3A_988 = tpu.vector_load %arg13[%swap3A_986, %swap3A_987] {strides = array<i32>} : memref<32x1024xf32, #tpu.memory_space<vmem>>, vector<1x16xf32>,
      %swap3A_989 = vector.shape_cast %swap3A_988 : vector<1x16xf32> to vector<16xf32>
      %swap3A_990 = vector.shape_cast %add3A_985 : vector<16xf32> to vector<1x16xf32>
      tpu.vector_store %arg13[%swap3A_986, %swap3A_987], %swap3A_990 {strides = array<i32>} : memref<32x1024xf32, #tpu.memory_space<vmem>>, vector<1x16xf32>,
      %get3A_991 = arith.index_cast %scan3A_56 : i32 to index
      %get3A_992 = arith.constant 704 : index
      %get3A_993 = tpu.vector_load %arg13[%get3A_991, %get3A_992] {strides = array<i32>} : memref<32x1024xf32, #tpu.memory_space<vmem>>, vector<1x16xf32>,
      %get3A_994 = vector.shape_cast %get3A_993 : vector<1x16xf32> to vector<16xf32>
      %get3A_995 = arith.index_cast %scan3A_56 : i32 to index
      %get3A_996 = arith.constant 704 : index
      %get3A_997 = tpu.vector_load %arg11[%get3A_995, %get3A_996] {strides = array<i32>} : memref<32x1024xf32, #tpu.memory_space<vmem>>, vector<1x16xf32>,
      %get3A_998 = vector.shape_cast %get3A_997 : vector<1x16xf32> to vector<16xf32>
      %mul3A_999 = arith.mulf %get3A_61, %get3A_998 : vector<16xf32>
      %add3A_1000 = arith.addf %get3A_994, %mul3A_999 : vector<16xf32>
      %get3A_1001 = arith.index_cast %scan3A_56 : i32 to index
      %get3A_1002 = arith.constant 704 : index
      %get3A_1003 = tpu.vector_load %arg12[%get3A_1001, %get3A_1002] {strides = array<i32>} : memref<32x1024xf32, #tpu.memory_space<vmem>>, vector<1x16xf32>,
      %get3A_1004 = vector.shape_cast %get3A_1003 : vector<1x16xf32> to vector<16xf32>
      %mul3A_1005 = arith.mulf %get3A_67, %get3A_1004 : vector<16xf32>
      %add3A_1006 = arith.addf %add3A_1000, %mul3A_1005 : vector<16xf32>
      %swap3A_1007 = arith.index_cast %scan3A_56 : i32 to index
      %swap3A_1008 = arith.constant 704 : index
      %swap3A_1009 = tpu.vector_load %arg13[%swap3A_1007, %swap3A_1008] {strides = array<i32>} : memref<32x1024xf32, #tpu.memory_space<vmem>>, vector<1x16xf32>,
      %swap3A_1010 = vector.shape_cast %swap3A_1009 : vector<1x16xf32> to vector<16xf32>
      %swap3A_1011 = vector.shape_cast %add3A_1006 : vector<16xf32> to vector<1x16xf32>
      tpu.vector_store %arg13[%swap3A_1007, %swap3A_1008], %swap3A_1011 {strides = array<i32>} : memref<32x1024xf32, #tpu.memory_space<vmem>>, vector<1x16xf32>,
      %get3A_1012 = arith.index_cast %scan3A_56 : i32 to index
      %get3A_1013 = arith.constant 720 : index
      %get3A_1014 = tpu.vector_load %arg13[%get3A_1012, %get3A_1013] {strides = array<i32>} : memref<32x1024xf32, #tpu.memory_space<vmem>>, vector<1x16xf32>,
      %get3A_1015 = vector.shape_cast %get3A_1014 : vector<1x16xf32> to vector<16xf32>
      %get3A_1016 = arith.index_cast %scan3A_56 : i32 to index
      %get3A_1017 = arith.constant 720 : index
      %get3A_1018 = tpu.vector_load %arg11[%get3A_1016, %get3A_1017] {strides = array<i32>} : memref<32x1024xf32, #tpu.memory_space<vmem>>, vector<1x16xf32>,
      %get3A_1019 = vector.shape_cast %get3A_1018 : vector<1x16xf32> to vector<16xf32>
      %mul3A_1020 = arith.mulf %get3A_61, %get3A_1019 : vector<16xf32>
      %add3A_1021 = arith.addf %get3A_1015, %mul3A_1020 : vector<16xf32>
      %get3A_1022 = arith.index_cast %scan3A_56 : i32 to index
      %get3A_1023 = arith.constant 720 : index
      %get3A_1024 = tpu.vector_load %arg12[%get3A_1022, %get3A_1023] {strides = array<i32>} : memref<32x1024xf32, #tpu.memory_space<vmem>>, vector<1x16xf32>,
      %get3A_1025 = vector.shape_cast %get3A_1024 : vector<1x16xf32> to vector<16xf32>
      %mul3A_1026 = arith.mulf %get3A_67, %get3A_1025 : vector<16xf32>
      %add3A_1027 = arith.addf %add3A_1021, %mul3A_1026 : vector<16xf32>
      %swap3A_1028 = arith.index_cast %scan3A_56 : i32 to index
      %swap3A_1029 = arith.constant 720 : index
      %swap3A_1030 = tpu.vector_load %arg13[%swap3A_1028, %swap3A_1029] {strides = array<i32>} : memref<32x1024xf32, #tpu.memory_space<vmem>>, vector<1x16xf32>,
      %swap3A_1031 = vector.shape_cast %swap3A_1030 : vector<1x16xf32> to vector<16xf32>
      %swap3A_1032 = vector.shape_cast %add3A_1027 : vector<16xf32> to vector<1x16xf32>
      tpu.vector_store %arg13[%swap3A_1028, %swap3A_1029], %swap3A_1032 {strides = array<i32>} : memref<32x1024xf32, #tpu.memory_space<vmem>>, vector<1x16xf32>,
      %get3A_1033 = arith.index_cast %scan3A_56 : i32 to index
      %get3A_1034 = arith.constant 736 : index
      %get3A_1035 = tpu.vector_load %arg13[%get3A_1033, %get3A_1034] {strides = array<i32>} : memref<32x1024xf32, #tpu.memory_space<vmem>>, vector<1x16xf32>,
      %get3A_1036 = vector.shape_cast %get3A_1035 : vector<1x16xf32> to vector<16xf32>
      %get3A_1037 = arith.index_cast %scan3A_56 : i32 to index
      %get3A_1038 = arith.constant 736 : index
      %get3A_1039 = tpu.vector_load %arg11[%get3A_1037, %get3A_1038] {strides = array<i32>} : memref<32x1024xf32, #tpu.memory_space<vmem>>, vector<1x16xf32>,
      %get3A_1040 = vector.shape_cast %get3A_1039 : vector<1x16xf32> to vector<16xf32>
      %mul3A_1041 = arith.mulf %get3A_61, %get3A_1040 : vector<16xf32>
      %add3A_1042 = arith.addf %get3A_1036, %mul3A_1041 : vector<16xf32>
      %get3A_1043 = arith.index_cast %scan3A_56 : i32 to index
      %get3A_1044 = arith.constant 736 : index
      %get3A_1045 = tpu.vector_load %arg12[%get3A_1043, %get3A_1044] {strides = array<i32>} : memref<32x1024xf32, #tpu.memory_space<vmem>>, vector<1x16xf32>,
      %get3A_1046 = vector.shape_cast %get3A_1045 : vector<1x16xf32> to vector<16xf32>
      %mul3A_1047 = arith.mulf %get3A_67, %get3A_1046 : vector<16xf32>
      %add3A_1048 = arith.addf %add3A_1042, %mul3A_1047 : vector<16xf32>
      %swap3A_1049 = arith.index_cast %scan3A_56 : i32 to index
      %swap3A_1050 = arith.constant 736 : index
      %swap3A_1051 = tpu.vector_load %arg13[%swap3A_1049, %swap3A_1050] {strides = array<i32>} : memref<32x1024xf32, #tpu.memory_space<vmem>>, vector<1x16xf32>,
      %swap3A_1052 = vector.shape_cast %swap3A_1051 : vector<1x16xf32> to vector<16xf32>
      %swap3A_1053 = vector.shape_cast %add3A_1048 : vector<16xf32> to vector<1x16xf32>
      tpu.vector_store %arg13[%swap3A_1049, %swap3A_1050], %swap3A_1053 {strides = array<i32>} : memref<32x1024xf32, #tpu.memory_space<vmem>>, vector<1x16xf32>,
      %get3A_1054 = arith.index_cast %scan3A_56 : i32 to index
      %get3A_1055 = arith.constant 752 : index
      %get3A_1056 = tpu.vector_load %arg13[%get3A_1054, %get3A_1055] {strides = array<i32>} : memref<32x1024xf32, #tpu.memory_space<vmem>>, vector<1x16xf32>,
      %get3A_1057 = vector.shape_cast %get3A_1056 : vector<1x16xf32> to vector<16xf32>
      %get3A_1058 = arith.index_cast %scan3A_56 : i32 to index
      %get3A_1059 = arith.constant 752 : index
      %get3A_1060 = tpu.vector_load %arg11[%get3A_1058, %get3A_1059] {strides = array<i32>} : memref<32x1024xf32, #tpu.memory_space<vmem>>, vector<1x16xf32>,
      %get3A_1061 = vector.shape_cast %get3A_1060 : vector<1x16xf32> to vector<16xf32>
      %mul3A_1062 = arith.mulf %get3A_61, %get3A_1061 : vector<16xf32>
      %add3A_1063 = arith.addf %get3A_1057, %mul3A_1062 : vector<16xf32>
      %get3A_1064 = arith.index_cast %scan3A_56 : i32 to index
      %get3A_1065 = arith.constant 752 : index
      %get3A_1066 = tpu.vector_load %arg12[%get3A_1064, %get3A_1065] {strides = array<i32>} : memref<32x1024xf32, #tpu.memory_space<vmem>>, vector<1x16xf32>,
      %get3A_1067 = vector.shape_cast %get3A_1066 : vector<1x16xf32> to vector<16xf32>
      %mul3A_1068 = arith.mulf %get3A_67, %get3A_1067 : vector<16xf32>
      %add3A_1069 = arith.addf %add3A_1063, %mul3A_1068 : vector<16xf32>
      %swap3A_1070 = arith.index_cast %scan3A_56 : i32 to index
      %swap3A_1071 = arith.constant 752 : index
      %swap3A_1072 = tpu.vector_load %arg13[%swap3A_1070, %swap3A_1071] {strides = array<i32>} : memref<32x1024xf32, #tpu.memory_space<vmem>>, vector<1x16xf32>,
      %swap3A_1073 = vector.shape_cast %swap3A_1072 : vector<1x16xf32> to vector<16xf32>
      %swap3A_1074 = vector.shape_cast %add3A_1069 : vector<16xf32> to vector<1x16xf32>
      tpu.vector_store %arg13[%swap3A_1070, %swap3A_1071], %swap3A_1074 {strides = array<i32>} : memref<32x1024xf32, #tpu.memory_space<vmem>>, vector<1x16xf32>,
      %get3A_1075 = arith.index_cast %scan3A_56 : i32 to index
      %get3A_1076 = arith.constant 768 : index
      %get3A_1077 = tpu.vector_load %arg13[%get3A_1075, %get3A_1076] {strides = array<i32>} : memref<32x1024xf32, #tpu.memory_space<vmem>>, vector<1x16xf32>,
      %get3A_1078 = vector.shape_cast %get3A_1077 : vector<1x16xf32> to vector<16xf32>
      %get3A_1079 = arith.index_cast %scan3A_56 : i32 to index
      %get3A_1080 = arith.constant 768 : index
      %get3A_1081 = tpu.vector_load %arg11[%get3A_1079, %get3A_1080] {strides = array<i32>} : memref<32x1024xf32, #tpu.memory_space<vmem>>, vector<1x16xf32>,
      %get3A_1082 = vector.shape_cast %get3A_1081 : vector<1x16xf32> to vector<16xf32>
      %mul3A_1083 = arith.mulf %get3A_61, %get3A_1082 : vector<16xf32>
      %add3A_1084 = arith.addf %get3A_1078, %mul3A_1083 : vector<16xf32>
      %get3A_1085 = arith.index_cast %scan3A_56 : i32 to index
      %get3A_1086 = arith.constant 768 : index
      %get3A_1087 = tpu.vector_load %arg12[%get3A_1085, %get3A_1086] {strides = array<i32>} : memref<32x1024xf32, #tpu.memory_space<vmem>>, vector<1x16xf32>,
      %get3A_1088 = vector.shape_cast %get3A_1087 : vector<1x16xf32> to vector<16xf32>
      %mul3A_1089 = arith.mulf %get3A_67, %get3A_1088 : vector<16xf32>
      %add3A_1090 = arith.addf %add3A_1084, %mul3A_1089 : vector<16xf32>
      %swap3A_1091 = arith.index_cast %scan3A_56 : i32 to index
      %swap3A_1092 = arith.constant 768 : index
      %swap3A_1093 = tpu.vector_load %arg13[%swap3A_1091, %swap3A_1092] {strides = array<i32>} : memref<32x1024xf32, #tpu.memory_space<vmem>>, vector<1x16xf32>,
      %swap3A_1094 = vector.shape_cast %swap3A_1093 : vector<1x16xf32> to vector<16xf32>
      %swap3A_1095 = vector.shape_cast %add3A_1090 : vector<16xf32> to vector<1x16xf32>
      tpu.vector_store %arg13[%swap3A_1091, %swap3A_1092], %swap3A_1095 {strides = array<i32>} : memref<32x1024xf32, #tpu.memory_space<vmem>>, vector<1x16xf32>,
      %get3A_1096 = arith.index_cast %scan3A_56 : i32 to index
      %get3A_1097 = arith.constant 784 : index
      %get3A_1098 = tpu.vector_load %arg13[%get3A_1096, %get3A_1097] {strides = array<i32>} : memref<32x1024xf32, #tpu.memory_space<vmem>>, vector<1x16xf32>,
      %get3A_1099 = vector.shape_cast %get3A_1098 : vector<1x16xf32> to vector<16xf32>
      %get3A_1100 = arith.index_cast %scan3A_56 : i32 to index
      %get3A_1101 = arith.constant 784 : index
      %get3A_1102 = tpu.vector_load %arg11[%get3A_1100, %get3A_1101] {strides = array<i32>} : memref<32x1024xf32, #tpu.memory_space<vmem>>, vector<1x16xf32>,
      %get3A_1103 = vector.shape_cast %get3A_1102 : vector<1x16xf32> to vector<16xf32>
      %mul3A_1104 = arith.mulf %get3A_61, %get3A_1103 : vector<16xf32>
      %add3A_1105 = arith.addf %get3A_1099, %mul3A_1104 : vector<16xf32>
      %get3A_1106 = arith.index_cast %scan3A_56 : i32 to index
      %get3A_1107 = arith.constant 784 : index
      %get3A_1108 = tpu.vector_load %arg12[%get3A_1106, %get3A_1107] {strides = array<i32>} : memref<32x1024xf32, #tpu.memory_space<vmem>>, vector<1x16xf32>,
      %get3A_1109 = vector.shape_cast %get3A_1108 : vector<1x16xf32> to vector<16xf32>
      %mul3A_1110 = arith.mulf %get3A_67, %get3A_1109 : vector<16xf32>
      %add3A_1111 = arith.addf %add3A_1105, %mul3A_1110 : vector<16xf32>
      %swap3A_1112 = arith.index_cast %scan3A_56 : i32 to index
      %swap3A_1113 = arith.constant 784 : index
      %swap3A_1114 = tpu.vector_load %arg13[%swap3A_1112, %swap3A_1113] {strides = array<i32>} : memref<32x1024xf32, #tpu.memory_space<vmem>>, vector<1x16xf32>,
      %swap3A_1115 = vector.shape_cast %swap3A_1114 : vector<1x16xf32> to vector<16xf32>
      %swap3A_1116 = vector.shape_cast %add3A_1111 : vector<16xf32> to vector<1x16xf32>
      tpu.vector_store %arg13[%swap3A_1112, %swap3A_1113], %swap3A_1116 {strides = array<i32>} : memref<32x1024xf32, #tpu.memory_space<vmem>>, vector<1x16xf32>,
      %get3A_1117 = arith.index_cast %scan3A_56 : i32 to index
      %get3A_1118 = arith.constant 800 : index
      %get3A_1119 = tpu.vector_load %arg13[%get3A_1117, %get3A_1118] {strides = array<i32>} : memref<32x1024xf32, #tpu.memory_space<vmem>>, vector<1x16xf32>,
      %get3A_1120 = vector.shape_cast %get3A_1119 : vector<1x16xf32> to vector<16xf32>
      %get3A_1121 = arith.index_cast %scan3A_56 : i32 to index
      %get3A_1122 = arith.constant 800 : index
      %get3A_1123 = tpu.vector_load %arg11[%get3A_1121, %get3A_1122] {strides = array<i32>} : memref<32x1024xf32, #tpu.memory_space<vmem>>, vector<1x16xf32>,
      %get3A_1124 = vector.shape_cast %get3A_1123 : vector<1x16xf32> to vector<16xf32>
      %mul3A_1125 = arith.mulf %get3A_61, %get3A_1124 : vector<16xf32>
      %add3A_1126 = arith.addf %get3A_1120, %mul3A_1125 : vector<16xf32>
      %get3A_1127 = arith.index_cast %scan3A_56 : i32 to index
      %get3A_1128 = arith.constant 800 : index
      %get3A_1129 = tpu.vector_load %arg12[%get3A_1127, %get3A_1128] {strides = array<i32>} : memref<32x1024xf32, #tpu.memory_space<vmem>>, vector<1x16xf32>,
      %get3A_1130 = vector.shape_cast %get3A_1129 : vector<1x16xf32> to vector<16xf32>
      %mul3A_1131 = arith.mulf %get3A_67, %get3A_1130 : vector<16xf32>
      %add3A_1132 = arith.addf %add3A_1126, %mul3A_1131 : vector<16xf32>
      %swap3A_1133 = arith.index_cast %scan3A_56 : i32 to index
      %swap3A_1134 = arith.constant 800 : index
      %swap3A_1135 = tpu.vector_load %arg13[%swap3A_1133, %swap3A_1134] {strides = array<i32>} : memref<32x1024xf32, #tpu.memory_space<vmem>>, vector<1x16xf32>,
      %swap3A_1136 = vector.shape_cast %swap3A_1135 : vector<1x16xf32> to vector<16xf32>
      %swap3A_1137 = vector.shape_cast %add3A_1132 : vector<16xf32> to vector<1x16xf32>
      tpu.vector_store %arg13[%swap3A_1133, %swap3A_1134], %swap3A_1137 {strides = array<i32>} : memref<32x1024xf32, #tpu.memory_space<vmem>>, vector<1x16xf32>,
      %get3A_1138 = arith.index_cast %scan3A_56 : i32 to index
      %get3A_1139 = arith.constant 816 : index
      %get3A_1140 = tpu.vector_load %arg13[%get3A_1138, %get3A_1139] {strides = array<i32>} : memref<32x1024xf32, #tpu.memory_space<vmem>>, vector<1x16xf32>,
      %get3A_1141 = vector.shape_cast %get3A_1140 : vector<1x16xf32> to vector<16xf32>
      %get3A_1142 = arith.index_cast %scan3A_56 : i32 to index
      %get3A_1143 = arith.constant 816 : index
      %get3A_1144 = tpu.vector_load %arg11[%get3A_1142, %get3A_1143] {strides = array<i32>} : memref<32x1024xf32, #tpu.memory_space<vmem>>, vector<1x16xf32>,
      %get3A_1145 = vector.shape_cast %get3A_1144 : vector<1x16xf32> to vector<16xf32>
      %mul3A_1146 = arith.mulf %get3A_61, %get3A_1145 : vector<16xf32>
      %add3A_1147 = arith.addf %get3A_1141, %mul3A_1146 : vector<16xf32>
      %get3A_1148 = arith.index_cast %scan3A_56 : i32 to index
      %get3A_1149 = arith.constant 816 : index
      %get3A_1150 = tpu.vector_load %arg12[%get3A_1148, %get3A_1149] {strides = array<i32>} : memref<32x1024xf32, #tpu.memory_space<vmem>>, vector<1x16xf32>,
      %get3A_1151 = vector.shape_cast %get3A_1150 : vector<1x16xf32> to vector<16xf32>
      %mul3A_1152 = arith.mulf %get3A_67, %get3A_1151 : vector<16xf32>
      %add3A_1153 = arith.addf %add3A_1147, %mul3A_1152 : vector<16xf32>
      %swap3A_1154 = arith.index_cast %scan3A_56 : i32 to index
      %swap3A_1155 = arith.constant 816 : index
      %swap3A_1156 = tpu.vector_load %arg13[%swap3A_1154, %swap3A_1155] {strides = array<i32>} : memref<32x1024xf32, #tpu.memory_space<vmem>>, vector<1x16xf32>,
      %swap3A_1157 = vector.shape_cast %swap3A_1156 : vector<1x16xf32> to vector<16xf32>
      %swap3A_1158 = vector.shape_cast %add3A_1153 : vector<16xf32> to vector<1x16xf32>
      tpu.vector_store %arg13[%swap3A_1154, %swap3A_1155], %swap3A_1158 {strides = array<i32>} : memref<32x1024xf32, #tpu.memory_space<vmem>>, vector<1x16xf32>,
      %get3A_1159 = arith.index_cast %scan3A_56 : i32 to index
      %get3A_1160 = arith.constant 832 : index
      %get3A_1161 = tpu.vector_load %arg13[%get3A_1159, %get3A_1160] {strides = array<i32>} : memref<32x1024xf32, #tpu.memory_space<vmem>>, vector<1x16xf32>,
      %get3A_1162 = vector.shape_cast %get3A_1161 : vector<1x16xf32> to vector<16xf32>
      %get3A_1163 = arith.index_cast %scan3A_56 : i32 to index
      %get3A_1164 = arith.constant 832 : index
      %get3A_1165 = tpu.vector_load %arg11[%get3A_1163, %get3A_1164] {strides = array<i32>} : memref<32x1024xf32, #tpu.memory_space<vmem>>, vector<1x16xf32>,
      %get3A_1166 = vector.shape_cast %get3A_1165 : vector<1x16xf32> to vector<16xf32>
      %mul3A_1167 = arith.mulf %get3A_61, %get3A_1166 : vector<16xf32>
      %add3A_1168 = arith.addf %get3A_1162, %mul3A_1167 : vector<16xf32>
      %get3A_1169 = arith.index_cast %scan3A_56 : i32 to index
      %get3A_1170 = arith.constant 832 : index
      %get3A_1171 = tpu.vector_load %arg12[%get3A_1169, %get3A_1170] {strides = array<i32>} : memref<32x1024xf32, #tpu.memory_space<vmem>>, vector<1x16xf32>,
      %get3A_1172 = vector.shape_cast %get3A_1171 : vector<1x16xf32> to vector<16xf32>
      %mul3A_1173 = arith.mulf %get3A_67, %get3A_1172 : vector<16xf32>
      %add3A_1174 = arith.addf %add3A_1168, %mul3A_1173 : vector<16xf32>
      %swap3A_1175 = arith.index_cast %scan3A_56 : i32 to index
      %swap3A_1176 = arith.constant 832 : index
      %swap3A_1177 = tpu.vector_load %arg13[%swap3A_1175, %swap3A_1176] {strides = array<i32>} : memref<32x1024xf32, #tpu.memory_space<vmem>>, vector<1x16xf32>,
      %swap3A_1178 = vector.shape_cast %swap3A_1177 : vector<1x16xf32> to vector<16xf32>
      %swap3A_1179 = vector.shape_cast %add3A_1174 : vector<16xf32> to vector<1x16xf32>
      tpu.vector_store %arg13[%swap3A_1175, %swap3A_1176], %swap3A_1179 {strides = array<i32>} : memref<32x1024xf32, #tpu.memory_space<vmem>>, vector<1x16xf32>,
      %get3A_1180 = arith.index_cast %scan3A_56 : i32 to index
      %get3A_1181 = arith.constant 848 : index
      %get3A_1182 = tpu.vector_load %arg13[%get3A_1180, %get3A_1181] {strides = array<i32>} : memref<32x1024xf32, #tpu.memory_space<vmem>>, vector<1x16xf32>,
      %get3A_1183 = vector.shape_cast %get3A_1182 : vector<1x16xf32> to vector<16xf32>
      %get3A_1184 = arith.index_cast %scan3A_56 : i32 to index
      %get3A_1185 = arith.constant 848 : index
      %get3A_1186 = tpu.vector_load %arg11[%get3A_1184, %get3A_1185] {strides = array<i32>} : memref<32x1024xf32, #tpu.memory_space<vmem>>, vector<1x16xf32>,
      %get3A_1187 = vector.shape_cast %get3A_1186 : vector<1x16xf32> to vector<16xf32>
      %mul3A_1188 = arith.mulf %get3A_61, %get3A_1187 : vector<16xf32>
      %add3A_1189 = arith.addf %get3A_1183, %mul3A_1188 : vector<16xf32>
      %get3A_1190 = arith.index_cast %scan3A_56 : i32 to index
      %get3A_1191 = arith.constant 848 : index
      %get3A_1192 = tpu.vector_load %arg12[%get3A_1190, %get3A_1191] {strides = array<i32>} : memref<32x1024xf32, #tpu.memory_space<vmem>>, vector<1x16xf32>,
      %get3A_1193 = vector.shape_cast %get3A_1192 : vector<1x16xf32> to vector<16xf32>
      %mul3A_1194 = arith.mulf %get3A_67, %get3A_1193 : vector<16xf32>
      %add3A_1195 = arith.addf %add3A_1189, %mul3A_1194 : vector<16xf32>
      %swap3A_1196 = arith.index_cast %scan3A_56 : i32 to index
      %swap3A_1197 = arith.constant 848 : index
      %swap3A_1198 = tpu.vector_load %arg13[%swap3A_1196, %swap3A_1197] {strides = array<i32>} : memref<32x1024xf32, #tpu.memory_space<vmem>>, vector<1x16xf32>,
      %swap3A_1199 = vector.shape_cast %swap3A_1198 : vector<1x16xf32> to vector<16xf32>
      %swap3A_1200 = vector.shape_cast %add3A_1195 : vector<16xf32> to vector<1x16xf32>
      tpu.vector_store %arg13[%swap3A_1196, %swap3A_1197], %swap3A_1200 {strides = array<i32>} : memref<32x1024xf32, #tpu.memory_space<vmem>>, vector<1x16xf32>,
      %get3A_1201 = arith.index_cast %scan3A_56 : i32 to index
      %get3A_1202 = arith.constant 864 : index
      %get3A_1203 = tpu.vector_load %arg13[%get3A_1201, %get3A_1202] {strides = array<i32>} : memref<32x1024xf32, #tpu.memory_space<vmem>>, vector<1x16xf32>,
      %get3A_1204 = vector.shape_cast %get3A_1203 : vector<1x16xf32> to vector<16xf32>
      %get3A_1205 = arith.index_cast %scan3A_56 : i32 to index
      %get3A_1206 = arith.constant 864 : index
      %get3A_1207 = tpu.vector_load %arg11[%get3A_1205, %get3A_1206] {strides = array<i32>} : memref<32x1024xf32, #tpu.memory_space<vmem>>, vector<1x16xf32>,
      %get3A_1208 = vector.shape_cast %get3A_1207 : vector<1x16xf32> to vector<16xf32>
      %mul3A_1209 = arith.mulf %get3A_61, %get3A_1208 : vector<16xf32>
      %add3A_1210 = arith.addf %get3A_1204, %mul3A_1209 : vector<16xf32>
      %get3A_1211 = arith.index_cast %scan3A_56 : i32 to index
      %get3A_1212 = arith.constant 864 : index
      %get3A_1213 = tpu.vector_load %arg12[%get3A_1211, %get3A_1212] {strides = array<i32>} : memref<32x1024xf32, #tpu.memory_space<vmem>>, vector<1x16xf32>,
      %get3A_1214 = vector.shape_cast %get3A_1213 : vector<1x16xf32> to vector<16xf32>
      %mul3A_1215 = arith.mulf %get3A_67, %get3A_1214 : vector<16xf32>
      %add3A_1216 = arith.addf %add3A_1210, %mul3A_1215 : vector<16xf32>
      %swap3A_1217 = arith.index_cast %scan3A_56 : i32 to index
      %swap3A_1218 = arith.constant 864 : index
      %swap3A_1219 = tpu.vector_load %arg13[%swap3A_1217, %swap3A_1218] {strides = array<i32>} : memref<32x1024xf32, #tpu.memory_space<vmem>>, vector<1x16xf32>,
      %swap3A_1220 = vector.shape_cast %swap3A_1219 : vector<1x16xf32> to vector<16xf32>
      %swap3A_1221 = vector.shape_cast %add3A_1216 : vector<16xf32> to vector<1x16xf32>
      tpu.vector_store %arg13[%swap3A_1217, %swap3A_1218], %swap3A_1221 {strides = array<i32>} : memref<32x1024xf32, #tpu.memory_space<vmem>>, vector<1x16xf32>,
      %get3A_1222 = arith.index_cast %scan3A_56 : i32 to index
      %get3A_1223 = arith.constant 880 : index
      %get3A_1224 = tpu.vector_load %arg13[%get3A_1222, %get3A_1223] {strides = array<i32>} : memref<32x1024xf32, #tpu.memory_space<vmem>>, vector<1x16xf32>,
      %get3A_1225 = vector.shape_cast %get3A_1224 : vector<1x16xf32> to vector<16xf32>
      %get3A_1226 = arith.index_cast %scan3A_56 : i32 to index
      %get3A_1227 = arith.constant 880 : index
      %get3A_1228 = tpu.vector_load %arg11[%get3A_1226, %get3A_1227] {strides = array<i32>} : memref<32x1024xf32, #tpu.memory_space<vmem>>, vector<1x16xf32>,
      %get3A_1229 = vector.shape_cast %get3A_1228 : vector<1x16xf32> to vector<16xf32>
      %mul3A_1230 = arith.mulf %get3A_61, %get3A_1229 : vector<16xf32>
      %add3A_1231 = arith.addf %get3A_1225, %mul3A_1230 : vector<16xf32>
      %get3A_1232 = arith.index_cast %scan3A_56 : i32 to index
      %get3A_1233 = arith.constant 880 : index
      %get3A_1234 = tpu.vector_load %arg12[%get3A_1232, %get3A_1233] {strides = array<i32>} : memref<32x1024xf32, #tpu.memory_space<vmem>>, vector<1x16xf32>,
      %get3A_1235 = vector.shape_cast %get3A_1234 : vector<1x16xf32> to vector<16xf32>
      %mul3A_1236 = arith.mulf %get3A_67, %get3A_1235 : vector<16xf32>
      %add3A_1237 = arith.addf %add3A_1231, %mul3A_1236 : vector<16xf32>
      %swap3A_1238 = arith.index_cast %scan3A_56 : i32 to index
      %swap3A_1239 = arith.constant 880 : index
      %swap3A_1240 = tpu.vector_load %arg13[%swap3A_1238, %swap3A_1239] {strides = array<i32>} : memref<32x1024xf32, #tpu.memory_space<vmem>>, vector<1x16xf32>,
      %swap3A_1241 = vector.shape_cast %swap3A_1240 : vector<1x16xf32> to vector<16xf32>
      %swap3A_1242 = vector.shape_cast %add3A_1237 : vector<16xf32> to vector<1x16xf32>
      tpu.vector_store %arg13[%swap3A_1238, %swap3A_1239], %swap3A_1242 {strides = array<i32>} : memref<32x1024xf32, #tpu.memory_space<vmem>>, vector<1x16xf32>,
      %get3A_1243 = arith.index_cast %scan3A_56 : i32 to index
      %get3A_1244 = arith.constant 896 : index
      %get3A_1245 = tpu.vector_load %arg13[%get3A_1243, %get3A_1244] {strides = array<i32>} : memref<32x1024xf32, #tpu.memory_space<vmem>>, vector<1x16xf32>,
      %get3A_1246 = vector.shape_cast %get3A_1245 : vector<1x16xf32> to vector<16xf32>
      %get3A_1247 = arith.index_cast %scan3A_56 : i32 to index
      %get3A_1248 = arith.constant 896 : index
      %get3A_1249 = tpu.vector_load %arg11[%get3A_1247, %get3A_1248] {strides = array<i32>} : memref<32x1024xf32, #tpu.memory_space<vmem>>, vector<1x16xf32>,
      %get3A_1250 = vector.shape_cast %get3A_1249 : vector<1x16xf32> to vector<16xf32>
      %mul3A_1251 = arith.mulf %get3A_61, %get3A_1250 : vector<16xf32>
      %add3A_1252 = arith.addf %get3A_1246, %mul3A_1251 : vector<16xf32>
      %get3A_1253 = arith.index_cast %scan3A_56 : i32 to index
      %get3A_1254 = arith.constant 896 : index
      %get3A_1255 = tpu.vector_load %arg12[%get3A_1253, %get3A_1254] {strides = array<i32>} : memref<32x1024xf32, #tpu.memory_space<vmem>>, vector<1x16xf32>,
      %get3A_1256 = vector.shape_cast %get3A_1255 : vector<1x16xf32> to vector<16xf32>
      %mul3A_1257 = arith.mulf %get3A_67, %get3A_1256 : vector<16xf32>
      %add3A_1258 = arith.addf %add3A_1252, %mul3A_1257 : vector<16xf32>
      %swap3A_1259 = arith.index_cast %scan3A_56 : i32 to index
      %swap3A_1260 = arith.constant 896 : index
      %swap3A_1261 = tpu.vector_load %arg13[%swap3A_1259, %swap3A_1260] {strides = array<i32>} : memref<32x1024xf32, #tpu.memory_space<vmem>>, vector<1x16xf32>,
      %swap3A_1262 = vector.shape_cast %swap3A_1261 : vector<1x16xf32> to vector<16xf32>
      %swap3A_1263 = vector.shape_cast %add3A_1258 : vector<16xf32> to vector<1x16xf32>
      tpu.vector_store %arg13[%swap3A_1259, %swap3A_1260], %swap3A_1263 {strides = array<i32>} : memref<32x1024xf32, #tpu.memory_space<vmem>>, vector<1x16xf32>,
      %get3A_1264 = arith.index_cast %scan3A_56 : i32 to index
      %get3A_1265 = arith.constant 912 : index
      %get3A_1266 = tpu.vector_load %arg13[%get3A_1264, %get3A_1265] {strides = array<i32>} : memref<32x1024xf32, #tpu.memory_space<vmem>>, vector<1x16xf32>,
      %get3A_1267 = vector.shape_cast %get3A_1266 : vector<1x16xf32> to vector<16xf32>
      %get3A_1268 = arith.index_cast %scan3A_56 : i32 to index
      %get3A_1269 = arith.constant 912 : index
      %get3A_1270 = tpu.vector_load %arg11[%get3A_1268, %get3A_1269] {strides = array<i32>} : memref<32x1024xf32, #tpu.memory_space<vmem>>, vector<1x16xf32>,
      %get3A_1271 = vector.shape_cast %get3A_1270 : vector<1x16xf32> to vector<16xf32>
      %mul3A_1272 = arith.mulf %get3A_61, %get3A_1271 : vector<16xf32>
      %add3A_1273 = arith.addf %get3A_1267, %mul3A_1272 : vector<16xf32>
      %get3A_1274 = arith.index_cast %scan3A_56 : i32 to index
      %get3A_1275 = arith.constant 912 : index
      %get3A_1276 = tpu.vector_load %arg12[%get3A_1274, %get3A_1275] {strides = array<i32>} : memref<32x1024xf32, #tpu.memory_space<vmem>>, vector<1x16xf32>,
      %get3A_1277 = vector.shape_cast %get3A_1276 : vector<1x16xf32> to vector<16xf32>
      %mul3A_1278 = arith.mulf %get3A_67, %get3A_1277 : vector<16xf32>
      %add3A_1279 = arith.addf %add3A_1273, %mul3A_1278 : vector<16xf32>
      %swap3A_1280 = arith.index_cast %scan3A_56 : i32 to index
      %swap3A_1281 = arith.constant 912 : index
      %swap3A_1282 = tpu.vector_load %arg13[%swap3A_1280, %swap3A_1281] {strides = array<i32>} : memref<32x1024xf32, #tpu.memory_space<vmem>>, vector<1x16xf32>,
      %swap3A_1283 = vector.shape_cast %swap3A_1282 : vector<1x16xf32> to vector<16xf32>
      %swap3A_1284 = vector.shape_cast %add3A_1279 : vector<16xf32> to vector<1x16xf32>
      tpu.vector_store %arg13[%swap3A_1280, %swap3A_1281], %swap3A_1284 {strides = array<i32>} : memref<32x1024xf32, #tpu.memory_space<vmem>>, vector<1x16xf32>,
      %get3A_1285 = arith.index_cast %scan3A_56 : i32 to index
      %get3A_1286 = arith.constant 928 : index
      %get3A_1287 = tpu.vector_load %arg13[%get3A_1285, %get3A_1286] {strides = array<i32>} : memref<32x1024xf32, #tpu.memory_space<vmem>>, vector<1x16xf32>,
      %get3A_1288 = vector.shape_cast %get3A_1287 : vector<1x16xf32> to vector<16xf32>
      %get3A_1289 = arith.index_cast %scan3A_56 : i32 to index
      %get3A_1290 = arith.constant 928 : index
      %get3A_1291 = tpu.vector_load %arg11[%get3A_1289, %get3A_1290] {strides = array<i32>} : memref<32x1024xf32, #tpu.memory_space<vmem>>, vector<1x16xf32>,
      %get3A_1292 = vector.shape_cast %get3A_1291 : vector<1x16xf32> to vector<16xf32>
      %mul3A_1293 = arith.mulf %get3A_61, %get3A_1292 : vector<16xf32>
      %add3A_1294 = arith.addf %get3A_1288, %mul3A_1293 : vector<16xf32>
      %get3A_1295 = arith.index_cast %scan3A_56 : i32 to index
      %get3A_1296 = arith.constant 928 : index
      %get3A_1297 = tpu.vector_load %arg12[%get3A_1295, %get3A_1296] {strides = array<i32>} : memref<32x1024xf32, #tpu.memory_space<vmem>>, vector<1x16xf32>,
      %get3A_1298 = vector.shape_cast %get3A_1297 : vector<1x16xf32> to vector<16xf32>
      %mul3A_1299 = arith.mulf %get3A_67, %get3A_1298 : vector<16xf32>
      %add3A_1300 = arith.addf %add3A_1294, %mul3A_1299 : vector<16xf32>
      %swap3A_1301 = arith.index_cast %scan3A_56 : i32 to index
      %swap3A_1302 = arith.constant 928 : index
      %swap3A_1303 = tpu.vector_load %arg13[%swap3A_1301, %swap3A_1302] {strides = array<i32>} : memref<32x1024xf32, #tpu.memory_space<vmem>>, vector<1x16xf32>,
      %swap3A_1304 = vector.shape_cast %swap3A_1303 : vector<1x16xf32> to vector<16xf32>
      %swap3A_1305 = vector.shape_cast %add3A_1300 : vector<16xf32> to vector<1x16xf32>
      tpu.vector_store %arg13[%swap3A_1301, %swap3A_1302], %swap3A_1305 {strides = array<i32>} : memref<32x1024xf32, #tpu.memory_space<vmem>>, vector<1x16xf32>,
      %get3A_1306 = arith.index_cast %scan3A_56 : i32 to index
      %get3A_1307 = arith.constant 944 : index
      %get3A_1308 = tpu.vector_load %arg13[%get3A_1306, %get3A_1307] {strides = array<i32>} : memref<32x1024xf32, #tpu.memory_space<vmem>>, vector<1x16xf32>,
      %get3A_1309 = vector.shape_cast %get3A_1308 : vector<1x16xf32> to vector<16xf32>
      %get3A_1310 = arith.index_cast %scan3A_56 : i32 to index
      %get3A_1311 = arith.constant 944 : index
      %get3A_1312 = tpu.vector_load %arg11[%get3A_1310, %get3A_1311] {strides = array<i32>} : memref<32x1024xf32, #tpu.memory_space<vmem>>, vector<1x16xf32>,
      %get3A_1313 = vector.shape_cast %get3A_1312 : vector<1x16xf32> to vector<16xf32>
      %mul3A_1314 = arith.mulf %get3A_61, %get3A_1313 : vector<16xf32>
      %add3A_1315 = arith.addf %get3A_1309, %mul3A_1314 : vector<16xf32>
      %get3A_1316 = arith.index_cast %scan3A_56 : i32 to index
      %get3A_1317 = arith.constant 944 : index
      %get3A_1318 = tpu.vector_load %arg12[%get3A_1316, %get3A_1317] {strides = array<i32>} : memref<32x1024xf32, #tpu.memory_space<vmem>>, vector<1x16xf32>,
      %get3A_1319 = vector.shape_cast %get3A_1318 : vector<1x16xf32> to vector<16xf32>
      %mul3A_1320 = arith.mulf %get3A_67, %get3A_1319 : vector<16xf32>
      %add3A_1321 = arith.addf %add3A_1315, %mul3A_1320 : vector<16xf32>
      %swap3A_1322 = arith.index_cast %scan3A_56 : i32 to index
      %swap3A_1323 = arith.constant 944 : index
      %swap3A_1324 = tpu.vector_load %arg13[%swap3A_1322, %swap3A_1323] {strides = array<i32>} : memref<32x1024xf32, #tpu.memory_space<vmem>>, vector<1x16xf32>,
      %swap3A_1325 = vector.shape_cast %swap3A_1324 : vector<1x16xf32> to vector<16xf32>
      %swap3A_1326 = vector.shape_cast %add3A_1321 : vector<16xf32> to vector<1x16xf32>
      tpu.vector_store %arg13[%swap3A_1322, %swap3A_1323], %swap3A_1326 {strides = array<i32>} : memref<32x1024xf32, #tpu.memory_space<vmem>>, vector<1x16xf32>,
      %get3A_1327 = arith.index_cast %scan3A_56 : i32 to index
      %get3A_1328 = arith.constant 960 : index
      %get3A_1329 = tpu.vector_load %arg13[%get3A_1327, %get3A_1328] {strides = array<i32>} : memref<32x1024xf32, #tpu.memory_space<vmem>>, vector<1x16xf32>,
      %get3A_1330 = vector.shape_cast %get3A_1329 : vector<1x16xf32> to vector<16xf32>
      %get3A_1331 = arith.index_cast %scan3A_56 : i32 to index
      %get3A_1332 = arith.constant 960 : index
      %get3A_1333 = tpu.vector_load %arg11[%get3A_1331, %get3A_1332] {strides = array<i32>} : memref<32x1024xf32, #tpu.memory_space<vmem>>, vector<1x16xf32>,
      %get3A_1334 = vector.shape_cast %get3A_1333 : vector<1x16xf32> to vector<16xf32>
      %mul3A_1335 = arith.mulf %get3A_61, %get3A_1334 : vector<16xf32>
      %add3A_1336 = arith.addf %get3A_1330, %mul3A_1335 : vector<16xf32>
      %get3A_1337 = arith.index_cast %scan3A_56 : i32 to index
      %get3A_1338 = arith.constant 960 : index
      %get3A_1339 = tpu.vector_load %arg12[%get3A_1337, %get3A_1338] {strides = array<i32>} : memref<32x1024xf32, #tpu.memory_space<vmem>>, vector<1x16xf32>,
      %get3A_1340 = vector.shape_cast %get3A_1339 : vector<1x16xf32> to vector<16xf32>
      %mul3A_1341 = arith.mulf %get3A_67, %get3A_1340 : vector<16xf32>
      %add3A_1342 = arith.addf %add3A_1336, %mul3A_1341 : vector<16xf32>
      %swap3A_1343 = arith.index_cast %scan3A_56 : i32 to index
      %swap3A_1344 = arith.constant 960 : index
      %swap3A_1345 = tpu.vector_load %arg13[%swap3A_1343, %swap3A_1344] {strides = array<i32>} : memref<32x1024xf32, #tpu.memory_space<vmem>>, vector<1x16xf32>,
      %swap3A_1346 = vector.shape_cast %swap3A_1345 : vector<1x16xf32> to vector<16xf32>
      %swap3A_1347 = vector.shape_cast %add3A_1342 : vector<16xf32> to vector<1x16xf32>
      tpu.vector_store %arg13[%swap3A_1343, %swap3A_1344], %swap3A_1347 {strides = array<i32>} : memref<32x1024xf32, #tpu.memory_space<vmem>>, vector<1x16xf32>,
      %get3A_1348 = arith.index_cast %scan3A_56 : i32 to index
      %get3A_1349 = arith.constant 976 : index
      %get3A_1350 = tpu.vector_load %arg13[%get3A_1348, %get3A_1349] {strides = array<i32>} : memref<32x1024xf32, #tpu.memory_space<vmem>>, vector<1x16xf32>,
      %get3A_1351 = vector.shape_cast %get3A_1350 : vector<1x16xf32> to vector<16xf32>
      %get3A_1352 = arith.index_cast %scan3A_56 : i32 to index
      %get3A_1353 = arith.constant 976 : index
      %get3A_1354 = tpu.vector_load %arg11[%get3A_1352, %get3A_1353] {strides = array<i32>} : memref<32x1024xf32, #tpu.memory_space<vmem>>, vector<1x16xf32>,
      %get3A_1355 = vector.shape_cast %get3A_1354 : vector<1x16xf32> to vector<16xf32>
      %mul3A_1356 = arith.mulf %get3A_61, %get3A_1355 : vector<16xf32>
      %add3A_1357 = arith.addf %get3A_1351, %mul3A_1356 : vector<16xf32>
      %get3A_1358 = arith.index_cast %scan3A_56 : i32 to index
      %get3A_1359 = arith.constant 976 : index
      %get3A_1360 = tpu.vector_load %arg12[%get3A_1358, %get3A_1359] {strides = array<i32>} : memref<32x1024xf32, #tpu.memory_space<vmem>>, vector<1x16xf32>,
      %get3A_1361 = vector.shape_cast %get3A_1360 : vector<1x16xf32> to vector<16xf32>
      %mul3A_1362 = arith.mulf %get3A_67, %get3A_1361 : vector<16xf32>
      %add3A_1363 = arith.addf %add3A_1357, %mul3A_1362 : vector<16xf32>
      %swap3A_1364 = arith.index_cast %scan3A_56 : i32 to index
      %swap3A_1365 = arith.constant 976 : index
      %swap3A_1366 = tpu.vector_load %arg13[%swap3A_1364, %swap3A_1365] {strides = array<i32>} : memref<32x1024xf32, #tpu.memory_space<vmem>>, vector<1x16xf32>,
      %swap3A_1367 = vector.shape_cast %swap3A_1366 : vector<1x16xf32> to vector<16xf32>
      %swap3A_1368 = vector.shape_cast %add3A_1363 : vector<16xf32> to vector<1x16xf32>
      tpu.vector_store %arg13[%swap3A_1364, %swap3A_1365], %swap3A_1368 {strides = array<i32>} : memref<32x1024xf32, #tpu.memory_space<vmem>>, vector<1x16xf32>,
      %get3A_1369 = arith.index_cast %scan3A_56 : i32 to index
      %get3A_1370 = arith.constant 992 : index
      %get3A_1371 = tpu.vector_load %arg13[%get3A_1369, %get3A_1370] {strides = array<i32>} : memref<32x1024xf32, #tpu.memory_space<vmem>>, vector<1x16xf32>,
      %get3A_1372 = vector.shape_cast %get3A_1371 : vector<1x16xf32> to vector<16xf32>
      %get3A_1373 = arith.index_cast %scan3A_56 : i32 to index
      %get3A_1374 = arith.constant 992 : index
      %get3A_1375 = tpu.vector_load %arg11[%get3A_1373, %get3A_1374] {strides = array<i32>} : memref<32x1024xf32, #tpu.memory_space<vmem>>, vector<1x16xf32>,
      %get3A_1376 = vector.shape_cast %get3A_1375 : vector<1x16xf32> to vector<16xf32>
      %mul3A_1377 = arith.mulf %get3A_61, %get3A_1376 : vector<16xf32>
      %add3A_1378 = arith.addf %get3A_1372, %mul3A_1377 : vector<16xf32>
      %get3A_1379 = arith.index_cast %scan3A_56 : i32 to index
      %get3A_1380 = arith.constant 992 : index
      %get3A_1381 = tpu.vector_load %arg12[%get3A_1379, %get3A_1380] {strides = array<i32>} : memref<32x1024xf32, #tpu.memory_space<vmem>>, vector<1x16xf32>,
      %get3A_1382 = vector.shape_cast %get3A_1381 : vector<1x16xf32> to vector<16xf32>
      %mul3A_1383 = arith.mulf %get3A_67, %get3A_1382 : vector<16xf32>
      %add3A_1384 = arith.addf %add3A_1378, %mul3A_1383 : vector<16xf32>
      %swap3A_1385 = arith.index_cast %scan3A_56 : i32 to index
      %swap3A_1386 = arith.constant 992 : index
      %swap3A_1387 = tpu.vector_load %arg13[%swap3A_1385, %swap3A_1386] {strides = array<i32>} : memref<32x1024xf32, #tpu.memory_space<vmem>>, vector<1x16xf32>,
      %swap3A_1388 = vector.shape_cast %swap3A_1387 : vector<1x16xf32> to vector<16xf32>
      %swap3A_1389 = vector.shape_cast %add3A_1384 : vector<16xf32> to vector<1x16xf32>
      tpu.vector_store %arg13[%swap3A_1385, %swap3A_1386], %swap3A_1389 {strides = array<i32>} : memref<32x1024xf32, #tpu.memory_space<vmem>>, vector<1x16xf32>,
      %get3A_1390 = arith.index_cast %scan3A_56 : i32 to index
      %get3A_1391 = arith.constant 1008 : index
      %get3A_1392 = tpu.vector_load %arg13[%get3A_1390, %get3A_1391] {strides = array<i32>} : memref<32x1024xf32, #tpu.memory_space<vmem>>, vector<1x16xf32>,
      %get3A_1393 = vector.shape_cast %get3A_1392 : vector<1x16xf32> to vector<16xf32>
      %get3A_1394 = arith.index_cast %scan3A_56 : i32 to index
      %get3A_1395 = arith.constant 1008 : index
      %get3A_1396 = tpu.vector_load %arg11[%get3A_1394, %get3A_1395] {strides = array<i32>} : memref<32x1024xf32, #tpu.memory_space<vmem>>, vector<1x16xf32>,
      %get3A_1397 = vector.shape_cast %get3A_1396 : vector<1x16xf32> to vector<16xf32>
      %mul3A_1398 = arith.mulf %get3A_61, %get3A_1397 : vector<16xf32>
      %add3A_1399 = arith.addf %get3A_1393, %mul3A_1398 : vector<16xf32>
      %get3A_1400 = arith.index_cast %scan3A_56 : i32 to index
      %get3A_1401 = arith.constant 1008 : index
      %get3A_1402 = tpu.vector_load %arg12[%get3A_1400, %get3A_1401] {strides = array<i32>} : memref<32x1024xf32, #tpu.memory_space<vmem>>, vector<1x16xf32>,
      %get3A_1403 = vector.shape_cast %get3A_1402 : vector<1x16xf32> to vector<16xf32>
      %mul3A_1404 = arith.mulf %get3A_67, %get3A_1403 : vector<16xf32>
      %add3A_1405 = arith.addf %add3A_1399, %mul3A_1404 : vector<16xf32>
      %swap3A_1406 = arith.index_cast %scan3A_56 : i32 to index
      %swap3A_1407 = arith.constant 1008 : index
      %swap3A_1408 = tpu.vector_load %arg13[%swap3A_1406, %swap3A_1407] {strides = array<i32>} : memref<32x1024xf32, #tpu.memory_space<vmem>>, vector<1x16xf32>,
      %swap3A_1409 = vector.shape_cast %swap3A_1408 : vector<1x16xf32> to vector<16xf32>
      %swap3A_1410 = vector.shape_cast %add3A_1405 : vector<16xf32> to vector<1x16xf32>
      tpu.vector_store %arg13[%swap3A_1406, %swap3A_1407], %swap3A_1410 {strides = array<i32>} : memref<32x1024xf32, #tpu.memory_space<vmem>>, vector<1x16xf32>,
    }
    %scan3A_55 = arith.constant 32 : i32
    "tpu.region"() ({
      %run_scoped3A = tpu.sem_alloc : memref<!tpu.dma_semaphore, #tpu.memory_space<semaphore_mem>>
      %dma_start3A_56 = arith.constant 0 : i32
      %dma_start3A_57 = tpu.memref_slice %arg8[%add3A_29, %dma_start3A_56] : memref<2048x1024xf32, #tpu.memory_space<hbm>> -> memref<32x1024xf32, #tpu.memory_space<hbm>>
      %dma_start3A_58 = arith.constant 0 : i32
      %dma_start3A_59 = tpu.memref_slice %arg8[%add3A_29, %dma_start3A_58] : memref<2048x1024xf32, #tpu.memory_space<hbm>> -> memref<32x1024xf32, #tpu.memory_space<hbm>>
      tpu.enqueue_dma source(%arg13 : memref<32x1024xf32, #tpu.memory_space<vmem>>) target(%dma_start3A_59 : memref<32x1024xf32, #tpu.memory_space<hbm>>) target_semaphore(%run_scoped3A : memref<!tpu.dma_semaphore, #tpu.memory_space<semaphore_mem>>)
      %dma_wait3A_60 = arith.constant 0 : i32
      %dma_wait3A_61 = tpu.memref_slice %arg8[%add3A_29, %dma_wait3A_60] : memref<2048x1024xf32, #tpu.memory_space<hbm>> -> memref<32x1024xf32, #tpu.memory_space<hbm>>
      %dma_wait3A_62 = arith.constant 0 : i32
      %dma_wait3A_63 = tpu.memref_slice %arg8[%add3A_29, %dma_wait3A_62] : memref<2048x1024xf32, #tpu.memory_space<hbm>> -> memref<32x1024xf32, #tpu.memory_space<hbm>>
      tpu.wait_dma2 semaphore(%run_scoped3A : memref<!tpu.dma_semaphore, #tpu.memory_space<semaphore_mem>>) src(%arg13 : memref<32x1024xf32, #tpu.memory_space<vmem>>) dst(%dma_wait3A_63 : memref<32x1024xf32, #tpu.memory_space<hbm>>)
      tpu.yield
    }) : () -> ()
    return
  }
}

#map = affine_map<(d0, d1) -> (0, 0)>
#map1 = affine_map<(d0, d1) -> (0)>
module attributes {stable_mosaic.version = 14 : i64} {
  func.func @_dispatch_body(%arg0: i32, %arg1: i32, %arg2: memref<2048x1024xf32, #tpu.memory_space<hbm>>, %arg3: memref<2048xi32, #tpu.memory_space<hbm>>, %arg4: memref<2048xi32, #tpu.memory_space<hbm>>, %arg5: memref<6144x1024xf32, #tpu.memory_space<hbm>>, %arg6: memref<64xi32, #tpu.memory_space<vmem>>, %arg7: memref<64xi32, #tpu.memory_space<vmem>>, %arg8: memref<64x1024xf32, #tpu.memory_space<vmem>>, %arg9: memref<!tpu.dma_semaphore, #tpu.memory_space<semaphore_mem>>, %arg10: memref<!tpu.dma_semaphore, #tpu.memory_space<semaphore_mem>>) attributes {dimension_semantics = [#tpu.dimension_semantics<core_parallel>, #tpu.dimension_semantics<subcore_parallel>], iteration_bounds = array<i64: 2, 16>, scalar_prefetch = 0 : i64, scratch_operands = 5 : i64, tpu.core_type = #tpu.core_type<sc_vector_subcore>, window_params = [{transform_indices = #map}, {transform_indices = #map1}, {transform_indices = #map1}, {transform_indices = #map}]} {
    %mul3A = arith.constant 2 : i32
    %mul3A_0 = arith.muli %arg1, %mul3A : i32
    %add3A = arith.addi %mul3A_0, %arg0 : i32
    %mul3A_1 = arith.constant 64 : i32
    %mul3A_2 = arith.muli %add3A, %mul3A_1 : i32
    "tpu.region"() ({
      %run_scoped3A = tpu.sem_alloc : memref<!tpu.dma_semaphore, #tpu.memory_space<semaphore_mem>>
      %dma_start3A_13 = tpu.memref_slice %arg3[%mul3A_2] : memref<2048xi32, #tpu.memory_space<hbm>> -> memref<64xi32, #tpu.memory_space<hbm>>
      %dma_start3A_14 = tpu.memref_slice %arg3[%mul3A_2] : memref<2048xi32, #tpu.memory_space<hbm>> -> memref<64xi32, #tpu.memory_space<hbm>>
      tpu.enqueue_dma source(%dma_start3A_14 : memref<64xi32, #tpu.memory_space<hbm>>) target(%arg6 : memref<64xi32, #tpu.memory_space<vmem>>) target_semaphore(%run_scoped3A : memref<!tpu.dma_semaphore, #tpu.memory_space<semaphore_mem>>)
      %dma_wait3A_15 = tpu.memref_slice %arg3[%mul3A_2] : memref<2048xi32, #tpu.memory_space<hbm>> -> memref<64xi32, #tpu.memory_space<hbm>>
      %dma_wait3A_16 = tpu.memref_slice %arg3[%mul3A_2] : memref<2048xi32, #tpu.memory_space<hbm>> -> memref<64xi32, #tpu.memory_space<hbm>>
      tpu.wait_dma2 semaphore(%run_scoped3A : memref<!tpu.dma_semaphore, #tpu.memory_space<semaphore_mem>>) src(%dma_wait3A_16 : memref<64xi32, #tpu.memory_space<hbm>>) dst(%arg6 : memref<64xi32, #tpu.memory_space<vmem>>)
      tpu.yield
    }) : () -> ()
    "tpu.region"() ({
      %run_scoped3A = tpu.sem_alloc : memref<!tpu.dma_semaphore, #tpu.memory_space<semaphore_mem>>
      %dma_start3A_13 = tpu.memref_slice %arg4[%mul3A_2] : memref<2048xi32, #tpu.memory_space<hbm>> -> memref<64xi32, #tpu.memory_space<hbm>>
      %dma_start3A_14 = tpu.memref_slice %arg4[%mul3A_2] : memref<2048xi32, #tpu.memory_space<hbm>> -> memref<64xi32, #tpu.memory_space<hbm>>
      tpu.enqueue_dma source(%dma_start3A_14 : memref<64xi32, #tpu.memory_space<hbm>>) target(%arg7 : memref<64xi32, #tpu.memory_space<vmem>>) target_semaphore(%run_scoped3A : memref<!tpu.dma_semaphore, #tpu.memory_space<semaphore_mem>>)
      %dma_wait3A_15 = tpu.memref_slice %arg4[%mul3A_2] : memref<2048xi32, #tpu.memory_space<hbm>> -> memref<64xi32, #tpu.memory_space<hbm>>
      %dma_wait3A_16 = tpu.memref_slice %arg4[%mul3A_2] : memref<2048xi32, #tpu.memory_space<hbm>> -> memref<64xi32, #tpu.memory_space<hbm>>
      tpu.wait_dma2 semaphore(%run_scoped3A : memref<!tpu.dma_semaphore, #tpu.memory_space<semaphore_mem>>) src(%dma_wait3A_16 : memref<64xi32, #tpu.memory_space<hbm>>) dst(%arg7 : memref<64xi32, #tpu.memory_space<vmem>>)
      tpu.yield
    }) : () -> ()
    "tpu.region"() ({
      %run_scoped3A = tpu.sem_alloc : memref<!tpu.dma_semaphore, #tpu.memory_space<semaphore_mem>>
      %dma_start3A_13 = arith.constant 0 : i32
      %dma_start3A_14 = tpu.memref_slice %arg2[%mul3A_2, %dma_start3A_13] : memref<2048x1024xf32, #tpu.memory_space<hbm>> -> memref<64x1024xf32, #tpu.memory_space<hbm>>
      %dma_start3A_15 = arith.constant 0 : i32
      %dma_start3A_16 = tpu.memref_slice %arg2[%mul3A_2, %dma_start3A_15] : memref<2048x1024xf32, #tpu.memory_space<hbm>> -> memref<64x1024xf32, #tpu.memory_space<hbm>>
      tpu.enqueue_dma source(%dma_start3A_16 : memref<64x1024xf32, #tpu.memory_space<hbm>>) target(%arg8 : memref<64x1024xf32, #tpu.memory_space<vmem>>) target_semaphore(%run_scoped3A : memref<!tpu.dma_semaphore, #tpu.memory_space<semaphore_mem>>)
      %dma_wait3A_17 = arith.constant 0 : i32
      %dma_wait3A_18 = tpu.memref_slice %arg2[%mul3A_2, %dma_wait3A_17] : memref<2048x1024xf32, #tpu.memory_space<hbm>> -> memref<64x1024xf32, #tpu.memory_space<hbm>>
      %dma_wait3A_19 = arith.constant 0 : i32
      %dma_wait3A_20 = tpu.memref_slice %arg2[%mul3A_2, %dma_wait3A_19] : memref<2048x1024xf32, #tpu.memory_space<hbm>> -> memref<64x1024xf32, #tpu.memory_space<hbm>>
      tpu.wait_dma2 semaphore(%run_scoped3A : memref<!tpu.dma_semaphore, #tpu.memory_space<semaphore_mem>>) src(%dma_wait3A_20 : memref<64x1024xf32, #tpu.memory_space<hbm>>) dst(%arg8 : memref<64x1024xf32, #tpu.memory_space<vmem>>)
      tpu.yield
    }) : () -> ()
    %dma_start3A = arith.constant 0 : i32
    %dma_start3A_3 = arith.constant 0 : i32
    %dma_start3A_4 = tpu.memref_slice %arg5[%dma_start3A, %dma_start3A_3] : memref<6144x1024xf32, #tpu.memory_space<hbm>> -> memref<6144x1024xf32, #tpu.memory_space<hbm>>
    tpu.enqueue_indirect_dma source(%arg8 : memref<64x1024xf32, #tpu.memory_space<vmem>>) target(%dma_start3A_4 : memref<6144x1024xf32, #tpu.memory_space<hbm>>) offsets(%arg6 : memref<64xi32, #tpu.memory_space<vmem>>) semaphore(%arg9 : memref<!tpu.dma_semaphore, #tpu.memory_space<semaphore_mem>>)
    %dma_start3A_5 = arith.constant 0 : i32
    %dma_start3A_6 = arith.constant 0 : i32
    %dma_start3A_7 = tpu.memref_slice %arg5[%dma_start3A_5, %dma_start3A_6] : memref<6144x1024xf32, #tpu.memory_space<hbm>> -> memref<6144x1024xf32, #tpu.memory_space<hbm>>
    tpu.enqueue_indirect_dma source(%arg8 : memref<64x1024xf32, #tpu.memory_space<vmem>>) target(%dma_start3A_7 : memref<6144x1024xf32, #tpu.memory_space<hbm>>) offsets(%arg7 : memref<64xi32, #tpu.memory_space<vmem>>) semaphore(%arg10 : memref<!tpu.dma_semaphore, #tpu.memory_space<semaphore_mem>>)
    %dma_wait3A = arith.constant 0 : i32
    %dma_wait3A_8 = arith.constant 0 : i32
    %dma_wait3A_9 = tpu.memref_slice %arg5[%dma_wait3A, %dma_wait3A_8] : memref<6144x1024xf32, #tpu.memory_space<hbm>> -> memref<6144x1024xf32, #tpu.memory_space<hbm>>
    tpu.wait_indirect_dma semaphore(%arg9 : memref<!tpu.dma_semaphore, #tpu.memory_space<semaphore_mem>>) src(%arg8 : memref<64x1024xf32, #tpu.memory_space<vmem>>) dst(%dma_wait3A_9 : memref<6144x1024xf32, #tpu.memory_space<hbm>>)
    %dma_wait3A_10 = arith.constant 0 : i32
    %dma_wait3A_11 = arith.constant 0 : i32
    %dma_wait3A_12 = tpu.memref_slice %arg5[%dma_wait3A_10, %dma_wait3A_11] : memref<6144x1024xf32, #tpu.memory_space<hbm>> -> memref<6144x1024xf32, #tpu.memory_space<hbm>>
    tpu.wait_indirect_dma semaphore(%arg10 : memref<!tpu.dma_semaphore, #tpu.memory_space<semaphore_mem>>) src(%arg8 : memref<64x1024xf32, #tpu.memory_space<vmem>>) dst(%dma_wait3A_12 : memref<6144x1024xf32, #tpu.memory_space<hbm>>)
    return
  }
}

module attributes {stable_mosaic.version = 14 : i64} {
  func.func @_ln_qkv_body(%arg0: i32, %arg1: memref<256x1024xf32, #tpu.memory_space<vmem>>, %arg2: memref<1x1024xf32, #tpu.memory_space<vmem>>, %arg3: memref<1x1024xf32, #tpu.memory_space<vmem>>, %arg4: memref<1024x3072xf32, #tpu.memory_space<vmem>>, %arg5: memref<256x3072xf32, #tpu.memory_space<vmem>>) attributes {dimension_semantics = [#tpu.dimension_semantics<arbitrary>], iteration_bounds = array<i64: 8>, scalar_prefetch = 0 : i64, scratch_operands = 0 : i64, tpu.core_type = #tpu.core_type<tc>, window_params = [{transform_indices = @transform_0, window_bounds = array<i64: 256, 1024>}, {pipeline_mode = #tpu.pipeline_mode<synchronous>, transform_indices = @transform_1, window_bounds = array<i64: 1, 1024>}, {pipeline_mode = #tpu.pipeline_mode<synchronous>, transform_indices = @transform_2, window_bounds = array<i64: 1, 1024>}, {pipeline_mode = #tpu.pipeline_mode<synchronous>, transform_indices = @transform_3, window_bounds = array<i64: 1024, 3072>}, {transform_indices = @transform_4, window_bounds = array<i64: 256, 3072>}]} {
    %get3A = arith.constant 0 : index
    %get3A_0 = arith.constant 0 : index
    %get3A_1 = vector.load %arg1[%get3A, %get3A_0] : memref<256x1024xf32, #tpu.memory_space<vmem>>, vector<256x1024xf32>
    %reduce_sum3A = arith.constant dense<0.000000e+00> : vector<256xf32>
    %reduce_sum3A_2 = vector.multi_reduction <add>, %get3A_1, %reduce_sum3A [1] : vector<256x1024xf32> to vector<256xf32>
    %broadcast_in_dim3A = vector.shape_cast %reduce_sum3A_2 : vector<256xf32> to vector<256x1xf32>
    %div3A = arith.constant 1.024000e+03 : f32
    %div3A_3 = vector.broadcast %div3A : f32 to vector<256x1xf32>
    %div3A_4 = arith.divf %broadcast_in_dim3A, %div3A_3 : vector<256x1xf32>
    %sub3A = vector.broadcast %div3A_4 : vector<256x1xf32> to vector<256x1024xf32>
    %sub3A_5 = arith.subf %get3A_1, %sub3A : vector<256x1024xf32>
    %integer_pow3A = arith.mulf %sub3A_5, %sub3A_5 : vector<256x1024xf32>
    %reduce_sum3A_6 = arith.constant dense<0.000000e+00> : vector<256xf32>
    %reduce_sum3A_7 = vector.multi_reduction <add>, %integer_pow3A, %reduce_sum3A_6 [1] : vector<256x1024xf32> to vector<256xf32>
    %broadcast_in_dim3A_8 = vector.shape_cast %reduce_sum3A_7 : vector<256xf32> to vector<256x1xf32>
    %div3A_9 = arith.constant 1.024000e+03 : f32
    %div3A_10 = vector.broadcast %div3A_9 : f32 to vector<256x1xf32>
    %div3A_11 = arith.divf %broadcast_in_dim3A_8, %div3A_10 : vector<256x1xf32>
    %sub3A_12 = vector.broadcast %div3A_4 : vector<256x1xf32> to vector<256x1024xf32>
    %sub3A_13 = arith.subf %get3A_1, %sub3A_12 : vector<256x1024xf32>
    %add3A = arith.constant 9.99999974E-6 : f32
    %add3A_14 = vector.broadcast %add3A : f32 to vector<256x1xf32>
    %add3A_15 = arith.addf %div3A_11, %add3A_14 : vector<256x1xf32>
    %sqrt3A = math.sqrt %add3A_15 : vector<256x1xf32>
    %div3A_16 = vector.broadcast %sqrt3A : vector<256x1xf32> to vector<256x1024xf32>
    %div3A_17 = arith.divf %sub3A_13, %div3A_16 : vector<256x1024xf32>
    %get3A_18 = arith.constant 0 : index
    %get3A_19 = arith.constant 0 : index
    %get3A_20 = vector.load %arg2[%get3A_18, %get3A_19] : memref<1x1024xf32, #tpu.memory_space<vmem>>, vector<1x1024xf32>
    %mul3A = vector.broadcast %get3A_20 : vector<1x1024xf32> to vector<256x1024xf32>
    %mul3A_21 = arith.mulf %div3A_17, %mul3A : vector<256x1024xf32>
    %get3A_22 = arith.constant 0 : index
    %get3A_23 = arith.constant 0 : index
    %get3A_24 = vector.load %arg3[%get3A_22, %get3A_23] : memref<1x1024xf32, #tpu.memory_space<vmem>>, vector<1x1024xf32>
    %add3A_25 = vector.broadcast %get3A_24 : vector<1x1024xf32> to vector<256x1024xf32>
    %add3A_26 = arith.addf %mul3A_21, %add3A_25 : vector<256x1024xf32>
    %get3A_27 = arith.constant 0 : index
    %get3A_28 = arith.constant 0 : index
    %get3A_29 = vector.load %arg4[%get3A_27, %get3A_28] : memref<1024x3072xf32, #tpu.memory_space<vmem>>, vector<1024x3072xf32>
    %dot_general3A = arith.constant dense<0.000000e+00> : vector<256x3072xf32>
    %dot_general3A_30 = tpu.matmul %add3A_26, %get3A_29, %dot_general3A {dimension_numbers = #tpu.dot_dimension_numbers<[1], [0], [0], [1], [0, 0, 1, 1], [], []>, transpose_lhs_hint = false} : vector<256x1024xf32>, vector<1024x3072xf32>, vector<256x3072xf32> -> vector<256x3072xf32>
    %swap3A = arith.constant 0 : index
    %swap3A_31 = arith.constant 0 : index
    %swap3A_32 = vector.load %arg5[%swap3A, %swap3A_31] : memref<256x3072xf32, #tpu.memory_space<vmem>>, vector<256x3072xf32>
    tpu.vector_store %arg5[%swap3A, %swap3A_31], %dot_general3A_30 {strides = array<i32>} : memref<256x3072xf32, #tpu.memory_space<vmem>>, vector<256x3072xf32>,
    return
  }
  func.func @transform_0(%arg0: i32) -> (i32, i32) {
    %c0_i32 = arith.constant 0 : i32
    %c0_i32_0 = arith.constant 0 : i32
    return %arg0, %c0_i32 : i32, i32
  }
  func.func @transform_1(%arg0: i32) -> (i32, i32) {
    %c0_i32 = arith.constant 0 : i32
    %c0_i32_0 = arith.constant 0 : i32
    %c0_i32_1 = arith.constant 0 : i32
    return %c0_i32, %c0_i32_0 : i32, i32
  }
  func.func @transform_2(%arg0: i32) -> (i32, i32) {
    %c0_i32 = arith.constant 0 : i32
    %c0_i32_0 = arith.constant 0 : i32
    %c0_i32_1 = arith.constant 0 : i32
    return %c0_i32, %c0_i32_0 : i32, i32
  }
  func.func @transform_3(%arg0: i32) -> (i32, i32) {
    %c0_i32 = arith.constant 0 : i32
    %c0_i32_0 = arith.constant 0 : i32
    %c0_i32_1 = arith.constant 0 : i32
    return %c0_i32, %c0_i32_0 : i32, i32
  }
  func.func @transform_4(%arg0: i32) -> (i32, i32) {
    %c0_i32 = arith.constant 0 : i32
    %c0_i32_0 = arith.constant 0 : i32
    return %arg0, %c0_i32 : i32, i32
  }
}

module attributes {stable_mosaic.version = 14 : i64} {
  func.func @_attn_body(%arg0: i32, %arg1: i32, %arg2: memref<1x256x64xf32, #tpu.memory_space<vmem>>, %arg3: memref<1x2048x64xf32, #tpu.memory_space<vmem>>, %arg4: memref<1x2048x64xf32, #tpu.memory_space<vmem>>, %arg5: memref<1x256x64xf32, #tpu.memory_space<vmem>>) attributes {dimension_semantics = [#tpu.dimension_semantics<arbitrary>, #tpu.dimension_semantics<arbitrary>], iteration_bounds = array<i64: 16, 8>, scalar_prefetch = 0 : i64, scratch_operands = 0 : i64, tpu.core_type = #tpu.core_type<tc>, window_params = [{transform_indices = @transform_0, window_bounds = array<i64: 1, 256, 64>}, {transform_indices = @transform_1, window_bounds = array<i64: 1, 2048, 64>}, {transform_indices = @transform_2, window_bounds = array<i64: 1, 2048, 64>}, {transform_indices = @transform_3, window_bounds = array<i64: 1, 256, 64>}]} {
    %get3A = arith.constant 0 : index
    %get3A_0 = arith.constant 0 : index
    %get3A_1 = arith.constant 0 : index
    %get3A_2 = vector.load %arg2[%get3A, %get3A_0, %get3A_1] : memref<1x256x64xf32, #tpu.memory_space<vmem>>, vector<1x256x64xf32>
    %get3A_3 = vector.shape_cast %get3A_2 : vector<1x256x64xf32> to vector<256x64xf32>
    %eq3A = arith.constant 0 : i32
    %eq3A_4 = arith.cmpi eq, %arg1, %eq3A : i32
    %convert_element_type3A = arith.extui %eq3A_4 : i1 to i32
    %cond3A = arith.constant 0 : i32
    %cond3A_5 = arith.cmpi ne, %convert_element_type3A, %cond3A : i32
    scf.if %cond3A_5 {
      %get3A_41 = arith.constant 0 : index
      %get3A_42 = arith.constant 0 : index
      %get3A_43 = arith.constant 0 : index
      %get3A_44 = vector.load %arg3[%get3A_41, %get3A_42, %get3A_43] : memref<1x2048x64xf32, #tpu.memory_space<vmem>>, vector<1x256x64xf32>
      %get3A_45 = vector.shape_cast %get3A_44 : vector<1x256x64xf32> to vector<256x64xf32>
      %get3A_46 = arith.constant 0 : index
      %get3A_47 = arith.constant 0 : index
      %get3A_48 = arith.constant 0 : index
      %get3A_49 = vector.load %arg4[%get3A_46, %get3A_47, %get3A_48] : memref<1x2048x64xf32, #tpu.memory_space<vmem>>, vector<1x256x64xf32>
      %get3A_50 = vector.shape_cast %get3A_49 : vector<1x256x64xf32> to vector<256x64xf32>
      %dot_general3A = arith.constant dense<0.000000e+00> : vector<256x256xf32>
      %dot_general3A_51 = tpu.matmul %get3A_3, %get3A_45, %dot_general3A {dimension_numbers = #tpu.dot_dimension_numbers<[1], [1], [0], [0], [0, 0, 1, 0], [], []>, transpose_lhs_hint = false} : vector<256x64xf32>, vector<256x64xf32>, vector<256x256xf32> -> vector<256x256xf32>
      %mul3A = arith.constant 1.250000e-01 : f32
      %mul3A_52 = vector.broadcast %mul3A : f32 to vector<256x256xf32>
      %mul3A_53 = arith.mulf %dot_general3A_51, %mul3A_52 : vector<256x256xf32>
      %mul3A_54 = arith.constant 256 : i32
      %mul3A_55 = arith.muli %arg1, %mul3A_54 : i32
      %iota3A = tpu.iota {dimensions = array<i32: 0>} : vector<256x256xi32>
      %add3A = vector.broadcast %mul3A_55 : i32 to vector<256x256xi32>
      %add3A_56 = arith.addi %add3A, %iota3A : vector<256x256xi32>
      %iota3A_57 = tpu.iota {dimensions = array<i32: 1>} : vector<256x256xi32>
      %le3A = arith.cmpi sle, %iota3A_57, %add3A_56 : vector<256x256xi32>
      %jit3A = arith.constant -1.000000e+09 : f32
      %broadcast_in_dim3A = vector.broadcast %jit3A : f32 to vector<256x256xf32>
      %select_n3A = arith.select %le3A, %mul3A_53, %broadcast_in_dim3A : vector<256x256xi1>, vector<256x256xf32>
      %reduce_max3A = arith.constant dense<0xFF800000> : vector<256xf32>
      %reduce_max3A_58 = vector.multi_reduction <maximumf>, %select_n3A, %reduce_max3A [1] : vector<256x256xf32> to vector<256xf32>
      %broadcast_in_dim3A_59 = vector.shape_cast %reduce_max3A_58 : vector<256xf32> to vector<256x1xf32>
      %sub3A = vector.broadcast %broadcast_in_dim3A_59 : vector<256x1xf32> to vector<256x256xf32>
      %sub3A_60 = arith.subf %select_n3A, %sub3A : vector<256x256xf32>
      %exp3A = math.exp %sub3A_60 : vector<256x256xf32>
      %reduce_sum3A = arith.constant dense<0.000000e+00> : vector<256xf32>
      %reduce_sum3A_61 = vector.multi_reduction <add>, %exp3A, %reduce_sum3A [1] : vector<256x256xf32> to vector<256xf32>
      %broadcast_in_dim3A_62 = vector.shape_cast %reduce_sum3A_61 : vector<256xf32> to vector<256x1xf32>
      %dot_general3A_63 = arith.constant dense<0.000000e+00> : vector<256x64xf32>
      %dot_general3A_64 = tpu.matmul %exp3A, %get3A_50, %dot_general3A_63 {dimension_numbers = #tpu.dot_dimension_numbers<[1], [0], [0], [1], [0, 0, 1, 1], [], []>, transpose_lhs_hint = false} : vector<256x256xf32>, vector<256x64xf32>, vector<256x64xf32> -> vector<256x64xf32>
      %div3A = vector.broadcast %broadcast_in_dim3A_62 : vector<256x1xf32> to vector<256x64xf32>
      %div3A_65 = arith.divf %dot_general3A_64, %div3A : vector<256x64xf32>
      %swap3A = arith.constant 0 : index
      %swap3A_66 = arith.constant 0 : index
      %swap3A_67 = arith.constant 0 : index
      %swap3A_68 = vector.load %arg5[%swap3A, %swap3A_66, %swap3A_67] : memref<1x256x64xf32, #tpu.memory_space<vmem>>, vector<1x256x64xf32>
      %swap3A_69 = vector.shape_cast %swap3A_68 : vector<1x256x64xf32> to vector<256x64xf32>
      %swap3A_70 = vector.shape_cast %div3A_65 : vector<256x64xf32> to vector<1x256x64xf32>
      tpu.vector_store %arg5[%swap3A, %swap3A_66, %swap3A_67], %swap3A_70 {strides = array<i32>} : memref<1x256x64xf32, #tpu.memory_space<vmem>>, vector<1x256x64xf32>,
    } else {
    }
    %eq3A_6 = arith.constant 1 : i32
    %eq3A_7 = arith.cmpi eq, %arg1, %eq3A_6 : i32
    %convert_element_type3A_8 = arith.extui %eq3A_7 : i1 to i32
    %cond3A_9 = arith.constant 0 : i32
    %cond3A_10 = arith.cmpi ne, %convert_element_type3A_8, %cond3A_9 : i32
    scf.if %cond3A_10 {
      %get3A_41 = arith.constant 0 : index
      %get3A_42 = arith.constant 0 : index
      %get3A_43 = arith.constant 0 : index
      %get3A_44 = vector.load %arg3[%get3A_41, %get3A_42, %get3A_43] : memref<1x2048x64xf32, #tpu.memory_space<vmem>>, vector<1x512x64xf32>
      %get3A_45 = vector.shape_cast %get3A_44 : vector<1x512x64xf32> to vector<512x64xf32>
      %get3A_46 = arith.constant 0 : index
      %get3A_47 = arith.constant 0 : index
      %get3A_48 = arith.constant 0 : index
      %get3A_49 = vector.load %arg4[%get3A_46, %get3A_47, %get3A_48] : memref<1x2048x64xf32, #tpu.memory_space<vmem>>, vector<1x512x64xf32>
      %get3A_50 = vector.shape_cast %get3A_49 : vector<1x512x64xf32> to vector<512x64xf32>
      %dot_general3A = arith.constant dense<0.000000e+00> : vector<256x512xf32>
      %dot_general3A_51 = tpu.matmul %get3A_3, %get3A_45, %dot_general3A {dimension_numbers = #tpu.dot_dimension_numbers<[1], [1], [0], [0], [0, 0, 1, 0], [], []>, transpose_lhs_hint = false} : vector<256x64xf32>, vector<512x64xf32>, vector<256x512xf32> -> vector<256x512xf32>
      %mul3A = arith.constant 1.250000e-01 : f32
      %mul3A_52 = vector.broadcast %mul3A : f32 to vector<256x512xf32>
      %mul3A_53 = arith.mulf %dot_general3A_51, %mul3A_52 : vector<256x512xf32>
      %mul3A_54 = arith.constant 256 : i32
      %mul3A_55 = arith.muli %arg1, %mul3A_54 : i32
      %iota3A = tpu.iota {dimensions = array<i32: 0>} : vector<256x512xi32>
      %add3A = vector.broadcast %mul3A_55 : i32 to vector<256x512xi32>
      %add3A_56 = arith.addi %add3A, %iota3A : vector<256x512xi32>
      %iota3A_57 = tpu.iota {dimensions = array<i32: 1>} : vector<256x512xi32>
      %le3A = arith.cmpi sle, %iota3A_57, %add3A_56 : vector<256x512xi32>
      %jit3A = arith.constant -1.000000e+09 : f32
      %broadcast_in_dim3A = vector.broadcast %jit3A : f32 to vector<256x512xf32>
      %select_n3A = arith.select %le3A, %mul3A_53, %broadcast_in_dim3A : vector<256x512xi1>, vector<256x512xf32>
      %reduce_max3A = arith.constant dense<0xFF800000> : vector<256xf32>
      %reduce_max3A_58 = vector.multi_reduction <maximumf>, %select_n3A, %reduce_max3A [1] : vector<256x512xf32> to vector<256xf32>
      %broadcast_in_dim3A_59 = vector.shape_cast %reduce_max3A_58 : vector<256xf32> to vector<256x1xf32>
      %sub3A = vector.broadcast %broadcast_in_dim3A_59 : vector<256x1xf32> to vector<256x512xf32>
      %sub3A_60 = arith.subf %select_n3A, %sub3A : vector<256x512xf32>
      %exp3A = math.exp %sub3A_60 : vector<256x512xf32>
      %reduce_sum3A = arith.constant dense<0.000000e+00> : vector<256xf32>
      %reduce_sum3A_61 = vector.multi_reduction <add>, %exp3A, %reduce_sum3A [1] : vector<256x512xf32> to vector<256xf32>
      %broadcast_in_dim3A_62 = vector.shape_cast %reduce_sum3A_61 : vector<256xf32> to vector<256x1xf32>
      %dot_general3A_63 = arith.constant dense<0.000000e+00> : vector<256x64xf32>
      %dot_general3A_64 = tpu.matmul %exp3A, %get3A_50, %dot_general3A_63 {dimension_numbers = #tpu.dot_dimension_numbers<[1], [0], [0], [1], [0, 0, 1, 1], [], []>, transpose_lhs_hint = false} : vector<256x512xf32>, vector<512x64xf32>, vector<256x64xf32> -> vector<256x64xf32>
      %div3A = vector.broadcast %broadcast_in_dim3A_62 : vector<256x1xf32> to vector<256x64xf32>
      %div3A_65 = arith.divf %dot_general3A_64, %div3A : vector<256x64xf32>
      %swap3A = arith.constant 0 : index
      %swap3A_66 = arith.constant 0 : index
      %swap3A_67 = arith.constant 0 : index
      %swap3A_68 = vector.load %arg5[%swap3A, %swap3A_66, %swap3A_67] : memref<1x256x64xf32, #tpu.memory_space<vmem>>, vector<1x256x64xf32>
      %swap3A_69 = vector.shape_cast %swap3A_68 : vector<1x256x64xf32> to vector<256x64xf32>
      %swap3A_70 = vector.shape_cast %div3A_65 : vector<256x64xf32> to vector<1x256x64xf32>
      tpu.vector_store %arg5[%swap3A, %swap3A_66, %swap3A_67], %swap3A_70 {strides = array<i32>} : memref<1x256x64xf32, #tpu.memory_space<vmem>>, vector<1x256x64xf32>,
    } else {
    }
    %eq3A_11 = arith.constant 2 : i32
    %eq3A_12 = arith.cmpi eq, %arg1, %eq3A_11 : i32
    %convert_element_type3A_13 = arith.extui %eq3A_12 : i1 to i32
    %cond3A_14 = arith.constant 0 : i32
    %cond3A_15 = arith.cmpi ne, %convert_element_type3A_13, %cond3A_14 : i32
    scf.if %cond3A_15 {
      %get3A_41 = arith.constant 0 : index
      %get3A_42 = arith.constant 0 : index
      %get3A_43 = arith.constant 0 : index
      %get3A_44 = vector.load %arg3[%get3A_41, %get3A_42, %get3A_43] : memref<1x2048x64xf32, #tpu.memory_space<vmem>>, vector<1x768x64xf32>
      %get3A_45 = vector.shape_cast %get3A_44 : vector<1x768x64xf32> to vector<768x64xf32>
      %get3A_46 = arith.constant 0 : index
      %get3A_47 = arith.constant 0 : index
      %get3A_48 = arith.constant 0 : index
      %get3A_49 = vector.load %arg4[%get3A_46, %get3A_47, %get3A_48] : memref<1x2048x64xf32, #tpu.memory_space<vmem>>, vector<1x768x64xf32>
      %get3A_50 = vector.shape_cast %get3A_49 : vector<1x768x64xf32> to vector<768x64xf32>
      %dot_general3A = arith.constant dense<0.000000e+00> : vector<256x768xf32>
      %dot_general3A_51 = tpu.matmul %get3A_3, %get3A_45, %dot_general3A {dimension_numbers = #tpu.dot_dimension_numbers<[1], [1], [0], [0], [0, 0, 1, 0], [], []>, transpose_lhs_hint = false} : vector<256x64xf32>, vector<768x64xf32>, vector<256x768xf32> -> vector<256x768xf32>
      %mul3A = arith.constant 1.250000e-01 : f32
      %mul3A_52 = vector.broadcast %mul3A : f32 to vector<256x768xf32>
      %mul3A_53 = arith.mulf %dot_general3A_51, %mul3A_52 : vector<256x768xf32>
      %mul3A_54 = arith.constant 256 : i32
      %mul3A_55 = arith.muli %arg1, %mul3A_54 : i32
      %iota3A = tpu.iota {dimensions = array<i32: 0>} : vector<256x768xi32>
      %add3A = vector.broadcast %mul3A_55 : i32 to vector<256x768xi32>
      %add3A_56 = arith.addi %add3A, %iota3A : vector<256x768xi32>
      %iota3A_57 = tpu.iota {dimensions = array<i32: 1>} : vector<256x768xi32>
      %le3A = arith.cmpi sle, %iota3A_57, %add3A_56 : vector<256x768xi32>
      %jit3A = arith.constant -1.000000e+09 : f32
      %broadcast_in_dim3A = vector.broadcast %jit3A : f32 to vector<256x768xf32>
      %select_n3A = arith.select %le3A, %mul3A_53, %broadcast_in_dim3A : vector<256x768xi1>, vector<256x768xf32>
      %reduce_max3A = arith.constant dense<0xFF800000> : vector<256xf32>
      %reduce_max3A_58 = vector.multi_reduction <maximumf>, %select_n3A, %reduce_max3A [1] : vector<256x768xf32> to vector<256xf32>
      %broadcast_in_dim3A_59 = vector.shape_cast %reduce_max3A_58 : vector<256xf32> to vector<256x1xf32>
      %sub3A = vector.broadcast %broadcast_in_dim3A_59 : vector<256x1xf32> to vector<256x768xf32>
      %sub3A_60 = arith.subf %select_n3A, %sub3A : vector<256x768xf32>
      %exp3A = math.exp %sub3A_60 : vector<256x768xf32>
      %reduce_sum3A = arith.constant dense<0.000000e+00> : vector<256xf32>
      %reduce_sum3A_61 = vector.multi_reduction <add>, %exp3A, %reduce_sum3A [1] : vector<256x768xf32> to vector<256xf32>
      %broadcast_in_dim3A_62 = vector.shape_cast %reduce_sum3A_61 : vector<256xf32> to vector<256x1xf32>
      %dot_general3A_63 = arith.constant dense<0.000000e+00> : vector<256x64xf32>
      %dot_general3A_64 = tpu.matmul %exp3A, %get3A_50, %dot_general3A_63 {dimension_numbers = #tpu.dot_dimension_numbers<[1], [0], [0], [1], [0, 0, 1, 1], [], []>, transpose_lhs_hint = false} : vector<256x768xf32>, vector<768x64xf32>, vector<256x64xf32> -> vector<256x64xf32>
      %div3A = vector.broadcast %broadcast_in_dim3A_62 : vector<256x1xf32> to vector<256x64xf32>
      %div3A_65 = arith.divf %dot_general3A_64, %div3A : vector<256x64xf32>
      %swap3A = arith.constant 0 : index
      %swap3A_66 = arith.constant 0 : index
      %swap3A_67 = arith.constant 0 : index
      %swap3A_68 = vector.load %arg5[%swap3A, %swap3A_66, %swap3A_67] : memref<1x256x64xf32, #tpu.memory_space<vmem>>, vector<1x256x64xf32>
      %swap3A_69 = vector.shape_cast %swap3A_68 : vector<1x256x64xf32> to vector<256x64xf32>
      %swap3A_70 = vector.shape_cast %div3A_65 : vector<256x64xf32> to vector<1x256x64xf32>
      tpu.vector_store %arg5[%swap3A, %swap3A_66, %swap3A_67], %swap3A_70 {strides = array<i32>} : memref<1x256x64xf32, #tpu.memory_space<vmem>>, vector<1x256x64xf32>,
    } else {
    }
    %eq3A_16 = arith.constant 3 : i32
    %eq3A_17 = arith.cmpi eq, %arg1, %eq3A_16 : i32
    %convert_element_type3A_18 = arith.extui %eq3A_17 : i1 to i32
    %cond3A_19 = arith.constant 0 : i32
    %cond3A_20 = arith.cmpi ne, %convert_element_type3A_18, %cond3A_19 : i32
    scf.if %cond3A_20 {
      %get3A_41 = arith.constant 0 : index
      %get3A_42 = arith.constant 0 : index
      %get3A_43 = arith.constant 0 : index
      %get3A_44 = vector.load %arg3[%get3A_41, %get3A_42, %get3A_43] : memref<1x2048x64xf32, #tpu.memory_space<vmem>>, vector<1x1024x64xf32>
      %get3A_45 = vector.shape_cast %get3A_44 : vector<1x1024x64xf32> to vector<1024x64xf32>
      %get3A_46 = arith.constant 0 : index
      %get3A_47 = arith.constant 0 : index
      %get3A_48 = arith.constant 0 : index
      %get3A_49 = vector.load %arg4[%get3A_46, %get3A_47, %get3A_48] : memref<1x2048x64xf32, #tpu.memory_space<vmem>>, vector<1x1024x64xf32>
      %get3A_50 = vector.shape_cast %get3A_49 : vector<1x1024x64xf32> to vector<1024x64xf32>
      %dot_general3A = arith.constant dense<0.000000e+00> : vector<256x1024xf32>
      %dot_general3A_51 = tpu.matmul %get3A_3, %get3A_45, %dot_general3A {dimension_numbers = #tpu.dot_dimension_numbers<[1], [1], [0], [0], [0, 0, 1, 0], [], []>, transpose_lhs_hint = false} : vector<256x64xf32>, vector<1024x64xf32>, vector<256x1024xf32> -> vector<256x1024xf32>
      %mul3A = arith.constant 1.250000e-01 : f32
      %mul3A_52 = vector.broadcast %mul3A : f32 to vector<256x1024xf32>
      %mul3A_53 = arith.mulf %dot_general3A_51, %mul3A_52 : vector<256x1024xf32>
      %mul3A_54 = arith.constant 256 : i32
      %mul3A_55 = arith.muli %arg1, %mul3A_54 : i32
      %iota3A = tpu.iota {dimensions = array<i32: 0>} : vector<256x1024xi32>
      %add3A = vector.broadcast %mul3A_55 : i32 to vector<256x1024xi32>
      %add3A_56 = arith.addi %add3A, %iota3A : vector<256x1024xi32>
      %iota3A_57 = tpu.iota {dimensions = array<i32: 1>} : vector<256x1024xi32>
      %le3A = arith.cmpi sle, %iota3A_57, %add3A_56 : vector<256x1024xi32>
      %jit3A = arith.constant -1.000000e+09 : f32
      %broadcast_in_dim3A = vector.broadcast %jit3A : f32 to vector<256x1024xf32>
      %select_n3A = arith.select %le3A, %mul3A_53, %broadcast_in_dim3A : vector<256x1024xi1>, vector<256x1024xf32>
      %reduce_max3A = arith.constant dense<0xFF800000> : vector<256xf32>
      %reduce_max3A_58 = vector.multi_reduction <maximumf>, %select_n3A, %reduce_max3A [1] : vector<256x1024xf32> to vector<256xf32>
      %broadcast_in_dim3A_59 = vector.shape_cast %reduce_max3A_58 : vector<256xf32> to vector<256x1xf32>
      %sub3A = vector.broadcast %broadcast_in_dim3A_59 : vector<256x1xf32> to vector<256x1024xf32>
      %sub3A_60 = arith.subf %select_n3A, %sub3A : vector<256x1024xf32>
      %exp3A = math.exp %sub3A_60 : vector<256x1024xf32>
      %reduce_sum3A = arith.constant dense<0.000000e+00> : vector<256xf32>
      %reduce_sum3A_61 = vector.multi_reduction <add>, %exp3A, %reduce_sum3A [1] : vector<256x1024xf32> to vector<256xf32>
      %broadcast_in_dim3A_62 = vector.shape_cast %reduce_sum3A_61 : vector<256xf32> to vector<256x1xf32>
      %dot_general3A_63 = arith.constant dense<0.000000e+00> : vector<256x64xf32>
      %dot_general3A_64 = tpu.matmul %exp3A, %get3A_50, %dot_general3A_63 {dimension_numbers = #tpu.dot_dimension_numbers<[1], [0], [0], [1], [0, 0, 1, 1], [], []>, transpose_lhs_hint = false} : vector<256x1024xf32>, vector<1024x64xf32>, vector<256x64xf32> -> vector<256x64xf32>
      %div3A = vector.broadcast %broadcast_in_dim3A_62 : vector<256x1xf32> to vector<256x64xf32>
      %div3A_65 = arith.divf %dot_general3A_64, %div3A : vector<256x64xf32>
      %swap3A = arith.constant 0 : index
      %swap3A_66 = arith.constant 0 : index
      %swap3A_67 = arith.constant 0 : index
      %swap3A_68 = vector.load %arg5[%swap3A, %swap3A_66, %swap3A_67] : memref<1x256x64xf32, #tpu.memory_space<vmem>>, vector<1x256x64xf32>
      %swap3A_69 = vector.shape_cast %swap3A_68 : vector<1x256x64xf32> to vector<256x64xf32>
      %swap3A_70 = vector.shape_cast %div3A_65 : vector<256x64xf32> to vector<1x256x64xf32>
      tpu.vector_store %arg5[%swap3A, %swap3A_66, %swap3A_67], %swap3A_70 {strides = array<i32>} : memref<1x256x64xf32, #tpu.memory_space<vmem>>, vector<1x256x64xf32>,
    } else {
    }
    %eq3A_21 = arith.constant 4 : i32
    %eq3A_22 = arith.cmpi eq, %arg1, %eq3A_21 : i32
    %convert_element_type3A_23 = arith.extui %eq3A_22 : i1 to i32
    %cond3A_24 = arith.constant 0 : i32
    %cond3A_25 = arith.cmpi ne, %convert_element_type3A_23, %cond3A_24 : i32
    scf.if %cond3A_25 {
      %get3A_41 = arith.constant 0 : index
      %get3A_42 = arith.constant 0 : index
      %get3A_43 = arith.constant 0 : index
      %get3A_44 = vector.load %arg3[%get3A_41, %get3A_42, %get3A_43] : memref<1x2048x64xf32, #tpu.memory_space<vmem>>, vector<1x1280x64xf32>
      %get3A_45 = vector.shape_cast %get3A_44 : vector<1x1280x64xf32> to vector<1280x64xf32>
      %get3A_46 = arith.constant 0 : index
      %get3A_47 = arith.constant 0 : index
      %get3A_48 = arith.constant 0 : index
      %get3A_49 = vector.load %arg4[%get3A_46, %get3A_47, %get3A_48] : memref<1x2048x64xf32, #tpu.memory_space<vmem>>, vector<1x1280x64xf32>
      %get3A_50 = vector.shape_cast %get3A_49 : vector<1x1280x64xf32> to vector<1280x64xf32>
      %dot_general3A = arith.constant dense<0.000000e+00> : vector<256x1280xf32>
      %dot_general3A_51 = tpu.matmul %get3A_3, %get3A_45, %dot_general3A {dimension_numbers = #tpu.dot_dimension_numbers<[1], [1], [0], [0], [0, 0, 1, 0], [], []>, transpose_lhs_hint = false} : vector<256x64xf32>, vector<1280x64xf32>, vector<256x1280xf32> -> vector<256x1280xf32>
      %mul3A = arith.constant 1.250000e-01 : f32
      %mul3A_52 = vector.broadcast %mul3A : f32 to vector<256x1280xf32>
      %mul3A_53 = arith.mulf %dot_general3A_51, %mul3A_52 : vector<256x1280xf32>
      %mul3A_54 = arith.constant 256 : i32
      %mul3A_55 = arith.muli %arg1, %mul3A_54 : i32
      %iota3A = tpu.iota {dimensions = array<i32: 0>} : vector<256x1280xi32>
      %add3A = vector.broadcast %mul3A_55 : i32 to vector<256x1280xi32>
      %add3A_56 = arith.addi %add3A, %iota3A : vector<256x1280xi32>
      %iota3A_57 = tpu.iota {dimensions = array<i32: 1>} : vector<256x1280xi32>
      %le3A = arith.cmpi sle, %iota3A_57, %add3A_56 : vector<256x1280xi32>
      %jit3A = arith.constant -1.000000e+09 : f32
      %broadcast_in_dim3A = vector.broadcast %jit3A : f32 to vector<256x1280xf32>
      %select_n3A = arith.select %le3A, %mul3A_53, %broadcast_in_dim3A : vector<256x1280xi1>, vector<256x1280xf32>
      %reduce_max3A = arith.constant dense<0xFF800000> : vector<256xf32>
      %reduce_max3A_58 = vector.multi_reduction <maximumf>, %select_n3A, %reduce_max3A [1] : vector<256x1280xf32> to vector<256xf32>
      %broadcast_in_dim3A_59 = vector.shape_cast %reduce_max3A_58 : vector<256xf32> to vector<256x1xf32>
      %sub3A = vector.broadcast %broadcast_in_dim3A_59 : vector<256x1xf32> to vector<256x1280xf32>
      %sub3A_60 = arith.subf %select_n3A, %sub3A : vector<256x1280xf32>
      %exp3A = math.exp %sub3A_60 : vector<256x1280xf32>
      %reduce_sum3A = arith.constant dense<0.000000e+00> : vector<256xf32>
      %reduce_sum3A_61 = vector.multi_reduction <add>, %exp3A, %reduce_sum3A [1] : vector<256x1280xf32> to vector<256xf32>
      %broadcast_in_dim3A_62 = vector.shape_cast %reduce_sum3A_61 : vector<256xf32> to vector<256x1xf32>
      %dot_general3A_63 = arith.constant dense<0.000000e+00> : vector<256x64xf32>
      %dot_general3A_64 = tpu.matmul %exp3A, %get3A_50, %dot_general3A_63 {dimension_numbers = #tpu.dot_dimension_numbers<[1], [0], [0], [1], [0, 0, 1, 1], [], []>, transpose_lhs_hint = false} : vector<256x1280xf32>, vector<1280x64xf32>, vector<256x64xf32> -> vector<256x64xf32>
      %div3A = vector.broadcast %broadcast_in_dim3A_62 : vector<256x1xf32> to vector<256x64xf32>
      %div3A_65 = arith.divf %dot_general3A_64, %div3A : vector<256x64xf32>
      %swap3A = arith.constant 0 : index
      %swap3A_66 = arith.constant 0 : index
      %swap3A_67 = arith.constant 0 : index
      %swap3A_68 = vector.load %arg5[%swap3A, %swap3A_66, %swap3A_67] : memref<1x256x64xf32, #tpu.memory_space<vmem>>, vector<1x256x64xf32>
      %swap3A_69 = vector.shape_cast %swap3A_68 : vector<1x256x64xf32> to vector<256x64xf32>
      %swap3A_70 = vector.shape_cast %div3A_65 : vector<256x64xf32> to vector<1x256x64xf32>
      tpu.vector_store %arg5[%swap3A, %swap3A_66, %swap3A_67], %swap3A_70 {strides = array<i32>} : memref<1x256x64xf32, #tpu.memory_space<vmem>>, vector<1x256x64xf32>,
    } else {
    }
    %eq3A_26 = arith.constant 5 : i32
    %eq3A_27 = arith.cmpi eq, %arg1, %eq3A_26 : i32
    %convert_element_type3A_28 = arith.extui %eq3A_27 : i1 to i32
    %cond3A_29 = arith.constant 0 : i32
    %cond3A_30 = arith.cmpi ne, %convert_element_type3A_28, %cond3A_29 : i32
    scf.if %cond3A_30 {
      %get3A_41 = arith.constant 0 : index
      %get3A_42 = arith.constant 0 : index
      %get3A_43 = arith.constant 0 : index
      %get3A_44 = vector.load %arg3[%get3A_41, %get3A_42, %get3A_43] : memref<1x2048x64xf32, #tpu.memory_space<vmem>>, vector<1x1536x64xf32>
      %get3A_45 = vector.shape_cast %get3A_44 : vector<1x1536x64xf32> to vector<1536x64xf32>
      %get3A_46 = arith.constant 0 : index
      %get3A_47 = arith.constant 0 : index
      %get3A_48 = arith.constant 0 : index
      %get3A_49 = vector.load %arg4[%get3A_46, %get3A_47, %get3A_48] : memref<1x2048x64xf32, #tpu.memory_space<vmem>>, vector<1x1536x64xf32>
      %get3A_50 = vector.shape_cast %get3A_49 : vector<1x1536x64xf32> to vector<1536x64xf32>
      %dot_general3A = arith.constant dense<0.000000e+00> : vector<256x1536xf32>
      %dot_general3A_51 = tpu.matmul %get3A_3, %get3A_45, %dot_general3A {dimension_numbers = #tpu.dot_dimension_numbers<[1], [1], [0], [0], [0, 0, 1, 0], [], []>, transpose_lhs_hint = false} : vector<256x64xf32>, vector<1536x64xf32>, vector<256x1536xf32> -> vector<256x1536xf32>
      %mul3A = arith.constant 1.250000e-01 : f32
      %mul3A_52 = vector.broadcast %mul3A : f32 to vector<256x1536xf32>
      %mul3A_53 = arith.mulf %dot_general3A_51, %mul3A_52 : vector<256x1536xf32>
      %mul3A_54 = arith.constant 256 : i32
      %mul3A_55 = arith.muli %arg1, %mul3A_54 : i32
      %iota3A = tpu.iota {dimensions = array<i32: 0>} : vector<256x1536xi32>
      %add3A = vector.broadcast %mul3A_55 : i32 to vector<256x1536xi32>
      %add3A_56 = arith.addi %add3A, %iota3A : vector<256x1536xi32>
      %iota3A_57 = tpu.iota {dimensions = array<i32: 1>} : vector<256x1536xi32>
      %le3A = arith.cmpi sle, %iota3A_57, %add3A_56 : vector<256x1536xi32>
      %jit3A = arith.constant -1.000000e+09 : f32
      %broadcast_in_dim3A = vector.broadcast %jit3A : f32 to vector<256x1536xf32>
      %select_n3A = arith.select %le3A, %mul3A_53, %broadcast_in_dim3A : vector<256x1536xi1>, vector<256x1536xf32>
      %reduce_max3A = arith.constant dense<0xFF800000> : vector<256xf32>
      %reduce_max3A_58 = vector.multi_reduction <maximumf>, %select_n3A, %reduce_max3A [1] : vector<256x1536xf32> to vector<256xf32>
      %broadcast_in_dim3A_59 = vector.shape_cast %reduce_max3A_58 : vector<256xf32> to vector<256x1xf32>
      %sub3A = vector.broadcast %broadcast_in_dim3A_59 : vector<256x1xf32> to vector<256x1536xf32>
      %sub3A_60 = arith.subf %select_n3A, %sub3A : vector<256x1536xf32>
      %exp3A = math.exp %sub3A_60 : vector<256x1536xf32>
      %reduce_sum3A = arith.constant dense<0.000000e+00> : vector<256xf32>
      %reduce_sum3A_61 = vector.multi_reduction <add>, %exp3A, %reduce_sum3A [1] : vector<256x1536xf32> to vector<256xf32>
      %broadcast_in_dim3A_62 = vector.shape_cast %reduce_sum3A_61 : vector<256xf32> to vector<256x1xf32>
      %dot_general3A_63 = arith.constant dense<0.000000e+00> : vector<256x64xf32>
      %dot_general3A_64 = tpu.matmul %exp3A, %get3A_50, %dot_general3A_63 {dimension_numbers = #tpu.dot_dimension_numbers<[1], [0], [0], [1], [0, 0, 1, 1], [], []>, transpose_lhs_hint = false} : vector<256x1536xf32>, vector<1536x64xf32>, vector<256x64xf32> -> vector<256x64xf32>
      %div3A = vector.broadcast %broadcast_in_dim3A_62 : vector<256x1xf32> to vector<256x64xf32>
      %div3A_65 = arith.divf %dot_general3A_64, %div3A : vector<256x64xf32>
      %swap3A = arith.constant 0 : index
      %swap3A_66 = arith.constant 0 : index
      %swap3A_67 = arith.constant 0 : index
      %swap3A_68 = vector.load %arg5[%swap3A, %swap3A_66, %swap3A_67] : memref<1x256x64xf32, #tpu.memory_space<vmem>>, vector<1x256x64xf32>
      %swap3A_69 = vector.shape_cast %swap3A_68 : vector<1x256x64xf32> to vector<256x64xf32>
      %swap3A_70 = vector.shape_cast %div3A_65 : vector<256x64xf32> to vector<1x256x64xf32>
      tpu.vector_store %arg5[%swap3A, %swap3A_66, %swap3A_67], %swap3A_70 {strides = array<i32>} : memref<1x256x64xf32, #tpu.memory_space<vmem>>, vector<1x256x64xf32>,
    } else {
    }
    %eq3A_31 = arith.constant 6 : i32
    %eq3A_32 = arith.cmpi eq, %arg1, %eq3A_31 : i32
    %convert_element_type3A_33 = arith.extui %eq3A_32 : i1 to i32
    %cond3A_34 = arith.constant 0 : i32
    %cond3A_35 = arith.cmpi ne, %convert_element_type3A_33, %cond3A_34 : i32
    scf.if %cond3A_35 {
      %get3A_41 = arith.constant 0 : index
      %get3A_42 = arith.constant 0 : index
      %get3A_43 = arith.constant 0 : index
      %get3A_44 = vector.load %arg3[%get3A_41, %get3A_42, %get3A_43] : memref<1x2048x64xf32, #tpu.memory_space<vmem>>, vector<1x1792x64xf32>
      %get3A_45 = vector.shape_cast %get3A_44 : vector<1x1792x64xf32> to vector<1792x64xf32>
      %get3A_46 = arith.constant 0 : index
      %get3A_47 = arith.constant 0 : index
      %get3A_48 = arith.constant 0 : index
      %get3A_49 = vector.load %arg4[%get3A_46, %get3A_47, %get3A_48] : memref<1x2048x64xf32, #tpu.memory_space<vmem>>, vector<1x1792x64xf32>
      %get3A_50 = vector.shape_cast %get3A_49 : vector<1x1792x64xf32> to vector<1792x64xf32>
      %dot_general3A = arith.constant dense<0.000000e+00> : vector<256x1792xf32>
      %dot_general3A_51 = tpu.matmul %get3A_3, %get3A_45, %dot_general3A {dimension_numbers = #tpu.dot_dimension_numbers<[1], [1], [0], [0], [0, 0, 1, 0], [], []>, transpose_lhs_hint = false} : vector<256x64xf32>, vector<1792x64xf32>, vector<256x1792xf32> -> vector<256x1792xf32>
      %mul3A = arith.constant 1.250000e-01 : f32
      %mul3A_52 = vector.broadcast %mul3A : f32 to vector<256x1792xf32>
      %mul3A_53 = arith.mulf %dot_general3A_51, %mul3A_52 : vector<256x1792xf32>
      %mul3A_54 = arith.constant 256 : i32
      %mul3A_55 = arith.muli %arg1, %mul3A_54 : i32
      %iota3A = tpu.iota {dimensions = array<i32: 0>} : vector<256x1792xi32>
      %add3A = vector.broadcast %mul3A_55 : i32 to vector<256x1792xi32>
      %add3A_56 = arith.addi %add3A, %iota3A : vector<256x1792xi32>
      %iota3A_57 = tpu.iota {dimensions = array<i32: 1>} : vector<256x1792xi32>
      %le3A = arith.cmpi sle, %iota3A_57, %add3A_56 : vector<256x1792xi32>
      %jit3A = arith.constant -1.000000e+09 : f32
      %broadcast_in_dim3A = vector.broadcast %jit3A : f32 to vector<256x1792xf32>
      %select_n3A = arith.select %le3A, %mul3A_53, %broadcast_in_dim3A : vector<256x1792xi1>, vector<256x1792xf32>
      %reduce_max3A = arith.constant dense<0xFF800000> : vector<256xf32>
      %reduce_max3A_58 = vector.multi_reduction <maximumf>, %select_n3A, %reduce_max3A [1] : vector<256x1792xf32> to vector<256xf32>
      %broadcast_in_dim3A_59 = vector.shape_cast %reduce_max3A_58 : vector<256xf32> to vector<256x1xf32>
      %sub3A = vector.broadcast %broadcast_in_dim3A_59 : vector<256x1xf32> to vector<256x1792xf32>
      %sub3A_60 = arith.subf %select_n3A, %sub3A : vector<256x1792xf32>
      %exp3A = math.exp %sub3A_60 : vector<256x1792xf32>
      %reduce_sum3A = arith.constant dense<0.000000e+00> : vector<256xf32>
      %reduce_sum3A_61 = vector.multi_reduction <add>, %exp3A, %reduce_sum3A [1] : vector<256x1792xf32> to vector<256xf32>
      %broadcast_in_dim3A_62 = vector.shape_cast %reduce_sum3A_61 : vector<256xf32> to vector<256x1xf32>
      %dot_general3A_63 = arith.constant dense<0.000000e+00> : vector<256x64xf32>
      %dot_general3A_64 = tpu.matmul %exp3A, %get3A_50, %dot_general3A_63 {dimension_numbers = #tpu.dot_dimension_numbers<[1], [0], [0], [1], [0, 0, 1, 1], [], []>, transpose_lhs_hint = false} : vector<256x1792xf32>, vector<1792x64xf32>, vector<256x64xf32> -> vector<256x64xf32>
      %div3A = vector.broadcast %broadcast_in_dim3A_62 : vector<256x1xf32> to vector<256x64xf32>
      %div3A_65 = arith.divf %dot_general3A_64, %div3A : vector<256x64xf32>
      %swap3A = arith.constant 0 : index
      %swap3A_66 = arith.constant 0 : index
      %swap3A_67 = arith.constant 0 : index
      %swap3A_68 = vector.load %arg5[%swap3A, %swap3A_66, %swap3A_67] : memref<1x256x64xf32, #tpu.memory_space<vmem>>, vector<1x256x64xf32>
      %swap3A_69 = vector.shape_cast %swap3A_68 : vector<1x256x64xf32> to vector<256x64xf32>
      %swap3A_70 = vector.shape_cast %div3A_65 : vector<256x64xf32> to vector<1x256x64xf32>
      tpu.vector_store %arg5[%swap3A, %swap3A_66, %swap3A_67], %swap3A_70 {strides = array<i32>} : memref<1x256x64xf32, #tpu.memory_space<vmem>>, vector<1x256x64xf32>,
    } else {
    }
    %eq3A_36 = arith.constant 7 : i32
    %eq3A_37 = arith.cmpi eq, %arg1, %eq3A_36 : i32
    %convert_element_type3A_38 = arith.extui %eq3A_37 : i1 to i32
    %cond3A_39 = arith.constant 0 : i32
    %cond3A_40 = arith.cmpi ne, %convert_element_type3A_38, %cond3A_39 : i32
    scf.if %cond3A_40 {
      %get3A_41 = arith.constant 0 : index
      %get3A_42 = arith.constant 0 : index
      %get3A_43 = arith.constant 0 : index
      %get3A_44 = vector.load %arg3[%get3A_41, %get3A_42, %get3A_43] : memref<1x2048x64xf32, #tpu.memory_space<vmem>>, vector<1x2048x64xf32>
      %get3A_45 = vector.shape_cast %get3A_44 : vector<1x2048x64xf32> to vector<2048x64xf32>
      %get3A_46 = arith.constant 0 : index
      %get3A_47 = arith.constant 0 : index
      %get3A_48 = arith.constant 0 : index
      %get3A_49 = vector.load %arg4[%get3A_46, %get3A_47, %get3A_48] : memref<1x2048x64xf32, #tpu.memory_space<vmem>>, vector<1x2048x64xf32>
      %get3A_50 = vector.shape_cast %get3A_49 : vector<1x2048x64xf32> to vector<2048x64xf32>
      %dot_general3A = arith.constant dense<0.000000e+00> : vector<256x2048xf32>
      %dot_general3A_51 = tpu.matmul %get3A_3, %get3A_45, %dot_general3A {dimension_numbers = #tpu.dot_dimension_numbers<[1], [1], [0], [0], [0, 0, 1, 0], [], []>, transpose_lhs_hint = false} : vector<256x64xf32>, vector<2048x64xf32>, vector<256x2048xf32> -> vector<256x2048xf32>
      %mul3A = arith.constant 1.250000e-01 : f32
      %mul3A_52 = vector.broadcast %mul3A : f32 to vector<256x2048xf32>
      %mul3A_53 = arith.mulf %dot_general3A_51, %mul3A_52 : vector<256x2048xf32>
      %mul3A_54 = arith.constant 256 : i32
      %mul3A_55 = arith.muli %arg1, %mul3A_54 : i32
      %iota3A = tpu.iota {dimensions = array<i32: 0>} : vector<256x2048xi32>
      %add3A = vector.broadcast %mul3A_55 : i32 to vector<256x2048xi32>
      %add3A_56 = arith.addi %add3A, %iota3A : vector<256x2048xi32>
      %iota3A_57 = tpu.iota {dimensions = array<i32: 1>} : vector<256x2048xi32>
      %le3A = arith.cmpi sle, %iota3A_57, %add3A_56 : vector<256x2048xi32>
      %jit3A = arith.constant -1.000000e+09 : f32
      %broadcast_in_dim3A = vector.broadcast %jit3A : f32 to vector<256x2048xf32>
      %select_n3A = arith.select %le3A, %mul3A_53, %broadcast_in_dim3A : vector<256x2048xi1>, vector<256x2048xf32>
      %reduce_max3A = arith.constant dense<0xFF800000> : vector<256xf32>
      %reduce_max3A_58 = vector.multi_reduction <maximumf>, %select_n3A, %reduce_max3A [1] : vector<256x2048xf32> to vector<256xf32>
      %broadcast_in_dim3A_59 = vector.shape_cast %reduce_max3A_58 : vector<256xf32> to vector<256x1xf32>
      %sub3A = vector.broadcast %broadcast_in_dim3A_59 : vector<256x1xf32> to vector<256x2048xf32>
      %sub3A_60 = arith.subf %select_n3A, %sub3A : vector<256x2048xf32>
      %exp3A = math.exp %sub3A_60 : vector<256x2048xf32>
      %reduce_sum3A = arith.constant dense<0.000000e+00> : vector<256xf32>
      %reduce_sum3A_61 = vector.multi_reduction <add>, %exp3A, %reduce_sum3A [1] : vector<256x2048xf32> to vector<256xf32>
      %broadcast_in_dim3A_62 = vector.shape_cast %reduce_sum3A_61 : vector<256xf32> to vector<256x1xf32>
      %dot_general3A_63 = arith.constant dense<0.000000e+00> : vector<256x64xf32>
      %dot_general3A_64 = tpu.matmul %exp3A, %get3A_50, %dot_general3A_63 {dimension_numbers = #tpu.dot_dimension_numbers<[1], [0], [0], [1], [0, 0, 1, 1], [], []>, transpose_lhs_hint = false} : vector<256x2048xf32>, vector<2048x64xf32>, vector<256x64xf32> -> vector<256x64xf32>
      %div3A = vector.broadcast %broadcast_in_dim3A_62 : vector<256x1xf32> to vector<256x64xf32>
      %div3A_65 = arith.divf %dot_general3A_64, %div3A : vector<256x64xf32>
      %swap3A = arith.constant 0 : index
      %swap3A_66 = arith.constant 0 : index
      %swap3A_67 = arith.constant 0 : index
      %swap3A_68 = vector.load %arg5[%swap3A, %swap3A_66, %swap3A_67] : memref<1x256x64xf32, #tpu.memory_space<vmem>>, vector<1x256x64xf32>
      %swap3A_69 = vector.shape_cast %swap3A_68 : vector<1x256x64xf32> to vector<256x64xf32>
      %swap3A_70 = vector.shape_cast %div3A_65 : vector<256x64xf32> to vector<1x256x64xf32>
      tpu.vector_store %arg5[%swap3A, %swap3A_66, %swap3A_67], %swap3A_70 {strides = array<i32>} : memref<1x256x64xf32, #tpu.memory_space<vmem>>, vector<1x256x64xf32>,
    } else {
    }
    return
  }
  func.func @transform_0(%arg0: i32, %arg1: i32) -> (i32, i32, i32) {
    %c0_i32 = arith.constant 0 : i32
    %c0_i32_0 = arith.constant 0 : i32
    return %arg0, %arg1, %c0_i32 : i32, i32, i32
  }
  func.func @transform_1(%arg0: i32, %arg1: i32) -> (i32, i32, i32) {
    %add3A = arith.constant 16 : i32
    %add3A_0 = arith.addi %add3A, %arg0 : i32
    %c0_i32 = arith.constant 0 : i32
    %c0_i32_1 = arith.constant 0 : i32
    %c0_i32_2 = arith.constant 0 : i32
    return %add3A_0, %c0_i32, %c0_i32_1 : i32, i32, i32
  }
  func.func @transform_2(%arg0: i32, %arg1: i32) -> (i32, i32, i32) {
    %add3A = arith.constant 32 : i32
    %add3A_0 = arith.addi %add3A, %arg0 : i32
    %c0_i32 = arith.constant 0 : i32
    %c0_i32_1 = arith.constant 0 : i32
    %c0_i32_2 = arith.constant 0 : i32
    return %add3A_0, %c0_i32, %c0_i32_1 : i32, i32, i32
  }
  func.func @transform_3(%arg0: i32, %arg1: i32) -> (i32, i32, i32) {
    %c0_i32 = arith.constant 0 : i32
    %c0_i32_0 = arith.constant 0 : i32
    return %arg0, %arg1, %c0_i32 : i32, i32, i32
  }
}

module attributes {stable_mosaic.version = 14 : i64} {
  func.func @_proj_gates_body(%arg0: i32, %arg1: memref<256x1024xf32, #tpu.memory_space<vmem>>, %arg2: memref<256x1024xf32, #tpu.memory_space<vmem>>, %arg3: memref<1024x1024xf32, #tpu.memory_space<vmem>>, %arg4: memref<1x1024xf32, #tpu.memory_space<vmem>>, %arg5: memref<1x1024xf32, #tpu.memory_space<vmem>>, %arg6: memref<1024x16xf32, #tpu.memory_space<vmem>>, %arg7: memref<256x1024xf32, #tpu.memory_space<vmem>>, %arg8: memref<256x1024xf32, #tpu.memory_space<vmem>>, %arg9: memref<256x16xf32, #tpu.memory_space<vmem>>, %arg10: memref<256x16xf32, #tpu.memory_space<vmem>>, %arg11: memref<256x16xf32, #tpu.memory_space<vmem>>, %arg12: memref<256x16xf32, #tpu.memory_space<vmem>>) attributes {dimension_semantics = [#tpu.dimension_semantics<arbitrary>], iteration_bounds = array<i64: 8>, scalar_prefetch = 0 : i64, scratch_operands = 0 : i64, tpu.core_type = #tpu.core_type<tc>, window_params = [{transform_indices = @transform_0, window_bounds = array<i64: 256, 1024>}, {transform_indices = @transform_1, window_bounds = array<i64: 256, 1024>}, {pipeline_mode = #tpu.pipeline_mode<synchronous>, transform_indices = @transform_2, window_bounds = array<i64: 1024, 1024>}, {pipeline_mode = #tpu.pipeline_mode<synchronous>, transform_indices = @transform_3, window_bounds = array<i64: 1, 1024>}, {pipeline_mode = #tpu.pipeline_mode<synchronous>, transform_indices = @transform_4, window_bounds = array<i64: 1, 1024>}, {pipeline_mode = #tpu.pipeline_mode<synchronous>, transform_indices = @transform_5, window_bounds = array<i64: 1024, 16>}, {transform_indices = @transform_6, window_bounds = array<i64: 256, 1024>}, {transform_indices = @transform_7, window_bounds = array<i64: 256, 1024>}, {transform_indices = @transform_8, window_bounds = array<i64: 256, 16>}, {transform_indices = @transform_9, window_bounds = array<i64: 256, 16>}, {transform_indices = @transform_10, window_bounds = array<i64: 256, 16>}, {transform_indices = @transform_11, window_bounds = array<i64: 256, 16>}]} {
    %get3A = arith.constant 0 : index
    %get3A_0 = arith.constant 0 : index
    %get3A_1 = vector.load %arg1[%get3A, %get3A_0] : memref<256x1024xf32, #tpu.memory_space<vmem>>, vector<256x1024xf32>
    %get3A_2 = arith.constant 0 : index
    %get3A_3 = arith.constant 0 : index
    %get3A_4 = vector.load %arg3[%get3A_2, %get3A_3] : memref<1024x1024xf32, #tpu.memory_space<vmem>>, vector<1024x1024xf32>
    %dot_general3A = arith.constant dense<0.000000e+00> : vector<256x1024xf32>
    %dot_general3A_5 = tpu.matmul %get3A_1, %get3A_4, %dot_general3A {dimension_numbers = #tpu.dot_dimension_numbers<[1], [0], [0], [1], [0, 0, 1, 1], [], []>, transpose_lhs_hint = false} : vector<256x1024xf32>, vector<1024x1024xf32>, vector<256x1024xf32> -> vector<256x1024xf32>
    %get3A_6 = arith.constant 0 : index
    %get3A_7 = arith.constant 0 : index
    %get3A_8 = vector.load %arg2[%get3A_6, %get3A_7] : memref<256x1024xf32, #tpu.memory_space<vmem>>, vector<256x1024xf32>
    %add3A = arith.addf %get3A_8, %dot_general3A_5 : vector<256x1024xf32>
    %swap3A = arith.constant 0 : index
    %swap3A_9 = arith.constant 0 : index
    %swap3A_10 = vector.load %arg7[%swap3A, %swap3A_9] : memref<256x1024xf32, #tpu.memory_space<vmem>>, vector<256x1024xf32>
    tpu.vector_store %arg7[%swap3A, %swap3A_9], %add3A {strides = array<i32>} : memref<256x1024xf32, #tpu.memory_space<vmem>>, vector<256x1024xf32>,
    %reduce_sum3A = arith.constant dense<0.000000e+00> : vector<256xf32>
    %reduce_sum3A_11 = vector.multi_reduction <add>, %add3A, %reduce_sum3A [1] : vector<256x1024xf32> to vector<256xf32>
    %broadcast_in_dim3A = vector.shape_cast %reduce_sum3A_11 : vector<256xf32> to vector<256x1xf32>
    %div3A = arith.constant 1.024000e+03 : f32
    %div3A_12 = vector.broadcast %div3A : f32 to vector<256x1xf32>
    %div3A_13 = arith.divf %broadcast_in_dim3A, %div3A_12 : vector<256x1xf32>
    %sub3A = vector.broadcast %div3A_13 : vector<256x1xf32> to vector<256x1024xf32>
    %sub3A_14 = arith.subf %add3A, %sub3A : vector<256x1024xf32>
    %integer_pow3A = arith.mulf %sub3A_14, %sub3A_14 : vector<256x1024xf32>
    %reduce_sum3A_15 = arith.constant dense<0.000000e+00> : vector<256xf32>
    %reduce_sum3A_16 = vector.multi_reduction <add>, %integer_pow3A, %reduce_sum3A_15 [1] : vector<256x1024xf32> to vector<256xf32>
    %broadcast_in_dim3A_17 = vector.shape_cast %reduce_sum3A_16 : vector<256xf32> to vector<256x1xf32>
    %div3A_18 = arith.constant 1.024000e+03 : f32
    %div3A_19 = vector.broadcast %div3A_18 : f32 to vector<256x1xf32>
    %div3A_20 = arith.divf %broadcast_in_dim3A_17, %div3A_19 : vector<256x1xf32>
    %sub3A_21 = vector.broadcast %div3A_13 : vector<256x1xf32> to vector<256x1024xf32>
    %sub3A_22 = arith.subf %add3A, %sub3A_21 : vector<256x1024xf32>
    %add3A_23 = arith.constant 9.99999974E-6 : f32
    %add3A_24 = vector.broadcast %add3A_23 : f32 to vector<256x1xf32>
    %add3A_25 = arith.addf %div3A_20, %add3A_24 : vector<256x1xf32>
    %sqrt3A = math.sqrt %add3A_25 : vector<256x1xf32>
    %div3A_26 = vector.broadcast %sqrt3A : vector<256x1xf32> to vector<256x1024xf32>
    %div3A_27 = arith.divf %sub3A_22, %div3A_26 : vector<256x1024xf32>
    %get3A_28 = arith.constant 0 : index
    %get3A_29 = arith.constant 0 : index
    %get3A_30 = vector.load %arg4[%get3A_28, %get3A_29] : memref<1x1024xf32, #tpu.memory_space<vmem>>, vector<1x1024xf32>
    %mul3A = vector.broadcast %get3A_30 : vector<1x1024xf32> to vector<256x1024xf32>
    %mul3A_31 = arith.mulf %div3A_27, %mul3A : vector<256x1024xf32>
    %get3A_32 = arith.constant 0 : index
    %get3A_33 = arith.constant 0 : index
    %get3A_34 = vector.load %arg5[%get3A_32, %get3A_33] : memref<1x1024xf32, #tpu.memory_space<vmem>>, vector<1x1024xf32>
    %add3A_35 = vector.broadcast %get3A_34 : vector<1x1024xf32> to vector<256x1024xf32>
    %add3A_36 = arith.addf %mul3A_31, %add3A_35 : vector<256x1024xf32>
    %swap3A_37 = arith.constant 0 : index
    %swap3A_38 = arith.constant 0 : index
    %swap3A_39 = vector.load %arg8[%swap3A_37, %swap3A_38] : memref<256x1024xf32, #tpu.memory_space<vmem>>, vector<256x1024xf32>
    tpu.vector_store %arg8[%swap3A_37, %swap3A_38], %add3A_36 {strides = array<i32>} : memref<256x1024xf32, #tpu.memory_space<vmem>>, vector<256x1024xf32>,
    %get3A_40 = arith.constant 0 : index
    %get3A_41 = arith.constant 0 : index
    %get3A_42 = vector.load %arg6[%get3A_40, %get3A_41] : memref<1024x16xf32, #tpu.memory_space<vmem>>, vector<1024x16xf32>
    %dot_general3A_43 = arith.constant dense<0.000000e+00> : vector<256x16xf32>
    %dot_general3A_44 = tpu.matmul %add3A_36, %get3A_42, %dot_general3A_43 {dimension_numbers = #tpu.dot_dimension_numbers<[1], [0], [0], [1], [0, 0, 1, 1], [], []>, transpose_lhs_hint = false} : vector<256x1024xf32>, vector<1024x16xf32>, vector<256x16xf32> -> vector<256x16xf32>
    %reduce_max3A = arith.constant dense<0xFF800000> : vector<256xf32>
    %reduce_max3A_45 = vector.multi_reduction <maximumf>, %dot_general3A_44, %reduce_max3A [1] : vector<256x16xf32> to vector<256xf32>
    %broadcast_in_dim3A_46 = vector.shape_cast %reduce_max3A_45 : vector<256xf32> to vector<256x1xf32>
    %sub3A_47 = vector.broadcast %broadcast_in_dim3A_46 : vector<256x1xf32> to vector<256x16xf32>
    %sub3A_48 = arith.subf %dot_general3A_44, %sub3A_47 : vector<256x16xf32>
    %exp3A = math.exp %sub3A_48 : vector<256x16xf32>
    %reduce_sum3A_49 = arith.constant dense<0.000000e+00> : vector<256xf32>
    %reduce_sum3A_50 = vector.multi_reduction <add>, %exp3A, %reduce_sum3A_49 [1] : vector<256x16xf32> to vector<256xf32>
    %broadcast_in_dim3A_51 = vector.shape_cast %reduce_sum3A_50 : vector<256xf32> to vector<256x1xf32>
    %div3A_52 = vector.broadcast %broadcast_in_dim3A_51 : vector<256x1xf32> to vector<256x16xf32>
    %div3A_53 = arith.divf %exp3A, %div3A_52 : vector<256x16xf32>
    %iota3A = tpu.iota {dimensions = array<i32: 1>} : vector<256x16xi32>
    %argmax3A = tpu.reduce_index %div3A_53 {axis = 1 : i32, kind = #tpu.reduction_kind<arg_max>} : vector<256x16xf32> -> vector<256xi32>
    %broadcast_in_dim3A_54 = vector.shape_cast %argmax3A : vector<256xi32> to vector<256x1xi32>
    %eq3A = vector.broadcast %broadcast_in_dim3A_54 : vector<256x1xi32> to vector<256x16xi32>
    %eq3A_55 = arith.cmpi eq, %iota3A, %eq3A : vector<256x16xi32>
    %jit3A = arith.constant -1.000000e+00 : f32
    %broadcast_in_dim3A_56 = vector.broadcast %jit3A : f32 to vector<256x16xf32>
    %select_n3A = arith.select %eq3A_55, %broadcast_in_dim3A_56, %div3A_53 : vector<256x16xi1>, vector<256x16xf32>
    %argmax3A_57 = tpu.reduce_index %select_n3A {axis = 1 : i32, kind = #tpu.reduction_kind<arg_max>} : vector<256x16xf32> -> vector<256xi32>
    %broadcast_in_dim3A_58 = vector.shape_cast %argmax3A_57 : vector<256xi32> to vector<256x1xi32>
    %eq3A_59 = vector.broadcast %broadcast_in_dim3A_58 : vector<256x1xi32> to vector<256x16xi32>
    %eq3A_60 = arith.cmpi eq, %iota3A, %eq3A_59 : vector<256x16xi32>
    %convert_element_type3A = arith.extui %eq3A_55 : vector<256x16xi1> to vector<256x16xi32>
    %convert_element_type3A_61 = arith.sitofp %convert_element_type3A : vector<256x16xi32> to vector<256x16xf32>
    %swap3A_62 = arith.constant 0 : index
    %swap3A_63 = arith.constant 0 : index
    %swap3A_64 = vector.load %arg9[%swap3A_62, %swap3A_63] : memref<256x16xf32, #tpu.memory_space<vmem>>, vector<256x16xf32>
    tpu.vector_store %arg9[%swap3A_62, %swap3A_63], %convert_element_type3A_61 {strides = array<i32>} : memref<256x16xf32, #tpu.memory_space<vmem>>, vector<256x16xf32>,
    %convert_element_type3A_65 = arith.extui %eq3A_60 : vector<256x16xi1> to vector<256x16xi32>
    %convert_element_type3A_66 = arith.sitofp %convert_element_type3A_65 : vector<256x16xi32> to vector<256x16xf32>
    %swap3A_67 = arith.constant 0 : index
    %swap3A_68 = arith.constant 0 : index
    %swap3A_69 = vector.load %arg10[%swap3A_67, %swap3A_68] : memref<256x16xf32, #tpu.memory_space<vmem>>, vector<256x16xf32>
    tpu.vector_store %arg10[%swap3A_67, %swap3A_68], %convert_element_type3A_66 {strides = array<i32>} : memref<256x16xf32, #tpu.memory_space<vmem>>, vector<256x16xf32>,
    %jit3A_70 = arith.constant 0.000000e+00 : f32
    %broadcast_in_dim3A_71 = vector.broadcast %jit3A_70 : f32 to vector<256x16xf32>
    %select_n3A_72 = arith.select %eq3A_55, %div3A_53, %broadcast_in_dim3A_71 : vector<256x16xi1>, vector<256x16xf32>
    %reduce_sum3A_73 = arith.constant dense<0.000000e+00> : vector<256xf32>
    %reduce_sum3A_74 = vector.multi_reduction <add>, %select_n3A_72, %reduce_sum3A_73 [1] : vector<256x16xf32> to vector<256xf32>
    %broadcast_in_dim3A_75 = vector.shape_cast %reduce_sum3A_74 : vector<256xf32> to vector<256x1xf32>
    %jit3A_76 = arith.constant 0.000000e+00 : f32
    %broadcast_in_dim3A_77 = vector.broadcast %jit3A_76 : f32 to vector<256x16xf32>
    %select_n3A_78 = arith.select %eq3A_60, %div3A_53, %broadcast_in_dim3A_77 : vector<256x16xi1>, vector<256x16xf32>
    %reduce_sum3A_79 = arith.constant dense<0.000000e+00> : vector<256xf32>
    %reduce_sum3A_80 = vector.multi_reduction <add>, %select_n3A_78, %reduce_sum3A_79 [1] : vector<256x16xf32> to vector<256xf32>
    %broadcast_in_dim3A_81 = vector.shape_cast %reduce_sum3A_80 : vector<256xf32> to vector<256x1xf32>
    %broadcast_in_dim3A_82 = vector.shape_cast %broadcast_in_dim3A_75 : vector<256x1xf32> to vector<256x1xf32>
    %broadcast_in_dim3A_83 = vector.broadcast %broadcast_in_dim3A_82 : vector<256x1xf32> to vector<256x16xf32>
    %swap3A_84 = arith.constant 0 : index
    %swap3A_85 = arith.constant 0 : index
    %swap3A_86 = vector.load %arg11[%swap3A_84, %swap3A_85] : memref<256x16xf32, #tpu.memory_space<vmem>>, vector<256x16xf32>
    tpu.vector_store %arg11[%swap3A_84, %swap3A_85], %broadcast_in_dim3A_83 {strides = array<i32>} : memref<256x16xf32, #tpu.memory_space<vmem>>, vector<256x16xf32>,
    %broadcast_in_dim3A_87 = vector.shape_cast %broadcast_in_dim3A_81 : vector<256x1xf32> to vector<256x1xf32>
    %broadcast_in_dim3A_88 = vector.broadcast %broadcast_in_dim3A_87 : vector<256x1xf32> to vector<256x16xf32>
    %swap3A_89 = arith.constant 0 : index
    %swap3A_90 = arith.constant 0 : index
    %swap3A_91 = vector.load %arg12[%swap3A_89, %swap3A_90] : memref<256x16xf32, #tpu.memory_space<vmem>>, vector<256x16xf32>
    tpu.vector_store %arg12[%swap3A_89, %swap3A_90], %broadcast_in_dim3A_88 {strides = array<i32>} : memref<256x16xf32, #tpu.memory_space<vmem>>, vector<256x16xf32>,
    return
  }
  func.func @transform_0(%arg0: i32) -> (i32, i32) {
    %c0_i32 = arith.constant 0 : i32
    %c0_i32_0 = arith.constant 0 : i32
    return %arg0, %c0_i32 : i32, i32
  }
  func.func @transform_1(%arg0: i32) -> (i32, i32) {
    %c0_i32 = arith.constant 0 : i32
    %c0_i32_0 = arith.constant 0 : i32
    return %arg0, %c0_i32 : i32, i32
  }
  func.func @transform_2(%arg0: i32) -> (i32, i32) {
    %c0_i32 = arith.constant 0 : i32
    %c0_i32_0 = arith.constant 0 : i32
    %c0_i32_1 = arith.constant 0 : i32
    return %c0_i32, %c0_i32_0 : i32, i32
  }
  func.func @transform_3(%arg0: i32) -> (i32, i32) {
    %c0_i32 = arith.constant 0 : i32
    %c0_i32_0 = arith.constant 0 : i32
    %c0_i32_1 = arith.constant 0 : i32
    return %c0_i32, %c0_i32_0 : i32, i32
  }
  func.func @transform_4(%arg0: i32) -> (i32, i32) {
    %c0_i32 = arith.constant 0 : i32
    %c0_i32_0 = arith.constant 0 : i32
    %c0_i32_1 = arith.constant 0 : i32
    return %c0_i32, %c0_i32_0 : i32, i32
  }
  func.func @transform_5(%arg0: i32) -> (i32, i32) {
    %c0_i32 = arith.constant 0 : i32
    %c0_i32_0 = arith.constant 0 : i32
    %c0_i32_1 = arith.constant 0 : i32
    return %c0_i32, %c0_i32_0 : i32, i32
  }
  func.func @transform_6(%arg0: i32) -> (i32, i32) {
    %c0_i32 = arith.constant 0 : i32
    %c0_i32_0 = arith.constant 0 : i32
    return %arg0, %c0_i32 : i32, i32
  }
  func.func @transform_7(%arg0: i32) -> (i32, i32) {
    %c0_i32 = arith.constant 0 : i32
    %c0_i32_0 = arith.constant 0 : i32
    return %arg0, %c0_i32 : i32, i32
  }
  func.func @transform_8(%arg0: i32) -> (i32, i32) {
    %c0_i32 = arith.constant 0 : i32
    %c0_i32_0 = arith.constant 0 : i32
    return %arg0, %c0_i32 : i32, i32
  }
  func.func @transform_9(%arg0: i32) -> (i32, i32) {
    %c0_i32 = arith.constant 0 : i32
    %c0_i32_0 = arith.constant 0 : i32
    return %arg0, %c0_i32 : i32, i32
  }
  func.func @transform_10(%arg0: i32) -> (i32, i32) {
    %c0_i32 = arith.constant 0 : i32
    %c0_i32_0 = arith.constant 0 : i32
    return %arg0, %c0_i32 : i32, i32
  }
  func.func @transform_11(%arg0: i32) -> (i32, i32) {
    %c0_i32 = arith.constant 0 : i32
    %c0_i32_0 = arith.constant 0 : i32
    return %arg0, %c0_i32 : i32, i32
  }
}

module attributes {stable_mosaic.version = 14 : i64} {
  func.func @_route_meta_body(%arg0: i32, %arg1: memref<2048x16xf32, #tpu.memory_space<vmem>>, %arg2: memref<2048x16xf32, #tpu.memory_space<vmem>>, %arg3: memref<2048x1xi32, #tpu.memory_space<vmem>>, %arg4: memref<2048x1xi32, #tpu.memory_space<vmem>>, %arg5: memref<1x16xi32, #tpu.memory_space<vmem>>) attributes {dimension_semantics = [#tpu.dimension_semantics<arbitrary>], iteration_bounds = array<i64: 1>, scalar_prefetch = 0 : i64, scratch_operands = 0 : i64, tpu.core_type = #tpu.core_type<tc>, window_params = [{pipeline_mode = #tpu.pipeline_mode<synchronous>, transform_indices = @transform_0, window_bounds = array<i64: 2048, 16>}, {pipeline_mode = #tpu.pipeline_mode<synchronous>, transform_indices = @transform_1, window_bounds = array<i64: 2048, 16>}, {pipeline_mode = #tpu.pipeline_mode<synchronous>, transform_indices = @transform_2, window_bounds = array<i64: 2048, 1>}, {pipeline_mode = #tpu.pipeline_mode<synchronous>, transform_indices = @transform_3, window_bounds = array<i64: 2048, 1>}, {pipeline_mode = #tpu.pipeline_mode<synchronous>, transform_indices = @transform_4, window_bounds = array<i64: 1, 16>}]} {
    %get3A = arith.constant 0 : index
    %get3A_0 = arith.constant 0 : index
    %get3A_1 = vector.load %arg1[%get3A, %get3A_0] : memref<2048x16xf32, #tpu.memory_space<vmem>>, vector<2048x16xf32>
    %get3A_2 = arith.constant 0 : index
    %get3A_3 = arith.constant 0 : index
    %get3A_4 = vector.load %arg2[%get3A_2, %get3A_3] : memref<2048x16xf32, #tpu.memory_space<vmem>>, vector<2048x16xf32>
    %broadcast_in_dim3A = arith.constant 0.000000e+00 : f32
    %broadcast_in_dim3A_5 = vector.broadcast %broadcast_in_dim3A : f32 to vector<1x16xf32>
    %slice3A = vector.extract_strided_slice %get3A_1 {offsets = [0, 0], sizes = [2047, 16], strides = [1, 1]} : vector<2048x16xf32> to vector<2047x16xf32>
    %concatenate3A = tpu.concatenate %broadcast_in_dim3A_5, %slice3A in 0 : vector<1x16xf32>, vector<2047x16xf32> -> vector<2048x16xf32>
    %add3A = arith.addf %get3A_1, %concatenate3A : vector<2048x16xf32>
    %broadcast_in_dim3A_6 = arith.constant 0.000000e+00 : f32
    %broadcast_in_dim3A_7 = vector.broadcast %broadcast_in_dim3A_6 : f32 to vector<2x16xf32>
    %slice3A_8 = vector.extract_strided_slice %add3A {offsets = [0, 0], sizes = [2046, 16], strides = [1, 1]} : vector<2048x16xf32> to vector<2046x16xf32>
    %concatenate3A_9 = tpu.concatenate %broadcast_in_dim3A_7, %slice3A_8 in 0 : vector<2x16xf32>, vector<2046x16xf32> -> vector<2048x16xf32>
    %add3A_10 = arith.addf %add3A, %concatenate3A_9 : vector<2048x16xf32>
    %broadcast_in_dim3A_11 = arith.constant 0.000000e+00 : f32
    %broadcast_in_dim3A_12 = vector.broadcast %broadcast_in_dim3A_11 : f32 to vector<4x16xf32>
    %slice3A_13 = vector.extract_strided_slice %add3A_10 {offsets = [0, 0], sizes = [2044, 16], strides = [1, 1]} : vector<2048x16xf32> to vector<2044x16xf32>
    %concatenate3A_14 = tpu.concatenate %broadcast_in_dim3A_12, %slice3A_13 in 0 : vector<4x16xf32>, vector<2044x16xf32> -> vector<2048x16xf32>
    %add3A_15 = arith.addf %add3A_10, %concatenate3A_14 : vector<2048x16xf32>
    %broadcast_in_dim3A_16 = arith.constant 0.000000e+00 : f32
    %broadcast_in_dim3A_17 = vector.broadcast %broadcast_in_dim3A_16 : f32 to vector<8x16xf32>
    %slice3A_18 = vector.extract_strided_slice %add3A_15 {offsets = [0, 0], sizes = [2040, 16], strides = [1, 1]} : vector<2048x16xf32> to vector<2040x16xf32>
    %concatenate3A_19 = tpu.concatenate %broadcast_in_dim3A_17, %slice3A_18 in 0 : vector<8x16xf32>, vector<2040x16xf32> -> vector<2048x16xf32>
    %add3A_20 = arith.addf %add3A_15, %concatenate3A_19 : vector<2048x16xf32>
    %broadcast_in_dim3A_21 = arith.constant 0.000000e+00 : f32
    %broadcast_in_dim3A_22 = vector.broadcast %broadcast_in_dim3A_21 : f32 to vector<16x16xf32>
    %slice3A_23 = vector.extract_strided_slice %add3A_20 {offsets = [0, 0], sizes = [2032, 16], strides = [1, 1]} : vector<2048x16xf32> to vector<2032x16xf32>
    %concatenate3A_24 = tpu.concatenate %broadcast_in_dim3A_22, %slice3A_23 in 0 : vector<16x16xf32>, vector<2032x16xf32> -> vector<2048x16xf32>
    %add3A_25 = arith.addf %add3A_20, %concatenate3A_24 : vector<2048x16xf32>
    %broadcast_in_dim3A_26 = arith.constant 0.000000e+00 : f32
    %broadcast_in_dim3A_27 = vector.broadcast %broadcast_in_dim3A_26 : f32 to vector<32x16xf32>
    %slice3A_28 = vector.extract_strided_slice %add3A_25 {offsets = [0, 0], sizes = [2016, 16], strides = [1, 1]} : vector<2048x16xf32> to vector<2016x16xf32>
    %concatenate3A_29 = tpu.concatenate %broadcast_in_dim3A_27, %slice3A_28 in 0 : vector<32x16xf32>, vector<2016x16xf32> -> vector<2048x16xf32>
    %add3A_30 = arith.addf %add3A_25, %concatenate3A_29 : vector<2048x16xf32>
    %broadcast_in_dim3A_31 = arith.constant 0.000000e+00 : f32
    %broadcast_in_dim3A_32 = vector.broadcast %broadcast_in_dim3A_31 : f32 to vector<64x16xf32>
    %slice3A_33 = vector.extract_strided_slice %add3A_30 {offsets = [0, 0], sizes = [1984, 16], strides = [1, 1]} : vector<2048x16xf32> to vector<1984x16xf32>
    %concatenate3A_34 = tpu.concatenate %broadcast_in_dim3A_32, %slice3A_33 in 0 : vector<64x16xf32>, vector<1984x16xf32> -> vector<2048x16xf32>
    %add3A_35 = arith.addf %add3A_30, %concatenate3A_34 : vector<2048x16xf32>
    %broadcast_in_dim3A_36 = arith.constant 0.000000e+00 : f32
    %broadcast_in_dim3A_37 = vector.broadcast %broadcast_in_dim3A_36 : f32 to vector<128x16xf32>
    %slice3A_38 = vector.extract_strided_slice %add3A_35 {offsets = [0, 0], sizes = [1920, 16], strides = [1, 1]} : vector<2048x16xf32> to vector<1920x16xf32>
    %concatenate3A_39 = tpu.concatenate %broadcast_in_dim3A_37, %slice3A_38 in 0 : vector<128x16xf32>, vector<1920x16xf32> -> vector<2048x16xf32>
    %add3A_40 = arith.addf %add3A_35, %concatenate3A_39 : vector<2048x16xf32>
    %broadcast_in_dim3A_41 = arith.constant 0.000000e+00 : f32
    %broadcast_in_dim3A_42 = vector.broadcast %broadcast_in_dim3A_41 : f32 to vector<256x16xf32>
    %slice3A_43 = vector.extract_strided_slice %add3A_40 {offsets = [0, 0], sizes = [1792, 16], strides = [1, 1]} : vector<2048x16xf32> to vector<1792x16xf32>
    %concatenate3A_44 = tpu.concatenate %broadcast_in_dim3A_42, %slice3A_43 in 0 : vector<256x16xf32>, vector<1792x16xf32> -> vector<2048x16xf32>
    %add3A_45 = arith.addf %add3A_40, %concatenate3A_44 : vector<2048x16xf32>
    %broadcast_in_dim3A_46 = arith.constant 0.000000e+00 : f32
    %broadcast_in_dim3A_47 = vector.broadcast %broadcast_in_dim3A_46 : f32 to vector<512x16xf32>
    %slice3A_48 = vector.extract_strided_slice %add3A_45 {offsets = [0, 0], sizes = [1536, 16], strides = [1, 1]} : vector<2048x16xf32> to vector<1536x16xf32>
    %concatenate3A_49 = tpu.concatenate %broadcast_in_dim3A_47, %slice3A_48 in 0 : vector<512x16xf32>, vector<1536x16xf32> -> vector<2048x16xf32>
    %add3A_50 = arith.addf %add3A_45, %concatenate3A_49 : vector<2048x16xf32>
    %broadcast_in_dim3A_51 = arith.constant 0.000000e+00 : f32
    %broadcast_in_dim3A_52 = vector.broadcast %broadcast_in_dim3A_51 : f32 to vector<1024x16xf32>
    %slice3A_53 = vector.extract_strided_slice %add3A_50 {offsets = [0, 0], sizes = [1024, 16], strides = [1, 1]} : vector<2048x16xf32> to vector<1024x16xf32>
    %concatenate3A_54 = tpu.concatenate %broadcast_in_dim3A_52, %slice3A_53 in 0 : vector<1024x16xf32>, vector<1024x16xf32> -> vector<2048x16xf32>
    %add3A_55 = arith.addf %add3A_50, %concatenate3A_54 : vector<2048x16xf32>
    %broadcast_in_dim3A_56 = arith.constant 0.000000e+00 : f32
    %broadcast_in_dim3A_57 = vector.broadcast %broadcast_in_dim3A_56 : f32 to vector<1x16xf32>
    %slice3A_58 = vector.extract_strided_slice %get3A_4 {offsets = [0, 0], sizes = [2047, 16], strides = [1, 1]} : vector<2048x16xf32> to vector<2047x16xf32>
    %concatenate3A_59 = tpu.concatenate %broadcast_in_dim3A_57, %slice3A_58 in 0 : vector<1x16xf32>, vector<2047x16xf32> -> vector<2048x16xf32>
    %add3A_60 = arith.addf %get3A_4, %concatenate3A_59 : vector<2048x16xf32>
    %broadcast_in_dim3A_61 = arith.constant 0.000000e+00 : f32
    %broadcast_in_dim3A_62 = vector.broadcast %broadcast_in_dim3A_61 : f32 to vector<2x16xf32>
    %slice3A_63 = vector.extract_strided_slice %add3A_60 {offsets = [0, 0], sizes = [2046, 16], strides = [1, 1]} : vector<2048x16xf32> to vector<2046x16xf32>
    %concatenate3A_64 = tpu.concatenate %broadcast_in_dim3A_62, %slice3A_63 in 0 : vector<2x16xf32>, vector<2046x16xf32> -> vector<2048x16xf32>
    %add3A_65 = arith.addf %add3A_60, %concatenate3A_64 : vector<2048x16xf32>
    %broadcast_in_dim3A_66 = arith.constant 0.000000e+00 : f32
    %broadcast_in_dim3A_67 = vector.broadcast %broadcast_in_dim3A_66 : f32 to vector<4x16xf32>
    %slice3A_68 = vector.extract_strided_slice %add3A_65 {offsets = [0, 0], sizes = [2044, 16], strides = [1, 1]} : vector<2048x16xf32> to vector<2044x16xf32>
    %concatenate3A_69 = tpu.concatenate %broadcast_in_dim3A_67, %slice3A_68 in 0 : vector<4x16xf32>, vector<2044x16xf32> -> vector<2048x16xf32>
    %add3A_70 = arith.addf %add3A_65, %concatenate3A_69 : vector<2048x16xf32>
    %broadcast_in_dim3A_71 = arith.constant 0.000000e+00 : f32
    %broadcast_in_dim3A_72 = vector.broadcast %broadcast_in_dim3A_71 : f32 to vector<8x16xf32>
    %slice3A_73 = vector.extract_strided_slice %add3A_70 {offsets = [0, 0], sizes = [2040, 16], strides = [1, 1]} : vector<2048x16xf32> to vector<2040x16xf32>
    %concatenate3A_74 = tpu.concatenate %broadcast_in_dim3A_72, %slice3A_73 in 0 : vector<8x16xf32>, vector<2040x16xf32> -> vector<2048x16xf32>
    %add3A_75 = arith.addf %add3A_70, %concatenate3A_74 : vector<2048x16xf32>
    %broadcast_in_dim3A_76 = arith.constant 0.000000e+00 : f32
    %broadcast_in_dim3A_77 = vector.broadcast %broadcast_in_dim3A_76 : f32 to vector<16x16xf32>
    %slice3A_78 = vector.extract_strided_slice %add3A_75 {offsets = [0, 0], sizes = [2032, 16], strides = [1, 1]} : vector<2048x16xf32> to vector<2032x16xf32>
    %concatenate3A_79 = tpu.concatenate %broadcast_in_dim3A_77, %slice3A_78 in 0 : vector<16x16xf32>, vector<2032x16xf32> -> vector<2048x16xf32>
    %add3A_80 = arith.addf %add3A_75, %concatenate3A_79 : vector<2048x16xf32>
    %broadcast_in_dim3A_81 = arith.constant 0.000000e+00 : f32
    %broadcast_in_dim3A_82 = vector.broadcast %broadcast_in_dim3A_81 : f32 to vector<32x16xf32>
    %slice3A_83 = vector.extract_strided_slice %add3A_80 {offsets = [0, 0], sizes = [2016, 16], strides = [1, 1]} : vector<2048x16xf32> to vector<2016x16xf32>
    %concatenate3A_84 = tpu.concatenate %broadcast_in_dim3A_82, %slice3A_83 in 0 : vector<32x16xf32>, vector<2016x16xf32> -> vector<2048x16xf32>
    %add3A_85 = arith.addf %add3A_80, %concatenate3A_84 : vector<2048x16xf32>
    %broadcast_in_dim3A_86 = arith.constant 0.000000e+00 : f32
    %broadcast_in_dim3A_87 = vector.broadcast %broadcast_in_dim3A_86 : f32 to vector<64x16xf32>
    %slice3A_88 = vector.extract_strided_slice %add3A_85 {offsets = [0, 0], sizes = [1984, 16], strides = [1, 1]} : vector<2048x16xf32> to vector<1984x16xf32>
    %concatenate3A_89 = tpu.concatenate %broadcast_in_dim3A_87, %slice3A_88 in 0 : vector<64x16xf32>, vector<1984x16xf32> -> vector<2048x16xf32>
    %add3A_90 = arith.addf %add3A_85, %concatenate3A_89 : vector<2048x16xf32>
    %broadcast_in_dim3A_91 = arith.constant 0.000000e+00 : f32
    %broadcast_in_dim3A_92 = vector.broadcast %broadcast_in_dim3A_91 : f32 to vector<128x16xf32>
    %slice3A_93 = vector.extract_strided_slice %add3A_90 {offsets = [0, 0], sizes = [1920, 16], strides = [1, 1]} : vector<2048x16xf32> to vector<1920x16xf32>
    %concatenate3A_94 = tpu.concatenate %broadcast_in_dim3A_92, %slice3A_93 in 0 : vector<128x16xf32>, vector<1920x16xf32> -> vector<2048x16xf32>
    %add3A_95 = arith.addf %add3A_90, %concatenate3A_94 : vector<2048x16xf32>
    %broadcast_in_dim3A_96 = arith.constant 0.000000e+00 : f32
    %broadcast_in_dim3A_97 = vector.broadcast %broadcast_in_dim3A_96 : f32 to vector<256x16xf32>
    %slice3A_98 = vector.extract_strided_slice %add3A_95 {offsets = [0, 0], sizes = [1792, 16], strides = [1, 1]} : vector<2048x16xf32> to vector<1792x16xf32>
    %concatenate3A_99 = tpu.concatenate %broadcast_in_dim3A_97, %slice3A_98 in 0 : vector<256x16xf32>, vector<1792x16xf32> -> vector<2048x16xf32>
    %add3A_100 = arith.addf %add3A_95, %concatenate3A_99 : vector<2048x16xf32>
    %broadcast_in_dim3A_101 = arith.constant 0.000000e+00 : f32
    %broadcast_in_dim3A_102 = vector.broadcast %broadcast_in_dim3A_101 : f32 to vector<512x16xf32>
    %slice3A_103 = vector.extract_strided_slice %add3A_100 {offsets = [0, 0], sizes = [1536, 16], strides = [1, 1]} : vector<2048x16xf32> to vector<1536x16xf32>
    %concatenate3A_104 = tpu.concatenate %broadcast_in_dim3A_102, %slice3A_103 in 0 : vector<512x16xf32>, vector<1536x16xf32> -> vector<2048x16xf32>
    %add3A_105 = arith.addf %add3A_100, %concatenate3A_104 : vector<2048x16xf32>
    %broadcast_in_dim3A_106 = arith.constant 0.000000e+00 : f32
    %broadcast_in_dim3A_107 = vector.broadcast %broadcast_in_dim3A_106 : f32 to vector<1024x16xf32>
    %slice3A_108 = vector.extract_strided_slice %add3A_105 {offsets = [0, 0], sizes = [1024, 16], strides = [1, 1]} : vector<2048x16xf32> to vector<1024x16xf32>
    %concatenate3A_109 = tpu.concatenate %broadcast_in_dim3A_107, %slice3A_108 in 0 : vector<1024x16xf32>, vector<1024x16xf32> -> vector<2048x16xf32>
    %add3A_110 = arith.addf %add3A_105, %concatenate3A_109 : vector<2048x16xf32>
    %sub3A = arith.subf %add3A_55, %get3A_1 : vector<2048x16xf32>
    %sub3A_111 = arith.subf %add3A_110, %get3A_4 : vector<2048x16xf32>
    %slice3A_112 = vector.extract_strided_slice %add3A_55 {offsets = [2047, 0], sizes = [1, 16], strides = [1, 1]} : vector<2048x16xf32> to vector<1x16xf32>
    %slice3A_113 = vector.extract_strided_slice %add3A_110 {offsets = [2047, 0], sizes = [1, 16], strides = [1, 1]} : vector<2048x16xf32> to vector<1x16xf32>
    %add3A_114 = arith.addf %slice3A_112, %slice3A_113 : vector<1x16xf32>
    %convert_element_type3A = arith.fptosi %add3A_114 : vector<1x16xf32> to vector<1x16xi32>
    %add3A_115 = arith.constant 127 : i32
    %add3A_116 = vector.broadcast %add3A_115 : i32 to vector<1x16xi32>
    %add3A_117 = arith.addi %convert_element_type3A, %add3A_116 : vector<1x16xi32>
    %jit3A = arith.constant 128 : i32
    %div3A = vector.broadcast %jit3A : i32 to vector<1x16xi32>
    %div3A_118 = arith.divsi %add3A_117, %div3A : vector<1x16xi32>
    %sign3A = arith.constant 0 : i32
    %sign3A_119 = vector.broadcast %sign3A : i32 to vector<1x16xi32>
    %sign3A_120 = arith.cmpi sgt, %add3A_117, %sign3A_119 : vector<1x16xi32>
    %sign3A_121 = arith.extui %sign3A_120 : vector<1x16xi1> to vector<1x16xi32>
    %sign3A_122 = arith.constant 0 : i32
    %sign3A_123 = vector.broadcast %sign3A_122 : i32 to vector<1x16xi32>
    %sign3A_124 = arith.cmpi slt, %add3A_117, %sign3A_123 : vector<1x16xi32>
    %sign3A_125 = arith.extui %sign3A_124 : vector<1x16xi1> to vector<1x16xi32>
    %sign3A_126 = arith.subi %sign3A_121, %sign3A_125 : vector<1x16xi32>
    %sign3A_127 = arith.constant 0 : i32
    %sign3A_128 = arith.cmpi sgt, %jit3A, %sign3A_127 : i32
    %sign3A_129 = arith.extui %sign3A_128 : i1 to i32
    %sign3A_130 = arith.constant 0 : i32
    %sign3A_131 = arith.cmpi slt, %jit3A, %sign3A_130 : i32
    %sign3A_132 = arith.extui %sign3A_131 : i1 to i32
    %sign3A_133 = arith.subi %sign3A_129, %sign3A_132 : i32
    %ne3A = vector.broadcast %sign3A_133 : i32 to vector<1x16xi32>
    %ne3A_134 = arith.cmpi ne, %sign3A_126, %ne3A : vector<1x16xi32>
    %rem3A = vector.broadcast %jit3A : i32 to vector<1x16xi32>
    %rem3A_135 = arith.remsi %add3A_117, %rem3A : vector<1x16xi32>
    %ne3A_136 = arith.constant 0 : i32
    %ne3A_137 = vector.broadcast %ne3A_136 : i32 to vector<1x16xi32>
    %ne3A_138 = arith.cmpi ne, %rem3A_135, %ne3A_137 : vector<1x16xi32>
    %and3A = arith.andi %ne3A_134, %ne3A_138 : vector<1x16xi1>
    %sub3A_139 = arith.constant 1 : i32
    %sub3A_140 = vector.broadcast %sub3A_139 : i32 to vector<1x16xi32>
    %sub3A_141 = arith.subi %div3A_118, %sub3A_140 : vector<1x16xi32>
    %select_n3A = arith.select %and3A, %sub3A_141, %div3A_118 : vector<1x16xi1>, vector<1x16xi32>
    %mul3A = arith.constant 128 : i32
    %mul3A_142 = vector.broadcast %mul3A : i32 to vector<1x16xi32>
    %mul3A_143 = arith.muli %select_n3A, %mul3A_142 : vector<1x16xi32>
    %iota3A = tpu.iota {dimensions = array<i32: 0>} : vector<16x16xi32>
    %iota3A_144 = tpu.iota {dimensions = array<i32: 1>} : vector<16x16xi32>
    %lt3A = arith.cmpi slt, %iota3A, %iota3A_144 : vector<16x16xi32>
    %convert_element_type3A_145 = arith.extui %lt3A : vector<16x16xi1> to vector<16x16xi32>
    %convert_element_type3A_146 = arith.sitofp %convert_element_type3A_145 : vector<16x16xi32> to vector<16x16xf32>
    %convert_element_type3A_147 = arith.sitofp %mul3A_143 : vector<1x16xi32> to vector<1x16xf32>
    %dot_general3A = arith.constant dense<0.000000e+00> : vector<1x16xf32>
    %dot_general3A_148 = tpu.matmul %convert_element_type3A_147, %convert_element_type3A_146, %dot_general3A {dimension_numbers = #tpu.dot_dimension_numbers<[1], [0], [0], [1], [0, 0, 1, 1], [], []>, transpose_lhs_hint = false} : vector<1x16xf32>, vector<16x16xf32>, vector<1x16xf32> -> vector<1x16xf32>
    %convert_element_type3A_149 = arith.fptosi %dot_general3A_148 : vector<1x16xf32> to vector<1x16xi32>
    %swap3A = arith.constant 0 : index
    %swap3A_150 = arith.constant 0 : index
    %swap3A_151 = vector.load %arg5[%swap3A, %swap3A_150] : memref<1x16xi32, #tpu.memory_space<vmem>>, vector<1x16xi32>
    tpu.vector_store %arg5[%swap3A, %swap3A_150], %convert_element_type3A_149 {strides = array<i32>} : memref<1x16xi32, #tpu.memory_space<vmem>>, vector<1x16xi32>,
    %add3A_152 = vector.broadcast %dot_general3A_148 : vector<1x16xf32> to vector<2048x16xf32>
    %add3A_153 = arith.addf %add3A_152, %sub3A : vector<2048x16xf32>
    %mul3A_154 = arith.mulf %get3A_1, %add3A_153 : vector<2048x16xf32>
    %reduce_sum3A = arith.constant dense<0.000000e+00> : vector<2048xf32>
    %reduce_sum3A_155 = vector.multi_reduction <add>, %mul3A_154, %reduce_sum3A [1] : vector<2048x16xf32> to vector<2048xf32>
    %broadcast_in_dim3A_156 = vector.shape_cast %reduce_sum3A_155 : vector<2048xf32> to vector<2048x1xf32>
    %add3A_157 = arith.addf %dot_general3A_148, %slice3A_112 : vector<1x16xf32>
    %add3A_158 = vector.broadcast %add3A_157 : vector<1x16xf32> to vector<2048x16xf32>
    %add3A_159 = arith.addf %add3A_158, %sub3A_111 : vector<2048x16xf32>
    %mul3A_160 = arith.mulf %get3A_4, %add3A_159 : vector<2048x16xf32>
    %reduce_sum3A_161 = arith.constant dense<0.000000e+00> : vector<2048xf32>
    %reduce_sum3A_162 = vector.multi_reduction <add>, %mul3A_160, %reduce_sum3A_161 [1] : vector<2048x16xf32> to vector<2048xf32>
    %broadcast_in_dim3A_163 = vector.shape_cast %reduce_sum3A_162 : vector<2048xf32> to vector<2048x1xf32>
    %convert_element_type3A_164 = arith.fptosi %broadcast_in_dim3A_156 : vector<2048x1xf32> to vector<2048x1xi32>
    %swap3A_165 = arith.constant 0 : index
    %swap3A_166 = arith.constant 0 : index
    %swap3A_167 = vector.load %arg3[%swap3A_165, %swap3A_166] : memref<2048x1xi32, #tpu.memory_space<vmem>>, vector<2048x1xi32>
    tpu.vector_store %arg3[%swap3A_165, %swap3A_166], %convert_element_type3A_164 {strides = array<i32>} : memref<2048x1xi32, #tpu.memory_space<vmem>>, vector<2048x1xi32>,
    %convert_element_type3A_168 = arith.fptosi %broadcast_in_dim3A_163 : vector<2048x1xf32> to vector<2048x1xi32>
    %swap3A_169 = arith.constant 0 : index
    %swap3A_170 = arith.constant 0 : index
    %swap3A_171 = vector.load %arg4[%swap3A_169, %swap3A_170] : memref<2048x1xi32, #tpu.memory_space<vmem>>, vector<2048x1xi32>
    tpu.vector_store %arg4[%swap3A_169, %swap3A_170], %convert_element_type3A_168 {strides = array<i32>} : memref<2048x1xi32, #tpu.memory_space<vmem>>, vector<2048x1xi32>,
    return
  }
  func.func @transform_0(%arg0: i32) -> (i32, i32) {
    %c0_i32 = arith.constant 0 : i32
    %c0_i32_0 = arith.constant 0 : i32
    %c0_i32_1 = arith.constant 0 : i32
    return %c0_i32, %c0_i32_0 : i32, i32
  }
  func.func @transform_1(%arg0: i32) -> (i32, i32) {
    %c0_i32 = arith.constant 0 : i32
    %c0_i32_0 = arith.constant 0 : i32
    %c0_i32_1 = arith.constant 0 : i32
    return %c0_i32, %c0_i32_0 : i32, i32
  }
  func.func @transform_2(%arg0: i32) -> (i32, i32) {
    %c0_i32 = arith.constant 0 : i32
    %c0_i32_0 = arith.constant 0 : i32
    %c0_i32_1 = arith.constant 0 : i32
    return %c0_i32, %c0_i32_0 : i32, i32
  }
  func.func @transform_3(%arg0: i32) -> (i32, i32) {
    %c0_i32 = arith.constant 0 : i32
    %c0_i32_0 = arith.constant 0 : i32
    %c0_i32_1 = arith.constant 0 : i32
    return %c0_i32, %c0_i32_0 : i32, i32
  }
  func.func @transform_4(%arg0: i32) -> (i32, i32) {
    %c0_i32 = arith.constant 0 : i32
    %c0_i32_0 = arith.constant 0 : i32
    %c0_i32_1 = arith.constant 0 : i32
    return %c0_i32, %c0_i32_0 : i32, i32
  }
}

module attributes {stable_mosaic.version = 14 : i64} {
  func.func @_gmm_body(%arg0: i32, %arg1: memref<16xi32, #tpu.memory_space<smem>>, %arg2: memref<128x1024xf32, #tpu.memory_space<vmem>>, %arg3: memref<1x1024x1024xf32, #tpu.memory_space<vmem>>, %arg4: memref<1x1024x1024xf32, #tpu.memory_space<vmem>>, %arg5: memref<128x1024xf32, #tpu.memory_space<vmem>>) attributes {dimension_semantics = [#tpu.dimension_semantics<arbitrary>], iteration_bounds = array<i64: 48>, scalar_prefetch = 1 : i64, scratch_operands = 0 : i64, tpu.core_type = #tpu.core_type<tc>, window_params = [{transform_indices = @transform_0, window_bounds = array<i64: 128, 1024>}, {transform_indices = @transform_1, window_bounds = array<i64: 1, 1024, 1024>}, {transform_indices = @transform_2, window_bounds = array<i64: 1, 1024, 1024>}, {transform_indices = @transform_3, window_bounds = array<i64: 128, 1024>}]} {
    %get3A = arith.constant 0 : index
    %get3A_0 = arith.constant 0 : index
    %get3A_1 = vector.load %arg2[%get3A, %get3A_0] : memref<128x1024xf32, #tpu.memory_space<vmem>>, vector<128x1024xf32>
    %get3A_2 = arith.constant 0 : index
    %get3A_3 = arith.constant 0 : index
    %get3A_4 = arith.constant 0 : index
    %get3A_5 = vector.load %arg3[%get3A_2, %get3A_3, %get3A_4] : memref<1x1024x1024xf32, #tpu.memory_space<vmem>>, vector<1x1024x1024xf32>
    %get3A_6 = vector.shape_cast %get3A_5 : vector<1x1024x1024xf32> to vector<1024x1024xf32>
    %dot_general3A = arith.constant dense<0.000000e+00> : vector<128x1024xf32>
    %dot_general3A_7 = tpu.matmul %get3A_1, %get3A_6, %dot_general3A {dimension_numbers = #tpu.dot_dimension_numbers<[1], [0], [0], [1], [0, 0, 1, 1], [], []>, transpose_lhs_hint = false} : vector<128x1024xf32>, vector<1024x1024xf32>, vector<128x1024xf32> -> vector<128x1024xf32>
    %logistic3A = arith.negf %dot_general3A_7 : vector<128x1024xf32>
    %logistic3A_8 = math.exp %logistic3A : vector<128x1024xf32>
    %logistic3A_9 = arith.constant 1.000000e+00 : f32
    %logistic3A_10 = vector.broadcast %logistic3A_9 : f32 to vector<128x1024xf32>
    %logistic3A_11 = arith.addf %logistic3A_10, %logistic3A_8 : vector<128x1024xf32>
    %logistic3A_12 = arith.divf %logistic3A_10, %logistic3A_11 : vector<128x1024xf32>
    %mul3A = arith.mulf %dot_general3A_7, %logistic3A_12 : vector<128x1024xf32>
    %get3A_13 = arith.constant 0 : index
    %get3A_14 = arith.constant 0 : index
    %get3A_15 = arith.constant 0 : index
    %get3A_16 = vector.load %arg4[%get3A_13, %get3A_14, %get3A_15] : memref<1x1024x1024xf32, #tpu.memory_space<vmem>>, vector<1x1024x1024xf32>
    %get3A_17 = vector.shape_cast %get3A_16 : vector<1x1024x1024xf32> to vector<1024x1024xf32>
    %dot_general3A_18 = arith.constant dense<0.000000e+00> : vector<128x1024xf32>
    %dot_general3A_19 = tpu.matmul %mul3A, %get3A_17, %dot_general3A_18 {dimension_numbers = #tpu.dot_dimension_numbers<[1], [0], [0], [1], [0, 0, 1, 1], [], []>, transpose_lhs_hint = false} : vector<128x1024xf32>, vector<1024x1024xf32>, vector<128x1024xf32> -> vector<128x1024xf32>
    %swap3A = arith.constant 0 : index
    %swap3A_20 = arith.constant 0 : index
    %swap3A_21 = vector.load %arg5[%swap3A, %swap3A_20] : memref<128x1024xf32, #tpu.memory_space<vmem>>, vector<128x1024xf32>
    tpu.vector_store %arg5[%swap3A, %swap3A_20], %dot_general3A_19 {strides = array<i32>} : memref<128x1024xf32, #tpu.memory_space<vmem>>, vector<128x1024xf32>,
    return
  }
  func.func @transform_0(%arg0: i32, %arg1: memref<16xi32, #tpu.memory_space<smem>>) -> (i32, i32) {
    %c0_i32 = arith.constant 0 : i32
    %c0_i32_0 = arith.constant 0 : i32
    return %arg0, %c0_i32 : i32, i32
  }
  func.func @transform_1(%arg0: i32, %arg1: memref<16xi32, #tpu.memory_space<smem>>) -> (i32, i32, i32) {
    %get3A = arith.constant 0 : index
    %get3A_0 = memref.load %arg1[%get3A] : memref<16xi32, #tpu.memory_space<smem>>
    %mul3A = arith.constant 128 : i32
    %mul3A_1 = arith.muli %arg0, %mul3A : i32
    %le3A = arith.cmpi sle, %get3A_0, %mul3A_1 : i32
    %convert_element_type3A = arith.extui %le3A : i1 to i32
    %add3A = arith.constant 0 : i32
    %add3A_2 = arith.addi %add3A, %convert_element_type3A : i32
    %get3A_3 = arith.constant 1 : index
    %get3A_4 = memref.load %arg1[%get3A_3] : memref<16xi32, #tpu.memory_space<smem>>
    %mul3A_5 = arith.constant 128 : i32
    %mul3A_6 = arith.muli %arg0, %mul3A_5 : i32
    %le3A_7 = arith.cmpi sle, %get3A_4, %mul3A_6 : i32
    %convert_element_type3A_8 = arith.extui %le3A_7 : i1 to i32
    %add3A_9 = arith.addi %add3A_2, %convert_element_type3A_8 : i32
    %get3A_10 = arith.constant 2 : index
    %get3A_11 = memref.load %arg1[%get3A_10] : memref<16xi32, #tpu.memory_space<smem>>
    %mul3A_12 = arith.constant 128 : i32
    %mul3A_13 = arith.muli %arg0, %mul3A_12 : i32
    %le3A_14 = arith.cmpi sle, %get3A_11, %mul3A_13 : i32
    %convert_element_type3A_15 = arith.extui %le3A_14 : i1 to i32
    %add3A_16 = arith.addi %add3A_9, %convert_element_type3A_15 : i32
    %get3A_17 = arith.constant 3 : index
    %get3A_18 = memref.load %arg1[%get3A_17] : memref<16xi32, #tpu.memory_space<smem>>
    %mul3A_19 = arith.constant 128 : i32
    %mul3A_20 = arith.muli %arg0, %mul3A_19 : i32
    %le3A_21 = arith.cmpi sle, %get3A_18, %mul3A_20 : i32
    %convert_element_type3A_22 = arith.extui %le3A_21 : i1 to i32
    %add3A_23 = arith.addi %add3A_16, %convert_element_type3A_22 : i32
    %get3A_24 = arith.constant 4 : index
    %get3A_25 = memref.load %arg1[%get3A_24] : memref<16xi32, #tpu.memory_space<smem>>
    %mul3A_26 = arith.constant 128 : i32
    %mul3A_27 = arith.muli %arg0, %mul3A_26 : i32
    %le3A_28 = arith.cmpi sle, %get3A_25, %mul3A_27 : i32
    %convert_element_type3A_29 = arith.extui %le3A_28 : i1 to i32
    %add3A_30 = arith.addi %add3A_23, %convert_element_type3A_29 : i32
    %get3A_31 = arith.constant 5 : index
    %get3A_32 = memref.load %arg1[%get3A_31] : memref<16xi32, #tpu.memory_space<smem>>
    %mul3A_33 = arith.constant 128 : i32
    %mul3A_34 = arith.muli %arg0, %mul3A_33 : i32
    %le3A_35 = arith.cmpi sle, %get3A_32, %mul3A_34 : i32
    %convert_element_type3A_36 = arith.extui %le3A_35 : i1 to i32
    %add3A_37 = arith.addi %add3A_30, %convert_element_type3A_36 : i32
    %get3A_38 = arith.constant 6 : index
    %get3A_39 = memref.load %arg1[%get3A_38] : memref<16xi32, #tpu.memory_space<smem>>
    %mul3A_40 = arith.constant 128 : i32
    %mul3A_41 = arith.muli %arg0, %mul3A_40 : i32
    %le3A_42 = arith.cmpi sle, %get3A_39, %mul3A_41 : i32
    %convert_element_type3A_43 = arith.extui %le3A_42 : i1 to i32
    %add3A_44 = arith.addi %add3A_37, %convert_element_type3A_43 : i32
    %get3A_45 = arith.constant 7 : index
    %get3A_46 = memref.load %arg1[%get3A_45] : memref<16xi32, #tpu.memory_space<smem>>
    %mul3A_47 = arith.constant 128 : i32
    %mul3A_48 = arith.muli %arg0, %mul3A_47 : i32
    %le3A_49 = arith.cmpi sle, %get3A_46, %mul3A_48 : i32
    %convert_element_type3A_50 = arith.extui %le3A_49 : i1 to i32
    %add3A_51 = arith.addi %add3A_44, %convert_element_type3A_50 : i32
    %get3A_52 = arith.constant 8 : index
    %get3A_53 = memref.load %arg1[%get3A_52] : memref<16xi32, #tpu.memory_space<smem>>
    %mul3A_54 = arith.constant 128 : i32
    %mul3A_55 = arith.muli %arg0, %mul3A_54 : i32
    %le3A_56 = arith.cmpi sle, %get3A_53, %mul3A_55 : i32
    %convert_element_type3A_57 = arith.extui %le3A_56 : i1 to i32
    %add3A_58 = arith.addi %add3A_51, %convert_element_type3A_57 : i32
    %get3A_59 = arith.constant 9 : index
    %get3A_60 = memref.load %arg1[%get3A_59] : memref<16xi32, #tpu.memory_space<smem>>
    %mul3A_61 = arith.constant 128 : i32
    %mul3A_62 = arith.muli %arg0, %mul3A_61 : i32
    %le3A_63 = arith.cmpi sle, %get3A_60, %mul3A_62 : i32
    %convert_element_type3A_64 = arith.extui %le3A_63 : i1 to i32
    %add3A_65 = arith.addi %add3A_58, %convert_element_type3A_64 : i32
    %get3A_66 = arith.constant 10 : index
    %get3A_67 = memref.load %arg1[%get3A_66] : memref<16xi32, #tpu.memory_space<smem>>
    %mul3A_68 = arith.constant 128 : i32
    %mul3A_69 = arith.muli %arg0, %mul3A_68 : i32
    %le3A_70 = arith.cmpi sle, %get3A_67, %mul3A_69 : i32
    %convert_element_type3A_71 = arith.extui %le3A_70 : i1 to i32
    %add3A_72 = arith.addi %add3A_65, %convert_element_type3A_71 : i32
    %get3A_73 = arith.constant 11 : index
    %get3A_74 = memref.load %arg1[%get3A_73] : memref<16xi32, #tpu.memory_space<smem>>
    %mul3A_75 = arith.constant 128 : i32
    %mul3A_76 = arith.muli %arg0, %mul3A_75 : i32
    %le3A_77 = arith.cmpi sle, %get3A_74, %mul3A_76 : i32
    %convert_element_type3A_78 = arith.extui %le3A_77 : i1 to i32
    %add3A_79 = arith.addi %add3A_72, %convert_element_type3A_78 : i32
    %get3A_80 = arith.constant 12 : index
    %get3A_81 = memref.load %arg1[%get3A_80] : memref<16xi32, #tpu.memory_space<smem>>
    %mul3A_82 = arith.constant 128 : i32
    %mul3A_83 = arith.muli %arg0, %mul3A_82 : i32
    %le3A_84 = arith.cmpi sle, %get3A_81, %mul3A_83 : i32
    %convert_element_type3A_85 = arith.extui %le3A_84 : i1 to i32
    %add3A_86 = arith.addi %add3A_79, %convert_element_type3A_85 : i32
    %get3A_87 = arith.constant 13 : index
    %get3A_88 = memref.load %arg1[%get3A_87] : memref<16xi32, #tpu.memory_space<smem>>
    %mul3A_89 = arith.constant 128 : i32
    %mul3A_90 = arith.muli %arg0, %mul3A_89 : i32
    %le3A_91 = arith.cmpi sle, %get3A_88, %mul3A_90 : i32
    %convert_element_type3A_92 = arith.extui %le3A_91 : i1 to i32
    %add3A_93 = arith.addi %add3A_86, %convert_element_type3A_92 : i32
    %get3A_94 = arith.constant 14 : index
    %get3A_95 = memref.load %arg1[%get3A_94] : memref<16xi32, #tpu.memory_space<smem>>
    %mul3A_96 = arith.constant 128 : i32
    %mul3A_97 = arith.muli %arg0, %mul3A_96 : i32
    %le3A_98 = arith.cmpi sle, %get3A_95, %mul3A_97 : i32
    %convert_element_type3A_99 = arith.extui %le3A_98 : i1 to i32
    %add3A_100 = arith.addi %add3A_93, %convert_element_type3A_99 : i32
    %get3A_101 = arith.constant 15 : index
    %get3A_102 = memref.load %arg1[%get3A_101] : memref<16xi32, #tpu.memory_space<smem>>
    %mul3A_103 = arith.constant 128 : i32
    %mul3A_104 = arith.muli %arg0, %mul3A_103 : i32
    %le3A_105 = arith.cmpi sle, %get3A_102, %mul3A_104 : i32
    %convert_element_type3A_106 = arith.extui %le3A_105 : i1 to i32
    %add3A_107 = arith.addi %add3A_100, %convert_element_type3A_106 : i32
    %sub3A = arith.constant 1 : i32
    %sub3A_108 = arith.subi %add3A_107, %sub3A : i32
    %c0_i32 = arith.constant 0 : i32
    %c0_i32_109 = arith.constant 0 : i32
    %c0_i32_110 = arith.constant 0 : i32
    return %sub3A_108, %c0_i32, %c0_i32_109 : i32, i32, i32
  }
  func.func @transform_2(%arg0: i32, %arg1: memref<16xi32, #tpu.memory_space<smem>>) -> (i32, i32, i32) {
    %get3A = arith.constant 0 : index
    %get3A_0 = memref.load %arg1[%get3A] : memref<16xi32, #tpu.memory_space<smem>>
    %mul3A = arith.constant 128 : i32
    %mul3A_1 = arith.muli %arg0, %mul3A : i32
    %le3A = arith.cmpi sle, %get3A_0, %mul3A_1 : i32
    %convert_element_type3A = arith.extui %le3A : i1 to i32
    %add3A = arith.constant 0 : i32
    %add3A_2 = arith.addi %add3A, %convert_element_type3A : i32
    %get3A_3 = arith.constant 1 : index
    %get3A_4 = memref.load %arg1[%get3A_3] : memref<16xi32, #tpu.memory_space<smem>>
    %mul3A_5 = arith.constant 128 : i32
    %mul3A_6 = arith.muli %arg0, %mul3A_5 : i32
    %le3A_7 = arith.cmpi sle, %get3A_4, %mul3A_6 : i32
    %convert_element_type3A_8 = arith.extui %le3A_7 : i1 to i32
    %add3A_9 = arith.addi %add3A_2, %convert_element_type3A_8 : i32
    %get3A_10 = arith.constant 2 : index
    %get3A_11 = memref.load %arg1[%get3A_10] : memref<16xi32, #tpu.memory_space<smem>>
    %mul3A_12 = arith.constant 128 : i32
    %mul3A_13 = arith.muli %arg0, %mul3A_12 : i32
    %le3A_14 = arith.cmpi sle, %get3A_11, %mul3A_13 : i32
    %convert_element_type3A_15 = arith.extui %le3A_14 : i1 to i32
    %add3A_16 = arith.addi %add3A_9, %convert_element_type3A_15 : i32
    %get3A_17 = arith.constant 3 : index
    %get3A_18 = memref.load %arg1[%get3A_17] : memref<16xi32, #tpu.memory_space<smem>>
    %mul3A_19 = arith.constant 128 : i32
    %mul3A_20 = arith.muli %arg0, %mul3A_19 : i32
    %le3A_21 = arith.cmpi sle, %get3A_18, %mul3A_20 : i32
    %convert_element_type3A_22 = arith.extui %le3A_21 : i1 to i32
    %add3A_23 = arith.addi %add3A_16, %convert_element_type3A_22 : i32
    %get3A_24 = arith.constant 4 : index
    %get3A_25 = memref.load %arg1[%get3A_24] : memref<16xi32, #tpu.memory_space<smem>>
    %mul3A_26 = arith.constant 128 : i32
    %mul3A_27 = arith.muli %arg0, %mul3A_26 : i32
    %le3A_28 = arith.cmpi sle, %get3A_25, %mul3A_27 : i32
    %convert_element_type3A_29 = arith.extui %le3A_28 : i1 to i32
    %add3A_30 = arith.addi %add3A_23, %convert_element_type3A_29 : i32
    %get3A_31 = arith.constant 5 : index
    %get3A_32 = memref.load %arg1[%get3A_31] : memref<16xi32, #tpu.memory_space<smem>>
    %mul3A_33 = arith.constant 128 : i32
    %mul3A_34 = arith.muli %arg0, %mul3A_33 : i32
    %le3A_35 = arith.cmpi sle, %get3A_32, %mul3A_34 : i32
    %convert_element_type3A_36 = arith.extui %le3A_35 : i1 to i32
    %add3A_37 = arith.addi %add3A_30, %convert_element_type3A_36 : i32
    %get3A_38 = arith.constant 6 : index
    %get3A_39 = memref.load %arg1[%get3A_38] : memref<16xi32, #tpu.memory_space<smem>>
    %mul3A_40 = arith.constant 128 : i32
    %mul3A_41 = arith.muli %arg0, %mul3A_40 : i32
    %le3A_42 = arith.cmpi sle, %get3A_39, %mul3A_41 : i32
    %convert_element_type3A_43 = arith.extui %le3A_42 : i1 to i32
    %add3A_44 = arith.addi %add3A_37, %convert_element_type3A_43 : i32
    %get3A_45 = arith.constant 7 : index
    %get3A_46 = memref.load %arg1[%get3A_45] : memref<16xi32, #tpu.memory_space<smem>>
    %mul3A_47 = arith.constant 128 : i32
    %mul3A_48 = arith.muli %arg0, %mul3A_47 : i32
    %le3A_49 = arith.cmpi sle, %get3A_46, %mul3A_48 : i32
    %convert_element_type3A_50 = arith.extui %le3A_49 : i1 to i32
    %add3A_51 = arith.addi %add3A_44, %convert_element_type3A_50 : i32
    %get3A_52 = arith.constant 8 : index
    %get3A_53 = memref.load %arg1[%get3A_52] : memref<16xi32, #tpu.memory_space<smem>>
    %mul3A_54 = arith.constant 128 : i32
    %mul3A_55 = arith.muli %arg0, %mul3A_54 : i32
    %le3A_56 = arith.cmpi sle, %get3A_53, %mul3A_55 : i32
    %convert_element_type3A_57 = arith.extui %le3A_56 : i1 to i32
    %add3A_58 = arith.addi %add3A_51, %convert_element_type3A_57 : i32
    %get3A_59 = arith.constant 9 : index
    %get3A_60 = memref.load %arg1[%get3A_59] : memref<16xi32, #tpu.memory_space<smem>>
    %mul3A_61 = arith.constant 128 : i32
    %mul3A_62 = arith.muli %arg0, %mul3A_61 : i32
    %le3A_63 = arith.cmpi sle, %get3A_60, %mul3A_62 : i32
    %convert_element_type3A_64 = arith.extui %le3A_63 : i1 to i32
    %add3A_65 = arith.addi %add3A_58, %convert_element_type3A_64 : i32
    %get3A_66 = arith.constant 10 : index
    %get3A_67 = memref.load %arg1[%get3A_66] : memref<16xi32, #tpu.memory_space<smem>>
    %mul3A_68 = arith.constant 128 : i32
    %mul3A_69 = arith.muli %arg0, %mul3A_68 : i32
    %le3A_70 = arith.cmpi sle, %get3A_67, %mul3A_69 : i32
    %convert_element_type3A_71 = arith.extui %le3A_70 : i1 to i32
    %add3A_72 = arith.addi %add3A_65, %convert_element_type3A_71 : i32
    %get3A_73 = arith.constant 11 : index
    %get3A_74 = memref.load %arg1[%get3A_73] : memref<16xi32, #tpu.memory_space<smem>>
    %mul3A_75 = arith.constant 128 : i32
    %mul3A_76 = arith.muli %arg0, %mul3A_75 : i32
    %le3A_77 = arith.cmpi sle, %get3A_74, %mul3A_76 : i32
    %convert_element_type3A_78 = arith.extui %le3A_77 : i1 to i32
    %add3A_79 = arith.addi %add3A_72, %convert_element_type3A_78 : i32
    %get3A_80 = arith.constant 12 : index
    %get3A_81 = memref.load %arg1[%get3A_80] : memref<16xi32, #tpu.memory_space<smem>>
    %mul3A_82 = arith.constant 128 : i32
    %mul3A_83 = arith.muli %arg0, %mul3A_82 : i32
    %le3A_84 = arith.cmpi sle, %get3A_81, %mul3A_83 : i32
    %convert_element_type3A_85 = arith.extui %le3A_84 : i1 to i32
    %add3A_86 = arith.addi %add3A_79, %convert_element_type3A_85 : i32
    %get3A_87 = arith.constant 13 : index
    %get3A_88 = memref.load %arg1[%get3A_87] : memref<16xi32, #tpu.memory_space<smem>>
    %mul3A_89 = arith.constant 128 : i32
    %mul3A_90 = arith.muli %arg0, %mul3A_89 : i32
    %le3A_91 = arith.cmpi sle, %get3A_88, %mul3A_90 : i32
    %convert_element_type3A_92 = arith.extui %le3A_91 : i1 to i32
    %add3A_93 = arith.addi %add3A_86, %convert_element_type3A_92 : i32
    %get3A_94 = arith.constant 14 : index
    %get3A_95 = memref.load %arg1[%get3A_94] : memref<16xi32, #tpu.memory_space<smem>>
    %mul3A_96 = arith.constant 128 : i32
    %mul3A_97 = arith.muli %arg0, %mul3A_96 : i32
    %le3A_98 = arith.cmpi sle, %get3A_95, %mul3A_97 : i32
    %convert_element_type3A_99 = arith.extui %le3A_98 : i1 to i32
    %add3A_100 = arith.addi %add3A_93, %convert_element_type3A_99 : i32
    %get3A_101 = arith.constant 15 : index
    %get3A_102 = memref.load %arg1[%get3A_101] : memref<16xi32, #tpu.memory_space<smem>>
    %mul3A_103 = arith.constant 128 : i32
    %mul3A_104 = arith.muli %arg0, %mul3A_103 : i32
    %le3A_105 = arith.cmpi sle, %get3A_102, %mul3A_104 : i32
    %convert_element_type3A_106 = arith.extui %le3A_105 : i1 to i32
    %add3A_107 = arith.addi %add3A_100, %convert_element_type3A_106 : i32
    %sub3A = arith.constant 1 : i32
    %sub3A_108 = arith.subi %add3A_107, %sub3A : i32
    %c0_i32 = arith.constant 0 : i32
    %c0_i32_109 = arith.constant 0 : i32
    %c0_i32_110 = arith.constant 0 : i32
    return %sub3A_108, %c0_i32, %c0_i32_109 : i32, i32, i32
  }
  func.func @transform_3(%arg0: i32, %arg1: memref<16xi32, #tpu.memory_space<smem>>) -> (i32, i32) {
    %c0_i32 = arith.constant 0 : i32
    %c0_i32_0 = arith.constant 0 : i32
    return %arg0, %c0_i32 : i32, i32
  }
}

</mosaic_0001>

<sc_bundles>
// kernel: kernel.12.cloned.1.call-start
scs
__scs_entry_jumppad:
0x0: {  	(pc) =	sbr.rel $0x88, $3  }
0x1: {  	(tag) =	ssettag $0x0;
	lr =	simm.s32 $0x1  }
0x2: {  	[smem:$0x3F97] =	sst lr;
	_ =	strace $0xD0000000  }
0x3: {  	_ = 	snop  }
0x4: {  	_ = 	snop  }
0x5: {  	_ = 	snop  }
0x6: {  	_ = 	snop  }
0x7: {  	_ = 	snop  }
__scs_overlays_trampoline_lowered:
0x8: {  	[smem:$0x3FA6] =	sst s0  }
0x9: {  	[smem:$0x3FA7] =	sst s1  }
0xa: {  	[smem:$0x3FA8] =	sst s2  }
0xb: {  	[smem:$0x3FA9] =	sst s3  }
0xc: {  	[smem:$0x3FAA] =	sst s4  }
0xd: {  	[smem:$0x3FAB] =	sst s5  }
0xe: {  	[smem:$0x3FAC] =	sst s6  }
0xf: {  	[smem:$0x3FAD] =	sst s7  }
0x10: {  	[smem:$0x3FAE] =	sst s8  }
0x11: {  	[smem:$0x3FAF] =	sst s9;
	s0 =	simm.s32 @!p0 $0x0  }
0x12: {  	s1 =	sld [smem:$0x3F95];
	s0 =	simm.s32 @p0 $0x1  }
0x13: {  	[smem:$0x3FB0] =	sst s0;
	s0 =	simm.s32 @!p1 $0x0  }
0x14: {  	s2 =	sld [smem:$0x3F94];
	s0 =	simm.s32 @p1 $0x1  }
0x15: {  	[smem:$0x3FB1] =	sst s0;
	s0 =	simm.s32 @!p2 $0x0  }
0x16: {  	s3 =	sld [smem:$0x3FDB];
	s0 =	simm.s32 @p2 $0x1  }
0x17: {  	s4 =	simm.s32 $0x1BF5;
	[smem:$0x3FB3] =	sst s0  }
0x18: {  	s0 =	sld [smem:$0x3F96];
	_ =	swait.ge [sflag:s4], $0x0  }
0x19: {  	s7 =	sld [smem:$0x3F97]  }
0x1a: {  	s8 =	sadd.s32 $0xFFFFE003, lr  }
0x1b: {  	s9 =	sadd.s32 $0xFFFFFEF7, lr;
	s5 =	simm.s32 $0xFFFFFFFF;
	p2 =	slt.u32 s8, $0xFFFFF086  }
0x1c: {  	p1 =	slt.u32 s9, $0xF7A;
	s5 =	simm.s32 @!p2 $0x0  }
0x1d: {  	s5 =	simm.s32 @p1 $0x1;
	p0 =	seq.s32 s7, s2  }
0x1e: {  	s7 =	smul.u32 @!p0 $0xF7A, s2;
	p2 =	seq.s32 @!p0 s5, $0x0  }
0x1f: {  	s9 =	smul.u32 $0xF7A, s1;
	s8 =	simm.s32 @!p0 $0x1BF5;
	p2 =	por !p2, p0  }
0x20: {  	[sflag:s8] =	ssyncset.s32 @!p0 $0xFFFFF086;
	s6 =	sadd.s32 @!p0 s3, s7;
	s7 =	simm.s32 @!p0 $0x108  }
0x21: {  	s3 =	sadd.s32 s3, s9;
	s6 =	sadd.s32 @!p0 $0x88, s6;
	s7 =	simm.s32 @p2 $0x1082  }
0x22: {  	[simem:s7], [sflag:s8] =	dma.local @!p0 [hbm:s6], $0xF7A  }
0x23: {  	s9 =	sor.u32 $0xD0000000, s2;
	s6 =	simm.s32 $0x108;
	_ =	swait.ge @!p0 [sflag:s8], $0x0  }
0x24: {  	s3 =	sadd.s32 $0x88, s3;
	s6 =	simm.s32 @!p1 $0x1082;
	[sflag:s4] =	ssyncset.s32 $0xFFFFF086  }
0x25: {  	[simem:s6], [sflag:s4] =	dma.local [hbm:s3], $0xF7A  }
0x26: {  	[smem:$0x3F97] =	sst s1;
	(tag) =	ssettag s2;
	_ =	strace s9  }
0x27: {  	s1 =	sld [smem:$0x3FA7]  }
0x28: {  	s2 =	sld [smem:$0x3FA8]  }
0x29: {  	s4 =	sld [smem:$0x3FAA]  }
0x2a: {  	p0 =	seq.s32 s5, $0x0;
	s5 =	sld [smem:$0x3FAB]  }
0x2b: {  	s6 =	sld [smem:$0x3FAC]  }
0x2c: {  	s7 =	sld [smem:$0x3FAD]  }
0x2d: {  	s3 =	simm.s32 $0x108;
	s8 =	sld [smem:$0x3FAE]  }
0x2e: {  	s3 =	simm.s32 @!p0 $0x1082;
	s9 =	sld [smem:$0x3FAF]  }
0x2f: {  	lr =	sadd.s32 s0, s3;
	s0 =	sld [smem:$0x3FA6]  }
0x30: {  	s3 =	sld [smem:$0x3FA9]  }
0x31: {  	[smem:$0x3FB2] =	sst s10  }
0x32: {  	s10 =	sld [smem:$0x3FB0];
	_ =	sdelay $0x3  }
0x33: {  	p0 =	seq.s32 s10, $0x1;
	s10 =	sld [smem:$0x3FB2];
	_ =	sdelay $0x3  }
0x34: {  	[smem:$0x3FB2] =	sst s10  }
0x35: {  	s10 =	sld [smem:$0x3FB1];
	_ =	sdelay $0x3  }
0x36: {  	p1 =	seq.s32 s10, $0x1;
	s10 =	sld [smem:$0x3FB2];
	_ =	sdelay $0x3  }
0x37: {  	[smem:$0x3FB2] =	sst s10  }
0x38: {  	s10 =	sld [smem:$0x3FB3]  }
0x39: {  	_ = 	snop;
	(pc) =	sbr.ind lr, $3  }
0x3a: {  	_ = 	snop  }
0x3b: {  	_ = 	snop  }
0x3c: {  	p2 =	seq.s32 s10, $0x1;
	s10 =	sld [smem:$0x3FB2]  }
0x3d: {  	_ =	shalt  }
0x3e: {  	_ =	shalt  }
0x3f: {  	_ =	shalt  }
0x40: {  	_ =	shalt  }
0x41: {  	_ =	shalt  }
0x42: {  	_ =	shalt  }
0x43: {  	_ =	shalt  }
0x44: {  	_ =	shalt  }
0x45: {  	_ =	shalt  }
0x46: {  	_ =	shalt  }
0x47: {  	_ =	shalt  }
0x48: {  	_ =	shalt  }
0x49: {  	_ =	shalt  }
0x4a: {  	_ =	shalt  }
0x4b: {  	_ =	shalt  }
0x4c: {  	_ =	shalt  }
0x4d: {  	_ =	shalt  }
0x4e: {  	_ =	shalt  }
0x4f: {  	_ =	shalt  }
0x50: {  	_ =	shalt  }
0x51: {  	_ =	shalt  }
0x52: {  	_ =	shalt  }
0x53: {  	_ =	shalt  }
0x54: {  	_ =	shalt  }
0x55: {  	_ =	shalt  }
0x56: {  	_ =	shalt  }
0x57: {  	_ =	shalt  }
0x58: {  	_ =	shalt  }
0x59: {  	_ =	shalt  }
0x5a: {  	_ =	shalt  }
0x5b: {  	_ =	shalt  }
0x5c: {  	_ =	shalt  }
0x5d: {  	_ =	shalt  }
0x5e: {  	_ =	shalt  }
0x5f: {  	_ =	shalt  }
0x60: {  	_ =	shalt  }
0x61: {  	_ =	shalt  }
0x62: {  	_ =	shalt  }
0x63: {  	_ =	shalt  }
0x64: {  	_ =	shalt  }
0x65: {  	_ =	shalt  }
0x66: {  	_ =	shalt  }
0x67: {  	_ =	shalt  }
0x68: {  	_ =	shalt  }
0x69: {  	_ =	shalt  }
0x6a: {  	_ =	shalt  }
0x6b: {  	_ =	shalt  }
0x6c: {  	_ =	shalt  }
0x6d: {  	_ =	shalt  }
0x6e: {  	_ =	shalt  }
0x6f: {  	_ =	shalt  }
0x70: {  	_ =	shalt  }
0x71: {  	_ =	shalt  }
0x72: {  	_ =	shalt  }
0x73: {  	_ =	shalt  }
0x74: {  	_ =	shalt  }
0x75: {  	_ =	shalt  }
0x76: {  	_ =	shalt  }
0x77: {  	_ =	shalt  }
0x78: {  	_ =	shalt  }
0x79: {  	_ =	shalt  }
0x7a: {  	_ =	shalt  }
0x7b: {  	_ =	shalt  }
0x7c: {  	_ =	shalt  }
0x7d: {  	_ =	shalt  }
0x7e: {  	_ =	shalt  }
0x7f: {  	_ =	shalt  }
0x80: {  	_ =	shalt  }
0x81: {  	_ =	shalt  }
0x82: {  	_ =	shalt  }
0x83: {  	_ =	shalt  }
0x84: {  	_ =	shalt  }
0x85: {  	_ =	shalt  }
0x86: {  	_ =	shalt  }
0x87: {  	_ =	shalt  }
.Lfunc_end0:
.L_simem_size_0:
called_computation.1_lowered:
.L_overlay_start_0:
0x88: {  	s2 =	sld [smem:$0x3FD9]  }
0x89: {  	s3 =	sld [smem:$0x3FFE];
	_ =	sdelay $0x1  }
0x8a: {  	s1 =	srdreg.scid  }
0x8b: {  	s0 =	sand.u32 $0x1, s1  }
0x8c: {  	s17 =	sshll.u32 s0, $0xA;
	s2 =	sadd.s32 s3, s2  }
0x8d: {  	s2 =	sadd.s32 s2, s17  }
0x8e: {  	[smem:$0x3FBE] =	sst s2  }
0x8f: {  	_ = 	snop  }
0x90: {  	s2 =	sld [smem:$0x3FD0];
	(tm) =	ssettm $0x1  }
0x91: {  	s18 =	sld [smem:$0x3FFB];
	_ =	sdelay $0x3  }
0x92: {  	_ =	strace s18  }
0x93: {  	s3 =	sld [smem:$0x3FFC];
	_ =	sdelay $0x3  }
0x94: {  	_ =	strace s3  }
0x95: {  	s3 =	sld [smem:$0x3FFD];
	_ =	sdelay $0x3  }
0x96: {  	_ =	strace s3  }
0x97: {  	_ =	strace $0x8FFFFFFF  }
0x98: {  	s19 =	sld [smem:$0x3FDB];
	_ =	sdelay $0x1  }
0x99: {  	s4 =	simm.s32 $_scs_section_size  }
0x9a: {  	s5 =	simm.s32 $_size__tile_overlayer_lowered;
	s6 =	simm.s32 $_tile_overlayer_lowered  }
0x9b: {  	s22 =	simm.s32 $0x1BFF;
	s21 =	sshll.u32 s6, $0x1;
	s3 =	sadd.s32 s4, s19  }
0x9c: {  	s7 =	simm.s32 $0x0;
	s20 =	sshll.u32 s5, $0x1;
	s5 =	sadd.s32 s21, s3  }
0x9d: {  	[timem:s7], [sflag:s22] =	dma.local [hbm:s5], s20  }
0x9e: {  	_ =	swait.ge [sflag:s22], s20  }
0x9f: {  	s4 =	ssub.s32 $0x0, s20;
	[sflag:s22] =	ssyncset.done $0x0  }
0xa0: {  	[sflag:s22] =	ssyncadd.s32 s4;
	_ =	sdelay $0x1  }
0xa1: {  	s23 =	simm.s32 $0x1B8B  }
0xa2: {  	_ =	swait.ge [sflag:s23], $0x1  }
0xa3: {  	[sflag:s23] =	ssyncset.done $0x0  }
0xa4: {  	s25 =	simm.s32 $0x1B8E;
	s24 =	sld [smem:$0x3FFE];
	[sflag:s23] =	ssyncadd.s32 $0xFFFFFFFF  }
0xa5: {  	s26 =	simm.s32 $execute0_lowered;
	[smem:$0x3FD2] =	sst s25  }
0xa6: {  	s5 =	sshll.u32 s26, $0x1;
	_ =	strace $0x80000049;
	[dreg:$0x1] =	wrdreg $0xFFFFFFFF  }
0xa7: {  	s28 =	simm.s32 $_size_execute0_lowered;
	s3 =	sadd.s32 s3, s5;
	[dreg:$0x0] =	wrdreg $0x0  }
0xa8: {  	s5 =	sshll.u32 s28, $0x1;
	[dreg:$0x2] =	wrdreg s3  }
0xa9: {  	[dreg:$0x3] =	wrdreg s5  }
0xaa: {  	[dreg:$0x4] =	wrdreg $0xC0  }
0xab: {  	_ =	task [dreg:s7], $0x5FFFF  }
0xac: {  	[dreg:$0x1] =	wrdreg $0xFFFFFFFF  }
0xad: {  	[dreg:$0x0] =	wrdreg $0x60  }
0xae: {  	[dreg:$0x2] =	wrdreg s24  }
0xaf: {  	[dreg:$0x3] =	wrdreg s2  }
0xb0: {  	[dreg:$0x4] =	wrdreg $0x9  }
0xb1: {  	_ =	task.clear_ibuf [dreg:s7], $0x5FFFF;
	_ =	strace $0x90000049  }
0xb2: {  	s29 =	simm.s32 $0x9;
	_ =	strace $0x8000004B  }
0xb3: {  	_ =	swait.ge [sflag:s29], $0x1  }
0xb4: {  	[sflag:s29] =	ssyncadd.s32 $0xFFFFFFFF  }
0xb5: {  	_ =	strace $0x9000004B  }
0xb6: {  	_ =	sfence  }
0xb7: {  	s30 =	sld [smem:$0x0];
	_ =	sdelay $0x2  }
0xb8: {  	s31 =	sshll.u32 s1, $0xD;
	s1 =	sshrl.u32 s1, $0x2  }
0xb9: {  	s3 =	sand.u32 $0x4000, s31;
	s1 =	sadd.s32 s1, s30  }
0xba: {  	s0 =	sor.u32 s3, s0;
	s1 =	sshll.u32 s1, $0x11  }
0xbb: {  	s0 =	sor.u32 s1, s0  }
0xbc: {  	s0 =	sadd.s32 $0x8F2B, s0  }
0xbd: {  	[sflag:s0] =	ssyncadd.remote.s32 $0x1  }
0xbe: {  	_ =	sfence.sel $0xFFFF  }
0xbf: {  	[dreg:$0x0] =	wrdreg $0xFFFFFFFF;
	(pc) =	sbr.abs _section_cstart, $3  }
0xc0: {  	[dreg:$0x1] =	wrdreg $0xFFFFFFFF  }
0xc1: {  	_ =	task.clear_ibuf [dreg:s7], $0x2FFFF;
	_ =	strace $0x9FFFFFFF  }
0xc2: {  	(tm) =	ssettm $0x7FFFFFFF  }
0xc3: {  	_ =	shalt  }
tec
execute0_lowered:
.L_overlay_start_1:
0x0: {  	(tag) =	ssettag $0x1  }
0x1: {  	s0 =	rddreg [dreg:$0x0]  }
0x2: {  	s1 =	rddreg [dreg:$0x1]  }
0x3: {  	s3 =	srdreg.scid;
	s2 =	simm.s32 $0x0;
	s5 =	stileid.u32  }
0x4: {  	s16 =	simm.s32 $0x3;
	s20 =	simm.s32 $0x9100;
	s28 =	simm.s32 $0xE900  }
0x5: {  	s29 =	simm.s32 $0xF100;
	s30 =	simm.s32 $0xF900;
	s31 =	simm.s32 $0x10100  }
0x6: {  	s4 =	sand.u32 $0x1, s3;
	[smem:$0x7FF] =	sst s2;
	s3 =	sadd.s32 $0x141600, s0  }
0x7: {  	s5 =	sshll.u32 s5, $0x7;
	s11 =	sadd.s32 $0x11A00, s0;
	s9 =	sadd.s32 $0x141800, s0  }
0x8: {  	s10 =	sadd.s32 $0x141900, s0;
	s6 =	sshll.u32 s4, $0x6;
	s4 =	ssub.s32 $0x2, s4  }
0x9: {  	_ =	strace $0x8000004A;
	s5 =	sor.u32 s6, s5;
	s8 =	sshrl.u32 s4, $0x1  }
0xa: {  	s6 =	sshrl.u32 s5, $0x3;
	s7 =	sshll.u32 s5, $0x4;
	s5 =	sshll.u32 s5, $0x7  }
0xb: {  	s4 =	ssub.s32 s4, s8;
	s8 =	sadd.s32 $0x141700, s0;
	s24 =	sadd.s32 s1, s5  }
0xc: {  	s25 =	sor.u32 $0x1000, s5;
	s5 =	sadd.s32 s11, s5;
	[dreg:$0x7] =	wrdreg s24  }
0xd: {  	s6 =	sadd.s32 s6, s0;
	s26 =	smax.u32 s4, $0x1;
	[dreg:$0x8] =	wrdreg s5  }
0xe: {  	s7 =	sadd.s32 s7, s0;
	s21 =	sadd.s32 $0x11600, s6;
	[dreg:$0xb] =	wrdreg s26  }
0xf: {  	s4 =	simm.s32 $0xA900;
	s6 =	sadd.s32 $0x11800, s6;
	[dreg:$0x3] =	wrdreg s21  }
0x10: {  	s22 =	sadd.s32 $0x1600, s7;
	s23 =	sadd.s32 $0x9600, s7;
	[dreg:$0x4] =	wrdreg s6  }
0x11: {  	s1 =	sadd.s32 s1, s25;
	s0 =	sadd.s32 s11, s25;
	[dreg:$0x5] =	wrdreg s22  }
0x12: {  	v0 =	vlaneseq.u32;
	s5 =	simm.s32 $0xB900;
	s24 =	simm.s32 $0xC100;
	[dreg:$0x6] =	wrdreg s23  }
0x13: {  	v1 =	vand.u32 $0x7, v0;
	v63 =	vshrl.u32 v0, $0x3;
	s25 =	simm.s32 $0xD100;
	s7 =	simm.s32 $0xD900;
	[dreg:$0x9] =	wrdreg s1  }
0x14: {  	v0 =	vor.u32 $0x8, v0;
	[tilespmem:$0x1FFD0] =	vst v1;
	v1 =	vmul.u32 $0x8, v63;
	s26 =	simm.s32 $0xE100;
	s11 =	simm.s32 $0x1;
	[dreg:$0xa] =	wrdreg s0  }
0x15: {  	[tilespmem:$0x1FFF0] =	vst v0;
	s21 =	simm.s32 $0x9900;
	s22 =	simm.s32 $0xA100;
	s23 =	simm.s32 $0xB100  }
0x16: {  	vm0 =	vmmov $0xffff;
	[tilespmem:$0x1FFE0] =	vst v1;
	s6 =	simm.s32 $0xC900;
	s0 =	simm.s32 $0x2;
	s1 =	simm.s32 $0x0  }
.LBB2_1:
0x17: {  	s12 =	rddreg [dreg:$0x3]  }
0x18: {  	[tilespmem:s2], [sflag:$0x3] =	stream.linear.gather [hbm4b:s12+s2], $0x40, $0x38;
	[tilespmem:$0x1C100] =	vst v63  }
0x19: {  	_ =	swait.ge [sflag:s16], $0x40  }
0x1a: {  	[sflag:s16] =	ssyncset.done $0x0  }
0x1b: {  	s13 =	simm.s32 $0x80;
	s18 =	rddreg [dreg:$0x4];
	[sflag:s16] =	ssyncadd.s32 $0xFFFFFFC0  }
0x1c: {  	[tilespmem:s13], [sflag:$0x3] =	stream.linear.gather [hbm4b:s18+s2], $0x40, $0x38;
	[tilespmem:$0x1C100] =	vst v63  }
0x1d: {  	_ =	swait.ge [sflag:s16], $0x40  }
0x1e: {  	[sflag:s16] =	ssyncset.done $0x0  }
0x1f: {  	s12 =	simm.s32 $0x18100;
	s19 =	rddreg [dreg:$0x5];
	[sflag:s16] =	ssyncadd.s32 $0xFFFFFFC0  }
0x20: {  	[tilespmem:s12], [sflag:$0x3] =	stream.linear.gather [hbm4b:s19+s2], $0x2000, $0x38;
	[tilespmem:$0x1C100] =	vst v63  }
0x21: {  	_ =	swait.ge [sflag:s16], $0x2000  }
0x22: {  	[sflag:s16] =	ssyncset.done $0x0  }
0x23: {  	s17 =	simm.s32 $0x1A100;
	s14 =	rddreg [dreg:$0x6];
	[sflag:s16] =	ssyncadd.s32 $0xFFFFE000  }
0x24: {  	[tilespmem:s17], [sflag:$0x3] =	stream.linear.gather [hbm4b:s14+s2], $0x2000, $0x38;
	[tilespmem:$0x1C100] =	vst v63  }
0x25: {  	_ =	swait.ge [sflag:s16], $0x2000  }
0x26: {  	[sflag:s16] =	ssyncset.done $0x0  }
0x27: {  	[sflag:s16] =	ssyncadd.s32 $0xFFFFE000  }
0x28: {  	v0 =	vld [tilespmem:$0x0];
	_ =	sdelay $0x2  }
0x29: {  	v2 =	vld [tilespmem:$0x1FFD0];
	_ =	sdelay $0x1  }
0x2a: {  	v3 =	vld [tilespmem:$0x1FFE0];
	v1 =	vshll.u32 v0, $0x3  }
0x2b: {  	v0 =	vand.u32 $0x7, v0;
	v1 =	vand.u32 $0xFFFFFFC0, v1  }
0x2c: {  	v0 =	vor.u32 v0, v1  }
0x2d: {  	v1 =	vperm.xlane v0, v2;
	_ =	sdelay $0x1  }
0x2e: {  	v1 =	vadd.s32 v3, v1  }
0x2f: {  	v4 =	vld [tilespmem:$0x1FFF0];
	_ =	sdelay $0x2  }
0x30: {  	s15 =	simm.s32 $0x100  }
0x31: {  	[tilespmem:s15], [sflag:$0x1] =	stream.indirect_vreg.gather [hbm4b:s3+s2], $0x80, v1, vm0, $0xb8;
	[tilespmem:$0x1C100] =	vst v63  }
0x32: {  	s18 =	simm.s32 $0x900;
	v0 =	vperm.xlane v0, v4  }
0x33: {  	[tilespmem:s18], [sflag:$0x1] =	stream.indirect_vreg.gather [hbm4b:s8+s2], $0x80, v1, vm0, $0xb8;
	[tilespmem:$0x1C100] =	vst v63  }
0x34: {  	s19 =	simm.s32 $0x1100;
	v0 =	vadd.s32 v3, v0  }
0x35: {  	[tilespmem:s19], [sflag:$0x1] =	stream.indirect_vreg.gather [hbm4b:s9+s2], $0x80, v1, vm0, $0xb8;
	[tilespmem:$0x1C100] =	vst v63  }
0x36: {  	s14 =	simm.s32 $0x1900  }
0x37: {  	[tilespmem:s14], [sflag:$0x1] =	stream.indirect_vreg.gather [hbm4b:s10+s2], $0x80, v1, vm0, $0xb8;
	[tilespmem:$0x1C100] =	vst v63  }
0x38: {  	s15 =	simm.s32 $0x2100  }
0x39: {  	[tilespmem:s15], [sflag:$0x1] =	stream.indirect_vreg.gather [hbm4b:s3+s2], $0x80, v0, vm0, $0xb8;
	[tilespmem:$0x1C100] =	vst v63  }
0x3a: {  	s18 =	simm.s32 $0x2900  }
0x3b: {  	[tilespmem:s18], [sflag:$0x1] =	stream.indirect_vreg.gather [hbm4b:s8+s2], $0x80, v0, vm0, $0xb8;
	[tilespmem:$0x1C100] =	vst v63  }
0x3c: {  	s19 =	simm.s32 $0x3100  }
0x3d: {  	[tilespmem:s19], [sflag:$0x1] =	stream.indirect_vreg.gather [hbm4b:s9+s2], $0x80, v0, vm0, $0xb8;
	[tilespmem:$0x1C100] =	vst v63  }
0x3e: {  	s14 =	simm.s32 $0x3900  }
0x3f: {  	[tilespmem:s14], [sflag:$0x1] =	stream.indirect_vreg.gather [hbm4b:s10+s2], $0x80, v0, vm0, $0xb8;
	[tilespmem:$0x1C100] =	vst v63  }
0x40: {  	v0 =	vld [tilespmem:$0x10];
	_ =	sdelay $0x4  }
0x41: {  	v61 =	vshll.u32 v0, $0x3  }
0x42: {  	v0 =	vand.u32 $0x7, v0;
	v1 =	vand.u32 $0xFFFFFFC0, v61  }
0x43: {  	v0 =	vor.u32 v0, v1  }
0x44: {  	v1 =	vperm.xlane v0, v2;
	_ =	sdelay $0x1  }
0x45: {  	v1 =	vadd.s32 v3, v1;
	_ =	sdelay $0x3  }
0x46: {  	s15 =	simm.s32 $0x4100  }
0x47: {  	[tilespmem:s15], [sflag:$0x1] =	stream.indirect_vreg.gather [hbm4b:s3+s2], $0x80, v1, vm0, $0xb8;
	[tilespmem:$0x1C100] =	vst v63  }
0x48: {  	s18 =	simm.s32 $0x4900;
	v0 =	vperm.xlane v0, v4  }
0x49: {  	[tilespmem:s18], [sflag:$0x1] =	stream.indirect_vreg.gather [hbm4b:s8+s2], $0x80, v1, vm0, $0xb8;
	[tilespmem:$0x1C100] =	vst v63  }
0x4a: {  	s19 =	simm.s32 $0x5100;
	v0 =	vadd.s32 v3, v0  }
0x4b: {  	[tilespmem:s19], [sflag:$0x1] =	stream.indirect_vreg.gather [hbm4b:s9+s2], $0x80, v1, vm0, $0xb8;
	[tilespmem:$0x1C100] =	vst v63  }
0x4c: {  	s14 =	simm.s32 $0x5900  }
0x4d: {  	[tilespmem:s14], [sflag:$0x1] =	stream.indirect_vreg.gather [hbm4b:s10+s2], $0x80, v1, vm0, $0xb8;
	[tilespmem:$0x1C100] =	vst v63  }
0x4e: {  	s15 =	simm.s32 $0x6100  }
0x4f: {  	[tilespmem:s15], [sflag:$0x1] =	stream.indirect_vreg.gather [hbm4b:s3+s2], $0x80, v0, vm0, $0xb8;
	[tilespmem:$0x1C100] =	vst v63  }
0x50: {  	s18 =	simm.s32 $0x6900  }
0x51: {  	[tilespmem:s18], [sflag:$0x1] =	stream.indirect_vreg.gather [hbm4b:s8+s2], $0x80, v0, vm0, $0xb8;
	[tilespmem:$0x1C100] =	vst v63  }
0x52: {  	s19 =	simm.s32 $0x7100  }
0x53: {  	[tilespmem:s19], [sflag:$0x1] =	stream.indirect_vreg.gather [hbm4b:s9+s2], $0x80, v0, vm0, $0xb8;
	[tilespmem:$0x1C100] =	vst v63  }
0x54: {  	s14 =	simm.s32 $0x7900  }
0x55: {  	[tilespmem:s14], [sflag:$0x1] =	stream.indirect_vreg.gather [hbm4b:s10+s2], $0x80, v0, vm0, $0xb8;
	[tilespmem:$0x1C100] =	vst v63  }
0x56: {  	v0 =	vld [tilespmem:$0x80];
	_ =	sdelay $0x4  }
0x57: {  	v62 =	vshll.u32 v0, $0x3  }
0x58: {  	v0 =	vand.u32 $0x7, v0;
	v1 =	vand.u32 $0xFFFFFFC0, v62  }
0x59: {  	v0 =	vor.u32 v0, v1  }
0x5a: {  	v1 =	vperm.xlane v0, v2;
	_ =	sdelay $0x1  }
0x5b: {  	v1 =	vadd.s32 v3, v1;
	_ =	sdelay $0x3  }
0x5c: {  	s15 =	simm.s32 $0x8100  }
0x5d: {  	[tilespmem:s15], [sflag:$0x2] =	stream.indirect_vreg.gather [hbm4b:s3+s2], $0x80, v1, vm0, $0xb8;
	[tilespmem:$0x1C100] =	vst v63  }
0x5e: {  	s18 =	simm.s32 $0x8900;
	v0 =	vperm.xlane v0, v4  }
0x5f: {  	[tilespmem:s18], [sflag:$0x2] =	stream.indirect_vreg.gather [hbm4b:s8+s2], $0x80, v1, vm0, $0xb8;
	[tilespmem:$0x1C100] =	vst v63  }
0x60: {  	v0 =	vadd.s32 v3, v0  }
0x61: {  	[tilespmem:s20], [sflag:$0x2] =	stream.indirect_vreg.gather [hbm4b:s9+s2], $0x80, v1, vm0, $0xb8;
	[tilespmem:$0x1C100] =	vst v63  }
0x62: {  	_ = 	snop  }
0x63: {  	[tilespmem:s21], [sflag:$0x2] =	stream.indirect_vreg.gather [hbm4b:s10+s2], $0x80, v1, vm0, $0xb8;
	[tilespmem:$0x1C100] =	vst v63  }
0x64: {  	_ = 	snop  }
0x65: {  	[tilespmem:s22], [sflag:$0x2] =	stream.indirect_vreg.gather [hbm4b:s3+s2], $0x80, v0, vm0, $0xb8;
	[tilespmem:$0x1C100] =	vst v63  }
0x66: {  	_ = 	snop  }
0x67: {  	[tilespmem:s4], [sflag:$0x2] =	stream.indirect_vreg.gather [hbm4b:s8+s2], $0x80, v0, vm0, $0xb8;
	[tilespmem:$0x1C100] =	vst v63  }
0x68: {  	_ = 	snop  }
0x69: {  	[tilespmem:s23], [sflag:$0x2] =	stream.indirect_vreg.gather [hbm4b:s9+s2], $0x80, v0, vm0, $0xb8;
	[tilespmem:$0x1C100] =	vst v63  }
0x6a: {  	_ = 	snop  }
0x6b: {  	[tilespmem:s5], [sflag:$0x2] =	stream.indirect_vreg.gather [hbm4b:s10+s2], $0x80, v0, vm0, $0xb8;
	[tilespmem:$0x1C100] =	vst v63  }
0x6c: {  	v0 =	vld [tilespmem:$0x90];
	_ =	sdelay $0x4  }
0x6d: {  	v63 =	vshll.u32 v0, $0x3  }
0x6e: {  	v0 =	vand.u32 $0x7, v0;
	v1 =	vand.u32 $0xFFFFFFC0, v63  }
0x6f: {  	v0 =	vor.u32 v0, v1  }
0x70: {  	v1 =	vperm.xlane v0, v2;
	_ =	sdelay $0x1  }
0x71: {  	v1 =	vadd.s32 v3, v1;
	_ =	sdelay $0x4  }
0x72: {  	[tilespmem:s24], [sflag:$0x2] =	stream.indirect_vreg.gather [hbm4b:s3+s2], $0x80, v1, vm0, $0xb8;
	[tilespmem:$0x1C100] =	vst v63  }
0x73: {  	v0 =	vperm.xlane v0, v4  }
0x74: {  	[tilespmem:s6], [sflag:$0x2] =	stream.indirect_vreg.gather [hbm4b:s8+s2], $0x80, v1, vm0, $0xb8;
	[tilespmem:$0x1C100] =	vst v63  }
0x75: {  	v0 =	vadd.s32 v3, v0  }
0x76: {  	[tilespmem:s25], [sflag:$0x2] =	stream.indirect_vreg.gather [hbm4b:s9+s2], $0x80, v1, vm0, $0xb8;
	[tilespmem:$0x1C100] =	vst v63  }
0x77: {  	_ = 	snop  }
0x78: {  	[tilespmem:s7], [sflag:$0x2] =	stream.indirect_vreg.gather [hbm4b:s10+s2], $0x80, v1, vm0, $0xb8;
	[tilespmem:$0x1C100] =	vst v63  }
0x79: {  	_ = 	snop  }
0x7a: {  	[tilespmem:s26], [sflag:$0x2] =	stream.indirect_vreg.gather [hbm4b:s3+s2], $0x80, v0, vm0, $0xb8;
	[tilespmem:$0x1C100] =	vst v63  }
0x7b: {  	_ = 	snop  }
0x7c: {  	[tilespmem:s28], [sflag:$0x2] =	stream.indirect_vreg.gather [hbm4b:s8+s2], $0x80, v0, vm0, $0xb8;
	[tilespmem:$0x1C100] =	vst v63  }
0x7d: {  	_ = 	snop  }
0x7e: {  	[tilespmem:s29], [sflag:$0x2] =	stream.indirect_vreg.gather [hbm4b:s9+s2], $0x80, v0, vm0, $0xb8;
	[tilespmem:$0x1C100] =	vst v63  }
0x7f: {  	_ = 	snop  }
0x80: {  	[tilespmem:s30], [sflag:$0x2] =	stream.indirect_vreg.gather [hbm4b:s10+s2], $0x80, v0, vm0, $0xb8;
	[tilespmem:$0x1C100] =	vst v63  }
0x81: {  	s19 =	rddreg [dreg:$0x7]  }
0x82: {  	[tilespmem:s31], [sflag:$0x3] =	stream.linear.gather [hbm4b:s19+s2], $0x8000, $0x38;
	[tilespmem:$0x1C100] =	vst v63  }
0x83: {  	_ =	swait.ge [sflag:s16], $0x8000  }
0x84: {  	[sflag:s16] =	ssyncset.done $0x0  }
0x85: {  	[sflag:s16] =	ssyncadd.s32 $0xFFFF8000  }
0x86: {  	_ =	swait.ge [sflag:s11], $0x8000  }
0x87: {  	[sflag:s11] =	ssyncset.done $0x0  }
0x88: {  	[sflag:s11] =	ssyncadd.s32 $0xFFFF8000  }
0x89: {  	_ =	swait.ge [sflag:s0], $0x8000  }
0x8a: {  	s13 =	simm.s32 $0x0;
	[sflag:s0] =	ssyncset.done $0x0  }
0x8b: {  	s14 =	simm.s32 $0x0;
	s18 =	simm.s32 $0x0;
	[sflag:s0] =	ssyncadd.s32 $0xFFFF8000  }
.LBB2_2:
0x8c: {  	v3 =	vld [tilespmem:s12+$0x0];
	s15 =	sand.u32 $0x6000, s18;
	s19 =	sand.u32 $0x380, s14  }
0x8d: {  	v4 =	vld [tilespmem:s17+$0x0];
	s19 =	sor.u32 s19, s15  }
0x8e: {  	v20 =	vld [tilespmem:s19+$0x10100]  }
0x8f: {  	v27 =	vld [tilespmem:s19+$0x100]  }
0x90: {  	v28 =	vld [tilespmem:s19+$0x8100]  }
0x91: {  	v29 =	vld [tilespmem:s19+$0x10110]  }
0x92: {  	v30 =	vld [tilespmem:s19+$0x110]  }
0x93: {  	v34 =	vld [tilespmem:s19+$0x8110]  }
0x94: {  	v40 =	vld [tilespmem:s19+$0x10120]  }
0x95: {  	v41 =	vld [tilespmem:s19+$0x120]  }
0x96: {  	v44 =	vld [tilespmem:s19+$0x8120]  }
0x97: {  	v49 =	vld [tilespmem:s19+$0x10130]  }
0x98: {  	v59 =	vld [tilespmem:s19+$0x130]  }
0x99: {  	v10 =	vld [tilespmem:s19+$0x8130]  }
0x9a: {  	v5 =	vld [tilespmem:s19+$0x10140]  }
0x9b: {  	v0 =	vld [tilespmem:s19+$0x140]  }
0x9c: {  	v11 =	vld [tilespmem:s19+$0x8140]  }
0x9d: {  	v7 =	vld [tilespmem:s19+$0x10150]  }
0x9e: {  	v1 =	vld [tilespmem:s19+$0x150]  }
0x9f: {  	v6 =	vld [tilespmem:s19+$0x8150]  }
0xa0: {  	v18 =	vld [tilespmem:s19+$0x10160]  }
0xa1: {  	v9 =	vld [tilespmem:s19+$0x160]  }
0xa2: {  	v19 =	vld [tilespmem:s19+$0x8160]  }
0xa3: {  	v13 =	vld [tilespmem:s19+$0x10170]  }
0xa4: {  	v2 =	vld [tilespmem:s19+$0x170]  }
0xa5: {  	v21 =	vld [tilespmem:s19+$0x8170]  }
0xa6: {  	v15 =	vld [tilespmem:s19+$0x10500]  }
0xa7: {  	v63 =	vld [tilespmem:s19+$0x8960]  }
0xa8: {  	v8 =	vld [tilespmem:s19+$0x500]  }
0xa9: {  	v14 =	vld [tilespmem:s19+$0x8500]  }
0xaa: {  	v32 =	vld [tilespmem:s19+$0x10510]  }
0xab: {  	v17 =	vld [tilespmem:s19+$0x510]  }
0xac: {  	[tilespmem:$0x1FDB0] =	vst v63;
	v63 =	vld [tilespmem:s19+$0x10970]  }
0xad: {  	v33 =	vld [tilespmem:s19+$0x8510]  }
0xae: {  	v23 =	vld [tilespmem:s19+$0x10520]  }
0xaf: {  	v12 =	vld [tilespmem:s19+$0x520]  }
0xb0: {  	v35 =	vld [tilespmem:s19+$0x8520]  }
0xb1: {  	[tilespmem:$0x1FDA0] =	vst v63;
	v63 =	vld [tilespmem:s19+$0x970]  }
0xb2: {  	v25 =	vld [tilespmem:s19+$0x10530]  }
0xb3: {  	v16 =	vld [tilespmem:s19+$0x530]  }
0xb4: {  	v24 =	vld [tilespmem:s19+$0x8530]  }
0xb5: {  	v43 =	vld [tilespmem:s19+$0x10540]  }
0xb6: {  	[tilespmem:$0x1FD60] =	vst v63;
	v63 =	vld [tilespmem:s19+$0x8970]  }
0xb7: {  	v31 =	vld [tilespmem:s19+$0x540]  }
0xb8: {  	v45 =	vld [tilespmem:s19+$0x8540]  }
0xb9: {  	v52 =	vld [tilespmem:s19+$0x10550]  }
0xba: {  	v22 =	vld [tilespmem:s19+$0x550]  }
0xbb: {  	[tilespmem:$0x1FDC0] =	vst v63;
	v63 =	vld [tilespmem:s19+$0x10D00]  }
0xbc: {  	v58 =	vld [tilespmem:s19+$0x8550]  }
0xbd: {  	v38 =	vld [tilespmem:s19+$0x10560]  }
0xbe: {  	v26 =	vld [tilespmem:s19+$0x560]  }
0xbf: {  	v39 =	vld [tilespmem:s19+$0x8560]  }
0xc0: {  	[tilespmem:$0x1FE00] =	vst v63;
	v63 =	vld [tilespmem:s19+$0xD00]  }
0xc1: {  	v56 =	vld [tilespmem:s19+$0x10570]  }
0xc2: {  	v42 =	vld [tilespmem:s19+$0x570]  }
0xc3: {  	v60 =	vld [tilespmem:s19+$0x8570]  }
0xc4: {  	v46 =	vld [tilespmem:s19+$0x10900]  }
0xc5: {  	[tilespmem:$0x1FDD0] =	vst v63;
	v63 =	vld [tilespmem:s19+$0x8D00]  }
0xc6: {  	v36 =	vld [tilespmem:s19+$0x900]  }
0xc7: {  	v53 =	vld [tilespmem:s19+$0x8900]  }
0xc8: {  	v50 =	vld [tilespmem:s19+$0x10910]  }
0xc9: {  	v37 =	vld [tilespmem:s19+$0x910]  }
0xca: {  	[tilespmem:$0x1FE20] =	vst v63;
	v63 =	vld [tilespmem:s19+$0x10D10]  }
0xcb: {  	v47 =	vld [tilespmem:s19+$0x8910]  }
0xcc: {  	v48 =	vld [tilespmem:s19+$0x10920]  }
0xcd: {  	v54 =	vld [tilespmem:s19+$0x920]  }
0xce: {  	v62 =	vld [tilespmem:s19+$0x8920]  }
0xcf: {  	[tilespmem:$0x1FE10] =	vst v63;
	v63 =	vld [tilespmem:s19+$0xD10]  }
0xd0: {  	v55 =	vld [tilespmem:s19+$0x10930]  }
0xd1: {  	v51 =	vld [tilespmem:s19+$0x8930]  }
0xd2: {  	v57 =	vld [tilespmem:s19+$0x10940]  }
0xd3: {  	v61 =	vld [tilespmem:s19+$0x10950]  }
0xd4: {  	[tilespmem:$0x1FDE0] =	vst v63;
	v63 =	vld [tilespmem:s19+$0x8D10]  }
0xd5: {  	[tilespmem:$0x1FD20] =	vst v48;
	v48 =	vld [tilespmem:s19+$0x930]  }
0xd6: {  	[tilespmem:$0x1FD40] =	vst v51;
	v51 =	vld [tilespmem:s19+$0x940]  }
0xd7: {  	[tilespmem:$0x1FD30] =	vst v62;
	v62 =	vld [tilespmem:s19+$0x8940];
	v27 =	vmul.f32 v27, v3;
	v30 =	vmul.f32 v30, v3  }
0xd8: {  	[tilespmem:$0x1FD70] =	vst v61;
	v61 =	vld [tilespmem:s19+$0x950];
	v41 =	vmul.f32 v41, v3;
	v2 =	vmul.f32 v2, v3  }
0xd9: {  	v20 =	vadd.f32 v27, v20;
	v27 =	vadd.f32 v30, v29;
	v30 =	vmul.f32 v34, v4;
	[tilespmem:$0x1FE40] =	vst v63;
	v63 =	vld [tilespmem:s19+$0x10D20]  }
0xda: {  	v34 =	vmul.f32 v44, v4;
	v44 =	vmul.f32 v59, v3;
	v59 =	vld [tilespmem:s19+$0x11120]  }
0xdb: {  	v1 =	vmul.f32 v1, v3;
	v29 =	vadd.f32 v41, v40;
	v41 =	vmul.f32 v10, v4;
	v10 =	vld [tilespmem:s19+$0x11130]  }
0xdc: {  	v2 =	vadd.f32 v2, v13;
	v13 =	vld [tilespmem:s19+$0x9140]  }
0xdd: {  	v28 =	vmul.f32 v28, v4;
	v1 =	vadd.f32 v1, v7;
	v7 =	vld [tilespmem:s19+$0x1510]  }
0xde: {  	[tilespmem:$0x1FE30] =	vst v63;
	v63 =	vld [tilespmem:s19+$0xD20]  }
0xdf: {  	v20 =	vadd.f32 v28, v20;
	v28 =	vld [tilespmem:s19+$0x1120]  }
0xe0: {  	v40 =	vadd.f32 v44, v49;
	v44 =	vld [tilespmem:s19+$0x9120]  }
0xe1: {  	v27 =	vadd.f32 v30, v27;
	v30 =	vadd.f32 v34, v29;
	v29 =	vld [tilespmem:s19+$0x9130]  }
0xe2: {  	v6 =	vmul.f32 v6, v4;
	[tilespmem:$0x1FD50] =	vst v61;
	v61 =	vld [tilespmem:s19+$0x8950]  }
0xe3: {  	v0 =	vmul.f32 v0, v3;
	v49 =	vmul.f32 v11, v4;
	[tilespmem:$0x1FDF0] =	vst v63;
	v63 =	vld [tilespmem:s19+$0x8D20]  }
0xe4: {  	v1 =	vadd.f32 v6, v1;
	v34 =	vmul.f32 v8, v3;
	v11 =	vadd.f32 v41, v40;
	v40 =	vld [tilespmem:s19+$0x1130]  }
0xe5: {  	v0 =	vadd.f32 v0, v5;
	v41 =	vmul.f32 v19, v4;
	v19 =	vmul.f32 v12, v3;
	v12 =	vld [tilespmem:s19+$0x11150]  }
0xe6: {  	[tilespmem:s19+$0x10150] =	vst v1;
	v1 =	vld [tilespmem:s19+$0x11520]  }
0xe7: {  	[tilespmem:$0x1FFA0] =	vst v59;
	v59 =	vmul.f32 v9, v3;
	v9 =	vadd.f32 v49, v0;
	v0 =	vadd.f32 v34, v15;
	v34 =	vld [tilespmem:s19+$0x1140]  }
0xe8: {  	v49 =	vmul.f32 v21, v4;
	[tilespmem:$0x1FE50] =	vst v63;
	v63 =	vld [tilespmem:s19+$0x10D30]  }
0xe9: {  	[tilespmem:$0x1FFB0] =	vst v44;
	v44 =	vld [tilespmem:s19+$0x11140]  }
0xea: {  	v15 =	vadd.f32 v49, v2;
	v49 =	vld [tilespmem:s19+$0x1150]  }
0xeb: {  	v5 =	vadd.f32 v59, v18;
	[tilespmem:s19+$0x10140] =	vst v9;
	v9 =	vld [tilespmem:s19+$0x1520]  }
0xec: {  	v59 =	vmul.f32 v14, v4;
	v18 =	vmul.f32 v17, v3;
	[tilespmem:$0x1FD90] =	vst v61;
	v61 =	vld [tilespmem:s19+$0x10960]  }
0xed: {  	v21 =	vmul.f32 v16, v3;
	v6 =	vadd.f32 v41, v5;
	[tilespmem:$0x1FE90] =	vst v63;
	v63 =	vld [tilespmem:s19+$0xD30]  }
0xee: {  	v8 =	vadd.f32 v59, v0;
	v2 =	vadd.f32 v18, v32;
	v59 =	vmul.f32 v35, v4;
	v41 =	vld [tilespmem:s19+$0x9150]  }
0xef: {  	v32 =	vadd.f32 v19, v23;
	v23 =	vmul.f32 v31, v3;
	v31 =	vmul.f32 v45, v4;
	v45 =	vld [tilespmem:s19+$0x9170]  }
0xf0: {  	v35 =	vmul.f32 v42, v3;
	v42 =	vmul.f32 v60, v4;
	v60 =	vld [tilespmem:s19+$0x9500]  }
0xf1: {  	v5 =	vld [tilespmem:s19+$0x11510]  }
0xf2: {  	v0 =	vadd.f32 v21, v25;
	v21 =	vmul.f32 v24, v4;
	v24 =	vmul.f32 v22, v3;
	[tilespmem:$0x1FE60] =	vst v63;
	v63 =	vld [tilespmem:s19+$0x8D30]  }
0xf3: {  	v14 =	vadd.f32 v59, v32;
	v59 =	vld [tilespmem:s19+$0x1160]  }
0xf4: {  	v25 =	vmul.f32 v26, v3;
	v26 =	vadd.f32 v24, v52;
	v52 =	vld [tilespmem:s19+$0x9160]  }
0xf5: {  	v32 =	vmul.f32 v58, v4;
	v58 =	vld [tilespmem:s19+$0x1170]  }
0xf6: {  	[tilespmem:s19+$0x10160] =	vst v6;
	v6 =	vld [tilespmem:s19+$0x9520]  }
0xf7: {  	[tilespmem:$0x1FEB0] =	vst v63;
	v63 =	vld [tilespmem:s19+$0x10D40]  }
0xf8: {  	v36 =	vmul.f32 v36, v3;
	[tilespmem:s19+$0x10500] =	vst v8;
	v8 =	vld [tilespmem:s19+$0x11530]  }
0xf9: {  	v16 =	vadd.f32 v21, v0;
	v0 =	vadd.f32 v25, v38;
	v38 =	vmul.f32 v37, v3;
	[tilespmem:$0x1FD80] =	vst v61;
	v61 =	vld [tilespmem:s19+$0x960]  }
0xfa: {  	[tilespmem:$0x1FFC0] =	vst v44;
	v44 =	vmul.f32 v33, v4;
	v18 =	vadd.f32 v32, v26;
	v32 =	vld [tilespmem:$0x1FD20]  }
0xfb: {  	v33 =	vmul.f32 v39, v4;
	v39 =	vadd.f32 v36, v46;
	v46 =	vadd.f32 v38, v50;
	v38 =	vld [tilespmem:$0x1FD40]  }
0xfc: {  	[tilespmem:$0x1FEA0] =	vst v63;
	v63 =	vld [tilespmem:s19+$0xD40]  }
0xfd: {  	v17 =	vadd.f32 v44, v2;
	v44 =	vld [tilespmem:s19+$0x11160]  }
0xfe: {  	[tilespmem:s19+$0x10110] =	vst v27;
	v27 =	vmul.f32 v48, v3;
	v2 =	vadd.f32 v23, v43;
	v43 =	vld [tilespmem:s19+$0x11170]  }
0xff: {  	v19 =	vadd.f32 v33, v0;
	v0 =	vld [tilespmem:s19+$0x1500]  }
0x100: {  	v7 =	vmul.f32 v7, v3;
	v33 =	vadd.f32 v27, v55;
	v55 =	vld [tilespmem:$0x1FD80]  }
0x101: {  	v9 =	vmul.f32 v9, v3;
	[tilespmem:$0x1FE70] =	vst v63;
	v63 =	vld [tilespmem:s19+$0x8D40]  }
0x102: {  	v50 =	vmul.f32 v53, v4;
	v53 =	vmul.f32 v47, v4;
	v5 =	vadd.f32 v7, v5;
	v7 =	vld [tilespmem:s19+$0x11930]  }
0x103: {  	v1 =	vadd.f32 v9, v1;
	v9 =	vld [tilespmem:s19+$0x11940]  }
0x104: {  	[tilespmem:s19+$0x10100] =	vst v20;
	v20 =	vadd.f32 v53, v46;
	v46 =	vld [tilespmem:$0x1FD50]  }
0x105: {  	v22 =	vadd.f32 v50, v39;
	v50 =	vld [tilespmem:$0x1FD60]  }
0x106: {  	[tilespmem:$0x1FED0] =	vst v63;
	v63 =	vld [tilespmem:s19+$0x10D50]  }
0x107: {  	v53 =	vld [tilespmem:$0x1FD70]  }
0x108: {  	v21 =	vadd.f32 v31, v2;
	v2 =	vadd.f32 v35, v56;
	v56 =	vld [tilespmem:s19+$0x11500]  }
0x109: {  	v35 =	vld [tilespmem:$0x1FD30]  }
0x10a: {  	v24 =	vadd.f32 v42, v2;
	v2 =	vld [tilespmem:s19+$0x9510]  }
0x10b: {  	v31 =	vmul.f32 v51, v3;
	[tilespmem:$0x1FEC0] =	vst v63;
	v63 =	vld [tilespmem:s19+$0xD50]  }
0x10c: {  	v26 =	vmul.f32 v54, v3;
	v48 =	vmul.f32 v61, v3;
	v61 =	vld [tilespmem:$0x1FD90]  }
0x10d: {  	v37 =	vadd.f32 v31, v57;
	v39 =	vmul.f32 v38, v4;
	v31 =	vld [tilespmem:s19+$0x9530]  }
0x10e: {  	[tilespmem:s19+$0x10130] =	vst v11;
	v11 =	vadd.f32 v26, v32;
	v32 =	vld [tilespmem:s19+$0x11540]  }
0x10f: {  	v42 =	vmul.f32 v62, v4;
	v23 =	vadd.f32 v39, v33;
	v33 =	vld [tilespmem:$0x1FDA0]  }
0x110: {  	[tilespmem:$0x1FE80] =	vst v63;
	v63 =	vld [tilespmem:s19+$0x8D50]  }
0x111: {  	v0 =	vmul.f32 v0, v3;
	v25 =	vadd.f32 v42, v37;
	v37 =	vld [tilespmem:$0x1FDC0]  }
0x112: {  	v47 =	vmul.f32 v46, v3;
	v36 =	vmul.f32 v35, v4;
	v35 =	vld [tilespmem:$0x1FDB0]  }
0x113: {  	v0 =	vadd.f32 v0, v56;
	v56 =	vld [tilespmem:s19+$0x9960]  }
0x114: {  	v54 =	vadd.f32 v47, v53;
	v47 =	vld [tilespmem:$0x1FE00]  }
0x115: {  	[tilespmem:$0x1FEE0] =	vst v63;
	v63 =	vld [tilespmem:s19+$0x10D60]  }
0x116: {  	v39 =	vld [tilespmem:$0x1FDD0]  }
0x117: {  	v57 =	vadd.f32 v48, v55;
	v48 =	vld [tilespmem:$0x1FE10]  }
0x118: {  	v42 =	vld [tilespmem:$0x1FDE0]  }
0x119: {  	v46 =	vld [tilespmem:$0x1FDF0]  }
0x11a: {  	v51 =	vmul.f32 v50, v3;
	[tilespmem:$0x1FF20] =	vst v63;
	v63 =	vld [tilespmem:s19+$0xD60]  }
0x11b: {  	[tilespmem:s19+$0x10120] =	vst v30;
	v53 =	vld [tilespmem:$0x1FE40]  }
0x11c: {  	[tilespmem:s19+$0x10170] =	vst v15;
	v62 =	vmul.f32 v61, v4;
	v27 =	vadd.f32 v51, v33;
	v51 =	vld [tilespmem:$0x1FE30]  }
0x11d: {  	[tilespmem:s19+$0x10520] =	vst v14;
	v11 =	vadd.f32 v36, v11;
	v38 =	vmul.f32 v37, v4;
	v33 =	vld [tilespmem:s19+$0x1530]  }
0x11e: {  	[tilespmem:s19+$0x10510] =	vst v17;
	v15 =	vadd.f32 v62, v54;
	v37 =	vld [tilespmem:s19+$0x9540];
	v36 =	vmul.f32 v35, v4;
	v17 =	vmul.f32 v39, v3  }
0x11f: {  	v26 =	vadd.f32 v38, v27;
	v30 =	vmul.f32 v42, v3;
	v27 =	vmul.f32 v46, v3;
	[tilespmem:$0x1FEF0] =	vst v63;
	v63 =	vld [tilespmem:s19+$0x8D60]  }
0x120: {  	[tilespmem:s19+$0x10530] =	vst v16;
	v14 =	vadd.f32 v36, v57;
	v16 =	vadd.f32 v17, v47;
	v54 =	vld [tilespmem:$0x1FE50]  }
0x121: {  	[tilespmem:s19+$0x10540] =	vst v21;
	v36 =	vld [tilespmem:s19+$0x1540];
	v17 =	vadd.f32 v30, v48;
	v21 =	vadd.f32 v27, v51;
	v27 =	vmul.f32 v53, v4  }
0x122: {  	v50 =	vld [tilespmem:$0x1FE20]  }
0x123: {  	v17 =	vadd.f32 v27, v17;
	v27 =	vld [tilespmem:s19+$0x11550]  }
0x124: {  	[tilespmem:$0x1FF30] =	vst v63;
	v63 =	vld [tilespmem:s19+$0x10D70]  }
0x125: {  	v35 =	vmul.f32 v54, v4;
	v57 =	vld [tilespmem:$0x1FE70]  }
0x126: {  	v62 =	vld [tilespmem:$0x1FE90]  }
0x127: {  	[tilespmem:s19+$0x10560] =	vst v19;
	v19 =	vadd.f32 v35, v21;
	v35 =	vld [tilespmem:$0x1FEA0]  }
0x128: {  	v30 =	vmul.f32 v50, v4;
	v55 =	vld [tilespmem:$0x1FE60]  }
0x129: {  	[tilespmem:$0x1FF40] =	vst v63;
	v63 =	vld [tilespmem:s19+$0xD70]  }
0x12a: {  	v16 =	vadd.f32 v30, v16;
	v38 =	vld [tilespmem:$0x1FEB0];
	v30 =	vmul.f32 v57, v3  }
0x12b: {  	v42 =	vld [tilespmem:$0x1FED0]  }
0x12c: {  	[tilespmem:s19+$0x10570] =	vst v24;
	v24 =	vadd.f32 v30, v35;
	v35 =	vld [tilespmem:s19+$0x1550]  }
0x12d: {  	v61 =	vld [tilespmem:$0x1FE80]  }
0x12e: {  	[tilespmem:$0x1FF00] =	vst v63;
	v63 =	vld [tilespmem:s19+$0x8D70]  }
0x12f: {  	v39 =	vld [tilespmem:$0x1FEC0]  }
0x130: {  	[tilespmem:s19+$0x10900] =	vst v22;
	v22 =	vmul.f32 v42, v4;
	v46 =	vld [tilespmem:$0x1FEE0]  }
0x131: {  	v42 =	vld [tilespmem:s19+$0x11560]  }
0x132: {  	[tilespmem:s19+$0x10920] =	vst v11;
	v11 =	vadd.f32 v22, v24;
	v24 =	vld [tilespmem:s19+$0x1560];
	v21 =	vmul.f32 v61, v3  }
0x133: {  	[tilespmem:$0x1FF50] =	vst v63;
	v63 =	vld [tilespmem:s19+$0x11100]  }
0x134: {  	v21 =	vadd.f32 v21, v39;
	v39 =	vld [tilespmem:s19+$0x9550]  }
0x135: {  	v30 =	vmul.f32 v38, v4;
	v38 =	vmul.f32 v46, v4;
	v51 =	vld [tilespmem:$0x1FF20]  }
0x136: {  	v47 =	vld [tilespmem:$0x1FEF0]  }
0x137: {  	v21 =	vadd.f32 v38, v21;
	v38 =	vld [tilespmem:s19+$0x9560]  }
0x138: {  	[tilespmem:$0x1FF60] =	vst v63;
	v63 =	vld [tilespmem:s19+$0x1100]  }
0x139: {  	v53 =	vld [tilespmem:$0x1FF30]  }
0x13a: {  	[tilespmem:s19+$0x10550] =	vst v18;
	v48 =	vld [tilespmem:$0x1FF00]  }
0x13b: {  	[tilespmem:s19+$0x10910] =	vst v20;
	v18 =	vmul.f32 v55, v3;
	v20 =	vmul.f32 v47, v3;
	v47 =	vld [tilespmem:s19+$0x11570]  }
0x13c: {  	v54 =	vld [tilespmem:$0x1FF40]  }
0x13d: {  	v18 =	vadd.f32 v18, v62;
	[tilespmem:$0x1FF10] =	vst v63;
	v63 =	vld [tilespmem:s19+$0x9100]  }
0x13e: {  	[tilespmem:s19+$0x10970] =	vst v26;
	v26 =	vld [tilespmem:s19+$0x9910]  }
0x13f: {  	v18 =	vadd.f32 v30, v18;
	v30 =	vmul.f32 v48, v3;
	v55 =	vld [tilespmem:$0x1FF50]  }
0x140: {  	v48 =	vmul.f32 v28, v3;
	v28 =	vld [tilespmem:s19+$0x1570]  }
0x141: {  	v30 =	vadd.f32 v30, v54;
	v54 =	vld [tilespmem:$0x1FFA0]  }
0x142: {  	[tilespmem:$0x1FF70] =	vst v63;
	v63 =	vld [tilespmem:s19+$0x11110]  }
0x143: {  	v57 =	vld [tilespmem:$0x1FF60]  }
0x144: {  	[tilespmem:s19+$0x10940] =	vst v25;
	v25 =	vmul.f32 v55, v4;
	v55 =	vld [tilespmem:$0x1FFB0]  }
0x145: {  	[tilespmem:s19+$0x10930] =	vst v23;
	v50 =	vld [tilespmem:$0x1FF10]  }
0x146: {  	[tilespmem:s19+$0x10960] =	vst v14;
	v14 =	vadd.f32 v25, v30;
	v30 =	vld [tilespmem:s19+$0x9570]  }
0x147: {  	v20 =	vadd.f32 v20, v51;
	v23 =	vmul.f32 v53, v4;
	[tilespmem:$0x1FF90] =	vst v63;
	v63 =	vld [tilespmem:s19+$0x1110]  }
0x148: {  	v13 =	vmul.f32 v13, v4;
	v6 =	vmul.f32 v6, v4;
	[tilespmem:s19+$0x10950] =	vst v15;
	v61 =	vld [tilespmem:$0x1FF70]  }
0x149: {  	v2 =	vmul.f32 v2, v4;
	v15 =	vadd.f32 v23, v20;
	[tilespmem:s19+$0x10D00] =	vst v16;
	v23 =	vadd.f32 v48, v54;
	v48 =	vld [tilespmem:$0x1FFC0]  }
0x14a: {  	v54 =	vld [tilespmem:s19+$0x1920];
	[tilespmem:s19+$0x10D10] =	vst v17;
	v22 =	vmul.f32 v50, v3;
	v50 =	vmul.f32 v40, v3  }
0x14b: {  	v1 =	vadd.f32 v6, v1;
	v25 =	vmul.f32 v37, v4;
	v37 =	vld [tilespmem:s19+$0x11950];
	v16 =	vmul.f32 v55, v4;
	[tilespmem:s19+$0x10D20] =	vst v19  }
0x14c: {  	v22 =	vadd.f32 v22, v57;
	v10 =	vadd.f32 v50, v10;
	v57 =	vmul.f32 v29, v4;
	[tilespmem:$0x1FF80] =	vst v63;
	v63 =	vld [tilespmem:s19+$0x9110]  }
0x14d: {  	v16 =	vadd.f32 v16, v23;
	v50 =	vmul.f32 v41, v4;
	v46 =	vmul.f32 v61, v4;
	[tilespmem:s19+$0x10D30] =	vst v18;
	v62 =	vld [tilespmem:$0x1FF80]  }
0x14e: {  	v23 =	vld [tilespmem:s19+$0x11910];
	v41 =	vmul.f32 v39, v4;
	v10 =	vadd.f32 v57, v10;
	v57 =	vmul.f32 v45, v4;
	[tilespmem:s19+$0x10D40] =	vst v11  }
0x14f: {  	v45 =	vmul.f32 v30, v4;
	v51 =	vld [tilespmem:$0x1FF90];
	v22 =	vadd.f32 v46, v22;
	v46 =	vmul.f32 v59, v3;
	[tilespmem:s19+$0x10D50] =	vst v21  }
0x150: {  	v2 =	vadd.f32 v2, v5;
	v40 =	vld [tilespmem:s19+$0x11900];
	v59 =	vmul.f32 v33, v3;
	v33 =	vmul.f32 v24, v3;
	[tilespmem:s19+$0x10D60] =	vst v15  }
0x151: {  	v29 =	vld [tilespmem:s19+$0x1900];
	v19 =	vadd.f32 v46, v44;
	[tilespmem:s19+$0x10D70] =	vst v14;
	v53 =	vmul.f32 v63, v4;
	v63 =	vmul.f32 v49, v3  }
0x152: {  	v24 =	vld [tilespmem:s19+$0x9970];
	[tilespmem:s19+$0x11100] =	vst v22;
	v8 =	vadd.f32 v59, v8;
	v20 =	vmul.f32 v62, v3;
	v62 =	vmul.f32 v34, v3  }
0x153: {  	[tilespmem:s19+$0x11120] =	vst v16;
	v44 =	vmul.f32 v38, v4;
	v49 =	vld [tilespmem:s19+$0x1910];
	v12 =	vadd.f32 v63, v12;
	v63 =	vmul.f32 v31, v4  }
0x154: {  	[tilespmem:s19+$0x11130] =	vst v10;
	v46 =	vld [tilespmem:s19+$0x9950];
	v20 =	vadd.f32 v20, v51;
	v18 =	vadd.f32 v62, v48;
	v51 =	vmul.f32 v52, v4  }
0x155: {  	v21 =	vld [tilespmem:s19+$0x11920];
	[tilespmem:s19+$0x11510] =	vst v2;
	v52 =	vmul.f32 v58, v3;
	v11 =	vadd.f32 v50, v12;
	v8 =	vadd.f32 v63, v8  }
0x156: {  	[tilespmem:s19+$0x11520] =	vst v1;
	v34 =	vld [tilespmem:s19+$0x9900];
	v58 =	vmul.f32 v60, v4;
	v61 =	vadd.f32 v53, v20;
	v13 =	vadd.f32 v13, v18  }
0x157: {  	v60 =	vld [tilespmem:s19+$0x1930];
	v48 =	vmul.f32 v29, v3;
	v53 =	vadd.f32 v51, v19;
	v55 =	vadd.f32 v52, v43;
	[tilespmem:s19+$0x11150] =	vst v11  }
0x158: {  	v19 =	vld [tilespmem:s19+$0x9920];
	v0 =	vadd.f32 v58, v0;
	v49 =	vmul.f32 v49, v3;
	v52 =	vmul.f32 v54, v3;
	[tilespmem:s19+$0x11530] =	vst v8  }
0x159: {  	v62 =	vld [tilespmem:s19+$0x9930];
	v58 =	vmul.f32 v26, v4;
	v11 =	vadd.f32 v33, v42;
	v33 =	vmul.f32 v46, v4;
	[tilespmem:s19+$0x11110] =	vst v61  }
0x15a: {  	v43 =	vld [tilespmem:s19+$0x1950];
	v14 =	vadd.f32 v57, v55;
	v61 =	vmul.f32 v36, v3;
	[tilespmem:s19+$0x11140] =	vst v13;
	v36 =	vmul.f32 v28, v3  }
0x15b: {  	v31 =	vld [tilespmem:s19+$0x1940];
	[tilespmem:s19+$0x11500] =	vst v0;
	v54 =	vadd.f32 v49, v23;
	v57 =	vmul.f32 v34, v4;
	v0 =	vadd.f32 v44, v11  }
0x15c: {  	v59 =	vld [tilespmem:s19+$0x1970];
	[tilespmem:s19+$0x11160] =	vst v53;
	v55 =	vmul.f32 v60, v3;
	v5 =	vadd.f32 v61, v32;
	v32 =	vmul.f32 v35, v3  }
0x15d: {  	v53 =	vld [tilespmem:s19+$0x1960];
	[tilespmem:s19+$0x11170] =	vst v14;
	v10 =	vadd.f32 v36, v47;
	v60 =	vmul.f32 v19, v4;
	v19 =	vadd.f32 v58, v54  }
0x15e: {  	v35 =	vld [tilespmem:s19+$0x9940];
	v61 =	vmul.f32 v62, v4;
	v7 =	vadd.f32 v55, v7;
	[tilespmem:s19+$0x11560] =	vst v0;
	v5 =	vadd.f32 v25, v5  }
0x15f: {  	v50 =	vld [tilespmem:s19+$0x11960];
	v28 =	vmul.f32 v43, v3;
	v6 =	vadd.f32 v32, v27;
	v51 =	vadd.f32 v45, v10;
	[tilespmem:s19+$0x11910] =	vst v19  }
0x160: {  	v23 =	vmul.f32 v31, v3;
	v62 =	vld [tilespmem:s19+$0x11970];
	v10 =	vadd.f32 v52, v21;
	v27 =	vadd.f32 v61, v7;
	[tilespmem:s19+$0x11540] =	vst v5  }
0x161: {  	v34 =	vmul.f32 v59, v3;
	v32 =	vadd.f32 v28, v37;
	v47 =	vadd.f32 v41, v6;
	[tilespmem:s19+$0x11570] =	vst v51  }
0x162: {  	v31 =	vmul.f32 v53, v3;
	v6 =	vadd.f32 v48, v40;
	v26 =	vadd.f32 v60, v10;
	[tilespmem:s19+$0x11930] =	vst v27  }
0x163: {  	v29 =	vadd.f32 v23, v9;
	v30 =	vmul.f32 v35, v4;
	v37 =	vadd.f32 v33, v32;
	[tilespmem:s19+$0x11550] =	vst v47  }
0x164: {  	v36 =	vmul.f32 v56, v4;
	v35 =	vadd.f32 v31, v50;
	v63 =	vadd.f32 v57, v6;
	[tilespmem:s19+$0x11920] =	vst v26  }
0x165: {  	v39 =	vmul.f32 v24, v4;
	v38 =	vadd.f32 v34, v62;
	v0 =	vadd.f32 v30, v29;
	[tilespmem:s19+$0x11950] =	vst v37  }
0x166: {  	s15 =	sand.u32 $0x7, s13;
	v40 =	vadd.f32 v36, v35;
	[tilespmem:s19+$0x11900] =	vst v63  }
0x167: {  	s15 =	sshll.u32 s15, $0x7;
	v41 =	vadd.f32 v39, v38;
	[tilespmem:s19+$0x11940] =	vst v0  }
0x168: {  	s15 =	sadd.s32 s15, s18;
	[tilespmem:s19+$0x11960] =	vst v40  }
0x169: {  	[tilespmem:s19+$0x11970] =	vst v41;
	s19 =	sor.u32 $0x1C00, s15  }
0x16a: {  	v0 =	vld [tilespmem:s19+$0x100]  }
0x16b: {  	v1 =	vld [tilespmem:s19+$0x10100]  }
0x16c: {  	v2 =	vld [tilespmem:s19+$0x8100];
	_ =	sdelay $0x2  }
0x16d: {  	v0 =	vmul.f32 v0, v3;
	_ =	sdelay $0x1  }
0x16e: {  	v42 =	vmul.f32 v2, v4;
	v0 =	vadd.f32 v0, v1;
	_ =	sdelay $0x1  }
0x16f: {  	v0 =	vadd.f32 v42, v0;
	_ =	sdelay $0x1  }
0x170: {  	[tilespmem:s19+$0x10100] =	vst v0;
	s19 =	sor.u32 $0x1C10, s15  }
0x171: {  	v0 =	vld [tilespmem:s19+$0x100]  }
0x172: {  	v43 =	vld [tilespmem:s19+$0x10100]  }
0x173: {  	v44 =	vld [tilespmem:s19+$0x8100];
	_ =	sdelay $0x2  }
0x174: {  	v0 =	vmul.f32 v0, v3;
	_ =	sdelay $0x1  }
0x175: {  	v45 =	vmul.f32 v44, v4;
	v0 =	vadd.f32 v0, v43;
	_ =	sdelay $0x1  }
0x176: {  	v0 =	vadd.f32 v45, v0;
	_ =	sdelay $0x1  }
0x177: {  	[tilespmem:s19+$0x10100] =	vst v0;
	s19 =	sor.u32 $0x1C20, s15  }
0x178: {  	v0 =	vld [tilespmem:s19+$0x100]  }
0x179: {  	v46 =	vld [tilespmem:s19+$0x10100]  }
0x17a: {  	v47 =	vld [tilespmem:s19+$0x8100];
	_ =	sdelay $0x2  }
0x17b: {  	v0 =	vmul.f32 v0, v3;
	_ =	sdelay $0x1  }
0x17c: {  	v48 =	vmul.f32 v47, v4;
	v0 =	vadd.f32 v0, v46;
	_ =	sdelay $0x1  }
0x17d: {  	v0 =	vadd.f32 v48, v0;
	_ =	sdelay $0x1  }
0x17e: {  	[tilespmem:s19+$0x10100] =	vst v0;
	s19 =	sor.u32 $0x1C30, s15  }
0x17f: {  	v0 =	vld [tilespmem:s19+$0x100]  }
0x180: {  	v49 =	vld [tilespmem:s19+$0x10100]  }
0x181: {  	v50 =	vld [tilespmem:s19+$0x8100];
	_ =	sdelay $0x2  }
0x182: {  	v0 =	vmul.f32 v0, v3;
	_ =	sdelay $0x1  }
0x183: {  	v51 =	vmul.f32 v50, v4;
	v0 =	vadd.f32 v0, v49;
	_ =	sdelay $0x1  }
0x184: {  	v0 =	vadd.f32 v51, v0;
	_ =	sdelay $0x1  }
0x185: {  	[tilespmem:s19+$0x10100] =	vst v0;
	s19 =	sor.u32 $0x1C40, s15  }
0x186: {  	v0 =	vld [tilespmem:s19+$0x100]  }
0x187: {  	v52 =	vld [tilespmem:s19+$0x10100]  }
0x188: {  	v53 =	vld [tilespmem:s19+$0x8100];
	_ =	sdelay $0x2  }
0x189: {  	v0 =	vmul.f32 v0, v3;
	_ =	sdelay $0x1  }
0x18a: {  	v54 =	vmul.f32 v53, v4;
	v0 =	vadd.f32 v0, v52;
	_ =	sdelay $0x1  }
0x18b: {  	v0 =	vadd.f32 v54, v0;
	_ =	sdelay $0x1  }
0x18c: {  	[tilespmem:s19+$0x10100] =	vst v0;
	s19 =	sor.u32 $0x1C50, s15  }
0x18d: {  	v0 =	vld [tilespmem:s19+$0x100]  }
0x18e: {  	v55 =	vld [tilespmem:s19+$0x10100]  }
0x18f: {  	v56 =	vld [tilespmem:s19+$0x8100];
	_ =	sdelay $0x2  }
0x190: {  	v0 =	vmul.f32 v0, v3;
	_ =	sdelay $0x1  }
0x191: {  	v57 =	vmul.f32 v56, v4;
	v0 =	vadd.f32 v0, v55;
	_ =	sdelay $0x1  }
0x192: {  	v0 =	vadd.f32 v57, v0;
	_ =	sdelay $0x1  }
0x193: {  	[tilespmem:s19+$0x10100] =	vst v0;
	s19 =	sor.u32 $0x1C60, s15  }
0x194: {  	v0 =	vld [tilespmem:s19+$0x100]  }
0x195: {  	v58 =	vld [tilespmem:s19+$0x10100]  }
0x196: {  	v59 =	vld [tilespmem:s19+$0x8100];
	_ =	sdelay $0x2  }
0x197: {  	v0 =	vmul.f32 v0, v3;
	_ =	sdelay $0x1  }
0x198: {  	v60 =	vmul.f32 v59, v4;
	v0 =	vadd.f32 v0, v58;
	_ =	sdelay $0x1  }
0x199: {  	v0 =	vadd.f32 v60, v0;
	_ =	sdelay $0x1  }
0x19a: {  	s15 =	sor.u32 $0x1C70, s15;
	[tilespmem:s19+$0x10100] =	vst v0  }
0x19b: {  	v0 =	vld [tilespmem:s15+$0x100]  }
0x19c: {  	v61 =	vld [tilespmem:s15+$0x10100]  }
0x19d: {  	v62 =	vld [tilespmem:s15+$0x8100];
	_ =	sdelay $0x2  }
0x19e: {  	v0 =	vmul.f32 v0, v3  }
0x19f: {  	p0 =	sne.s32 s14, $0xF80  }
.Ltmp0:
0x1a0: {  	v63 =	vmul.f32 v62, v4;
	v0 =	vadd.f32 v0, v61;
	(pc) =	sbr.rel @p0 .LBB2_2-.Ltmp0, $4  }
0x1a1: {  	_ = 	snop  }
0x1a2: {  	v0 =	vadd.f32 v63, v0  }
0x1a3: {  	s12 =	sadd.s32 $0x80, s12;
	s17 =	sadd.s32 $0x80, s17  }
0x1a4: {  	s14 =	sadd.s32 $0x80, s14;
	s13 =	sadd.s32 $0x1, s13;
	s18 =	sadd.s32 $0x400, s18;
	[tilespmem:s15+$0x10100] =	vst v0  }
0x1a5: {  	s12 =	simm.s32 $0x0;
	s13 =	rddreg [dreg:$0x8]  }
0x1a6: {  	[hbm4b:s13+s12] =	stream.linear.scatter [tilespmem:s31], [sflag:$0x3], $0x8000, $0x38;
	[tilespmem:$0x1C100] =	vst v63  }
0x1a7: {  	_ =	swait.ge [sflag:s16], $0x8000  }
0x1a8: {  	[sflag:s16] =	ssyncset.done $0x0  }
0x1a9: {  	[sflag:s16] =	ssyncadd.s32 $0xFFFF8000  }
0x1aa: {  	v0 =	vld [tilespmem:$0x20];
	_ =	sdelay $0x2  }
0x1ab: {  	v2 =	vld [tilespmem:$0x1FFD0];
	_ =	sdelay $0x1  }
0x1ac: {  	v3 =	vld [tilespmem:$0x1FFE0];
	v1 =	vshll.u32 v0, $0x3  }
0x1ad: {  	v0 =	vand.u32 $0x7, v0;
	v1 =	vand.u32 $0xFFFFFFC0, v1  }
0x1ae: {  	v0 =	vor.u32 v0, v1  }
0x1af: {  	v1 =	vperm.xlane v0, v2;
	_ =	sdelay $0x1  }
0x1b0: {  	v1 =	vadd.s32 v3, v1  }
0x1b1: {  	v4 =	vld [tilespmem:$0x1FFF0];
	_ =	sdelay $0x2  }
0x1b2: {  	s15 =	simm.s32 $0x100  }
0x1b3: {  	[tilespmem:s15], [sflag:$0x1] =	stream.indirect_vreg.gather [hbm4b:s3+s12], $0x80, v1, vm0, $0xb8;
	[tilespmem:$0x1C100] =	vst v63  }
0x1b4: {  	s17 =	simm.s32 $0x900;
	v0 =	vperm.xlane v0, v4  }
0x1b5: {  	[tilespmem:s17], [sflag:$0x1] =	stream.indirect_vreg.gather [hbm4b:s8+s12], $0x80, v1, vm0, $0xb8;
	[tilespmem:$0x1C100] =	vst v63  }
0x1b6: {  	s18 =	simm.s32 $0x1100;
	v0 =	vadd.s32 v3, v0  }
0x1b7: {  	[tilespmem:s18], [sflag:$0x1] =	stream.indirect_vreg.gather [hbm4b:s9+s12], $0x80, v1, vm0, $0xb8;
	[tilespmem:$0x1C100] =	vst v63  }
0x1b8: {  	s19 =	simm.s32 $0x1900  }
0x1b9: {  	[tilespmem:s19], [sflag:$0x1] =	stream.indirect_vreg.gather [hbm4b:s10+s12], $0x80, v1, vm0, $0xb8;
	[tilespmem:$0x1C100] =	vst v63  }
0x1ba: {  	s14 =	simm.s32 $0x2100  }
0x1bb: {  	[tilespmem:s14], [sflag:$0x1] =	stream.indirect_vreg.gather [hbm4b:s3+s12], $0x80, v0, vm0, $0xb8;
	[tilespmem:$0x1C100] =	vst v63  }
0x1bc: {  	s15 =	simm.s32 $0x2900  }
0x1bd: {  	[tilespmem:s15], [sflag:$0x1] =	stream.indirect_vreg.gather [hbm4b:s8+s12], $0x80, v0, vm0, $0xb8;
	[tilespmem:$0x1C100] =	vst v63  }
0x1be: {  	s17 =	simm.s32 $0x3100  }
0x1bf: {  	[tilespmem:s17], [sflag:$0x1] =	stream.indirect_vreg.gather [hbm4b:s9+s12], $0x80, v0, vm0, $0xb8;
	[tilespmem:$0x1C100] =	vst v63  }
0x1c0: {  	s18 =	simm.s32 $0x3900  }
0x1c1: {  	[tilespmem:s18], [sflag:$0x1] =	stream.indirect_vreg.gather [hbm4b:s10+s12], $0x80, v0, vm0, $0xb8;
	[tilespmem:$0x1C100] =	vst v63  }
0x1c2: {  	v0 =	vld [tilespmem:$0x30];
	_ =	sdelay $0x4  }
0x1c3: {  	v61 =	vshll.u32 v0, $0x3  }
0x1c4: {  	v0 =	vand.u32 $0x7, v0;
	v1 =	vand.u32 $0xFFFFFFC0, v61  }
0x1c5: {  	v0 =	vor.u32 v0, v1  }
0x1c6: {  	v1 =	vperm.xlane v0, v2;
	_ =	sdelay $0x1  }
0x1c7: {  	v1 =	vadd.s32 v3, v1;
	_ =	sdelay $0x3  }
0x1c8: {  	s19 =	simm.s32 $0x4100  }
0x1c9: {  	[tilespmem:s19], [sflag:$0x1] =	stream.indirect_vreg.gather [hbm4b:s3+s12], $0x80, v1, vm0, $0xb8;
	[tilespmem:$0x1C100] =	vst v63  }
0x1ca: {  	s14 =	simm.s32 $0x4900;
	v0 =	vperm.xlane v0, v4  }
0x1cb: {  	[tilespmem:s14], [sflag:$0x1] =	stream.indirect_vreg.gather [hbm4b:s8+s12], $0x80, v1, vm0, $0xb8;
	[tilespmem:$0x1C100] =	vst v63  }
0x1cc: {  	s15 =	simm.s32 $0x5100;
	v0 =	vadd.s32 v3, v0  }
0x1cd: {  	[tilespmem:s15], [sflag:$0x1] =	stream.indirect_vreg.gather [hbm4b:s9+s12], $0x80, v1, vm0, $0xb8;
	[tilespmem:$0x1C100] =	vst v63  }
0x1ce: {  	s17 =	simm.s32 $0x5900  }
0x1cf: {  	[tilespmem:s17], [sflag:$0x1] =	stream.indirect_vreg.gather [hbm4b:s10+s12], $0x80, v1, vm0, $0xb8;
	[tilespmem:$0x1C100] =	vst v63  }
0x1d0: {  	s18 =	simm.s32 $0x6100  }
0x1d1: {  	[tilespmem:s18], [sflag:$0x1] =	stream.indirect_vreg.gather [hbm4b:s3+s12], $0x80, v0, vm0, $0xb8;
	[tilespmem:$0x1C100] =	vst v63  }
0x1d2: {  	s19 =	simm.s32 $0x6900  }
0x1d3: {  	[tilespmem:s19], [sflag:$0x1] =	stream.indirect_vreg.gather [hbm4b:s8+s12], $0x80, v0, vm0, $0xb8;
	[tilespmem:$0x1C100] =	vst v63  }
0x1d4: {  	s14 =	simm.s32 $0x7100  }
0x1d5: {  	[tilespmem:s14], [sflag:$0x1] =	stream.indirect_vreg.gather [hbm4b:s9+s12], $0x80, v0, vm0, $0xb8;
	[tilespmem:$0x1C100] =	vst v63  }
0x1d6: {  	s15 =	simm.s32 $0x7900  }
0x1d7: {  	[tilespmem:s15], [sflag:$0x1] =	stream.indirect_vreg.gather [hbm4b:s10+s12], $0x80, v0, vm0, $0xb8;
	[tilespmem:$0x1C100] =	vst v63  }
0x1d8: {  	v0 =	vld [tilespmem:$0xA0];
	_ =	sdelay $0x4  }
0x1d9: {  	v62 =	vshll.u32 v0, $0x3  }
0x1da: {  	v0 =	vand.u32 $0x7, v0;
	v1 =	vand.u32 $0xFFFFFFC0, v62  }
0x1db: {  	v0 =	vor.u32 v0, v1  }
0x1dc: {  	v1 =	vperm.xlane v0, v2;
	_ =	sdelay $0x1  }
0x1dd: {  	v1 =	vadd.s32 v3, v1;
	_ =	sdelay $0x3  }
0x1de: {  	s17 =	simm.s32 $0x8100  }
0x1df: {  	[tilespmem:s17], [sflag:$0x2] =	stream.indirect_vreg.gather [hbm4b:s3+s12], $0x80, v1, vm0, $0xb8;
	[tilespmem:$0x1C100] =	vst v63  }
0x1e0: {  	s18 =	simm.s32 $0x8900;
	v0 =	vperm.xlane v0, v4  }
0x1e1: {  	[tilespmem:s18], [sflag:$0x2] =	stream.indirect_vreg.gather [hbm4b:s8+s12], $0x80, v1, vm0, $0xb8;
	[tilespmem:$0x1C100] =	vst v63  }
0x1e2: {  	v0 =	vadd.s32 v3, v0  }
0x1e3: {  	[tilespmem:s20], [sflag:$0x2] =	stream.indirect_vreg.gather [hbm4b:s9+s12], $0x80, v1, vm0, $0xb8;
	[tilespmem:$0x1C100] =	vst v63  }
0x1e4: {  	_ = 	snop  }
0x1e5: {  	[tilespmem:s21], [sflag:$0x2] =	stream.indirect_vreg.gather [hbm4b:s10+s12], $0x80, v1, vm0, $0xb8;
	[tilespmem:$0x1C100] =	vst v63  }
0x1e6: {  	_ = 	snop  }
0x1e7: {  	[tilespmem:s22], [sflag:$0x2] =	stream.indirect_vreg.gather [hbm4b:s3+s12], $0x80, v0, vm0, $0xb8;
	[tilespmem:$0x1C100] =	vst v63  }
0x1e8: {  	_ = 	snop  }
0x1e9: {  	[tilespmem:s4], [sflag:$0x2] =	stream.indirect_vreg.gather [hbm4b:s8+s12], $0x80, v0, vm0, $0xb8;
	[tilespmem:$0x1C100] =	vst v63  }
0x1ea: {  	_ = 	snop  }
0x1eb: {  	[tilespmem:s23], [sflag:$0x2] =	stream.indirect_vreg.gather [hbm4b:s9+s12], $0x80, v0, vm0, $0xb8;
	[tilespmem:$0x1C100] =	vst v63  }
0x1ec: {  	_ = 	snop  }
0x1ed: {  	[tilespmem:s5], [sflag:$0x2] =	stream.indirect_vreg.gather [hbm4b:s10+s12], $0x80, v0, vm0, $0xb8;
	[tilespmem:$0x1C100] =	vst v63  }
0x1ee: {  	v0 =	vld [tilespmem:$0xB0];
	_ =	sdelay $0x4  }
0x1ef: {  	v63 =	vshll.u32 v0, $0x3  }
0x1f0: {  	v0 =	vand.u32 $0x7, v0;
	v1 =	vand.u32 $0xFFFFFFC0, v63  }
0x1f1: {  	v0 =	vor.u32 v0, v1  }
0x1f2: {  	v1 =	vperm.xlane v0, v2;
	_ =	sdelay $0x1  }
0x1f3: {  	v1 =	vadd.s32 v3, v1;
	_ =	sdelay $0x4  }
0x1f4: {  	[tilespmem:s24], [sflag:$0x2] =	stream.indirect_vreg.gather [hbm4b:s3+s12], $0x80, v1, vm0, $0xb8;
	[tilespmem:$0x1C100] =	vst v63  }
0x1f5: {  	v0 =	vperm.xlane v0, v4  }
0x1f6: {  	[tilespmem:s6], [sflag:$0x2] =	stream.indirect_vreg.gather [hbm4b:s8+s12], $0x80, v1, vm0, $0xb8;
	[tilespmem:$0x1C100] =	vst v63  }
0x1f7: {  	v0 =	vadd.s32 v3, v0  }
0x1f8: {  	[tilespmem:s25], [sflag:$0x2] =	stream.indirect_vreg.gather [hbm4b:s9+s12], $0x80, v1, vm0, $0xb8;
	[tilespmem:$0x1C100] =	vst v63  }
0x1f9: {  	_ = 	snop  }
0x1fa: {  	[tilespmem:s7], [sflag:$0x2] =	stream.indirect_vreg.gather [hbm4b:s10+s12], $0x80, v1, vm0, $0xb8;
	[tilespmem:$0x1C100] =	vst v63  }
0x1fb: {  	_ = 	snop  }
0x1fc: {  	[tilespmem:s26], [sflag:$0x2] =	stream.indirect_vreg.gather [hbm4b:s3+s12], $0x80, v0, vm0, $0xb8;
	[tilespmem:$0x1C100] =	vst v63  }
0x1fd: {  	_ = 	snop  }
0x1fe: {  	[tilespmem:s28], [sflag:$0x2] =	stream.indirect_vreg.gather [hbm4b:s8+s12], $0x80, v0, vm0, $0xb8;
	[tilespmem:$0x1C100] =	vst v63  }
0x1ff: {  	_ = 	snop  }
0x200: {  	[tilespmem:s29], [sflag:$0x2] =	stream.indirect_vreg.gather [hbm4b:s9+s12], $0x80, v0, vm0, $0xb8;
	[tilespmem:$0x1C100] =	vst v63  }
0x201: {  	_ = 	snop  }
0x202: {  	[tilespmem:s30], [sflag:$0x2] =	stream.indirect_vreg.gather [hbm4b:s10+s12], $0x80, v0, vm0, $0xb8;
	[tilespmem:$0x1C100] =	vst v63  }
0x203: {  	s19 =	rddreg [dreg:$0x9]  }
0x204: {  	[tilespmem:s31], [sflag:$0x3] =	stream.linear.gather [hbm4b:s19+s12], $0x8000, $0x38;
	[tilespmem:$0x1C100] =	vst v63  }
0x205: {  	_ =	swait.ge [sflag:s16], $0x8000  }
0x206: {  	[sflag:s16] =	ssyncset.done $0x0  }
0x207: {  	[sflag:s16] =	ssyncadd.s32 $0xFFFF8000  }
0x208: {  	_ =	swait.ge [sflag:s11], $0x8000  }
0x209: {  	[sflag:s11] =	ssyncset.done $0x0  }
0x20a: {  	[sflag:s11] =	ssyncadd.s32 $0xFFFF8000  }
0x20b: {  	_ =	swait.ge [sflag:s0], $0x8000  }
0x20c: {  	s13 =	simm.s32 $0x1B100;
	s14 =	simm.s32 $0x0;
	[sflag:s0] =	ssyncset.done $0x0  }
0x20d: {  	s17 =	simm.s32 $0x19100;
	s18 =	simm.s32 $0x0;
	[sflag:s0] =	ssyncadd.s32 $0xFFFF8000  }
.LBB2_4:
0x20e: {  	v3 =	vld [tilespmem:s17+$0x0];
	s15 =	sand.u32 $0x6000, s18;
	s19 =	sand.u32 $0x380, s14  }
0x20f: {  	v4 =	vld [tilespmem:s13+$0x0];
	s19 =	sor.u32 s19, s15  }
0x210: {  	v20 =	vld [tilespmem:s19+$0x10100]  }
0x211: {  	v27 =	vld [tilespmem:s19+$0x100]  }
0x212: {  	v28 =	vld [tilespmem:s19+$0x8100]  }
0x213: {  	v29 =	vld [tilespmem:s19+$0x10110]  }
0x214: {  	v30 =	vld [tilespmem:s19+$0x110]  }
0x215: {  	v34 =	vld [tilespmem:s19+$0x8110]  }
0x216: {  	v40 =	vld [tilespmem:s19+$0x10120]  }
0x217: {  	v41 =	vld [tilespmem:s19+$0x120]  }
0x218: {  	v44 =	vld [tilespmem:s19+$0x8120]  }
0x219: {  	v49 =	vld [tilespmem:s19+$0x10130]  }
0x21a: {  	v59 =	vld [tilespmem:s19+$0x130]  }
0x21b: {  	v10 =	vld [tilespmem:s19+$0x8130]  }
0x21c: {  	v5 =	vld [tilespmem:s19+$0x10140]  }
0x21d: {  	v0 =	vld [tilespmem:s19+$0x140]  }
0x21e: {  	v11 =	vld [tilespmem:s19+$0x8140]  }
0x21f: {  	v7 =	vld [tilespmem:s19+$0x10150]  }
0x220: {  	v1 =	vld [tilespmem:s19+$0x150]  }
0x221: {  	v6 =	vld [tilespmem:s19+$0x8150]  }
0x222: {  	v18 =	vld [tilespmem:s19+$0x10160]  }
0x223: {  	v9 =	vld [tilespmem:s19+$0x160]  }
0x224: {  	v19 =	vld [tilespmem:s19+$0x8160]  }
0x225: {  	v13 =	vld [tilespmem:s19+$0x10170]  }
0x226: {  	v2 =	vld [tilespmem:s19+$0x170]  }
0x227: {  	v21 =	vld [tilespmem:s19+$0x8170]  }
0x228: {  	v15 =	vld [tilespmem:s19+$0x10500]  }
0x229: {  	v63 =	vld [tilespmem:s19+$0x8960]  }
0x22a: {  	v8 =	vld [tilespmem:s19+$0x500]  }
0x22b: {  	v14 =	vld [tilespmem:s19+$0x8500]  }
0x22c: {  	v32 =	vld [tilespmem:s19+$0x10510]  }
0x22d: {  	v17 =	vld [tilespmem:s19+$0x510]  }
0x22e: {  	[tilespmem:$0x1FB00] =	vst v63;
	v63 =	vld [tilespmem:s19+$0x10970]  }
0x22f: {  	v33 =	vld [tilespmem:s19+$0x8510]  }
0x230: {  	v23 =	vld [tilespmem:s19+$0x10520]  }
0x231: {  	v12 =	vld [tilespmem:s19+$0x520]  }
0x232: {  	v35 =	vld [tilespmem:s19+$0x8520]  }
0x233: {  	[tilespmem:$0x1FAF0] =	vst v63;
	v63 =	vld [tilespmem:s19+$0x970]  }
0x234: {  	v25 =	vld [tilespmem:s19+$0x10530]  }
0x235: {  	v16 =	vld [tilespmem:s19+$0x530]  }
0x236: {  	v24 =	vld [tilespmem:s19+$0x8530]  }
0x237: {  	v43 =	vld [tilespmem:s19+$0x10540]  }
0x238: {  	[tilespmem:$0x1FAB0] =	vst v63;
	v63 =	vld [tilespmem:s19+$0x8970]  }
0x239: {  	v31 =	vld [tilespmem:s19+$0x540]  }
0x23a: {  	v45 =	vld [tilespmem:s19+$0x8540]  }
0x23b: {  	v52 =	vld [tilespmem:s19+$0x10550]  }
0x23c: {  	v22 =	vld [tilespmem:s19+$0x550]  }
0x23d: {  	[tilespmem:$0x1FB10] =	vst v63;
	v63 =	vld [tilespmem:s19+$0x10D00]  }
0x23e: {  	v58 =	vld [tilespmem:s19+$0x8550]  }
0x23f: {  	v38 =	vld [tilespmem:s19+$0x10560]  }
0x240: {  	v26 =	vld [tilespmem:s19+$0x560]  }
0x241: {  	v39 =	vld [tilespmem:s19+$0x8560]  }
0x242: {  	[tilespmem:$0x1FB50] =	vst v63;
	v63 =	vld [tilespmem:s19+$0xD00]  }
0x243: {  	v56 =	vld [tilespmem:s19+$0x10570]  }
0x244: {  	v42 =	vld [tilespmem:s19+$0x570]  }
0x245: {  	v60 =	vld [tilespmem:s19+$0x8570]  }
0x246: {  	v46 =	vld [tilespmem:s19+$0x10900]  }
0x247: {  	[tilespmem:$0x1FB20] =	vst v63;
	v63 =	vld [tilespmem:s19+$0x8D00]  }
0x248: {  	v36 =	vld [tilespmem:s19+$0x900]  }
0x249: {  	v53 =	vld [tilespmem:s19+$0x8900]  }
0x24a: {  	v50 =	vld [tilespmem:s19+$0x10910]  }
0x24b: {  	v37 =	vld [tilespmem:s19+$0x910]  }
0x24c: {  	[tilespmem:$0x1FB70] =	vst v63;
	v63 =	vld [tilespmem:s19+$0x10D10]  }
0x24d: {  	v47 =	vld [tilespmem:s19+$0x8910]  }
0x24e: {  	v48 =	vld [tilespmem:s19+$0x10920]  }
0x24f: {  	v54 =	vld [tilespmem:s19+$0x920]  }
0x250: {  	v62 =	vld [tilespmem:s19+$0x8920]  }
0x251: {  	[tilespmem:$0x1FB60] =	vst v63;
	v63 =	vld [tilespmem:s19+$0xD10]  }
0x252: {  	v55 =	vld [tilespmem:s19+$0x10930]  }
0x253: {  	v51 =	vld [tilespmem:s19+$0x8930]  }
0x254: {  	v57 =	vld [tilespmem:s19+$0x10940]  }
0x255: {  	v61 =	vld [tilespmem:s19+$0x10950]  }
0x256: {  	[tilespmem:$0x1FB30] =	vst v63;
	v63 =	vld [tilespmem:s19+$0x8D10]  }
0x257: {  	[tilespmem:$0x1FA70] =	vst v48;
	v48 =	vld [tilespmem:s19+$0x930]  }
0x258: {  	[tilespmem:$0x1FA90] =	vst v51;
	v51 =	vld [tilespmem:s19+$0x940]  }
0x259: {  	[tilespmem:$0x1FA80] =	vst v62;
	v62 =	vld [tilespmem:s19+$0x8940];
	v27 =	vmul.f32 v27, v3;
	v30 =	vmul.f32 v30, v3  }
0x25a: {  	[tilespmem:$0x1FAC0] =	vst v61;
	v61 =	vld [tilespmem:s19+$0x950];
	v41 =	vmul.f32 v41, v3;
	v2 =	vmul.f32 v2, v3  }
0x25b: {  	v20 =	vadd.f32 v27, v20;
	v27 =	vadd.f32 v30, v29;
	v30 =	vmul.f32 v34, v4;
	[tilespmem:$0x1FB90] =	vst v63;
	v63 =	vld [tilespmem:s19+$0x10D20]  }
0x25c: {  	v34 =	vmul.f32 v44, v4;
	v44 =	vmul.f32 v59, v3;
	v59 =	vld [tilespmem:s19+$0x11120]  }
0x25d: {  	v1 =	vmul.f32 v1, v3;
	v29 =	vadd.f32 v41, v40;
	v41 =	vmul.f32 v10, v4;
	v10 =	vld [tilespmem:s19+$0x11130]  }
0x25e: {  	v2 =	vadd.f32 v2, v13;
	v13 =	vld [tilespmem:s19+$0x9140]  }
0x25f: {  	v28 =	vmul.f32 v28, v4;
	v1 =	vadd.f32 v1, v7;
	v7 =	vld [tilespmem:s19+$0x1510]  }
0x260: {  	[tilespmem:$0x1FB80] =	vst v63;
	v63 =	vld [tilespmem:s19+$0xD20]  }
0x261: {  	v20 =	vadd.f32 v28, v20;
	v28 =	vld [tilespmem:s19+$0x1120]  }
0x262: {  	v40 =	vadd.f32 v44, v49;
	v44 =	vld [tilespmem:s19+$0x9120]  }
0x263: {  	v27 =	vadd.f32 v30, v27;
	v30 =	vadd.f32 v34, v29;
	v29 =	vld [tilespmem:s19+$0x9130]  }
0x264: {  	v6 =	vmul.f32 v6, v4;
	[tilespmem:$0x1FAA0] =	vst v61;
	v61 =	vld [tilespmem:s19+$0x8950]  }
0x265: {  	v0 =	vmul.f32 v0, v3;
	v49 =	vmul.f32 v11, v4;
	[tilespmem:$0x1FB40] =	vst v63;
	v63 =	vld [tilespmem:s19+$0x8D20]  }
0x266: {  	v1 =	vadd.f32 v6, v1;
	v34 =	vmul.f32 v8, v3;
	v11 =	vadd.f32 v41, v40;
	v40 =	vld [tilespmem:s19+$0x1130]  }
0x267: {  	v0 =	vadd.f32 v0, v5;
	v41 =	vmul.f32 v19, v4;
	v19 =	vmul.f32 v12, v3;
	v12 =	vld [tilespmem:s19+$0x11150]  }
0x268: {  	[tilespmem:s19+$0x10150] =	vst v1;
	v1 =	vld [tilespmem:s19+$0x11520]  }
0x269: {  	[tilespmem:$0x1FCF0] =	vst v59;
	v59 =	vmul.f32 v9, v3;
	v9 =	vadd.f32 v49, v0;
	v0 =	vadd.f32 v34, v15;
	v34 =	vld [tilespmem:s19+$0x1140]  }
0x26a: {  	v49 =	vmul.f32 v21, v4;
	[tilespmem:$0x1FBA0] =	vst v63;
	v63 =	vld [tilespmem:s19+$0x10D30]  }
0x26b: {  	[tilespmem:$0x1FD00] =	vst v44;
	v44 =	vld [tilespmem:s19+$0x11140]  }
0x26c: {  	v15 =	vadd.f32 v49, v2;
	v49 =	vld [tilespmem:s19+$0x1150]  }
0x26d: {  	v5 =	vadd.f32 v59, v18;
	[tilespmem:s19+$0x10140] =	vst v9;
	v9 =	vld [tilespmem:s19+$0x1520]  }
0x26e: {  	v59 =	vmul.f32 v14, v4;
	v18 =	vmul.f32 v17, v3;
	[tilespmem:$0x1FAE0] =	vst v61;
	v61 =	vld [tilespmem:s19+$0x10960]  }
0x26f: {  	v21 =	vmul.f32 v16, v3;
	v6 =	vadd.f32 v41, v5;
	[tilespmem:$0x1FBE0] =	vst v63;
	v63 =	vld [tilespmem:s19+$0xD30]  }
0x270: {  	v8 =	vadd.f32 v59, v0;
	v2 =	vadd.f32 v18, v32;
	v59 =	vmul.f32 v35, v4;
	v41 =	vld [tilespmem:s19+$0x9150]  }
0x271: {  	v32 =	vadd.f32 v19, v23;
	v23 =	vmul.f32 v31, v3;
	v31 =	vmul.f32 v45, v4;
	v45 =	vld [tilespmem:s19+$0x9170]  }
0x272: {  	v35 =	vmul.f32 v42, v3;
	v42 =	vmul.f32 v60, v4;
	v60 =	vld [tilespmem:s19+$0x9500]  }
0x273: {  	v5 =	vld [tilespmem:s19+$0x11510]  }
0x274: {  	v0 =	vadd.f32 v21, v25;
	v21 =	vmul.f32 v24, v4;
	v24 =	vmul.f32 v22, v3;
	[tilespmem:$0x1FBB0] =	vst v63;
	v63 =	vld [tilespmem:s19+$0x8D30]  }
0x275: {  	v14 =	vadd.f32 v59, v32;
	v59 =	vld [tilespmem:s19+$0x1160]  }
0x276: {  	v25 =	vmul.f32 v26, v3;
	v26 =	vadd.f32 v24, v52;
	v52 =	vld [tilespmem:s19+$0x9160]  }
0x277: {  	v32 =	vmul.f32 v58, v4;
	v58 =	vld [tilespmem:s19+$0x1170]  }
0x278: {  	[tilespmem:s19+$0x10160] =	vst v6;
	v6 =	vld [tilespmem:s19+$0x9520]  }
0x279: {  	[tilespmem:$0x1FC00] =	vst v63;
	v63 =	vld [tilespmem:s19+$0x10D40]  }
0x27a: {  	v36 =	vmul.f32 v36, v3;
	[tilespmem:s19+$0x10500] =	vst v8;
	v8 =	vld [tilespmem:s19+$0x11530]  }
0x27b: {  	v16 =	vadd.f32 v21, v0;
	v0 =	vadd.f32 v25, v38;
	v38 =	vmul.f32 v37, v3;
	[tilespmem:$0x1FAD0] =	vst v61;
	v61 =	vld [tilespmem:s19+$0x960]  }
0x27c: {  	[tilespmem:$0x1FD10] =	vst v44;
	v44 =	vmul.f32 v33, v4;
	v18 =	vadd.f32 v32, v26;
	v32 =	vld [tilespmem:$0x1FA70]  }
0x27d: {  	v33 =	vmul.f32 v39, v4;
	v39 =	vadd.f32 v36, v46;
	v46 =	vadd.f32 v38, v50;
	v38 =	vld [tilespmem:$0x1FA90]  }
0x27e: {  	[tilespmem:$0x1FBF0] =	vst v63;
	v63 =	vld [tilespmem:s19+$0xD40]  }
0x27f: {  	v17 =	vadd.f32 v44, v2;
	v44 =	vld [tilespmem:s19+$0x11160]  }
0x280: {  	[tilespmem:s19+$0x10110] =	vst v27;
	v27 =	vmul.f32 v48, v3;
	v2 =	vadd.f32 v23, v43;
	v43 =	vld [tilespmem:s19+$0x11170]  }
0x281: {  	v19 =	vadd.f32 v33, v0;
	v0 =	vld [tilespmem:s19+$0x1500]  }
0x282: {  	v7 =	vmul.f32 v7, v3;
	v33 =	vadd.f32 v27, v55;
	v55 =	vld [tilespmem:$0x1FAD0]  }
0x283: {  	v9 =	vmul.f32 v9, v3;
	[tilespmem:$0x1FBC0] =	vst v63;
	v63 =	vld [tilespmem:s19+$0x8D40]  }
0x284: {  	v50 =	vmul.f32 v53, v4;
	v53 =	vmul.f32 v47, v4;
	v5 =	vadd.f32 v7, v5;
	v7 =	vld [tilespmem:s19+$0x11930]  }
0x285: {  	v1 =	vadd.f32 v9, v1;
	v9 =	vld [tilespmem:s19+$0x11940]  }
0x286: {  	[tilespmem:s19+$0x10100] =	vst v20;
	v20 =	vadd.f32 v53, v46;
	v46 =	vld [tilespmem:$0x1FAA0]  }
0x287: {  	v22 =	vadd.f32 v50, v39;
	v50 =	vld [tilespmem:$0x1FAB0]  }
0x288: {  	[tilespmem:$0x1FC20] =	vst v63;
	v63 =	vld [tilespmem:s19+$0x10D50]  }
0x289: {  	v53 =	vld [tilespmem:$0x1FAC0]  }
0x28a: {  	v21 =	vadd.f32 v31, v2;
	v2 =	vadd.f32 v35, v56;
	v56 =	vld [tilespmem:s19+$0x11500]  }
0x28b: {  	v35 =	vld [tilespmem:$0x1FA80]  }
0x28c: {  	v24 =	vadd.f32 v42, v2;
	v2 =	vld [tilespmem:s19+$0x9510]  }
0x28d: {  	v31 =	vmul.f32 v51, v3;
	[tilespmem:$0x1FC10] =	vst v63;
	v63 =	vld [tilespmem:s19+$0xD50]  }
0x28e: {  	v26 =	vmul.f32 v54, v3;
	v48 =	vmul.f32 v61, v3;
	v61 =	vld [tilespmem:$0x1FAE0]  }
0x28f: {  	v37 =	vadd.f32 v31, v57;
	v39 =	vmul.f32 v38, v4;
	v31 =	vld [tilespmem:s19+$0x9530]  }
0x290: {  	[tilespmem:s19+$0x10130] =	vst v11;
	v11 =	vadd.f32 v26, v32;
	v32 =	vld [tilespmem:s19+$0x11540]  }
0x291: {  	v42 =	vmul.f32 v62, v4;
	v23 =	vadd.f32 v39, v33;
	v33 =	vld [tilespmem:$0x1FAF0]  }
0x292: {  	[tilespmem:$0x1FBD0] =	vst v63;
	v63 =	vld [tilespmem:s19+$0x8D50]  }
0x293: {  	v0 =	vmul.f32 v0, v3;
	v25 =	vadd.f32 v42, v37;
	v37 =	vld [tilespmem:$0x1FB10]  }
0x294: {  	v47 =	vmul.f32 v46, v3;
	v36 =	vmul.f32 v35, v4;
	v35 =	vld [tilespmem:$0x1FB00]  }
0x295: {  	v0 =	vadd.f32 v0, v56;
	v56 =	vld [tilespmem:s19+$0x9960]  }
0x296: {  	v54 =	vadd.f32 v47, v53;
	v47 =	vld [tilespmem:$0x1FB50]  }
0x297: {  	[tilespmem:$0x1FC30] =	vst v63;
	v63 =	vld [tilespmem:s19+$0x10D60]  }
0x298: {  	v39 =	vld [tilespmem:$0x1FB20]  }
0x299: {  	v57 =	vadd.f32 v48, v55;
	v48 =	vld [tilespmem:$0x1FB60]  }
0x29a: {  	v42 =	vld [tilespmem:$0x1FB30]  }
0x29b: {  	v46 =	vld [tilespmem:$0x1FB40]  }
0x29c: {  	v51 =	vmul.f32 v50, v3;
	[tilespmem:$0x1FC70] =	vst v63;
	v63 =	vld [tilespmem:s19+$0xD60]  }
0x29d: {  	[tilespmem:s19+$0x10120] =	vst v30;
	v53 =	vld [tilespmem:$0x1FB90]  }
0x29e: {  	[tilespmem:s19+$0x10170] =	vst v15;
	v62 =	vmul.f32 v61, v4;
	v27 =	vadd.f32 v51, v33;
	v51 =	vld [tilespmem:$0x1FB80]  }
0x29f: {  	[tilespmem:s19+$0x10520] =	vst v14;
	v11 =	vadd.f32 v36, v11;
	v38 =	vmul.f32 v37, v4;
	v33 =	vld [tilespmem:s19+$0x1530]  }
0x2a0: {  	[tilespmem:s19+$0x10510] =	vst v17;
	v15 =	vadd.f32 v62, v54;
	v37 =	vld [tilespmem:s19+$0x9540];
	v36 =	vmul.f32 v35, v4;
	v17 =	vmul.f32 v39, v3  }
0x2a1: {  	v26 =	vadd.f32 v38, v27;
	v30 =	vmul.f32 v42, v3;
	v27 =	vmul.f32 v46, v3;
	[tilespmem:$0x1FC40] =	vst v63;
	v63 =	vld [tilespmem:s19+$0x8D60]  }
0x2a2: {  	[tilespmem:s19+$0x10530] =	vst v16;
	v14 =	vadd.f32 v36, v57;
	v16 =	vadd.f32 v17, v47;
	v54 =	vld [tilespmem:$0x1FBA0]  }
0x2a3: {  	[tilespmem:s19+$0x10540] =	vst v21;
	v36 =	vld [tilespmem:s19+$0x1540];
	v17 =	vadd.f32 v30, v48;
	v21 =	vadd.f32 v27, v51;
	v27 =	vmul.f32 v53, v4  }
0x2a4: {  	v50 =	vld [tilespmem:$0x1FB70]  }
0x2a5: {  	v17 =	vadd.f32 v27, v17;
	v27 =	vld [tilespmem:s19+$0x11550]  }
0x2a6: {  	[tilespmem:$0x1FC80] =	vst v63;
	v63 =	vld [tilespmem:s19+$0x10D70]  }
0x2a7: {  	v35 =	vmul.f32 v54, v4;
	v57 =	vld [tilespmem:$0x1FBC0]  }
0x2a8: {  	v62 =	vld [tilespmem:$0x1FBE0]  }
0x2a9: {  	[tilespmem:s19+$0x10560] =	vst v19;
	v19 =	vadd.f32 v35, v21;
	v35 =	vld [tilespmem:$0x1FBF0]  }
0x2aa: {  	v30 =	vmul.f32 v50, v4;
	v55 =	vld [tilespmem:$0x1FBB0]  }
0x2ab: {  	[tilespmem:$0x1FC90] =	vst v63;
	v63 =	vld [tilespmem:s19+$0xD70]  }
0x2ac: {  	v16 =	vadd.f32 v30, v16;
	v38 =	vld [tilespmem:$0x1FC00];
	v30 =	vmul.f32 v57, v3  }
0x2ad: {  	v42 =	vld [tilespmem:$0x1FC20]  }
0x2ae: {  	[tilespmem:s19+$0x10570] =	vst v24;
	v24 =	vadd.f32 v30, v35;
	v35 =	vld [tilespmem:s19+$0x1550]  }
0x2af: {  	v61 =	vld [tilespmem:$0x1FBD0]  }
0x2b0: {  	[tilespmem:$0x1FC50] =	vst v63;
	v63 =	vld [tilespmem:s19+$0x8D70]  }
0x2b1: {  	v39 =	vld [tilespmem:$0x1FC10]  }
0x2b2: {  	[tilespmem:s19+$0x10900] =	vst v22;
	v22 =	vmul.f32 v42, v4;
	v46 =	vld [tilespmem:$0x1FC30]  }
0x2b3: {  	v42 =	vld [tilespmem:s19+$0x11560]  }
0x2b4: {  	[tilespmem:s19+$0x10920] =	vst v11;
	v11 =	vadd.f32 v22, v24;
	v24 =	vld [tilespmem:s19+$0x1560];
	v21 =	vmul.f32 v61, v3  }
0x2b5: {  	[tilespmem:$0x1FCA0] =	vst v63;
	v63 =	vld [tilespmem:s19+$0x11100]  }
0x2b6: {  	v21 =	vadd.f32 v21, v39;
	v39 =	vld [tilespmem:s19+$0x9550]  }
0x2b7: {  	v30 =	vmul.f32 v38, v4;
	v38 =	vmul.f32 v46, v4;
	v51 =	vld [tilespmem:$0x1FC70]  }
0x2b8: {  	v47 =	vld [tilespmem:$0x1FC40]  }
0x2b9: {  	v21 =	vadd.f32 v38, v21;
	v38 =	vld [tilespmem:s19+$0x9560]  }
0x2ba: {  	[tilespmem:$0x1FCB0] =	vst v63;
	v63 =	vld [tilespmem:s19+$0x1100]  }
0x2bb: {  	v53 =	vld [tilespmem:$0x1FC80]  }
0x2bc: {  	[tilespmem:s19+$0x10550] =	vst v18;
	v48 =	vld [tilespmem:$0x1FC50]  }
0x2bd: {  	[tilespmem:s19+$0x10910] =	vst v20;
	v18 =	vmul.f32 v55, v3;
	v20 =	vmul.f32 v47, v3;
	v47 =	vld [tilespmem:s19+$0x11570]  }
0x2be: {  	v54 =	vld [tilespmem:$0x1FC90]  }
0x2bf: {  	v18 =	vadd.f32 v18, v62;
	[tilespmem:$0x1FC60] =	vst v63;
	v63 =	vld [tilespmem:s19+$0x9100]  }
0x2c0: {  	[tilespmem:s19+$0x10970] =	vst v26;
	v26 =	vld [tilespmem:s19+$0x9910]  }
0x2c1: {  	v18 =	vadd.f32 v30, v18;
	v30 =	vmul.f32 v48, v3;
	v55 =	vld [tilespmem:$0x1FCA0]  }
0x2c2: {  	v48 =	vmul.f32 v28, v3;
	v28 =	vld [tilespmem:s19+$0x1570]  }
0x2c3: {  	v30 =	vadd.f32 v30, v54;
	v54 =	vld [tilespmem:$0x1FCF0]  }
0x2c4: {  	[tilespmem:$0x1FCC0] =	vst v63;
	v63 =	vld [tilespmem:s19+$0x11110]  }
0x2c5: {  	v57 =	vld [tilespmem:$0x1FCB0]  }
0x2c6: {  	[tilespmem:s19+$0x10940] =	vst v25;
	v25 =	vmul.f32 v55, v4;
	v55 =	vld [tilespmem:$0x1FD00]  }
0x2c7: {  	[tilespmem:s19+$0x10930] =	vst v23;
	v50 =	vld [tilespmem:$0x1FC60]  }
0x2c8: {  	[tilespmem:s19+$0x10960] =	vst v14;
	v14 =	vadd.f32 v25, v30;
	v30 =	vld [tilespmem:s19+$0x9570]  }
0x2c9: {  	v20 =	vadd.f32 v20, v51;
	v23 =	vmul.f32 v53, v4;
	[tilespmem:$0x1FCE0] =	vst v63;
	v63 =	vld [tilespmem:s19+$0x1110]  }
0x2ca: {  	v13 =	vmul.f32 v13, v4;
	v6 =	vmul.f32 v6, v4;
	[tilespmem:s19+$0x10950] =	vst v15;
	v61 =	vld [tilespmem:$0x1FCC0]  }
0x2cb: {  	v2 =	vmul.f32 v2, v4;
	v15 =	vadd.f32 v23, v20;
	[tilespmem:s19+$0x10D00] =	vst v16;
	v23 =	vadd.f32 v48, v54;
	v48 =	vld [tilespmem:$0x1FD10]  }
0x2cc: {  	v54 =	vld [tilespmem:s19+$0x1920];
	[tilespmem:s19+$0x10D10] =	vst v17;
	v22 =	vmul.f32 v50, v3;
	v50 =	vmul.f32 v40, v3  }
0x2cd: {  	v1 =	vadd.f32 v6, v1;
	v25 =	vmul.f32 v37, v4;
	v37 =	vld [tilespmem:s19+$0x11950];
	v16 =	vmul.f32 v55, v4;
	[tilespmem:s19+$0x10D20] =	vst v19  }
0x2ce: {  	v22 =	vadd.f32 v22, v57;
	v10 =	vadd.f32 v50, v10;
	v57 =	vmul.f32 v29, v4;
	[tilespmem:$0x1FCD0] =	vst v63;
	v63 =	vld [tilespmem:s19+$0x9110]  }
0x2cf: {  	v16 =	vadd.f32 v16, v23;
	v50 =	vmul.f32 v41, v4;
	v46 =	vmul.f32 v61, v4;
	[tilespmem:s19+$0x10D30] =	vst v18;
	v62 =	vld [tilespmem:$0x1FCD0]  }
0x2d0: {  	v23 =	vld [tilespmem:s19+$0x11910];
	v41 =	vmul.f32 v39, v4;
	v10 =	vadd.f32 v57, v10;
	v57 =	vmul.f32 v45, v4;
	[tilespmem:s19+$0x10D40] =	vst v11  }
0x2d1: {  	v45 =	vmul.f32 v30, v4;
	v51 =	vld [tilespmem:$0x1FCE0];
	v22 =	vadd.f32 v46, v22;
	v46 =	vmul.f32 v59, v3;
	[tilespmem:s19+$0x10D50] =	vst v21  }
0x2d2: {  	v2 =	vadd.f32 v2, v5;
	v40 =	vld [tilespmem:s19+$0x11900];
	v59 =	vmul.f32 v33, v3;
	v33 =	vmul.f32 v24, v3;
	[tilespmem:s19+$0x10D60] =	vst v15  }
0x2d3: {  	v29 =	vld [tilespmem:s19+$0x1900];
	v19 =	vadd.f32 v46, v44;
	[tilespmem:s19+$0x10D70] =	vst v14;
	v53 =	vmul.f32 v63, v4;
	v63 =	vmul.f32 v49, v3  }
0x2d4: {  	v24 =	vld [tilespmem:s19+$0x9970];
	[tilespmem:s19+$0x11100] =	vst v22;
	v8 =	vadd.f32 v59, v8;
	v20 =	vmul.f32 v62, v3;
	v62 =	vmul.f32 v34, v3  }
0x2d5: {  	[tilespmem:s19+$0x11120] =	vst v16;
	v44 =	vmul.f32 v38, v4;
	v49 =	vld [tilespmem:s19+$0x1910];
	v12 =	vadd.f32 v63, v12;
	v63 =	vmul.f32 v31, v4  }
0x2d6: {  	[tilespmem:s19+$0x11130] =	vst v10;
	v46 =	vld [tilespmem:s19+$0x9950];
	v20 =	vadd.f32 v20, v51;
	v18 =	vadd.f32 v62, v48;
	v51 =	vmul.f32 v52, v4  }
0x2d7: {  	v21 =	vld [tilespmem:s19+$0x11920];
	[tilespmem:s19+$0x11510] =	vst v2;
	v52 =	vmul.f32 v58, v3;
	v11 =	vadd.f32 v50, v12;
	v8 =	vadd.f32 v63, v8  }
0x2d8: {  	[tilespmem:s19+$0x11520] =	vst v1;
	v34 =	vld [tilespmem:s19+$0x9900];
	v58 =	vmul.f32 v60, v4;
	v61 =	vadd.f32 v53, v20;
	v13 =	vadd.f32 v13, v18  }
0x2d9: {  	v60 =	vld [tilespmem:s19+$0x1930];
	v48 =	vmul.f32 v29, v3;
	v53 =	vadd.f32 v51, v19;
	v55 =	vadd.f32 v52, v43;
	[tilespmem:s19+$0x11150] =	vst v11  }
0x2da: {  	v19 =	vld [tilespmem:s19+$0x9920];
	v0 =	vadd.f32 v58, v0;
	v49 =	vmul.f32 v49, v3;
	v52 =	vmul.f32 v54, v3;
	[tilespmem:s19+$0x11530] =	vst v8  }
0x2db: {  	v62 =	vld [tilespmem:s19+$0x9930];
	v58 =	vmul.f32 v26, v4;
	v11 =	vadd.f32 v33, v42;
	v33 =	vmul.f32 v46, v4;
	[tilespmem:s19+$0x11110] =	vst v61  }
0x2dc: {  	v43 =	vld [tilespmem:s19+$0x1950];
	v14 =	vadd.f32 v57, v55;
	v61 =	vmul.f32 v36, v3;
	[tilespmem:s19+$0x11140] =	vst v13;
	v36 =	vmul.f32 v28, v3  }
0x2dd: {  	v31 =	vld [tilespmem:s19+$0x1940];
	[tilespmem:s19+$0x11500] =	vst v0;
	v54 =	vadd.f32 v49, v23;
	v57 =	vmul.f32 v34, v4;
	v0 =	vadd.f32 v44, v11  }
0x2de: {  	v59 =	vld [tilespmem:s19+$0x1970];
	[tilespmem:s19+$0x11160] =	vst v53;
	v55 =	vmul.f32 v60, v3;
	v5 =	vadd.f32 v61, v32;
	v32 =	vmul.f32 v35, v3  }
0x2df: {  	v53 =	vld [tilespmem:s19+$0x1960];
	[tilespmem:s19+$0x11170] =	vst v14;
	v10 =	vadd.f32 v36, v47;
	v60 =	vmul.f32 v19, v4;
	v19 =	vadd.f32 v58, v54  }
0x2e0: {  	v35 =	vld [tilespmem:s19+$0x9940];
	v61 =	vmul.f32 v62, v4;
	v7 =	vadd.f32 v55, v7;
	[tilespmem:s19+$0x11560] =	vst v0;
	v5 =	vadd.f32 v25, v5  }
0x2e1: {  	v50 =	vld [tilespmem:s19+$0x11960];
	v28 =	vmul.f32 v43, v3;
	v6 =	vadd.f32 v32, v27;
	v51 =	vadd.f32 v45, v10;
	[tilespmem:s19+$0x11910] =	vst v19  }
0x2e2: {  	v23 =	vmul.f32 v31, v3;
	v62 =	vld [tilespmem:s19+$0x11970];
	v10 =	vadd.f32 v52, v21;
	v27 =	vadd.f32 v61, v7;
	[tilespmem:s19+$0x11540] =	vst v5  }
0x2e3: {  	v34 =	vmul.f32 v59, v3;
	v32 =	vadd.f32 v28, v37;
	v47 =	vadd.f32 v41, v6;
	[tilespmem:s19+$0x11570] =	vst v51  }
0x2e4: {  	v31 =	vmul.f32 v53, v3;
	v6 =	vadd.f32 v48, v40;
	v26 =	vadd.f32 v60, v10;
	[tilespmem:s19+$0x11930] =	vst v27  }
0x2e5: {  	v29 =	vadd.f32 v23, v9;
	v30 =	vmul.f32 v35, v4;
	v37 =	vadd.f32 v33, v32;
	[tilespmem:s19+$0x11550] =	vst v47  }
0x2e6: {  	v36 =	vmul.f32 v56, v4;
	v35 =	vadd.f32 v31, v50;
	v63 =	vadd.f32 v57, v6;
	[tilespmem:s19+$0x11920] =	vst v26  }
0x2e7: {  	v39 =	vmul.f32 v24, v4;
	v38 =	vadd.f32 v34, v62;
	v0 =	vadd.f32 v30, v29;
	[tilespmem:s19+$0x11950] =	vst v37  }
0x2e8: {  	s15 =	sand.u32 $0x7, s12;
	v40 =	vadd.f32 v36, v35;
	[tilespmem:s19+$0x11900] =	vst v63  }
0x2e9: {  	s15 =	sshll.u32 s15, $0x7;
	v41 =	vadd.f32 v39, v38;
	[tilespmem:s19+$0x11940] =	vst v0  }
0x2ea: {  	s15 =	sadd.s32 s15, s18;
	[tilespmem:s19+$0x11960] =	vst v40  }
0x2eb: {  	[tilespmem:s19+$0x11970] =	vst v41;
	s19 =	sor.u32 $0x1C00, s15  }
0x2ec: {  	v0 =	vld [tilespmem:s19+$0x100]  }
0x2ed: {  	v1 =	vld [tilespmem:s19+$0x10100]  }
0x2ee: {  	v2 =	vld [tilespmem:s19+$0x8100];
	_ =	sdelay $0x2  }
0x2ef: {  	v0 =	vmul.f32 v0, v3;
	_ =	sdelay $0x1  }
0x2f0: {  	v42 =	vmul.f32 v2, v4;
	v0 =	vadd.f32 v0, v1;
	_ =	sdelay $0x1  }
0x2f1: {  	v0 =	vadd.f32 v42, v0;
	_ =	sdelay $0x1  }
0x2f2: {  	[tilespmem:s19+$0x10100] =	vst v0;
	s19 =	sor.u32 $0x1C10, s15  }
0x2f3: {  	v0 =	vld [tilespmem:s19+$0x100]  }
0x2f4: {  	v43 =	vld [tilespmem:s19+$0x10100]  }
0x2f5: {  	v44 =	vld [tilespmem:s19+$0x8100];
	_ =	sdelay $0x2  }
0x2f6: {  	v0 =	vmul.f32 v0, v3;
	_ =	sdelay $0x1  }
0x2f7: {  	v45 =	vmul.f32 v44, v4;
	v0 =	vadd.f32 v0, v43;
	_ =	sdelay $0x1  }
0x2f8: {  	v0 =	vadd.f32 v45, v0;
	_ =	sdelay $0x1  }
0x2f9: {  	[tilespmem:s19+$0x10100] =	vst v0;
	s19 =	sor.u32 $0x1C20, s15  }
0x2fa: {  	v0 =	vld [tilespmem:s19+$0x100]  }
0x2fb: {  	v46 =	vld [tilespmem:s19+$0x10100]  }
0x2fc: {  	v47 =	vld [tilespmem:s19+$0x8100];
	_ =	sdelay $0x2  }
0x2fd: {  	v0 =	vmul.f32 v0, v3;
	_ =	sdelay $0x1  }
0x2fe: {  	v48 =	vmul.f32 v47, v4;
	v0 =	vadd.f32 v0, v46;
	_ =	sdelay $0x1  }
0x2ff: {  	v0 =	vadd.f32 v48, v0;
	_ =	sdelay $0x1  }
0x300: {  	[tilespmem:s19+$0x10100] =	vst v0;
	s19 =	sor.u32 $0x1C30, s15  }
0x301: {  	v0 =	vld [tilespmem:s19+$0x100]  }
0x302: {  	v49 =	vld [tilespmem:s19+$0x10100]  }
0x303: {  	v50 =	vld [tilespmem:s19+$0x8100];
	_ =	sdelay $0x2  }
0x304: {  	v0 =	vmul.f32 v0, v3;
	_ =	sdelay $0x1  }
0x305: {  	v51 =	vmul.f32 v50, v4;
	v0 =	vadd.f32 v0, v49;
	_ =	sdelay $0x1  }
0x306: {  	v0 =	vadd.f32 v51, v0;
	_ =	sdelay $0x1  }
0x307: {  	[tilespmem:s19+$0x10100] =	vst v0;
	s19 =	sor.u32 $0x1C40, s15  }
0x308: {  	v0 =	vld [tilespmem:s19+$0x100]  }
0x309: {  	v52 =	vld [tilespmem:s19+$0x10100]  }
0x30a: {  	v53 =	vld [tilespmem:s19+$0x8100];
	_ =	sdelay $0x2  }
0x30b: {  	v0 =	vmul.f32 v0, v3;
	_ =	sdelay $0x1  }
0x30c: {  	v54 =	vmul.f32 v53, v4;
	v0 =	vadd.f32 v0, v52;
	_ =	sdelay $0x1  }
0x30d: {  	v0 =	vadd.f32 v54, v0;
	_ =	sdelay $0x1  }
0x30e: {  	[tilespmem:s19+$0x10100] =	vst v0;
	s19 =	sor.u32 $0x1C50, s15  }
0x30f: {  	v0 =	vld [tilespmem:s19+$0x100]  }
0x310: {  	v55 =	vld [tilespmem:s19+$0x10100]  }
0x311: {  	v56 =	vld [tilespmem:s19+$0x8100];
	_ =	sdelay $0x2  }
0x312: {  	v0 =	vmul.f32 v0, v3;
	_ =	sdelay $0x1  }
0x313: {  	v57 =	vmul.f32 v56, v4;
	v0 =	vadd.f32 v0, v55;
	_ =	sdelay $0x1  }
0x314: {  	v0 =	vadd.f32 v57, v0;
	_ =	sdelay $0x1  }
0x315: {  	[tilespmem:s19+$0x10100] =	vst v0;
	s19 =	sor.u32 $0x1C60, s15  }
0x316: {  	v0 =	vld [tilespmem:s19+$0x100]  }
0x317: {  	v58 =	vld [tilespmem:s19+$0x10100]  }
0x318: {  	v59 =	vld [tilespmem:s19+$0x8100];
	_ =	sdelay $0x2  }
0x319: {  	v0 =	vmul.f32 v0, v3;
	_ =	sdelay $0x1  }
0x31a: {  	v60 =	vmul.f32 v59, v4;
	v0 =	vadd.f32 v0, v58;
	_ =	sdelay $0x1  }
0x31b: {  	v0 =	vadd.f32 v60, v0;
	_ =	sdelay $0x1  }
0x31c: {  	s15 =	sor.u32 $0x1C70, s15;
	[tilespmem:s19+$0x10100] =	vst v0  }
0x31d: {  	v0 =	vld [tilespmem:s15+$0x100]  }
0x31e: {  	v61 =	vld [tilespmem:s15+$0x10100]  }
0x31f: {  	v62 =	vld [tilespmem:s15+$0x8100];
	_ =	sdelay $0x2  }
0x320: {  	v0 =	vmul.f32 v0, v3  }
0x321: {  	p0 =	sne.s32 s14, $0xF80  }
.Ltmp1:
0x322: {  	v63 =	vmul.f32 v62, v4;
	v0 =	vadd.f32 v0, v61;
	(pc) =	sbr.rel @p0 .LBB2_4-.Ltmp1, $4  }
0x323: {  	_ = 	snop  }
0x324: {  	v0 =	vadd.f32 v63, v0  }
0x325: {  	s17 =	sadd.s32 $0x80, s17;
	s13 =	sadd.s32 $0x80, s13  }
0x326: {  	s14 =	sadd.s32 $0x80, s14;
	s12 =	sadd.s32 $0x1, s12;
	s18 =	sadd.s32 $0x400, s18;
	[tilespmem:s15+$0x10100] =	vst v0  }
0x327: {  	s12 =	rddreg [dreg:$0xa]  }
0x328: {  	[hbm4b:s12+s2] =	stream.linear.scatter [tilespmem:s31], [sflag:$0x3], $0x8000, $0x38;
	[tilespmem:$0x1C100] =	vst v63  }
0x329: {  	_ =	swait.ge [sflag:s16], $0x8000  }
0x32a: {  	s1 =	sadd.s32 $0x1, s1;
	s19 =	rddreg [dreg:$0xb]  }
0x32b: {  	p0 =	sne.s32 s1, s19  }
.Ltmp2:
0x32c: {  	_ = 	snop;
	(pc) =	sbr.rel @p0 .LBB2_1-.Ltmp2, $3  }
0x32d: {  	_ =	sdelay $0x1  }
0x32e: {  	[sflag:s16] =	ssyncset.done $0x0  }
0x32f: {  	[sflag:s16] =	ssyncadd.s32 $0xFFFF8000  }
0x330: {  	_ =	sfence.sel $0x180000  }
0x331: {  	[bflag:$0x0] =	sbarrier.arrive $0xFFFF  }
0x332: {  	_ =	strace $0x9000004A  }
0x333: {  	s0 =	stileid.u32;
	[bflag:$0x2] =	sbarrier.arrive $0xFFFF  }
0x334: {  	p0 =	sne.s32 s0, $0x0;
	s0 =	rddreg [dreg:$0x2]  }
0x335: {  	s0 =	sadd.s32 @!p0 $0x100000, s0  }
0x336: {  	[sflag:s0] =	ssyncadd.tile.s32 @!p0 $0x1;
	_ =	shalt  }
.Lfunc_end2:
_tile_overlayer_lowered:
.L_overlay_start_2:
0x337: {  	(tag) =	ssettag $0x2  }
0x338: {  	s0 =	rddreg [dreg:$0x0];
	s2 =	stileid.u32  }
0x339: {  	s1 =	rddreg [dreg:$0x1];
	p0 =	sne.s32 s2, $0x0  }
0x33a: {  	s3 =	rddreg [dreg:$0x2];
	[bflag:$0x3] =	sbarrier.arrive $0xFFFF;
	s2 =	simm.s32 @!p0 $0x1C03  }
0x33b: {  	[timem:s3], [sflag:s2] =	dma.local @!p0 [hbm:s0], s1  }
0x33c: {  	s0 =	simm.s32 @!p0 $0x3  }
0x33d: {  	_ =	swait.ge @!p0 [sflag:s0], s1  }
0x33e: {  	s1 =	ssub.s32 @!p0 $0x0, s1;
	[sflag:s0] =	ssyncset.done @!p0 $0x0  }
0x33f: {  	[sflag:s0] =	ssyncadd.s32 @!p0 s1  }
0x340: {  	[bflag:$0x3] =	sbarrier.arrive $0xFFFF  }
0x341: {  	_ =	shalt  }

// kernel: kernel.9.cloned.1.call-start
scs
__scs_entry_jumppad:
0x0: {  	(pc) =	sbr.rel $0x88, $3  }
0x1: {  	(tag) =	ssettag $0x0;
	lr =	simm.s32 $0x1  }
0x2: {  	[smem:$0x3F97] =	sst lr;
	_ =	strace $0xD0000000  }
0x3: {  	_ = 	snop  }
0x4: {  	_ = 	snop  }
0x5: {  	_ = 	snop  }
0x6: {  	_ = 	snop  }
0x7: {  	_ = 	snop  }
__scs_overlays_trampoline_lowered:
0x8: {  	[smem:$0x3FA6] =	sst s0  }
0x9: {  	[smem:$0x3FA7] =	sst s1  }
0xa: {  	[smem:$0x3FA8] =	sst s2  }
0xb: {  	[smem:$0x3FA9] =	sst s3  }
0xc: {  	[smem:$0x3FAA] =	sst s4  }
0xd: {  	[smem:$0x3FAB] =	sst s5  }
0xe: {  	[smem:$0x3FAC] =	sst s6  }
0xf: {  	[smem:$0x3FAD] =	sst s7  }
0x10: {  	[smem:$0x3FAE] =	sst s8  }
0x11: {  	[smem:$0x3FAF] =	sst s9;
	s0 =	simm.s32 @!p0 $0x0  }
0x12: {  	s1 =	sld [smem:$0x3F95];
	s0 =	simm.s32 @p0 $0x1  }
0x13: {  	[smem:$0x3FB0] =	sst s0;
	s0 =	simm.s32 @!p1 $0x0  }
0x14: {  	s2 =	sld [smem:$0x3F94];
	s0 =	simm.s32 @p1 $0x1  }
0x15: {  	[smem:$0x3FB1] =	sst s0;
	s0 =	simm.s32 @!p2 $0x0  }
0x16: {  	s3 =	sld [smem:$0x3FDB];
	s0 =	simm.s32 @p2 $0x1  }
0x17: {  	s4 =	simm.s32 $0x1BF5;
	[smem:$0x3FB3] =	sst s0  }
0x18: {  	s0 =	sld [smem:$0x3F96];
	_ =	swait.ge [sflag:s4], $0x0  }
0x19: {  	s7 =	sld [smem:$0x3F97]  }
0x1a: {  	s8 =	sadd.s32 $0xFFFFE003, lr  }
0x1b: {  	s9 =	sadd.s32 $0xFFFFFEF7, lr;
	s5 =	simm.s32 $0xFFFFFFFF;
	p2 =	slt.u32 s8, $0xFFFFF086  }
0x1c: {  	p1 =	slt.u32 s9, $0xF7A;
	s5 =	simm.s32 @!p2 $0x0  }
0x1d: {  	s5 =	simm.s32 @p1 $0x1;
	p0 =	seq.s32 s7, s2  }
0x1e: {  	s7 =	smul.u32 @!p0 $0xF7A, s2;
	p2 =	seq.s32 @!p0 s5, $0x0  }
0x1f: {  	s9 =	smul.u32 $0xF7A, s1;
	s8 =	simm.s32 @!p0 $0x1BF5;
	p2 =	por !p2, p0  }
0x20: {  	[sflag:s8] =	ssyncset.s32 @!p0 $0xFFFFF086;
	s6 =	sadd.s32 @!p0 s3, s7;
	s7 =	simm.s32 @!p0 $0x108  }
0x21: {  	s3 =	sadd.s32 s3, s9;
	s6 =	sadd.s32 @!p0 $0x88, s6;
	s7 =	simm.s32 @p2 $0x1082  }
0x22: {  	[simem:s7], [sflag:s8] =	dma.local @!p0 [hbm:s6], $0xF7A  }
0x23: {  	s9 =	sor.u32 $0xD0000000, s2;
	s6 =	simm.s32 $0x108;
	_ =	swait.ge @!p0 [sflag:s8], $0x0  }
0x24: {  	s3 =	sadd.s32 $0x88, s3;
	s6 =	simm.s32 @!p1 $0x1082;
	[sflag:s4] =	ssyncset.s32 $0xFFFFF086  }
0x25: {  	[simem:s6], [sflag:s4] =	dma.local [hbm:s3], $0xF7A  }
0x26: {  	[smem:$0x3F97] =	sst s1;
	(tag) =	ssettag s2;
	_ =	strace s9  }
0x27: {  	s1 =	sld [smem:$0x3FA7]  }
0x28: {  	s2 =	sld [smem:$0x3FA8]  }
0x29: {  	s4 =	sld [smem:$0x3FAA]  }
0x2a: {  	p0 =	seq.s32 s5, $0x0;
	s5 =	sld [smem:$0x3FAB]  }
0x2b: {  	s6 =	sld [smem:$0x3FAC]  }
0x2c: {  	s7 =	sld [smem:$0x3FAD]  }
0x2d: {  	s3 =	simm.s32 $0x108;
	s8 =	sld [smem:$0x3FAE]  }
0x2e: {  	s3 =	simm.s32 @!p0 $0x1082;
	s9 =	sld [smem:$0x3FAF]  }
0x2f: {  	lr =	sadd.s32 s0, s3;
	s0 =	sld [smem:$0x3FA6]  }
0x30: {  	s3 =	sld [smem:$0x3FA9]  }
0x31: {  	[smem:$0x3FB2] =	sst s10  }
0x32: {  	s10 =	sld [smem:$0x3FB0];
	_ =	sdelay $0x3  }
0x33: {  	p0 =	seq.s32 s10, $0x1;
	s10 =	sld [smem:$0x3FB2];
	_ =	sdelay $0x3  }
0x34: {  	[smem:$0x3FB2] =	sst s10  }
0x35: {  	s10 =	sld [smem:$0x3FB1];
	_ =	sdelay $0x3  }
0x36: {  	p1 =	seq.s32 s10, $0x1;
	s10 =	sld [smem:$0x3FB2];
	_ =	sdelay $0x3  }
0x37: {  	[smem:$0x3FB2] =	sst s10  }
0x38: {  	s10 =	sld [smem:$0x3FB3]  }
0x39: {  	_ = 	snop;
	(pc) =	sbr.ind lr, $3  }
0x3a: {  	_ = 	snop  }
0x3b: {  	_ = 	snop  }
0x3c: {  	p2 =	seq.s32 s10, $0x1;
	s10 =	sld [smem:$0x3FB2]  }
0x3d: {  	_ =	shalt  }
0x3e: {  	_ =	shalt  }
0x3f: {  	_ =	shalt  }
0x40: {  	_ =	shalt  }
0x41: {  	_ =	shalt  }
0x42: {  	_ =	shalt  }
0x43: {  	_ =	shalt  }
0x44: {  	_ =	shalt  }
0x45: {  	_ =	shalt  }
0x46: {  	_ =	shalt  }
0x47: {  	_ =	shalt  }
0x48: {  	_ =	shalt  }
0x49: {  	_ =	shalt  }
0x4a: {  	_ =	shalt  }
0x4b: {  	_ =	shalt  }
0x4c: {  	_ =	shalt  }
0x4d: {  	_ =	shalt  }
0x4e: {  	_ =	shalt  }
0x4f: {  	_ =	shalt  }
0x50: {  	_ =	shalt  }
0x51: {  	_ =	shalt  }
0x52: {  	_ =	shalt  }
0x53: {  	_ =	shalt  }
0x54: {  	_ =	shalt  }
0x55: {  	_ =	shalt  }
0x56: {  	_ =	shalt  }
0x57: {  	_ =	shalt  }
0x58: {  	_ =	shalt  }
0x59: {  	_ =	shalt  }
0x5a: {  	_ =	shalt  }
0x5b: {  	_ =	shalt  }
0x5c: {  	_ =	shalt  }
0x5d: {  	_ =	shalt  }
0x5e: {  	_ =	shalt  }
0x5f: {  	_ =	shalt  }
0x60: {  	_ =	shalt  }
0x61: {  	_ =	shalt  }
0x62: {  	_ =	shalt  }
0x63: {  	_ =	shalt  }
0x64: {  	_ =	shalt  }
0x65: {  	_ =	shalt  }
0x66: {  	_ =	shalt  }
0x67: {  	_ =	shalt  }
0x68: {  	_ =	shalt  }
0x69: {  	_ =	shalt  }
0x6a: {  	_ =	shalt  }
0x6b: {  	_ =	shalt  }
0x6c: {  	_ =	shalt  }
0x6d: {  	_ =	shalt  }
0x6e: {  	_ =	shalt  }
0x6f: {  	_ =	shalt  }
0x70: {  	_ =	shalt  }
0x71: {  	_ =	shalt  }
0x72: {  	_ =	shalt  }
0x73: {  	_ =	shalt  }
0x74: {  	_ =	shalt  }
0x75: {  	_ =	shalt  }
0x76: {  	_ =	shalt  }
0x77: {  	_ =	shalt  }
0x78: {  	_ =	shalt  }
0x79: {  	_ =	shalt  }
0x7a: {  	_ =	shalt  }
0x7b: {  	_ =	shalt  }
0x7c: {  	_ =	shalt  }
0x7d: {  	_ =	shalt  }
0x7e: {  	_ =	shalt  }
0x7f: {  	_ =	shalt  }
0x80: {  	_ =	shalt  }
0x81: {  	_ =	shalt  }
0x82: {  	_ =	shalt  }
0x83: {  	_ =	shalt  }
0x84: {  	_ =	shalt  }
0x85: {  	_ =	shalt  }
0x86: {  	_ =	shalt  }
0x87: {  	_ =	shalt  }
.Lfunc_end0:
.L_simem_size_0:
called_computation_lowered:
.L_overlay_start_0:
0x88: {  	s2 =	sld [smem:$0x3FD9]  }
0x89: {  	s3 =	sld [smem:$0x3FFE];
	_ =	sdelay $0x1  }
0x8a: {  	s1 =	srdreg.scid  }
0x8b: {  	s0 =	sand.u32 $0x1, s1  }
0x8c: {  	s16 =	sshll.u32 s0, $0xA;
	s2 =	sadd.s32 s3, s2  }
0x8d: {  	s2 =	sadd.s32 s2, s16  }
0x8e: {  	[smem:$0x3FBE] =	sst s2  }
0x8f: {  	_ = 	snop  }
0x90: {  	(tm) =	ssettm $0x1  }
0x91: {  	s17 =	sld [smem:$0x3FFB];
	_ =	sdelay $0x3  }
0x92: {  	_ =	strace s17  }
0x93: {  	s2 =	sld [smem:$0x3FFC];
	_ =	sdelay $0x3  }
0x94: {  	_ =	strace s2  }
0x95: {  	s2 =	sld [smem:$0x3FFD];
	_ =	sdelay $0x3  }
0x96: {  	_ =	strace s2  }
0x97: {  	_ =	strace $0x8FFFFFFF  }
0x98: {  	s18 =	sld [smem:$0x3FDB];
	_ =	sdelay $0x1  }
0x99: {  	s19 =	simm.s32 $_scs_section_size  }
0x9a: {  	s4 =	simm.s32 $_size__tile_overlayer_lowered;
	s5 =	simm.s32 $_tile_overlayer_lowered  }
0x9b: {  	s22 =	simm.s32 $0x1BFF;
	s21 =	sshll.u32 s5, $0x1;
	s2 =	sadd.s32 s19, s18  }
0x9c: {  	s6 =	simm.s32 $0x0;
	s20 =	sshll.u32 s4, $0x1;
	s4 =	sadd.s32 s21, s2  }
0x9d: {  	[timem:s6], [sflag:s22] =	dma.local [hbm:s4], s20  }
0x9e: {  	_ =	swait.ge [sflag:s22], s20  }
0x9f: {  	s3 =	ssub.s32 $0x0, s20;
	[sflag:s22] =	ssyncset.done $0x0  }
0xa0: {  	[sflag:s22] =	ssyncadd.s32 s3;
	_ =	sdelay $0x1  }
0xa1: {  	s23 =	simm.s32 $0x1B8B  }
0xa2: {  	_ =	swait.ge [sflag:s23], $0x1  }
0xa3: {  	[sflag:s23] =	ssyncset.done $0x0  }
0xa4: {  	s25 =	simm.s32 $0x1B8E;
	s24 =	sld [smem:$0x3FFE];
	[sflag:s23] =	ssyncadd.s32 $0xFFFFFFFF  }
0xa5: {  	s26 =	simm.s32 $execute0_lowered;
	[smem:$0x3FD2] =	sst s25  }
0xa6: {  	s4 =	sshll.u32 s26, $0x1;
	_ =	strace $0x80000046;
	[dreg:$0x1] =	wrdreg $0xFFFFFFFF  }
0xa7: {  	s28 =	simm.s32 $_size_execute0_lowered;
	s2 =	sadd.s32 s2, s4;
	[dreg:$0x0] =	wrdreg $0x0  }
0xa8: {  	s4 =	sshll.u32 s28, $0x1;
	[dreg:$0x2] =	wrdreg s2  }
0xa9: {  	[dreg:$0x3] =	wrdreg s4  }
0xaa: {  	[dreg:$0x4] =	wrdreg $0xC0  }
0xab: {  	_ =	task [dreg:s6], $0x5FFFF  }
0xac: {  	[dreg:$0x1] =	wrdreg $0xFFFFFFFF  }
0xad: {  	[dreg:$0x0] =	wrdreg $0x60  }
0xae: {  	[dreg:$0x2] =	wrdreg s24  }
0xaf: {  	[dreg:$0x3] =	wrdreg $0x9  }
0xb0: {  	_ =	task.clear_ibuf [dreg:s6], $0x4FFFF;
	_ =	strace $0x90000046  }
0xb1: {  	s29 =	simm.s32 $0x9;
	_ =	strace $0x80000048  }
0xb2: {  	_ =	swait.ge [sflag:s29], $0x1  }
0xb3: {  	[sflag:s29] =	ssyncadd.s32 $0xFFFFFFFF  }
0xb4: {  	_ =	strace $0x90000048  }
0xb5: {  	_ =	sfence  }
0xb6: {  	s30 =	sld [smem:$0x0];
	_ =	sdelay $0x2  }
0xb7: {  	s31 =	sshll.u32 s1, $0xD;
	s1 =	sshrl.u32 s1, $0x2  }
0xb8: {  	s3 =	sand.u32 $0x4000, s31;
	s1 =	sadd.s32 s1, s30  }
0xb9: {  	s0 =	sor.u32 s3, s0;
	s1 =	sshll.u32 s1, $0x11  }
0xba: {  	s0 =	sor.u32 s1, s0  }
0xbb: {  	s0 =	sadd.s32 $0x8F2B, s0  }
0xbc: {  	[sflag:s0] =	ssyncadd.remote.s32 $0x1  }
0xbd: {  	_ =	sfence.sel $0xFFFF  }
0xbe: {  	[dreg:$0x0] =	wrdreg $0xFFFFFFFF;
	(pc) =	sbr.abs _section_cstart, $3  }
0xbf: {  	[dreg:$0x1] =	wrdreg $0xFFFFFFFF  }
0xc0: {  	_ =	task.clear_ibuf [dreg:s6], $0x2FFFF;
	_ =	strace $0x9FFFFFFF  }
0xc1: {  	(tm) =	ssettm $0x7FFFFFFF  }
tec
execute0_lowered:
.L_overlay_start_1:
0x0: {  	(tag) =	ssettag $0x1  }
0x1: {  	s0 =	srdreg.scid  }
0x2: {  	s2 =	stileid.u32;
	s1 =	rddreg [dreg:$0x0]  }
0x3: {  	s26 =	simm.s32 $0x80;
	s8 =	simm.s32 $0x3;
	s18 =	simm.s32 $0x100  }
0x4: {  	s22 =	simm.s32 $0x1900;
	s23 =	simm.s32 $0x2100;
	s24 =	simm.s32 $0x2900  }
0x5: {  	s25 =	simm.s32 $0x3100;
	s28 =	simm.s32 $0x4100;
	s29 =	simm.s32 $0x4900  }
0x6: {  	s30 =	simm.s32 $0x5100;
	s31 =	simm.s32 $0x5900;
	s10 =	simm.s32 $0x7100  }
0x7: {  	s11 =	simm.s32 $0x7900;
	s12 =	simm.s32 $0x8100;
	s13 =	simm.s32 $0x8900  }
0x8: {  	s14 =	simm.s32 $0x9100;
	s15 =	simm.s32 $0x9900;
	s16 =	simm.s32 $0xA100  }
0x9: {  	s17 =	simm.s32 $0xA900;
	s9 =	simm.s32 $0xB100;
	s0 =	sand.u32 $0x1, s0  }
0xa: {  	s3 =	sshll.u32 s2, $0x7;
	s2 =	simm.s32 $0x0;
	s4 =	sshll.u32 s0, $0x6  }
0xb: {  	s19 =	simm.s32 $0xB900;
	[smem:$0x7FF] =	sst s2;
	s3 =	sor.u32 s4, s3  }
0xc: {  	s0 =	ssub.s32 $0x2, s0;
	s4 =	sshll.u32 s3, $0x7;
	s3 =	sshrl.u32 s3, $0x3  }
0xd: {  	_ =	strace $0x80000047;
	s7 =	sshrl.u32 s0, $0x1;
	s5 =	sadd.s32 s3, s1  }
0xe: {  	[dreg:$0x5] =	wrdreg s26;
	s26 =	simm.s32 $0x3900;
	s6 =	sadd.s32 $0x11600, s5  }
0xf: {  	s4 =	sadd.s32 s4, s1;
	s5 =	sadd.s32 $0x11800, s5;
	[dreg:$0x2] =	wrdreg s6  }
0x10: {  	v2 =	vlaneseq.u32;
	s0 =	ssub.s32 s0, s7;
	s4 =	sadd.s32 $0x41600, s4;
	[dreg:$0x3] =	wrdreg s5  }
0x11: {  	vm0 =	vmmov $0xffff;
	v1 =	vshrl.u32 v2, $0x3;
	s3 =	sadd.s32 $0x81600, s1;
	s7 =	smax.u32 s0, $0x1;
	[dreg:$0x4] =	wrdreg s4  }
0x12: {  	v0 =	vand.u32 $0x7, v2;
	v2 =	vor.u32 $0x8, v2;
	v1 =	vmul.u32 $0x8, v1;
	s4 =	sadd.s32 $0x81700, s1;
	s5 =	sadd.s32 $0x81800, s1;
	s6 =	sadd.s32 $0x81900, s1  }
.LBB2_1:
0x13: {  	s20 =	rddreg [dreg:$0x2]  }
0x14: {  	[tilespmem:s2], [sflag:$0x3] =	stream.linear.gather [hbm4b:s20+s2], $0x40, $0x38;
	[tilespmem:$0x10100] =	vst v63  }
0x15: {  	_ =	swait.ge [sflag:s8], $0x40  }
0x16: {  	s0 =	rddreg [dreg:$0x3];
	[sflag:s8] =	ssyncset.done $0x0  }
0x17: {  	s21 =	rddreg [dreg:$0x5];
	[sflag:s8] =	ssyncadd.s32 $0xFFFFFFC0  }
0x18: {  	[tilespmem:s21], [sflag:$0x3] =	stream.linear.gather [hbm4b:s0+s2], $0x40, $0x38;
	[tilespmem:$0x10100] =	vst v63  }
0x19: {  	_ =	swait.ge [sflag:s8], $0x40  }
0x1a: {  	[sflag:s8] =	ssyncset.done $0x0  }
0x1b: {  	s1 =	rddreg [dreg:$0x4];
	[sflag:s8] =	ssyncadd.s32 $0xFFFFFFC0  }
0x1c: {  	[tilespmem:s18], [sflag:$0x3] =	stream.linear.gather [hbm4b:s1+s2], $0x10000, $0x38;
	[tilespmem:$0x10100] =	vst v63  }
0x1d: {  	_ =	swait.ge [sflag:s8], $0x10000  }
0x1e: {  	[sflag:s8] =	ssyncset.done $0x0  }
0x1f: {  	[sflag:s8] =	ssyncadd.s32 $0xFFFF0000  }
0x20: {  	v3 =	vld [tilespmem:$0x0];
	_ =	sdelay $0x4  }
0x21: {  	v4 =	vshll.u32 v3, $0x3  }
0x22: {  	v3 =	vand.u32 $0x7, v3;
	v4 =	vand.u32 $0xFFFFFFC0, v4  }
0x23: {  	v3 =	vor.u32 v3, v4  }
0x24: {  	v4 =	vperm.xlane v3, v0;
	_ =	sdelay $0x1  }
0x25: {  	v4 =	vadd.s32 v1, v4;
	_ =	sdelay $0x4  }
0x26: {  	[hbm4b:s3+s2] =	stream.indirect_vreg.scatter [tilespmem:s18], [sflag:$0x1], $0x80, v4, vm0, $0xb8;
	[tilespmem:$0x10100] =	vst v63  }
0x27: {  	s20 =	simm.s32 $0x900;
	v3 =	vperm.xlane v3, v2  }
0x28: {  	[hbm4b:s4+s2] =	stream.indirect_vreg.scatter [tilespmem:s20], [sflag:$0x1], $0x80, v4, vm0, $0xb8;
	[tilespmem:$0x10100] =	vst v63  }
0x29: {  	s21 =	simm.s32 $0x1100;
	v3 =	vadd.s32 v1, v3  }
0x2a: {  	[hbm4b:s5+s2] =	stream.indirect_vreg.scatter [tilespmem:s21], [sflag:$0x1], $0x80, v4, vm0, $0xb8;
	[tilespmem:$0x10100] =	vst v63  }
0x2b: {  	_ = 	snop  }
0x2c: {  	[hbm4b:s6+s2] =	stream.indirect_vreg.scatter [tilespmem:s22], [sflag:$0x1], $0x80, v4, vm0, $0xb8;
	[tilespmem:$0x10100] =	vst v63  }
0x2d: {  	_ = 	snop  }
0x2e: {  	[hbm4b:s3+s2] =	stream.indirect_vreg.scatter [tilespmem:s23], [sflag:$0x1], $0x80, v3, vm0, $0xb8;
	[tilespmem:$0x10100] =	vst v63  }
0x2f: {  	_ = 	snop  }
0x30: {  	[hbm4b:s4+s2] =	stream.indirect_vreg.scatter [tilespmem:s24], [sflag:$0x1], $0x80, v3, vm0, $0xb8;
	[tilespmem:$0x10100] =	vst v63  }
0x31: {  	_ = 	snop  }
0x32: {  	[hbm4b:s5+s2] =	stream.indirect_vreg.scatter [tilespmem:s25], [sflag:$0x1], $0x80, v3, vm0, $0xb8;
	[tilespmem:$0x10100] =	vst v63  }
0x33: {  	_ = 	snop  }
0x34: {  	[hbm4b:s6+s2] =	stream.indirect_vreg.scatter [tilespmem:s26], [sflag:$0x1], $0x80, v3, vm0, $0xb8;
	[tilespmem:$0x10100] =	vst v63  }
0x35: {  	v3 =	vld [tilespmem:$0x10];
	_ =	sdelay $0x4  }
0x36: {  	v57 =	vshll.u32 v3, $0x3  }
0x37: {  	v3 =	vand.u32 $0x7, v3;
	v4 =	vand.u32 $0xFFFFFFC0, v57  }
0x38: {  	v3 =	vor.u32 v3, v4  }
0x39: {  	v4 =	vperm.xlane v3, v0;
	_ =	sdelay $0x1  }
0x3a: {  	v4 =	vadd.s32 v1, v4;
	_ =	sdelay $0x4  }
0x3b: {  	[hbm4b:s3+s2] =	stream.indirect_vreg.scatter [tilespmem:s28], [sflag:$0x1], $0x80, v4, vm0, $0xb8;
	[tilespmem:$0x10100] =	vst v63  }
0x3c: {  	v3 =	vperm.xlane v3, v2  }
0x3d: {  	[hbm4b:s4+s2] =	stream.indirect_vreg.scatter [tilespmem:s29], [sflag:$0x1], $0x80, v4, vm0, $0xb8;
	[tilespmem:$0x10100] =	vst v63  }
0x3e: {  	v3 =	vadd.s32 v1, v3  }
0x3f: {  	[hbm4b:s5+s2] =	stream.indirect_vreg.scatter [tilespmem:s30], [sflag:$0x1], $0x80, v4, vm0, $0xb8;
	[tilespmem:$0x10100] =	vst v63  }
0x40: {  	_ = 	snop  }
0x41: {  	[hbm4b:s6+s2] =	stream.indirect_vreg.scatter [tilespmem:s31], [sflag:$0x1], $0x80, v4, vm0, $0xb8;
	[tilespmem:$0x10100] =	vst v63  }
0x42: {  	s1 =	simm.s32 $0x6100  }
0x43: {  	[hbm4b:s3+s2] =	stream.indirect_vreg.scatter [tilespmem:s1], [sflag:$0x1], $0x80, v3, vm0, $0xb8;
	[tilespmem:$0x10100] =	vst v63  }
0x44: {  	s0 =	simm.s32 $0x6900  }
0x45: {  	[hbm4b:s4+s2] =	stream.indirect_vreg.scatter [tilespmem:s0], [sflag:$0x1], $0x80, v3, vm0, $0xb8;
	[tilespmem:$0x10100] =	vst v63  }
0x46: {  	_ = 	snop  }
0x47: {  	[hbm4b:s5+s2] =	stream.indirect_vreg.scatter [tilespmem:s10], [sflag:$0x1], $0x80, v3, vm0, $0xb8;
	[tilespmem:$0x10100] =	vst v63  }
0x48: {  	_ = 	snop  }
0x49: {  	[hbm4b:s6+s2] =	stream.indirect_vreg.scatter [tilespmem:s11], [sflag:$0x1], $0x80, v3, vm0, $0xb8;
	[tilespmem:$0x10100] =	vst v63  }
0x4a: {  	v3 =	vld [tilespmem:$0x20];
	_ =	sdelay $0x4  }
0x4b: {  	v58 =	vshll.u32 v3, $0x3  }
0x4c: {  	v3 =	vand.u32 $0x7, v3;
	v4 =	vand.u32 $0xFFFFFFC0, v58  }
0x4d: {  	v3 =	vor.u32 v3, v4  }
0x4e: {  	v4 =	vperm.xlane v3, v0;
	_ =	sdelay $0x1  }
0x4f: {  	v4 =	vadd.s32 v1, v4;
	_ =	sdelay $0x4  }
0x50: {  	[hbm4b:s3+s2] =	stream.indirect_vreg.scatter [tilespmem:s12], [sflag:$0x1], $0x80, v4, vm0, $0xb8;
	[tilespmem:$0x10100] =	vst v63  }
0x51: {  	v3 =	vperm.xlane v3, v2  }
0x52: {  	[hbm4b:s4+s2] =	stream.indirect_vreg.scatter [tilespmem:s13], [sflag:$0x1], $0x80, v4, vm0, $0xb8;
	[tilespmem:$0x10100] =	vst v63  }
0x53: {  	v3 =	vadd.s32 v1, v3  }
0x54: {  	[hbm4b:s5+s2] =	stream.indirect_vreg.scatter [tilespmem:s14], [sflag:$0x1], $0x80, v4, vm0, $0xb8;
	[tilespmem:$0x10100] =	vst v63  }
0x55: {  	_ = 	snop  }
0x56: {  	[hbm4b:s6+s2] =	stream.indirect_vreg.scatter [tilespmem:s15], [sflag:$0x1], $0x80, v4, vm0, $0xb8;
	[tilespmem:$0x10100] =	vst v63  }
0x57: {  	_ = 	snop  }
0x58: {  	[hbm4b:s3+s2] =	stream.indirect_vreg.scatter [tilespmem:s16], [sflag:$0x1], $0x80, v3, vm0, $0xb8;
	[tilespmem:$0x10100] =	vst v63  }
0x59: {  	_ = 	snop  }
0x5a: {  	[hbm4b:s4+s2] =	stream.indirect_vreg.scatter [tilespmem:s17], [sflag:$0x1], $0x80, v3, vm0, $0xb8;
	[tilespmem:$0x10100] =	vst v63  }
0x5b: {  	_ = 	snop  }
0x5c: {  	[hbm4b:s5+s2] =	stream.indirect_vreg.scatter [tilespmem:s9], [sflag:$0x1], $0x80, v3, vm0, $0xb8;
	[tilespmem:$0x10100] =	vst v63  }
0x5d: {  	_ = 	snop  }
0x5e: {  	[hbm4b:s6+s2] =	stream.indirect_vreg.scatter [tilespmem:s19], [sflag:$0x1], $0x80, v3, vm0, $0xb8;
	[tilespmem:$0x10100] =	vst v63  }
0x5f: {  	v3 =	vld [tilespmem:$0x30];
	_ =	sdelay $0x4  }
0x60: {  	v59 =	vshll.u32 v3, $0x3  }
0x61: {  	v3 =	vand.u32 $0x7, v3;
	v4 =	vand.u32 $0xFFFFFFC0, v59  }
0x62: {  	v3 =	vor.u32 v3, v4  }
0x63: {  	v4 =	vperm.xlane v3, v0;
	_ =	sdelay $0x1  }
0x64: {  	v4 =	vadd.s32 v1, v4;
	_ =	sdelay $0x3  }
0x65: {  	s0 =	simm.s32 $0xC100  }
0x66: {  	[hbm4b:s3+s2] =	stream.indirect_vreg.scatter [tilespmem:s0], [sflag:$0x1], $0x80, v4, vm0, $0xb8;
	[tilespmem:$0x10100] =	vst v63  }
0x67: {  	v3 =	vperm.xlane v3, v2;
	s0 =	simm.s32 $0xC900  }
0x68: {  	[hbm4b:s4+s2] =	stream.indirect_vreg.scatter [tilespmem:s0], [sflag:$0x1], $0x80, v4, vm0, $0xb8;
	[tilespmem:$0x10100] =	vst v63  }
0x69: {  	v3 =	vadd.s32 v1, v3;
	s0 =	simm.s32 $0xD100  }
0x6a: {  	[hbm4b:s5+s2] =	stream.indirect_vreg.scatter [tilespmem:s0], [sflag:$0x1], $0x80, v4, vm0, $0xb8;
	[tilespmem:$0x10100] =	vst v63  }
0x6b: {  	s0 =	simm.s32 $0xD900  }
0x6c: {  	[hbm4b:s6+s2] =	stream.indirect_vreg.scatter [tilespmem:s0], [sflag:$0x1], $0x80, v4, vm0, $0xb8;
	[tilespmem:$0x10100] =	vst v63  }
0x6d: {  	s0 =	simm.s32 $0xE100  }
0x6e: {  	[hbm4b:s3+s2] =	stream.indirect_vreg.scatter [tilespmem:s0], [sflag:$0x1], $0x80, v3, vm0, $0xb8;
	[tilespmem:$0x10100] =	vst v63  }
0x6f: {  	s0 =	simm.s32 $0xE900  }
0x70: {  	[hbm4b:s4+s2] =	stream.indirect_vreg.scatter [tilespmem:s0], [sflag:$0x1], $0x80, v3, vm0, $0xb8;
	[tilespmem:$0x10100] =	vst v63  }
0x71: {  	s0 =	simm.s32 $0xF100  }
0x72: {  	[hbm4b:s5+s2] =	stream.indirect_vreg.scatter [tilespmem:s0], [sflag:$0x1], $0x80, v3, vm0, $0xb8;
	[tilespmem:$0x10100] =	vst v63  }
0x73: {  	s0 =	simm.s32 $0xF900  }
0x74: {  	[hbm4b:s6+s2] =	stream.indirect_vreg.scatter [tilespmem:s0], [sflag:$0x1], $0x80, v3, vm0, $0xb8;
	[tilespmem:$0x10100] =	vst v63  }
0x75: {  	v3 =	vld [tilespmem:$0x80];
	_ =	sdelay $0x4  }
0x76: {  	v60 =	vshll.u32 v3, $0x3  }
0x77: {  	v3 =	vand.u32 $0x7, v3;
	v4 =	vand.u32 $0xFFFFFFC0, v60  }
0x78: {  	v3 =	vor.u32 v3, v4  }
0x79: {  	v4 =	vperm.xlane v3, v0;
	_ =	sdelay $0x1  }
0x7a: {  	v4 =	vadd.s32 v1, v4;
	_ =	sdelay $0x4  }
0x7b: {  	[hbm4b:s3+s2] =	stream.indirect_vreg.scatter [tilespmem:s18], [sflag:$0x2], $0x80, v4, vm0, $0xb8;
	[tilespmem:$0x10100] =	vst v63  }
0x7c: {  	v3 =	vperm.xlane v3, v2  }
0x7d: {  	[hbm4b:s4+s2] =	stream.indirect_vreg.scatter [tilespmem:s20], [sflag:$0x2], $0x80, v4, vm0, $0xb8;
	[tilespmem:$0x10100] =	vst v63  }
0x7e: {  	v3 =	vadd.s32 v1, v3  }
0x7f: {  	[hbm4b:s5+s2] =	stream.indirect_vreg.scatter [tilespmem:s21], [sflag:$0x2], $0x80, v4, vm0, $0xb8;
	[tilespmem:$0x10100] =	vst v63  }
0x80: {  	_ = 	snop  }
0x81: {  	[hbm4b:s6+s2] =	stream.indirect_vreg.scatter [tilespmem:s22], [sflag:$0x2], $0x80, v4, vm0, $0xb8;
	[tilespmem:$0x10100] =	vst v63  }
0x82: {  	_ = 	snop  }
0x83: {  	[hbm4b:s3+s2] =	stream.indirect_vreg.scatter [tilespmem:s23], [sflag:$0x2], $0x80, v3, vm0, $0xb8;
	[tilespmem:$0x10100] =	vst v63  }
0x84: {  	_ = 	snop  }
0x85: {  	[hbm4b:s4+s2] =	stream.indirect_vreg.scatter [tilespmem:s24], [sflag:$0x2], $0x80, v3, vm0, $0xb8;
	[tilespmem:$0x10100] =	vst v63  }
0x86: {  	_ = 	snop  }
0x87: {  	[hbm4b:s5+s2] =	stream.indirect_vreg.scatter [tilespmem:s25], [sflag:$0x2], $0x80, v3, vm0, $0xb8;
	[tilespmem:$0x10100] =	vst v63  }
0x88: {  	_ = 	snop  }
0x89: {  	[hbm4b:s6+s2] =	stream.indirect_vreg.scatter [tilespmem:s26], [sflag:$0x2], $0x80, v3, vm0, $0xb8;
	[tilespmem:$0x10100] =	vst v63  }
0x8a: {  	v3 =	vld [tilespmem:$0x90];
	_ =	sdelay $0x4  }
0x8b: {  	v61 =	vshll.u32 v3, $0x3  }
0x8c: {  	v3 =	vand.u32 $0x7, v3;
	v4 =	vand.u32 $0xFFFFFFC0, v61  }
0x8d: {  	v3 =	vor.u32 v3, v4  }
0x8e: {  	v4 =	vperm.xlane v3, v0;
	_ =	sdelay $0x1  }
0x8f: {  	v4 =	vadd.s32 v1, v4;
	_ =	sdelay $0x4  }
0x90: {  	[hbm4b:s3+s2] =	stream.indirect_vreg.scatter [tilespmem:s28], [sflag:$0x2], $0x80, v4, vm0, $0xb8;
	[tilespmem:$0x10100] =	vst v63  }
0x91: {  	v3 =	vperm.xlane v3, v2  }
0x92: {  	[hbm4b:s4+s2] =	stream.indirect_vreg.scatter [tilespmem:s29], [sflag:$0x2], $0x80, v4, vm0, $0xb8;
	[tilespmem:$0x10100] =	vst v63  }
0x93: {  	v3 =	vadd.s32 v1, v3  }
0x94: {  	[hbm4b:s5+s2] =	stream.indirect_vreg.scatter [tilespmem:s30], [sflag:$0x2], $0x80, v4, vm0, $0xb8;
	[tilespmem:$0x10100] =	vst v63  }
0x95: {  	_ = 	snop  }
0x96: {  	[hbm4b:s6+s2] =	stream.indirect_vreg.scatter [tilespmem:s31], [sflag:$0x2], $0x80, v4, vm0, $0xb8;
	[tilespmem:$0x10100] =	vst v63  }
0x97: {  	_ = 	snop  }
0x98: {  	[hbm4b:s3+s2] =	stream.indirect_vreg.scatter [tilespmem:s1], [sflag:$0x2], $0x80, v3, vm0, $0xb8;
	[tilespmem:$0x10100] =	vst v63  }
0x99: {  	s20 =	simm.s32 $0x6900  }
0x9a: {  	[hbm4b:s4+s2] =	stream.indirect_vreg.scatter [tilespmem:s20], [sflag:$0x2], $0x80, v3, vm0, $0xb8;
	[tilespmem:$0x10100] =	vst v63  }
0x9b: {  	_ = 	snop  }
0x9c: {  	[hbm4b:s5+s2] =	stream.indirect_vreg.scatter [tilespmem:s10], [sflag:$0x2], $0x80, v3, vm0, $0xb8;
	[tilespmem:$0x10100] =	vst v63  }
0x9d: {  	_ = 	snop  }
0x9e: {  	[hbm4b:s6+s2] =	stream.indirect_vreg.scatter [tilespmem:s11], [sflag:$0x2], $0x80, v3, vm0, $0xb8;
	[tilespmem:$0x10100] =	vst v63  }
0x9f: {  	v3 =	vld [tilespmem:$0xA0];
	_ =	sdelay $0x4  }
0xa0: {  	v62 =	vshll.u32 v3, $0x3  }
0xa1: {  	v3 =	vand.u32 $0x7, v3;
	v4 =	vand.u32 $0xFFFFFFC0, v62  }
0xa2: {  	v3 =	vor.u32 v3, v4  }
0xa3: {  	v4 =	vperm.xlane v3, v0;
	_ =	sdelay $0x1  }
0xa4: {  	v4 =	vadd.s32 v1, v4;
	_ =	sdelay $0x4  }
0xa5: {  	[hbm4b:s3+s2] =	stream.indirect_vreg.scatter [tilespmem:s12], [sflag:$0x2], $0x80, v4, vm0, $0xb8;
	[tilespmem:$0x10100] =	vst v63  }
0xa6: {  	v3 =	vperm.xlane v3, v2  }
0xa7: {  	[hbm4b:s4+s2] =	stream.indirect_vreg.scatter [tilespmem:s13], [sflag:$0x2], $0x80, v4, vm0, $0xb8;
	[tilespmem:$0x10100] =	vst v63  }
0xa8: {  	v3 =	vadd.s32 v1, v3  }
0xa9: {  	[hbm4b:s5+s2] =	stream.indirect_vreg.scatter [tilespmem:s14], [sflag:$0x2], $0x80, v4, vm0, $0xb8;
	[tilespmem:$0x10100] =	vst v63  }
0xaa: {  	_ = 	snop  }
0xab: {  	[hbm4b:s6+s2] =	stream.indirect_vreg.scatter [tilespmem:s15], [sflag:$0x2], $0x80, v4, vm0, $0xb8;
	[tilespmem:$0x10100] =	vst v63  }
0xac: {  	_ = 	snop  }
0xad: {  	[hbm4b:s3+s2] =	stream.indirect_vreg.scatter [tilespmem:s16], [sflag:$0x2], $0x80, v3, vm0, $0xb8;
	[tilespmem:$0x10100] =	vst v63  }
0xae: {  	_ = 	snop  }
0xaf: {  	[hbm4b:s4+s2] =	stream.indirect_vreg.scatter [tilespmem:s17], [sflag:$0x2], $0x80, v3, vm0, $0xb8;
	[tilespmem:$0x10100] =	vst v63  }
0xb0: {  	_ = 	snop  }
0xb1: {  	[hbm4b:s5+s2] =	stream.indirect_vreg.scatter [tilespmem:s9], [sflag:$0x2], $0x80, v3, vm0, $0xb8;
	[tilespmem:$0x10100] =	vst v63  }
0xb2: {  	_ = 	snop  }
0xb3: {  	[hbm4b:s6+s2] =	stream.indirect_vreg.scatter [tilespmem:s19], [sflag:$0x2], $0x80, v3, vm0, $0xb8;
	[tilespmem:$0x10100] =	vst v63  }
0xb4: {  	v3 =	vld [tilespmem:$0xB0];
	_ =	sdelay $0x4  }
0xb5: {  	v63 =	vshll.u32 v3, $0x3  }
0xb6: {  	v3 =	vand.u32 $0x7, v3;
	v4 =	vand.u32 $0xFFFFFFC0, v63  }
0xb7: {  	v3 =	vor.u32 v3, v4  }
0xb8: {  	v4 =	vperm.xlane v3, v0;
	_ =	sdelay $0x1  }
0xb9: {  	v4 =	vadd.s32 v1, v4;
	_ =	sdelay $0x3  }
0xba: {  	s21 =	simm.s32 $0xC100  }
0xbb: {  	[hbm4b:s3+s2] =	stream.indirect_vreg.scatter [tilespmem:s21], [sflag:$0x2], $0x80, v4, vm0, $0xb8;
	[tilespmem:$0x10100] =	vst v63  }
0xbc: {  	s20 =	simm.s32 $0xC900;
	v3 =	vperm.xlane v3, v2  }
0xbd: {  	[hbm4b:s4+s2] =	stream.indirect_vreg.scatter [tilespmem:s20], [sflag:$0x2], $0x80, v4, vm0, $0xb8;
	[tilespmem:$0x10100] =	vst v63  }
0xbe: {  	v3 =	vadd.s32 v1, v3;
	s21 =	simm.s32 $0xD100  }
0xbf: {  	[hbm4b:s5+s2] =	stream.indirect_vreg.scatter [tilespmem:s21], [sflag:$0x2], $0x80, v4, vm0, $0xb8;
	[tilespmem:$0x10100] =	vst v63  }
0xc0: {  	s20 =	simm.s32 $0xD900  }
0xc1: {  	[hbm4b:s6+s2] =	stream.indirect_vreg.scatter [tilespmem:s20], [sflag:$0x2], $0x80, v4, vm0, $0xb8;
	[tilespmem:$0x10100] =	vst v63  }
0xc2: {  	s21 =	simm.s32 $0xE100  }
0xc3: {  	[hbm4b:s3+s2] =	stream.indirect_vreg.scatter [tilespmem:s21], [sflag:$0x2], $0x80, v3, vm0, $0xb8;
	[tilespmem:$0x10100] =	vst v63  }
0xc4: {  	s20 =	simm.s32 $0xE900  }
0xc5: {  	[hbm4b:s4+s2] =	stream.indirect_vreg.scatter [tilespmem:s20], [sflag:$0x2], $0x80, v3, vm0, $0xb8;
	[tilespmem:$0x10100] =	vst v63  }
0xc6: {  	s21 =	simm.s32 $0xF100  }
0xc7: {  	[hbm4b:s5+s2] =	stream.indirect_vreg.scatter [tilespmem:s21], [sflag:$0x2], $0x80, v3, vm0, $0xb8;
	[tilespmem:$0x10100] =	vst v63  }
0xc8: {  	s20 =	simm.s32 $0x1  }
0xc9: {  	[hbm4b:s6+s2] =	stream.indirect_vreg.scatter [tilespmem:s0], [sflag:$0x2], $0x80, v3, vm0, $0xb8;
	[tilespmem:$0x10100] =	vst v63  }
0xca: {  	p0 =	sne.s32 s7, $0x1;
	_ =	swait.ge [sflag:s20], $0x10000  }
.Ltmp0:
0xcb: {  	[sflag:s20] =	ssyncset.done $0x0;
	(pc) =	sbr.rel @p0 .LBB2_1-.Ltmp0, $4  }
0xcc: {  	s21 =	simm.s32 $0x2;
	[sflag:s20] =	ssyncadd.s32 $0xFFFF0000  }
0xcd: {  	_ =	swait.ge [sflag:s21], $0x10000  }
0xce: {  	[sflag:s21] =	ssyncset.done $0x0  }
0xcf: {  	s7 =	sadd.s32 $0xFFFFFFFF, s7;
	[sflag:s21] =	ssyncadd.s32 $0xFFFF0000  }
0xd0: {  	_ =	sfence.sel $0x180000  }
0xd1: {  	[bflag:$0x0] =	sbarrier.arrive $0xFFFF  }
0xd2: {  	_ =	strace $0x90000047  }
0xd3: {  	s0 =	stileid.u32;
	[bflag:$0x2] =	sbarrier.arrive $0xFFFF  }
0xd4: {  	p0 =	sne.s32 s0, $0x0;
	s0 =	rddreg [dreg:$0x1]  }
0xd5: {  	s0 =	sadd.s32 @!p0 $0x100000, s0  }
0xd6: {  	[sflag:s0] =	ssyncadd.tile.s32 @!p0 $0x1;
	_ =	shalt  }
.Lfunc_end2:
_tile_overlayer_lowered:
.L_overlay_start_2:
0xd7: {  	(tag) =	ssettag $0x2  }
0xd8: {  	s0 =	rddreg [dreg:$0x0];
	s2 =	stileid.u32  }
0xd9: {  	s1 =	rddreg [dreg:$0x1];
	p0 =	sne.s32 s2, $0x0  }
0xda: {  	s3 =	rddreg [dreg:$0x2];
	[bflag:$0x3] =	sbarrier.arrive $0xFFFF;
	s2 =	simm.s32 @!p0 $0x1C03  }
0xdb: {  	[timem:s3], [sflag:s2] =	dma.local @!p0 [hbm:s0], s1  }
0xdc: {  	s0 =	simm.s32 @!p0 $0x3  }
0xdd: {  	_ =	swait.ge @!p0 [sflag:s0], s1  }
0xde: {  	s1 =	ssub.s32 @!p0 $0x0, s1;
	[sflag:s0] =	ssyncset.done @!p0 $0x0  }
0xdf: {  	[sflag:s0] =	ssyncadd.s32 @!p0 s1  }
0xe0: {  	[bflag:$0x3] =	sbarrier.arrive $0xFFFF  }
0xe1: {  	_ =	shalt  }

</sc_bundles>
